<compile_context>
chip_gen: v7x
topology: tpu7x:2x2x1
jax: 0.10.2.dev20260603
libtpu: 0.0.44.dev20260713+nightly
codegen_flags: <defaults>
</compile_context>

<pallas_src>
import functools

import jax
import jax.numpy as jnp
from jax import lax
from jax.experimental import pallas as pl
from jax.experimental.pallas import tpu as pltpu
from jax.experimental.pallas import tpu_sc as plsc

NUM_CLASSES = 1000
N_CTX = 16
CTX_DIM = 512
SEQ_LEN = 77
SUFFIX_LEN = SEQ_LEN - 1 - N_CTX
PAD_SEQ = 80

NC = 2
NS = 16
NW = NC * NS


def _make_sc_kernel(B: int):
    b_per_w = B // NW
    mesh = plsc.VectorSubcoreMesh(
        core_axis_name="c", subcore_axis_name="s", num_cores=NC, num_subcores=NS
    )

    @functools.partial(
        pl.kernel,
        out_type=jax.ShapeDtypeStruct((B, SEQ_LEN, CTX_DIM), jnp.float32),
        mesh=mesh,
        compiler_params=pltpu.CompilerParams(needs_layout_passes=False),
        scratch_types=[
            pltpu.VMEM((1, b_per_w), jnp.int32),
            pltpu.VMEM((16,), jnp.int32),
            pltpu.VMEM((16,), jnp.int32),
            pltpu.VMEM((1, PAD_SEQ, CTX_DIM), jnp.float32),
            pltpu.VMEM((1, PAD_SEQ, CTX_DIM), jnp.float32),
            pltpu.VMEM((1, 5, CTX_DIM), jnp.float32),
            pltpu.VMEM((1, 5, CTX_DIM), jnp.float32),
            pltpu.SemaphoreType.DMA,
            pltpu.SemaphoreType.DMA,
            pltpu.SemaphoreType.DMA,
            pltpu.SemaphoreType.DMA,
        ],
    )
    def body(label_hbm, table_hbm, out_hbm,
             idx_v, is0, is1, row0, row1, tail0, tail1,
             gsem0, gsem1, wsem0, wsem1):
        tail_v = (tail0, tail1)
        idx_s = (is0, is1)
        row_v = (row0, row1)
        gsem = (gsem0, gsem1)
        wsem = (wsem0, wsem1)
        wid = lax.axis_index("s") * NC + lax.axis_index("c")
        base = wid * b_per_w
        pltpu.sync_copy(label_hbm.at[wid], idx_v)
        zeros16 = jnp.zeros((16,), jnp.int32)

        def stage_idx(i, k):
            ivec = plsc.load_gather(
                idx_v, [zeros16, jnp.full((16,), i, jnp.int32)]
            )
            idx_s[k][...] = ivec

        def g_copy(k):
            return pltpu.make_async_copy(
                table_hbm.at[idx_s[k].at[pl.ds(0, 1)]], row_v[k], gsem[k]
            )

        def w_copy(i, k):
            return pltpu.make_async_copy(
                row_v[k].at[:, pl.ds(0, 72)],
                out_hbm.at[pl.ds(base + i, 1), pl.ds(0, 72)], wsem[k]
            )

        def t_copy(i, k):
            return pltpu.make_async_copy(
                tail_v[k],
                out_hbm.at[pl.ds(base + i, 1), pl.ds(72, 5)], wsem[k]
            )

        def fill_tail(k):
            for r in range(5):
                for t in range(CTX_DIM // 16):
                    tail_v[k][0, r, pl.ds(16 * t, 16)] = (
                        row_v[k][0, 72 + r, pl.ds(16 * t, 16)]
                    )

        for k in (0, 1):
            stage_idx(k, k)
            g_copy(k).start()

        def pair(g, _):
            for k in (0, 1):
                i = 2 * g + k
                g_copy(k).wait()
                wc = w_copy(i, k)
                wc.start()
                fill_tail(k)
                tc = t_copy(i, k)
                tc.start()
                wc.wait()
                tc.wait()

                @pl.when(i + 2 < b_per_w)
                def _():
                    stage_idx(i + 2, k)
                    g_copy(k).start()

            return 0

        lax.fori_loop(0, b_per_w // 2, pair, 0)

    return body


def kernel(label, cls_ctx, token_prefix, token_suffix):
    B = label.shape[0]
    table = jnp.concatenate(
        [
            jnp.broadcast_to(token_prefix, (NUM_CLASSES, 1, CTX_DIM)),
            cls_ctx,
            token_suffix,
            jnp.zeros((NUM_CLASSES, PAD_SEQ - SEQ_LEN, CTX_DIM), jnp.float32),
        ],
        axis=1,
    )
    label3 = label.astype(jnp.int32).reshape(NW, 1, B // NW)
    return _make_sc_kernel(B)(label3, table)

# --- scband reference (transcript-rebuilt; emitter-appended) ---
"""Pipeline reference for scband-prompt-learner-18038862643714 (READ-ONLY COPY).

The authoritative reference and input builder live on the scoring server;
editing this copy changes nothing except your own understanding.
"""

import jax, jax.numpy as jnp
import numpy as np

NUM_CLASSES = 1000
N_CTX = 16
CTX_DIM = 512
SEQ_LEN = 77
SUFFIX_LEN = SEQ_LEN - 1 - N_CTX  # 60
BATCH = 4096


def setup_inputs(seed: int = 0) -> dict:
    key = jax.random.key(seed)
    k1, k2, k3, k4 = jax.random.split(key, 4)
    label = jax.random.randint(k1, (BATCH,), 0, NUM_CLASSES, dtype=jnp.int64 if jax.config.jax_enable_x64 else jnp.int32).astype(jnp.int32)
    # learned per-class context vectors (nn.Parameter)
    cls_ctx = jax.random.normal(k2, (NUM_CLASSES, N_CTX, CTX_DIM), dtype=jnp.float32) * 0.02
    # frozen token embeddings (buffers)
    token_prefix = jax.random.normal(k3, (1, 1, CTX_DIM), dtype=jnp.float32) * 0.02
    token_suffix = jax.random.normal(k4, (NUM_CLASSES, SUFFIX_LEN, CTX_DIM), dtype=jnp.float32) * 0.02
    return {"label": label, "cls_ctx": cls_ctx, "token_prefix": token_prefix, "token_suffix": token_suffix}


def reference(label, cls_ctx, token_prefix, token_suffix):
    # cls_ctx[label]: gather per-class learned context -> [B, n_ctx, dim]
    ctx = jnp.take(cls_ctx, label, axis=0)
    b = label.shape[0]
    # prefix expand -> [B, 1, dim]
    prefix = jnp.broadcast_to(token_prefix, (b, token_prefix.shape[1], token_prefix.shape[2]))
    # suffix gather -> [B, 60, dim]
    suffix = jnp.take(token_suffix, label, axis=0)
    prompts = jnp.concatenate([prefix, ctx, suffix], axis=1)  # [B, 77, dim]
    return prompts

if __name__ == "__main__":
    import jax
    _d = setup_inputs()
    print(jax.jit(kernel)(*tuple(_d.values())))

</pallas_src>

<mosaic_0001>
#map = affine_map<(d0, d1) -> (0, 0, 0)>
module attributes {stable_mosaic.version = 14 : i64} {
  func.func @body(%arg0: i32, %arg1: i32, %arg2: memref<32x1x128xi32, #tpu.memory_space<hbm>>, %arg3: memref<1000x80x512xf32, #tpu.memory_space<hbm>>, %arg4: memref<4096x77x512xf32, #tpu.memory_space<hbm>>, %arg5: memref<1x128xi32, #tpu.memory_space<vmem>>, %arg6: memref<16xi32, #tpu.memory_space<vmem>>, %arg7: memref<16xi32, #tpu.memory_space<vmem>>, %arg8: memref<1x80x512xf32, #tpu.memory_space<vmem>>, %arg9: memref<1x80x512xf32, #tpu.memory_space<vmem>>, %arg10: memref<1x5x512xf32, #tpu.memory_space<vmem>>, %arg11: memref<1x5x512xf32, #tpu.memory_space<vmem>>, %arg12: memref<!tpu.dma_semaphore, #tpu.memory_space<semaphore_mem>>, %arg13: memref<!tpu.dma_semaphore, #tpu.memory_space<semaphore_mem>>, %arg14: memref<!tpu.dma_semaphore, #tpu.memory_space<semaphore_mem>>, %arg15: memref<!tpu.dma_semaphore, #tpu.memory_space<semaphore_mem>>) attributes {dimension_semantics = [#tpu.dimension_semantics<core_parallel>, #tpu.dimension_semantics<subcore_parallel>], iteration_bounds = array<i64: 2, 16>, scalar_prefetch = 0 : i64, scratch_operands = 11 : i64, tpu.core_type = #tpu.core_type<sc_vector_subcore>, window_params = [{transform_indices = #map}, {transform_indices = #map}, {transform_indices = #map}]} {
    %mul3A = arith.constant 2 : i32
    %mul3A_0 = arith.muli %arg1, %mul3A : i32
    %add3A = arith.addi %mul3A_0, %arg0 : i32
    %mul3A_1 = arith.constant 128 : i32
    %mul3A_2 = arith.muli %add3A, %mul3A_1 : i32
    "tpu.region"() ({
      %run_scoped3A = tpu.sem_alloc : memref<!tpu.dma_semaphore, #tpu.memory_space<semaphore_mem>>
      %dma_start3A_29 = arith.constant 0 : i32
      %dma_start3A_30 = arith.constant 0 : i32
      %dma_start3A_31 = tpu.memref_slice %arg2[%add3A, %dma_start3A_29, %dma_start3A_30] : memref<32x1x128xi32, #tpu.memory_space<hbm>> -> memref<1x1x128xi32, #tpu.memory_space<hbm>>
      %dma_start3A_32 = tpu.memref_squeeze %dma_start3A_31 : memref<1x1x128xi32, #tpu.memory_space<hbm>> -> memref<1x128xi32, #tpu.memory_space<hbm>>
      %dma_start3A_33 = arith.constant 0 : i32
      %dma_start3A_34 = arith.constant 0 : i32
      %dma_start3A_35 = tpu.memref_slice %arg2[%add3A, %dma_start3A_33, %dma_start3A_34] : memref<32x1x128xi32, #tpu.memory_space<hbm>> -> memref<1x1x128xi32, #tpu.memory_space<hbm>>
      %dma_start3A_36 = tpu.memref_squeeze %dma_start3A_35 : memref<1x1x128xi32, #tpu.memory_space<hbm>> -> memref<1x128xi32, #tpu.memory_space<hbm>>
      tpu.enqueue_dma source(%dma_start3A_36 : memref<1x128xi32, #tpu.memory_space<hbm>>) target(%arg5 : memref<1x128xi32, #tpu.memory_space<vmem>>) target_semaphore(%run_scoped3A : memref<!tpu.dma_semaphore, #tpu.memory_space<semaphore_mem>>)
      %dma_wait3A = arith.constant 0 : i32
      %dma_wait3A_37 = arith.constant 0 : i32
      %dma_wait3A_38 = tpu.memref_slice %arg2[%add3A, %dma_wait3A, %dma_wait3A_37] : memref<32x1x128xi32, #tpu.memory_space<hbm>> -> memref<1x1x128xi32, #tpu.memory_space<hbm>>
      %dma_wait3A_39 = tpu.memref_squeeze %dma_wait3A_38 : memref<1x1x128xi32, #tpu.memory_space<hbm>> -> memref<1x128xi32, #tpu.memory_space<hbm>>
      %dma_wait3A_40 = arith.constant 0 : i32
      %dma_wait3A_41 = arith.constant 0 : i32
      %dma_wait3A_42 = tpu.memref_slice %arg2[%add3A, %dma_wait3A_40, %dma_wait3A_41] : memref<32x1x128xi32, #tpu.memory_space<hbm>> -> memref<1x1x128xi32, #tpu.memory_space<hbm>>
      %dma_wait3A_43 = tpu.memref_squeeze %dma_wait3A_42 : memref<1x1x128xi32, #tpu.memory_space<hbm>> -> memref<1x128xi32, #tpu.memory_space<hbm>>
      tpu.wait_dma2 semaphore(%run_scoped3A : memref<!tpu.dma_semaphore, #tpu.memory_space<semaphore_mem>>) src(%dma_wait3A_43 : memref<1x128xi32, #tpu.memory_space<hbm>>) dst(%arg5 : memref<1x128xi32, #tpu.memory_space<vmem>>)
      tpu.yield
    }) : () -> ()
    %broadcast_in_dim3A = arith.constant 0 : i32
    %broadcast_in_dim3A_3 = vector.broadcast %broadcast_in_dim3A : i32 to vector<16xi32>
    %broadcast_in_dim3A_4 = arith.constant 0 : i32
    %broadcast_in_dim3A_5 = vector.broadcast %broadcast_in_dim3A_4 : i32 to vector<16xi32>
    %gather3A = tpu.vector_load_idx %arg5[%broadcast_in_dim3A_3, %broadcast_in_dim3A_5] : memref<1x128xi32, #tpu.memory_space<vmem>>[vector<16xi32>, vector<16xi32>], vector<16xi32>,
    %swap3A = arith.constant 0 : index
    %swap3A_6 = tpu.vector_load %arg6[%swap3A] {strides = array<i32>} : memref<16xi32, #tpu.memory_space<vmem>>, vector<16xi32>,
    tpu.vector_store %arg6[%swap3A], %gather3A {strides = array<i32>} : memref<16xi32, #tpu.memory_space<vmem>>, vector<16xi32>,
    %dma_start3A = arith.constant 0 : i32
    %dma_start3A_7 = tpu.memref_slice %arg6[%dma_start3A] : memref<16xi32, #tpu.memory_space<vmem>> -> memref<1xi32, #tpu.memory_space<vmem>>
    %dma_start3A_8 = arith.constant 0 : i32
    %dma_start3A_9 = arith.constant 0 : i32
    %dma_start3A_10 = arith.constant 0 : i32
    %dma_start3A_11 = tpu.memref_slice %arg3[%dma_start3A_8, %dma_start3A_9, %dma_start3A_10] : memref<1000x80x512xf32, #tpu.memory_space<hbm>> -> memref<1000x80x512xf32, #tpu.memory_space<hbm>>
    tpu.enqueue_indirect_dma source(%dma_start3A_11 : memref<1000x80x512xf32, #tpu.memory_space<hbm>>) target(%arg8 : memref<1x80x512xf32, #tpu.memory_space<vmem>>) offsets(%dma_start3A_7 : memref<1xi32, #tpu.memory_space<vmem>>) semaphore(%arg12 : memref<!tpu.dma_semaphore, #tpu.memory_space<semaphore_mem>>)
    %broadcast_in_dim3A_12 = arith.constant 1 : i32
    %broadcast_in_dim3A_13 = vector.broadcast %broadcast_in_dim3A_12 : i32 to vector<16xi32>
    %gather3A_14 = tpu.vector_load_idx %arg5[%broadcast_in_dim3A_3, %broadcast_in_dim3A_13] : memref<1x128xi32, #tpu.memory_space<vmem>>[vector<16xi32>, vector<16xi32>], vector<16xi32>,
    %swap3A_15 = arith.constant 0 : index
    %swap3A_16 = tpu.vector_load %arg7[%swap3A_15] {strides = array<i32>} : memref<16xi32, #tpu.memory_space<vmem>>, vector<16xi32>,
    tpu.vector_store %arg7[%swap3A_15], %gather3A_14 {strides = array<i32>} : memref<16xi32, #tpu.memory_space<vmem>>, vector<16xi32>,
    %dma_start3A_17 = arith.constant 0 : i32
    %dma_start3A_18 = tpu.memref_slice %arg7[%dma_start3A_17] : memref<16xi32, #tpu.memory_space<vmem>> -> memref<1xi32, #tpu.memory_space<vmem>>
    %dma_start3A_19 = arith.constant 0 : i32
    %dma_start3A_20 = arith.constant 0 : i32
    %dma_start3A_21 = arith.constant 0 : i32
    %dma_start3A_22 = tpu.memref_slice %arg3[%dma_start3A_19, %dma_start3A_20, %dma_start3A_21] : memref<1000x80x512xf32, #tpu.memory_space<hbm>> -> memref<1000x80x512xf32, #tpu.memory_space<hbm>>
    tpu.enqueue_indirect_dma source(%dma_start3A_22 : memref<1000x80x512xf32, #tpu.memory_space<hbm>>) target(%arg9 : memref<1x80x512xf32, #tpu.memory_space<vmem>>) offsets(%dma_start3A_18 : memref<1xi32, #tpu.memory_space<vmem>>) semaphore(%arg13 : memref<!tpu.dma_semaphore, #tpu.memory_space<semaphore_mem>>)
    %scan3A = arith.constant 0 : i32
    %scan3A_23 = arith.constant 0 : i32
    %scan3A_24 = arith.constant 64 : i32
    %scan3A_25 = arith.addi %scan3A_23, %scan3A_24 : i32
    %scan3A_26 = arith.constant 1 : i32
    %scan3A_27 = scf.for %scan3A_29 = %scan3A_23 to %scan3A_25 step %scan3A_26 iter_args(%scan3A_30 = %scan3A) -> (i32)  : i32 {
      %mul3A_31 = arith.constant 2 : i32
      %mul3A_32 = arith.muli %mul3A_31, %scan3A_29 : i32
      %add3A_33 = arith.constant 0 : i32
      %add3A_34 = arith.addi %mul3A_32, %add3A_33 : i32
      %dma_wait3A = arith.constant 0 : i32
      %dma_wait3A_35 = tpu.memref_slice %arg6[%dma_wait3A] : memref<16xi32, #tpu.memory_space<vmem>> -> memref<1xi32, #tpu.memory_space<vmem>>
      %dma_wait3A_36 = arith.constant 0 : i32
      %dma_wait3A_37 = arith.constant 0 : i32
      %dma_wait3A_38 = arith.constant 0 : i32
      %dma_wait3A_39 = tpu.memref_slice %arg3[%dma_wait3A_36, %dma_wait3A_37, %dma_wait3A_38] : memref<1000x80x512xf32, #tpu.memory_space<hbm>> -> memref<1000x80x512xf32, #tpu.memory_space<hbm>>
      tpu.wait_indirect_dma semaphore(%arg12 : memref<!tpu.dma_semaphore, #tpu.memory_space<semaphore_mem>>) src(%dma_wait3A_39 : memref<1000x80x512xf32, #tpu.memory_space<hbm>>) dst(%arg8 : memref<1x80x512xf32, #tpu.memory_space<vmem>>)
      %add3A_40 = arith.addi %mul3A_2, %add3A_34 : i32
      %dma_start3A_41 = arith.constant 0 : i32
      %dma_start3A_42 = arith.constant 0 : i32
      %dma_start3A_43 = arith.constant 0 : i32
      %dma_start3A_44 = tpu.memref_slice %arg8[%dma_start3A_41, %dma_start3A_42, %dma_start3A_43] : memref<1x80x512xf32, #tpu.memory_space<vmem>> -> memref<1x72x512xf32, #tpu.memory_space<vmem>>
      %dma_start3A_45 = arith.constant 0 : i32
      %dma_start3A_46 = arith.constant 0 : i32
      %dma_start3A_47 = tpu.memref_slice %arg4[%add3A_40, %dma_start3A_45, %dma_start3A_46] : memref<4096x77x512xf32, #tpu.memory_space<hbm>> -> memref<1x72x512xf32, #tpu.memory_space<hbm>>
      %dma_start3A_48 = arith.constant 0 : i32
      %dma_start3A_49 = arith.constant 0 : i32
      %dma_start3A_50 = tpu.memref_slice %arg4[%add3A_40, %dma_start3A_48, %dma_start3A_49] : memref<4096x77x512xf32, #tpu.memory_space<hbm>> -> memref<1x72x512xf32, #tpu.memory_space<hbm>>
      %dma_start3A_51 = arith.constant 0 : i32
      %dma_start3A_52 = arith.constant 0 : i32
      %dma_start3A_53 = arith.constant 0 : i32
      %dma_start3A_54 = tpu.memref_slice %arg8[%dma_start3A_51, %dma_start3A_52, %dma_start3A_53] : memref<1x80x512xf32, #tpu.memory_space<vmem>> -> memref<1x72x512xf32, #tpu.memory_space<vmem>>
      tpu.enqueue_dma source(%dma_start3A_54 : memref<1x72x512xf32, #tpu.memory_space<vmem>>) target(%dma_start3A_50 : memref<1x72x512xf32, #tpu.memory_space<hbm>>) target_semaphore(%arg14 : memref<!tpu.dma_semaphore, #tpu.memory_space<semaphore_mem>>)
      %get3A = arith.constant 0 : i32
      %get3A_55 = arith.constant 72 : i32
      %get3A_56 = arith.index_cast %get3A : i32 to index
      %get3A_57 = arith.index_cast %get3A_55 : i32 to index
      %get3A_58 = arith.constant 0 : index
      %get3A_59 = tpu.vector_load %arg8[%get3A_56, %get3A_57, %get3A_58] {strides = array<i32>} : memref<1x80x512xf32, #tpu.memory_space<vmem>>, vector<16xf32>,
      %swap3A_60 = arith.constant 0 : i32
      %swap3A_61 = arith.constant 0 : i32
      %swap3A_62 = arith.index_cast %swap3A_60 : i32 to index
      %swap3A_63 = arith.index_cast %swap3A_61 : i32 to index
      %swap3A_64 = arith.constant 0 : index
      %swap3A_65 = tpu.vector_load %arg10[%swap3A_62, %swap3A_63, %swap3A_64] {strides = array<i32>} : memref<1x5x512xf32, #tpu.memory_space<vmem>>, vector<16xf32>,
      tpu.vector_store %arg10[%swap3A_62, %swap3A_63, %swap3A_64], %get3A_59 {strides = array<i32>} : memref<1x5x512xf32, #tpu.memory_space<vmem>>, vector<16xf32>,
      %get3A_66 = arith.constant 0 : i32
      %get3A_67 = arith.constant 72 : i32
      %get3A_68 = arith.index_cast %get3A_66 : i32 to index
      %get3A_69 = arith.index_cast %get3A_67 : i32 to index
      %get3A_70 = arith.constant 16 : index
      %get3A_71 = tpu.vector_load %arg8[%get3A_68, %get3A_69, %get3A_70] {strides = array<i32>} : memref<1x80x512xf32, #tpu.memory_space<vmem>>, vector<16xf32>,
      %swap3A_72 = arith.constant 0 : i32
      %swap3A_73 = arith.constant 0 : i32
      %swap3A_74 = arith.index_cast %swap3A_72 : i32 to index
      %swap3A_75 = arith.index_cast %swap3A_73 : i32 to index
      %swap3A_76 = arith.constant 16 : index
      %swap3A_77 = tpu.vector_load %arg10[%swap3A_74, %swap3A_75, %swap3A_76] {strides = array<i32>} : memref<1x5x512xf32, #tpu.memory_space<vmem>>, vector<16xf32>,
      tpu.vector_store %arg10[%swap3A_74, %swap3A_75, %swap3A_76], %get3A_71 {strides = array<i32>} : memref<1x5x512xf32, #tpu.memory_space<vmem>>, vector<16xf32>,
      %get3A_78 = arith.constant 0 : i32
      %get3A_79 = arith.constant 72 : i32
      %get3A_80 = arith.index_cast %get3A_78 : i32 to index
      %get3A_81 = arith.index_cast %get3A_79 : i32 to index
      %get3A_82 = arith.constant 32 : index
      %get3A_83 = tpu.vector_load %arg8[%get3A_80, %get3A_81, %get3A_82] {strides = array<i32>} : memref<1x80x512xf32, #tpu.memory_space<vmem>>, vector<16xf32>,
      %swap3A_84 = arith.constant 0 : i32
      %swap3A_85 = arith.constant 0 : i32
      %swap3A_86 = arith.index_cast %swap3A_84 : i32 to index
      %swap3A_87 = arith.index_cast %swap3A_85 : i32 to index
      %swap3A_88 = arith.constant 32 : index
      %swap3A_89 = tpu.vector_load %arg10[%swap3A_86, %swap3A_87, %swap3A_88] {strides = array<i32>} : memref<1x5x512xf32, #tpu.memory_space<vmem>>, vector<16xf32>,
      tpu.vector_store %arg10[%swap3A_86, %swap3A_87, %swap3A_88], %get3A_83 {strides = array<i32>} : memref<1x5x512xf32, #tpu.memory_space<vmem>>, vector<16xf32>,
      %get3A_90 = arith.constant 0 : i32
      %get3A_91 = arith.constant 72 : i32
      %get3A_92 = arith.index_cast %get3A_90 : i32 to index
      %get3A_93 = arith.index_cast %get3A_91 : i32 to index
      %get3A_94 = arith.constant 48 : index
      %get3A_95 = tpu.vector_load %arg8[%get3A_92, %get3A_93, %get3A_94] {strides = array<i32>} : memref<1x80x512xf32, #tpu.memory_space<vmem>>, vector<16xf32>,
      %swap3A_96 = arith.constant 0 : i32
      %swap3A_97 = arith.constant 0 : i32
      %swap3A_98 = arith.index_cast %swap3A_96 : i32 to index
      %swap3A_99 = arith.index_cast %swap3A_97 : i32 to index
      %swap3A_100 = arith.constant 48 : index
      %swap3A_101 = tpu.vector_load %arg10[%swap3A_98, %swap3A_99, %swap3A_100] {strides = array<i32>} : memref<1x5x512xf32, #tpu.memory_space<vmem>>, vector<16xf32>,
      tpu.vector_store %arg10[%swap3A_98, %swap3A_99, %swap3A_100], %get3A_95 {strides = array<i32>} : memref<1x5x512xf32, #tpu.memory_space<vmem>>, vector<16xf32>,
      %get3A_102 = arith.constant 0 : i32
      %get3A_103 = arith.constant 72 : i32
      %get3A_104 = arith.index_cast %get3A_102 : i32 to index
      %get3A_105 = arith.index_cast %get3A_103 : i32 to index
      %get3A_106 = arith.constant 64 : index
      %get3A_107 = tpu.vector_load %arg8[%get3A_104, %get3A_105, %get3A_106] {strides = array<i32>} : memref<1x80x512xf32, #tpu.memory_space<vmem>>, vector<16xf32>,
      %swap3A_108 = arith.constant 0 : i32
      %swap3A_109 = arith.constant 0 : i32
      %swap3A_110 = arith.index_cast %swap3A_108 : i32 to index
      %swap3A_111 = arith.index_cast %swap3A_109 : i32 to index
      %swap3A_112 = arith.constant 64 : index
      %swap3A_113 = tpu.vector_load %arg10[%swap3A_110, %swap3A_111, %swap3A_112] {strides = array<i32>} : memref<1x5x512xf32, #tpu.memory_space<vmem>>, vector<16xf32>,
      tpu.vector_store %arg10[%swap3A_110, %swap3A_111, %swap3A_112], %get3A_107 {strides = array<i32>} : memref<1x5x512xf32, #tpu.memory_space<vmem>>, vector<16xf32>,
      %get3A_114 = arith.constant 0 : i32
      %get3A_115 = arith.constant 72 : i32
      %get3A_116 = arith.index_cast %get3A_114 : i32 to index
      %get3A_117 = arith.index_cast %get3A_115 : i32 to index
      %get3A_118 = arith.constant 80 : index
      %get3A_119 = tpu.vector_load %arg8[%get3A_116, %get3A_117, %get3A_118] {strides = array<i32>} : memref<1x80x512xf32, #tpu.memory_space<vmem>>, vector<16xf32>,
      %swap3A_120 = arith.constant 0 : i32
      %swap3A_121 = arith.constant 0 : i32
      %swap3A_122 = arith.index_cast %swap3A_120 : i32 to index
      %swap3A_123 = arith.index_cast %swap3A_121 : i32 to index
      %swap3A_124 = arith.constant 80 : index
      %swap3A_125 = tpu.vector_load %arg10[%swap3A_122, %swap3A_123, %swap3A_124] {strides = array<i32>} : memref<1x5x512xf32, #tpu.memory_space<vmem>>, vector<16xf32>,
      tpu.vector_store %arg10[%swap3A_122, %swap3A_123, %swap3A_124], %get3A_119 {strides = array<i32>} : memref<1x5x512xf32, #tpu.memory_space<vmem>>, vector<16xf32>,
      %get3A_126 = arith.constant 0 : i32
      %get3A_127 = arith.constant 72 : i32
      %get3A_128 = arith.index_cast %get3A_126 : i32 to index
      %get3A_129 = arith.index_cast %get3A_127 : i32 to index
      %get3A_130 = arith.constant 96 : index
      %get3A_131 = tpu.vector_load %arg8[%get3A_128, %get3A_129, %get3A_130] {strides = array<i32>} : memref<1x80x512xf32, #tpu.memory_space<vmem>>, vector<16xf32>,
      %swap3A_132 = arith.constant 0 : i32
      %swap3A_133 = arith.constant 0 : i32
      %swap3A_134 = arith.index_cast %swap3A_132 : i32 to index
      %swap3A_135 = arith.index_cast %swap3A_133 : i32 to index
      %swap3A_136 = arith.constant 96 : index
      %swap3A_137 = tpu.vector_load %arg10[%swap3A_134, %swap3A_135, %swap3A_136] {strides = array<i32>} : memref<1x5x512xf32, #tpu.memory_space<vmem>>, vector<16xf32>,
      tpu.vector_store %arg10[%swap3A_134, %swap3A_135, %swap3A_136], %get3A_131 {strides = array<i32>} : memref<1x5x512xf32, #tpu.memory_space<vmem>>, vector<16xf32>,
      %get3A_138 = arith.constant 0 : i32
      %get3A_139 = arith.constant 72 : i32
      %get3A_140 = arith.index_cast %get3A_138 : i32 to index
      %get3A_141 = arith.index_cast %get3A_139 : i32 to index
      %get3A_142 = arith.constant 112 : index
      %get3A_143 = tpu.vector_load %arg8[%get3A_140, %get3A_141, %get3A_142] {strides = array<i32>} : memref<1x80x512xf32, #tpu.memory_space<vmem>>, vector<16xf32>,
      %swap3A_144 = arith.constant 0 : i32
      %swap3A_145 = arith.constant 0 : i32
      %swap3A_146 = arith.index_cast %swap3A_144 : i32 to index
      %swap3A_147 = arith.index_cast %swap3A_145 : i32 to index
      %swap3A_148 = arith.constant 112 : index
      %swap3A_149 = tpu.vector_load %arg10[%swap3A_146, %swap3A_147, %swap3A_148] {strides = array<i32>} : memref<1x5x512xf32, #tpu.memory_space<vmem>>, vector<16xf32>,
      tpu.vector_store %arg10[%swap3A_146, %swap3A_147, %swap3A_148], %get3A_143 {strides = array<i32>} : memref<1x5x512xf32, #tpu.memory_space<vmem>>, vector<16xf32>,
      %get3A_150 = arith.constant 0 : i32
      %get3A_151 = arith.constant 72 : i32
      %get3A_152 = arith.index_cast %get3A_150 : i32 to index
      %get3A_153 = arith.index_cast %get3A_151 : i32 to index
      %get3A_154 = arith.constant 128 : index
      %get3A_155 = tpu.vector_load %arg8[%get3A_152, %get3A_153, %get3A_154] {strides = array<i32>} : memref<1x80x512xf32, #tpu.memory_space<vmem>>, vector<16xf32>,
      %swap3A_156 = arith.constant 0 : i32
      %swap3A_157 = arith.constant 0 : i32
      %swap3A_158 = arith.index_cast %swap3A_156 : i32 to index
      %swap3A_159 = arith.index_cast %swap3A_157 : i32 to index
      %swap3A_160 = arith.constant 128 : index
      %swap3A_161 = tpu.vector_load %arg10[%swap3A_158, %swap3A_159, %swap3A_160] {strides = array<i32>} : memref<1x5x512xf32, #tpu.memory_space<vmem>>, vector<16xf32>,
      tpu.vector_store %arg10[%swap3A_158, %swap3A_159, %swap3A_160], %get3A_155 {strides = array<i32>} : memref<1x5x512xf32, #tpu.memory_space<vmem>>, vector<16xf32>,
      %get3A_162 = arith.constant 0 : i32
      %get3A_163 = arith.constant 72 : i32
      %get3A_164 = arith.index_cast %get3A_162 : i32 to index
      %get3A_165 = arith.index_cast %get3A_163 : i32 to index
      %get3A_166 = arith.constant 144 : index
      %get3A_167 = tpu.vector_load %arg8[%get3A_164, %get3A_165, %get3A_166] {strides = array<i32>} : memref<1x80x512xf32, #tpu.memory_space<vmem>>, vector<16xf32>,
      %swap3A_168 = arith.constant 0 : i32
      %swap3A_169 = arith.constant 0 : i32
      %swap3A_170 = arith.index_cast %swap3A_168 : i32 to index
      %swap3A_171 = arith.index_cast %swap3A_169 : i32 to index
      %swap3A_172 = arith.constant 144 : index
      %swap3A_173 = tpu.vector_load %arg10[%swap3A_170, %swap3A_171, %swap3A_172] {strides = array<i32>} : memref<1x5x512xf32, #tpu.memory_space<vmem>>, vector<16xf32>,
      tpu.vector_store %arg10[%swap3A_170, %swap3A_171, %swap3A_172], %get3A_167 {strides = array<i32>} : memref<1x5x512xf32, #tpu.memory_space<vmem>>, vector<16xf32>,
      %get3A_174 = arith.constant 0 : i32
      %get3A_175 = arith.constant 72 : i32
      %get3A_176 = arith.index_cast %get3A_174 : i32 to index
      %get3A_177 = arith.index_cast %get3A_175 : i32 to index
      %get3A_178 = arith.constant 160 : index
      %get3A_179 = tpu.vector_load %arg8[%get3A_176, %get3A_177, %get3A_178] {strides = array<i32>} : memref<1x80x512xf32, #tpu.memory_space<vmem>>, vector<16xf32>,
      %swap3A_180 = arith.constant 0 : i32
      %swap3A_181 = arith.constant 0 : i32
      %swap3A_182 = arith.index_cast %swap3A_180 : i32 to index
      %swap3A_183 = arith.index_cast %swap3A_181 : i32 to index
      %swap3A_184 = arith.constant 160 : index
      %swap3A_185 = tpu.vector_load %arg10[%swap3A_182, %swap3A_183, %swap3A_184] {strides = array<i32>} : memref<1x5x512xf32, #tpu.memory_space<vmem>>, vector<16xf32>,
      tpu.vector_store %arg10[%swap3A_182, %swap3A_183, %swap3A_184], %get3A_179 {strides = array<i32>} : memref<1x5x512xf32, #tpu.memory_space<vmem>>, vector<16xf32>,
      %get3A_186 = arith.constant 0 : i32
      %get3A_187 = arith.constant 72 : i32
      %get3A_188 = arith.index_cast %get3A_186 : i32 to index
      %get3A_189 = arith.index_cast %get3A_187 : i32 to index
      %get3A_190 = arith.constant 176 : index
      %get3A_191 = tpu.vector_load %arg8[%get3A_188, %get3A_189, %get3A_190] {strides = array<i32>} : memref<1x80x512xf32, #tpu.memory_space<vmem>>, vector<16xf32>,
      %swap3A_192 = arith.constant 0 : i32
      %swap3A_193 = arith.constant 0 : i32
      %swap3A_194 = arith.index_cast %swap3A_192 : i32 to index
      %swap3A_195 = arith.index_cast %swap3A_193 : i32 to index
      %swap3A_196 = arith.constant 176 : index
      %swap3A_197 = tpu.vector_load %arg10[%swap3A_194, %swap3A_195, %swap3A_196] {strides = array<i32>} : memref<1x5x512xf32, #tpu.memory_space<vmem>>, vector<16xf32>,
      tpu.vector_store %arg10[%swap3A_194, %swap3A_195, %swap3A_196], %get3A_191 {strides = array<i32>} : memref<1x5x512xf32, #tpu.memory_space<vmem>>, vector<16xf32>,
      %get3A_198 = arith.constant 0 : i32
      %get3A_199 = arith.constant 72 : i32
      %get3A_200 = arith.index_cast %get3A_198 : i32 to index
      %get3A_201 = arith.index_cast %get3A_199 : i32 to index
      %get3A_202 = arith.constant 192 : index
      %get3A_203 = tpu.vector_load %arg8[%get3A_200, %get3A_201, %get3A_202] {strides = array<i32>} : memref<1x80x512xf32, #tpu.memory_space<vmem>>, vector<16xf32>,
      %swap3A_204 = arith.constant 0 : i32
      %swap3A_205 = arith.constant 0 : i32
      %swap3A_206 = arith.index_cast %swap3A_204 : i32 to index
      %swap3A_207 = arith.index_cast %swap3A_205 : i32 to index
      %swap3A_208 = arith.constant 192 : index
      %swap3A_209 = tpu.vector_load %arg10[%swap3A_206, %swap3A_207, %swap3A_208] {strides = array<i32>} : memref<1x5x512xf32, #tpu.memory_space<vmem>>, vector<16xf32>,
      tpu.vector_store %arg10[%swap3A_206, %swap3A_207, %swap3A_208], %get3A_203 {strides = array<i32>} : memref<1x5x512xf32, #tpu.memory_space<vmem>>, vector<16xf32>,
      %get3A_210 = arith.constant 0 : i32
      %get3A_211 = arith.constant 72 : i32
      %get3A_212 = arith.index_cast %get3A_210 : i32 to index
      %get3A_213 = arith.index_cast %get3A_211 : i32 to index
      %get3A_214 = arith.constant 208 : index
      %get3A_215 = tpu.vector_load %arg8[%get3A_212, %get3A_213, %get3A_214] {strides = array<i32>} : memref<1x80x512xf32, #tpu.memory_space<vmem>>, vector<16xf32>,
      %swap3A_216 = arith.constant 0 : i32
      %swap3A_217 = arith.constant 0 : i32
      %swap3A_218 = arith.index_cast %swap3A_216 : i32 to index
      %swap3A_219 = arith.index_cast %swap3A_217 : i32 to index
      %swap3A_220 = arith.constant 208 : index
      %swap3A_221 = tpu.vector_load %arg10[%swap3A_218, %swap3A_219, %swap3A_220] {strides = array<i32>} : memref<1x5x512xf32, #tpu.memory_space<vmem>>, vector<16xf32>,
      tpu.vector_store %arg10[%swap3A_218, %swap3A_219, %swap3A_220], %get3A_215 {strides = array<i32>} : memref<1x5x512xf32, #tpu.memory_space<vmem>>, vector<16xf32>,
      %get3A_222 = arith.constant 0 : i32
      %get3A_223 = arith.constant 72 : i32
      %get3A_224 = arith.index_cast %get3A_222 : i32 to index
      %get3A_225 = arith.index_cast %get3A_223 : i32 to index
      %get3A_226 = arith.constant 224 : index
      %get3A_227 = tpu.vector_load %arg8[%get3A_224, %get3A_225, %get3A_226] {strides = array<i32>} : memref<1x80x512xf32, #tpu.memory_space<vmem>>, vector<16xf32>,
      %swap3A_228 = arith.constant 0 : i32
      %swap3A_229 = arith.constant 0 : i32
      %swap3A_230 = arith.index_cast %swap3A_228 : i32 to index
      %swap3A_231 = arith.index_cast %swap3A_229 : i32 to index
      %swap3A_232 = arith.constant 224 : index
      %swap3A_233 = tpu.vector_load %arg10[%swap3A_230, %swap3A_231, %swap3A_232] {strides = array<i32>} : memref<1x5x512xf32, #tpu.memory_space<vmem>>, vector<16xf32>,
      tpu.vector_store %arg10[%swap3A_230, %swap3A_231, %swap3A_232], %get3A_227 {strides = array<i32>} : memref<1x5x512xf32, #tpu.memory_space<vmem>>, vector<16xf32>,
      %get3A_234 = arith.constant 0 : i32
      %get3A_235 = arith.constant 72 : i32
      %get3A_236 = arith.index_cast %get3A_234 : i32 to index
      %get3A_237 = arith.index_cast %get3A_235 : i32 to index
      %get3A_238 = arith.constant 240 : index
      %get3A_239 = tpu.vector_load %arg8[%get3A_236, %get3A_237, %get3A_238] {strides = array<i32>} : memref<1x80x512xf32, #tpu.memory_space<vmem>>, vector<16xf32>,
      %swap3A_240 = arith.constant 0 : i32
      %swap3A_241 = arith.constant 0 : i32
      %swap3A_242 = arith.index_cast %swap3A_240 : i32 to index
      %swap3A_243 = arith.index_cast %swap3A_241 : i32 to index
      %swap3A_244 = arith.constant 240 : index
      %swap3A_245 = tpu.vector_load %arg10[%swap3A_242, %swap3A_243, %swap3A_244] {strides = array<i32>} : memref<1x5x512xf32, #tpu.memory_space<vmem>>, vector<16xf32>,
      tpu.vector_store %arg10[%swap3A_242, %swap3A_243, %swap3A_244], %get3A_239 {strides = array<i32>} : memref<1x5x512xf32, #tpu.memory_space<vmem>>, vector<16xf32>,
      %get3A_246 = arith.constant 0 : i32
      %get3A_247 = arith.constant 72 : i32
      %get3A_248 = arith.index_cast %get3A_246 : i32 to index
      %get3A_249 = arith.index_cast %get3A_247 : i32 to index
      %get3A_250 = arith.constant 256 : index
      %get3A_251 = tpu.vector_load %arg8[%get3A_248, %get3A_249, %get3A_250] {strides = array<i32>} : memref<1x80x512xf32, #tpu.memory_space<vmem>>, vector<16xf32>,
      %swap3A_252 = arith.constant 0 : i32
      %swap3A_253 = arith.constant 0 : i32
      %swap3A_254 = arith.index_cast %swap3A_252 : i32 to index
      %swap3A_255 = arith.index_cast %swap3A_253 : i32 to index
      %swap3A_256 = arith.constant 256 : index
      %swap3A_257 = tpu.vector_load %arg10[%swap3A_254, %swap3A_255, %swap3A_256] {strides = array<i32>} : memref<1x5x512xf32, #tpu.memory_space<vmem>>, vector<16xf32>,
      tpu.vector_store %arg10[%swap3A_254, %swap3A_255, %swap3A_256], %get3A_251 {strides = array<i32>} : memref<1x5x512xf32, #tpu.memory_space<vmem>>, vector<16xf32>,
      %get3A_258 = arith.constant 0 : i32
      %get3A_259 = arith.constant 72 : i32
      %get3A_260 = arith.index_cast %get3A_258 : i32 to index
      %get3A_261 = arith.index_cast %get3A_259 : i32 to index
      %get3A_262 = arith.constant 272 : index
      %get3A_263 = tpu.vector_load %arg8[%get3A_260, %get3A_261, %get3A_262] {strides = array<i32>} : memref<1x80x512xf32, #tpu.memory_space<vmem>>, vector<16xf32>,
      %swap3A_264 = arith.constant 0 : i32
      %swap3A_265 = arith.constant 0 : i32
      %swap3A_266 = arith.index_cast %swap3A_264 : i32 to index
      %swap3A_267 = arith.index_cast %swap3A_265 : i32 to index
      %swap3A_268 = arith.constant 272 : index
      %swap3A_269 = tpu.vector_load %arg10[%swap3A_266, %swap3A_267, %swap3A_268] {strides = array<i32>} : memref<1x5x512xf32, #tpu.memory_space<vmem>>, vector<16xf32>,
      tpu.vector_store %arg10[%swap3A_266, %swap3A_267, %swap3A_268], %get3A_263 {strides = array<i32>} : memref<1x5x512xf32, #tpu.memory_space<vmem>>, vector<16xf32>,
      %get3A_270 = arith.constant 0 : i32
      %get3A_271 = arith.constant 72 : i32
      %get3A_272 = arith.index_cast %get3A_270 : i32 to index
      %get3A_273 = arith.index_cast %get3A_271 : i32 to index
      %get3A_274 = arith.constant 288 : index
      %get3A_275 = tpu.vector_load %arg8[%get3A_272, %get3A_273, %get3A_274] {strides = array<i32>} : memref<1x80x512xf32, #tpu.memory_space<vmem>>, vector<16xf32>,
      %swap3A_276 = arith.constant 0 : i32
      %swap3A_277 = arith.constant 0 : i32
      %swap3A_278 = arith.index_cast %swap3A_276 : i32 to index
      %swap3A_279 = arith.index_cast %swap3A_277 : i32 to index
      %swap3A_280 = arith.constant 288 : index
      %swap3A_281 = tpu.vector_load %arg10[%swap3A_278, %swap3A_279, %swap3A_280] {strides = array<i32>} : memref<1x5x512xf32, #tpu.memory_space<vmem>>, vector<16xf32>,
      tpu.vector_store %arg10[%swap3A_278, %swap3A_279, %swap3A_280], %get3A_275 {strides = array<i32>} : memref<1x5x512xf32, #tpu.memory_space<vmem>>, vector<16xf32>,
      %get3A_282 = arith.constant 0 : i32
      %get3A_283 = arith.constant 72 : i32
      %get3A_284 = arith.index_cast %get3A_282 : i32 to index
      %get3A_285 = arith.index_cast %get3A_283 : i32 to index
      %get3A_286 = arith.constant 304 : index
      %get3A_287 = tpu.vector_load %arg8[%get3A_284, %get3A_285, %get3A_286] {strides = array<i32>} : memref<1x80x512xf32, #tpu.memory_space<vmem>>, vector<16xf32>,
      %swap3A_288 = arith.constant 0 : i32
      %swap3A_289 = arith.constant 0 : i32
      %swap3A_290 = arith.index_cast %swap3A_288 : i32 to index
      %swap3A_291 = arith.index_cast %swap3A_289 : i32 to index
      %swap3A_292 = arith.constant 304 : index
      %swap3A_293 = tpu.vector_load %arg10[%swap3A_290, %swap3A_291, %swap3A_292] {strides = array<i32>} : memref<1x5x512xf32, #tpu.memory_space<vmem>>, vector<16xf32>,
      tpu.vector_store %arg10[%swap3A_290, %swap3A_291, %swap3A_292], %get3A_287 {strides = array<i32>} : memref<1x5x512xf32, #tpu.memory_space<vmem>>, vector<16xf32>,
      %get3A_294 = arith.constant 0 : i32
      %get3A_295 = arith.constant 72 : i32
      %get3A_296 = arith.index_cast %get3A_294 : i32 to index
      %get3A_297 = arith.index_cast %get3A_295 : i32 to index
      %get3A_298 = arith.constant 320 : index
      %get3A_299 = tpu.vector_load %arg8[%get3A_296, %get3A_297, %get3A_298] {strides = array<i32>} : memref<1x80x512xf32, #tpu.memory_space<vmem>>, vector<16xf32>,
      %swap3A_300 = arith.constant 0 : i32
      %swap3A_301 = arith.constant 0 : i32
      %swap3A_302 = arith.index_cast %swap3A_300 : i32 to index
      %swap3A_303 = arith.index_cast %swap3A_301 : i32 to index
      %swap3A_304 = arith.constant 320 : index
      %swap3A_305 = tpu.vector_load %arg10[%swap3A_302, %swap3A_303, %swap3A_304] {strides = array<i32>} : memref<1x5x512xf32, #tpu.memory_space<vmem>>, vector<16xf32>,
      tpu.vector_store %arg10[%swap3A_302, %swap3A_303, %swap3A_304], %get3A_299 {strides = array<i32>} : memref<1x5x512xf32, #tpu.memory_space<vmem>>, vector<16xf32>,
      %get3A_306 = arith.constant 0 : i32
      %get3A_307 = arith.constant 72 : i32
      %get3A_308 = arith.index_cast %get3A_306 : i32 to index
      %get3A_309 = arith.index_cast %get3A_307 : i32 to index
      %get3A_310 = arith.constant 336 : index
      %get3A_311 = tpu.vector_load %arg8[%get3A_308, %get3A_309, %get3A_310] {strides = array<i32>} : memref<1x80x512xf32, #tpu.memory_space<vmem>>, vector<16xf32>,
      %swap3A_312 = arith.constant 0 : i32
      %swap3A_313 = arith.constant 0 : i32
      %swap3A_314 = arith.index_cast %swap3A_312 : i32 to index
      %swap3A_315 = arith.index_cast %swap3A_313 : i32 to index
      %swap3A_316 = arith.constant 336 : index
      %swap3A_317 = tpu.vector_load %arg10[%swap3A_314, %swap3A_315, %swap3A_316] {strides = array<i32>} : memref<1x5x512xf32, #tpu.memory_space<vmem>>, vector<16xf32>,
      tpu.vector_store %arg10[%swap3A_314, %swap3A_315, %swap3A_316], %get3A_311 {strides = array<i32>} : memref<1x5x512xf32, #tpu.memory_space<vmem>>, vector<16xf32>,
      %get3A_318 = arith.constant 0 : i32
      %get3A_319 = arith.constant 72 : i32
      %get3A_320 = arith.index_cast %get3A_318 : i32 to index
      %get3A_321 = arith.index_cast %get3A_319 : i32 to index
      %get3A_322 = arith.constant 352 : index
      %get3A_323 = tpu.vector_load %arg8[%get3A_320, %get3A_321, %get3A_322] {strides = array<i32>} : memref<1x80x512xf32, #tpu.memory_space<vmem>>, vector<16xf32>,
      %swap3A_324 = arith.constant 0 : i32
      %swap3A_325 = arith.constant 0 : i32
      %swap3A_326 = arith.index_cast %swap3A_324 : i32 to index
      %swap3A_327 = arith.index_cast %swap3A_325 : i32 to index
      %swap3A_328 = arith.constant 352 : index
      %swap3A_329 = tpu.vector_load %arg10[%swap3A_326, %swap3A_327, %swap3A_328] {strides = array<i32>} : memref<1x5x512xf32, #tpu.memory_space<vmem>>, vector<16xf32>,
      tpu.vector_store %arg10[%swap3A_326, %swap3A_327, %swap3A_328], %get3A_323 {strides = array<i32>} : memref<1x5x512xf32, #tpu.memory_space<vmem>>, vector<16xf32>,
      %get3A_330 = arith.constant 0 : i32
      %get3A_331 = arith.constant 72 : i32
      %get3A_332 = arith.index_cast %get3A_330 : i32 to index
      %get3A_333 = arith.index_cast %get3A_331 : i32 to index
      %get3A_334 = arith.constant 368 : index
      %get3A_335 = tpu.vector_load %arg8[%get3A_332, %get3A_333, %get3A_334] {strides = array<i32>} : memref<1x80x512xf32, #tpu.memory_space<vmem>>, vector<16xf32>,
      %swap3A_336 = arith.constant 0 : i32
      %swap3A_337 = arith.constant 0 : i32
      %swap3A_338 = arith.index_cast %swap3A_336 : i32 to index
      %swap3A_339 = arith.index_cast %swap3A_337 : i32 to index
      %swap3A_340 = arith.constant 368 : index
      %swap3A_341 = tpu.vector_load %arg10[%swap3A_338, %swap3A_339, %swap3A_340] {strides = array<i32>} : memref<1x5x512xf32, #tpu.memory_space<vmem>>, vector<16xf32>,
      tpu.vector_store %arg10[%swap3A_338, %swap3A_339, %swap3A_340], %get3A_335 {strides = array<i32>} : memref<1x5x512xf32, #tpu.memory_space<vmem>>, vector<16xf32>,
      %get3A_342 = arith.constant 0 : i32
      %get3A_343 = arith.constant 72 : i32
      %get3A_344 = arith.index_cast %get3A_342 : i32 to index
      %get3A_345 = arith.index_cast %get3A_343 : i32 to index
      %get3A_346 = arith.constant 384 : index
      %get3A_347 = tpu.vector_load %arg8[%get3A_344, %get3A_345, %get3A_346] {strides = array<i32>} : memref<1x80x512xf32, #tpu.memory_space<vmem>>, vector<16xf32>,
      %swap3A_348 = arith.constant 0 : i32
      %swap3A_349 = arith.constant 0 : i32
      %swap3A_350 = arith.index_cast %swap3A_348 : i32 to index
      %swap3A_351 = arith.index_cast %swap3A_349 : i32 to index
      %swap3A_352 = arith.constant 384 : index
      %swap3A_353 = tpu.vector_load %arg10[%swap3A_350, %swap3A_351, %swap3A_352] {strides = array<i32>} : memref<1x5x512xf32, #tpu.memory_space<vmem>>, vector<16xf32>,
      tpu.vector_store %arg10[%swap3A_350, %swap3A_351, %swap3A_352], %get3A_347 {strides = array<i32>} : memref<1x5x512xf32, #tpu.memory_space<vmem>>, vector<16xf32>,
      %get3A_354 = arith.constant 0 : i32
      %get3A_355 = arith.constant 72 : i32
      %get3A_356 = arith.index_cast %get3A_354 : i32 to index
      %get3A_357 = arith.index_cast %get3A_355 : i32 to index
      %get3A_358 = arith.constant 400 : index
      %get3A_359 = tpu.vector_load %arg8[%get3A_356, %get3A_357, %get3A_358] {strides = array<i32>} : memref<1x80x512xf32, #tpu.memory_space<vmem>>, vector<16xf32>,
      %swap3A_360 = arith.constant 0 : i32
      %swap3A_361 = arith.constant 0 : i32
      %swap3A_362 = arith.index_cast %swap3A_360 : i32 to index
      %swap3A_363 = arith.index_cast %swap3A_361 : i32 to index
      %swap3A_364 = arith.constant 400 : index
      %swap3A_365 = tpu.vector_load %arg10[%swap3A_362, %swap3A_363, %swap3A_364] {strides = array<i32>} : memref<1x5x512xf32, #tpu.memory_space<vmem>>, vector<16xf32>,
      tpu.vector_store %arg10[%swap3A_362, %swap3A_363, %swap3A_364], %get3A_359 {strides = array<i32>} : memref<1x5x512xf32, #tpu.memory_space<vmem>>, vector<16xf32>,
      %get3A_366 = arith.constant 0 : i32
      %get3A_367 = arith.constant 72 : i32
      %get3A_368 = arith.index_cast %get3A_366 : i32 to index
      %get3A_369 = arith.index_cast %get3A_367 : i32 to index
      %get3A_370 = arith.constant 416 : index
      %get3A_371 = tpu.vector_load %arg8[%get3A_368, %get3A_369, %get3A_370] {strides = array<i32>} : memref<1x80x512xf32, #tpu.memory_space<vmem>>, vector<16xf32>,
      %swap3A_372 = arith.constant 0 : i32
      %swap3A_373 = arith.constant 0 : i32
      %swap3A_374 = arith.index_cast %swap3A_372 : i32 to index
      %swap3A_375 = arith.index_cast %swap3A_373 : i32 to index
      %swap3A_376 = arith.constant 416 : index
      %swap3A_377 = tpu.vector_load %arg10[%swap3A_374, %swap3A_375, %swap3A_376] {strides = array<i32>} : memref<1x5x512xf32, #tpu.memory_space<vmem>>, vector<16xf32>,
      tpu.vector_store %arg10[%swap3A_374, %swap3A_375, %swap3A_376], %get3A_371 {strides = array<i32>} : memref<1x5x512xf32, #tpu.memory_space<vmem>>, vector<16xf32>,
      %get3A_378 = arith.constant 0 : i32
      %get3A_379 = arith.constant 72 : i32
      %get3A_380 = arith.index_cast %get3A_378 : i32 to index
      %get3A_381 = arith.index_cast %get3A_379 : i32 to index
      %get3A_382 = arith.constant 432 : index
      %get3A_383 = tpu.vector_load %arg8[%get3A_380, %get3A_381, %get3A_382] {strides = array<i32>} : memref<1x80x512xf32, #tpu.memory_space<vmem>>, vector<16xf32>,
      %swap3A_384 = arith.constant 0 : i32
      %swap3A_385 = arith.constant 0 : i32
      %swap3A_386 = arith.index_cast %swap3A_384 : i32 to index
      %swap3A_387 = arith.index_cast %swap3A_385 : i32 to index
      %swap3A_388 = arith.constant 432 : index
      %swap3A_389 = tpu.vector_load %arg10[%swap3A_386, %swap3A_387, %swap3A_388] {strides = array<i32>} : memref<1x5x512xf32, #tpu.memory_space<vmem>>, vector<16xf32>,
      tpu.vector_store %arg10[%swap3A_386, %swap3A_387, %swap3A_388], %get3A_383 {strides = array<i32>} : memref<1x5x512xf32, #tpu.memory_space<vmem>>, vector<16xf32>,
      %get3A_390 = arith.constant 0 : i32
      %get3A_391 = arith.constant 72 : i32
      %get3A_392 = arith.index_cast %get3A_390 : i32 to index
      %get3A_393 = arith.index_cast %get3A_391 : i32 to index
      %get3A_394 = arith.constant 448 : index
      %get3A_395 = tpu.vector_load %arg8[%get3A_392, %get3A_393, %get3A_394] {strides = array<i32>} : memref<1x80x512xf32, #tpu.memory_space<vmem>>, vector<16xf32>,
      %swap3A_396 = arith.constant 0 : i32
      %swap3A_397 = arith.constant 0 : i32
      %swap3A_398 = arith.index_cast %swap3A_396 : i32 to index
      %swap3A_399 = arith.index_cast %swap3A_397 : i32 to index
      %swap3A_400 = arith.constant 448 : index
      %swap3A_401 = tpu.vector_load %arg10[%swap3A_398, %swap3A_399, %swap3A_400] {strides = array<i32>} : memref<1x5x512xf32, #tpu.memory_space<vmem>>, vector<16xf32>,
      tpu.vector_store %arg10[%swap3A_398, %swap3A_399, %swap3A_400], %get3A_395 {strides = array<i32>} : memref<1x5x512xf32, #tpu.memory_space<vmem>>, vector<16xf32>,
      %get3A_402 = arith.constant 0 : i32
      %get3A_403 = arith.constant 72 : i32
      %get3A_404 = arith.index_cast %get3A_402 : i32 to index
      %get3A_405 = arith.index_cast %get3A_403 : i32 to index
      %get3A_406 = arith.constant 464 : index
      %get3A_407 = tpu.vector_load %arg8[%get3A_404, %get3A_405, %get3A_406] {strides = array<i32>} : memref<1x80x512xf32, #tpu.memory_space<vmem>>, vector<16xf32>,
      %swap3A_408 = arith.constant 0 : i32
      %swap3A_409 = arith.constant 0 : i32
      %swap3A_410 = arith.index_cast %swap3A_408 : i32 to index
      %swap3A_411 = arith.index_cast %swap3A_409 : i32 to index
      %swap3A_412 = arith.constant 464 : index
      %swap3A_413 = tpu.vector_load %arg10[%swap3A_410, %swap3A_411, %swap3A_412] {strides = array<i32>} : memref<1x5x512xf32, #tpu.memory_space<vmem>>, vector<16xf32>,
      tpu.vector_store %arg10[%swap3A_410, %swap3A_411, %swap3A_412], %get3A_407 {strides = array<i32>} : memref<1x5x512xf32, #tpu.memory_space<vmem>>, vector<16xf32>,
      %get3A_414 = arith.constant 0 : i32
      %get3A_415 = arith.constant 72 : i32
      %get3A_416 = arith.index_cast %get3A_414 : i32 to index
      %get3A_417 = arith.index_cast %get3A_415 : i32 to index
      %get3A_418 = arith.constant 480 : index
      %get3A_419 = tpu.vector_load %arg8[%get3A_416, %get3A_417, %get3A_418] {strides = array<i32>} : memref<1x80x512xf32, #tpu.memory_space<vmem>>, vector<16xf32>,
      %swap3A_420 = arith.constant 0 : i32
      %swap3A_421 = arith.constant 0 : i32
      %swap3A_422 = arith.index_cast %swap3A_420 : i32 to index
      %swap3A_423 = arith.index_cast %swap3A_421 : i32 to index
      %swap3A_424 = arith.constant 480 : index
      %swap3A_425 = tpu.vector_load %arg10[%swap3A_422, %swap3A_423, %swap3A_424] {strides = array<i32>} : memref<1x5x512xf32, #tpu.memory_space<vmem>>, vector<16xf32>,
      tpu.vector_store %arg10[%swap3A_422, %swap3A_423, %swap3A_424], %get3A_419 {strides = array<i32>} : memref<1x5x512xf32, #tpu.memory_space<vmem>>, vector<16xf32>,
      %get3A_426 = arith.constant 0 : i32
      %get3A_427 = arith.constant 72 : i32
      %get3A_428 = arith.index_cast %get3A_426 : i32 to index
      %get3A_429 = arith.index_cast %get3A_427 : i32 to index
      %get3A_430 = arith.constant 496 : index
      %get3A_431 = tpu.vector_load %arg8[%get3A_428, %get3A_429, %get3A_430] {strides = array<i32>} : memref<1x80x512xf32, #tpu.memory_space<vmem>>, vector<16xf32>,
      %swap3A_432 = arith.constant 0 : i32
      %swap3A_433 = arith.constant 0 : i32
      %swap3A_434 = arith.index_cast %swap3A_432 : i32 to index
      %swap3A_435 = arith.index_cast %swap3A_433 : i32 to index
      %swap3A_436 = arith.constant 496 : index
      %swap3A_437 = tpu.vector_load %arg10[%swap3A_434, %swap3A_435, %swap3A_436] {strides = array<i32>} : memref<1x5x512xf32, #tpu.memory_space<vmem>>, vector<16xf32>,
      tpu.vector_store %arg10[%swap3A_434, %swap3A_435, %swap3A_436], %get3A_431 {strides = array<i32>} : memref<1x5x512xf32, #tpu.memory_space<vmem>>, vector<16xf32>,
      %get3A_438 = arith.constant 0 : i32
      %get3A_439 = arith.constant 73 : i32
      %get3A_440 = arith.index_cast %get3A_438 : i32 to index
      %get3A_441 = arith.index_cast %get3A_439 : i32 to index
      %get3A_442 = arith.constant 0 : index
      %get3A_443 = tpu.vector_load %arg8[%get3A_440, %get3A_441, %get3A_442] {strides = array<i32>} : memref<1x80x512xf32, #tpu.memory_space<vmem>>, vector<16xf32>,
      %swap3A_444 = arith.constant 0 : i32
      %swap3A_445 = arith.constant 1 : i32
      %swap3A_446 = arith.index_cast %swap3A_444 : i32 to index
      %swap3A_447 = arith.index_cast %swap3A_445 : i32 to index
      %swap3A_448 = arith.constant 0 : index
      %swap3A_449 = tpu.vector_load %arg10[%swap3A_446, %swap3A_447, %swap3A_448] {strides = array<i32>} : memref<1x5x512xf32, #tpu.memory_space<vmem>>, vector<16xf32>,
      tpu.vector_store %arg10[%swap3A_446, %swap3A_447, %swap3A_448], %get3A_443 {strides = array<i32>} : memref<1x5x512xf32, #tpu.memory_space<vmem>>, vector<16xf32>,
      %get3A_450 = arith.constant 0 : i32
      %get3A_451 = arith.constant 73 : i32
      %get3A_452 = arith.index_cast %get3A_450 : i32 to index
      %get3A_453 = arith.index_cast %get3A_451 : i32 to index
      %get3A_454 = arith.constant 16 : index
      %get3A_455 = tpu.vector_load %arg8[%get3A_452, %get3A_453, %get3A_454] {strides = array<i32>} : memref<1x80x512xf32, #tpu.memory_space<vmem>>, vector<16xf32>,
      %swap3A_456 = arith.constant 0 : i32
      %swap3A_457 = arith.constant 1 : i32
      %swap3A_458 = arith.index_cast %swap3A_456 : i32 to index
      %swap3A_459 = arith.index_cast %swap3A_457 : i32 to index
      %swap3A_460 = arith.constant 16 : index
      %swap3A_461 = tpu.vector_load %arg10[%swap3A_458, %swap3A_459, %swap3A_460] {strides = array<i32>} : memref<1x5x512xf32, #tpu.memory_space<vmem>>, vector<16xf32>,
      tpu.vector_store %arg10[%swap3A_458, %swap3A_459, %swap3A_460], %get3A_455 {strides = array<i32>} : memref<1x5x512xf32, #tpu.memory_space<vmem>>, vector<16xf32>,
      %get3A_462 = arith.constant 0 : i32
      %get3A_463 = arith.constant 73 : i32
      %get3A_464 = arith.index_cast %get3A_462 : i32 to index
      %get3A_465 = arith.index_cast %get3A_463 : i32 to index
      %get3A_466 = arith.constant 32 : index
      %get3A_467 = tpu.vector_load %arg8[%get3A_464, %get3A_465, %get3A_466] {strides = array<i32>} : memref<1x80x512xf32, #tpu.memory_space<vmem>>, vector<16xf32>,
      %swap3A_468 = arith.constant 0 : i32
      %swap3A_469 = arith.constant 1 : i32
      %swap3A_470 = arith.index_cast %swap3A_468 : i32 to index
      %swap3A_471 = arith.index_cast %swap3A_469 : i32 to index
      %swap3A_472 = arith.constant 32 : index
      %swap3A_473 = tpu.vector_load %arg10[%swap3A_470, %swap3A_471, %swap3A_472] {strides = array<i32>} : memref<1x5x512xf32, #tpu.memory_space<vmem>>, vector<16xf32>,
      tpu.vector_store %arg10[%swap3A_470, %swap3A_471, %swap3A_472], %get3A_467 {strides = array<i32>} : memref<1x5x512xf32, #tpu.memory_space<vmem>>, vector<16xf32>,
      %get3A_474 = arith.constant 0 : i32
      %get3A_475 = arith.constant 73 : i32
      %get3A_476 = arith.index_cast %get3A_474 : i32 to index
      %get3A_477 = arith.index_cast %get3A_475 : i32 to index
      %get3A_478 = arith.constant 48 : index
      %get3A_479 = tpu.vector_load %arg8[%get3A_476, %get3A_477, %get3A_478] {strides = array<i32>} : memref<1x80x512xf32, #tpu.memory_space<vmem>>, vector<16xf32>,
      %swap3A_480 = arith.constant 0 : i32
      %swap3A_481 = arith.constant 1 : i32
      %swap3A_482 = arith.index_cast %swap3A_480 : i32 to index
      %swap3A_483 = arith.index_cast %swap3A_481 : i32 to index
      %swap3A_484 = arith.constant 48 : index
      %swap3A_485 = tpu.vector_load %arg10[%swap3A_482, %swap3A_483, %swap3A_484] {strides = array<i32>} : memref<1x5x512xf32, #tpu.memory_space<vmem>>, vector<16xf32>,
      tpu.vector_store %arg10[%swap3A_482, %swap3A_483, %swap3A_484], %get3A_479 {strides = array<i32>} : memref<1x5x512xf32, #tpu.memory_space<vmem>>, vector<16xf32>,
      %get3A_486 = arith.constant 0 : i32
      %get3A_487 = arith.constant 73 : i32
      %get3A_488 = arith.index_cast %get3A_486 : i32 to index
      %get3A_489 = arith.index_cast %get3A_487 : i32 to index
      %get3A_490 = arith.constant 64 : index
      %get3A_491 = tpu.vector_load %arg8[%get3A_488, %get3A_489, %get3A_490] {strides = array<i32>} : memref<1x80x512xf32, #tpu.memory_space<vmem>>, vector<16xf32>,
      %swap3A_492 = arith.constant 0 : i32
      %swap3A_493 = arith.constant 1 : i32
      %swap3A_494 = arith.index_cast %swap3A_492 : i32 to index
      %swap3A_495 = arith.index_cast %swap3A_493 : i32 to index
      %swap3A_496 = arith.constant 64 : index
      %swap3A_497 = tpu.vector_load %arg10[%swap3A_494, %swap3A_495, %swap3A_496] {strides = array<i32>} : memref<1x5x512xf32, #tpu.memory_space<vmem>>, vector<16xf32>,
      tpu.vector_store %arg10[%swap3A_494, %swap3A_495, %swap3A_496], %get3A_491 {strides = array<i32>} : memref<1x5x512xf32, #tpu.memory_space<vmem>>, vector<16xf32>,
      %get3A_498 = arith.constant 0 : i32
      %get3A_499 = arith.constant 73 : i32
      %get3A_500 = arith.index_cast %get3A_498 : i32 to index
      %get3A_501 = arith.index_cast %get3A_499 : i32 to index
      %get3A_502 = arith.constant 80 : index
      %get3A_503 = tpu.vector_load %arg8[%get3A_500, %get3A_501, %get3A_502] {strides = array<i32>} : memref<1x80x512xf32, #tpu.memory_space<vmem>>, vector<16xf32>,
      %swap3A_504 = arith.constant 0 : i32
      %swap3A_505 = arith.constant 1 : i32
      %swap3A_506 = arith.index_cast %swap3A_504 : i32 to index
      %swap3A_507 = arith.index_cast %swap3A_505 : i32 to index
      %swap3A_508 = arith.constant 80 : index
      %swap3A_509 = tpu.vector_load %arg10[%swap3A_506, %swap3A_507, %swap3A_508] {strides = array<i32>} : memref<1x5x512xf32, #tpu.memory_space<vmem>>, vector<16xf32>,
      tpu.vector_store %arg10[%swap3A_506, %swap3A_507, %swap3A_508], %get3A_503 {strides = array<i32>} : memref<1x5x512xf32, #tpu.memory_space<vmem>>, vector<16xf32>,
      %get3A_510 = arith.constant 0 : i32
      %get3A_511 = arith.constant 73 : i32
      %get3A_512 = arith.index_cast %get3A_510 : i32 to index
      %get3A_513 = arith.index_cast %get3A_511 : i32 to index
      %get3A_514 = arith.constant 96 : index
      %get3A_515 = tpu.vector_load %arg8[%get3A_512, %get3A_513, %get3A_514] {strides = array<i32>} : memref<1x80x512xf32, #tpu.memory_space<vmem>>, vector<16xf32>,
      %swap3A_516 = arith.constant 0 : i32
      %swap3A_517 = arith.constant 1 : i32
      %swap3A_518 = arith.index_cast %swap3A_516 : i32 to index
      %swap3A_519 = arith.index_cast %swap3A_517 : i32 to index
      %swap3A_520 = arith.constant 96 : index
      %swap3A_521 = tpu.vector_load %arg10[%swap3A_518, %swap3A_519, %swap3A_520] {strides = array<i32>} : memref<1x5x512xf32, #tpu.memory_space<vmem>>, vector<16xf32>,
      tpu.vector_store %arg10[%swap3A_518, %swap3A_519, %swap3A_520], %get3A_515 {strides = array<i32>} : memref<1x5x512xf32, #tpu.memory_space<vmem>>, vector<16xf32>,
      %get3A_522 = arith.constant 0 : i32
      %get3A_523 = arith.constant 73 : i32
      %get3A_524 = arith.index_cast %get3A_522 : i32 to index
      %get3A_525 = arith.index_cast %get3A_523 : i32 to index
      %get3A_526 = arith.constant 112 : index
      %get3A_527 = tpu.vector_load %arg8[%get3A_524, %get3A_525, %get3A_526] {strides = array<i32>} : memref<1x80x512xf32, #tpu.memory_space<vmem>>, vector<16xf32>,
      %swap3A_528 = arith.constant 0 : i32
      %swap3A_529 = arith.constant 1 : i32
      %swap3A_530 = arith.index_cast %swap3A_528 : i32 to index
      %swap3A_531 = arith.index_cast %swap3A_529 : i32 to index
      %swap3A_532 = arith.constant 112 : index
      %swap3A_533 = tpu.vector_load %arg10[%swap3A_530, %swap3A_531, %swap3A_532] {strides = array<i32>} : memref<1x5x512xf32, #tpu.memory_space<vmem>>, vector<16xf32>,
      tpu.vector_store %arg10[%swap3A_530, %swap3A_531, %swap3A_532], %get3A_527 {strides = array<i32>} : memref<1x5x512xf32, #tpu.memory_space<vmem>>, vector<16xf32>,
      %get3A_534 = arith.constant 0 : i32
      %get3A_535 = arith.constant 73 : i32
      %get3A_536 = arith.index_cast %get3A_534 : i32 to index
      %get3A_537 = arith.index_cast %get3A_535 : i32 to index
      %get3A_538 = arith.constant 128 : index
      %get3A_539 = tpu.vector_load %arg8[%get3A_536, %get3A_537, %get3A_538] {strides = array<i32>} : memref<1x80x512xf32, #tpu.memory_space<vmem>>, vector<16xf32>,
      %swap3A_540 = arith.constant 0 : i32
      %swap3A_541 = arith.constant 1 : i32
      %swap3A_542 = arith.index_cast %swap3A_540 : i32 to index
      %swap3A_543 = arith.index_cast %swap3A_541 : i32 to index
      %swap3A_544 = arith.constant 128 : index
      %swap3A_545 = tpu.vector_load %arg10[%swap3A_542, %swap3A_543, %swap3A_544] {strides = array<i32>} : memref<1x5x512xf32, #tpu.memory_space<vmem>>, vector<16xf32>,
      tpu.vector_store %arg10[%swap3A_542, %swap3A_543, %swap3A_544], %get3A_539 {strides = array<i32>} : memref<1x5x512xf32, #tpu.memory_space<vmem>>, vector<16xf32>,
      %get3A_546 = arith.constant 0 : i32
      %get3A_547 = arith.constant 73 : i32
      %get3A_548 = arith.index_cast %get3A_546 : i32 to index
      %get3A_549 = arith.index_cast %get3A_547 : i32 to index
      %get3A_550 = arith.constant 144 : index
      %get3A_551 = tpu.vector_load %arg8[%get3A_548, %get3A_549, %get3A_550] {strides = array<i32>} : memref<1x80x512xf32, #tpu.memory_space<vmem>>, vector<16xf32>,
      %swap3A_552 = arith.constant 0 : i32
      %swap3A_553 = arith.constant 1 : i32
      %swap3A_554 = arith.index_cast %swap3A_552 : i32 to index
      %swap3A_555 = arith.index_cast %swap3A_553 : i32 to index
      %swap3A_556 = arith.constant 144 : index
      %swap3A_557 = tpu.vector_load %arg10[%swap3A_554, %swap3A_555, %swap3A_556] {strides = array<i32>} : memref<1x5x512xf32, #tpu.memory_space<vmem>>, vector<16xf32>,
      tpu.vector_store %arg10[%swap3A_554, %swap3A_555, %swap3A_556], %get3A_551 {strides = array<i32>} : memref<1x5x512xf32, #tpu.memory_space<vmem>>, vector<16xf32>,
      %get3A_558 = arith.constant 0 : i32
      %get3A_559 = arith.constant 73 : i32
      %get3A_560 = arith.index_cast %get3A_558 : i32 to index
      %get3A_561 = arith.index_cast %get3A_559 : i32 to index
      %get3A_562 = arith.constant 160 : index
      %get3A_563 = tpu.vector_load %arg8[%get3A_560, %get3A_561, %get3A_562] {strides = array<i32>} : memref<1x80x512xf32, #tpu.memory_space<vmem>>, vector<16xf32>,
      %swap3A_564 = arith.constant 0 : i32
      %swap3A_565 = arith.constant 1 : i32
      %swap3A_566 = arith.index_cast %swap3A_564 : i32 to index
      %swap3A_567 = arith.index_cast %swap3A_565 : i32 to index
      %swap3A_568 = arith.constant 160 : index
      %swap3A_569 = tpu.vector_load %arg10[%swap3A_566, %swap3A_567, %swap3A_568] {strides = array<i32>} : memref<1x5x512xf32, #tpu.memory_space<vmem>>, vector<16xf32>,
      tpu.vector_store %arg10[%swap3A_566, %swap3A_567, %swap3A_568], %get3A_563 {strides = array<i32>} : memref<1x5x512xf32, #tpu.memory_space<vmem>>, vector<16xf32>,
      %get3A_570 = arith.constant 0 : i32
      %get3A_571 = arith.constant 73 : i32
      %get3A_572 = arith.index_cast %get3A_570 : i32 to index
      %get3A_573 = arith.index_cast %get3A_571 : i32 to index
      %get3A_574 = arith.constant 176 : index
      %get3A_575 = tpu.vector_load %arg8[%get3A_572, %get3A_573, %get3A_574] {strides = array<i32>} : memref<1x80x512xf32, #tpu.memory_space<vmem>>, vector<16xf32>,
      %swap3A_576 = arith.constant 0 : i32
      %swap3A_577 = arith.constant 1 : i32
      %swap3A_578 = arith.index_cast %swap3A_576 : i32 to index
      %swap3A_579 = arith.index_cast %swap3A_577 : i32 to index
      %swap3A_580 = arith.constant 176 : index
      %swap3A_581 = tpu.vector_load %arg10[%swap3A_578, %swap3A_579, %swap3A_580] {strides = array<i32>} : memref<1x5x512xf32, #tpu.memory_space<vmem>>, vector<16xf32>,
      tpu.vector_store %arg10[%swap3A_578, %swap3A_579, %swap3A_580], %get3A_575 {strides = array<i32>} : memref<1x5x512xf32, #tpu.memory_space<vmem>>, vector<16xf32>,
      %get3A_582 = arith.constant 0 : i32
      %get3A_583 = arith.constant 73 : i32
      %get3A_584 = arith.index_cast %get3A_582 : i32 to index
      %get3A_585 = arith.index_cast %get3A_583 : i32 to index
      %get3A_586 = arith.constant 192 : index
      %get3A_587 = tpu.vector_load %arg8[%get3A_584, %get3A_585, %get3A_586] {strides = array<i32>} : memref<1x80x512xf32, #tpu.memory_space<vmem>>, vector<16xf32>,
      %swap3A_588 = arith.constant 0 : i32
      %swap3A_589 = arith.constant 1 : i32
      %swap3A_590 = arith.index_cast %swap3A_588 : i32 to index
      %swap3A_591 = arith.index_cast %swap3A_589 : i32 to index
      %swap3A_592 = arith.constant 192 : index
      %swap3A_593 = tpu.vector_load %arg10[%swap3A_590, %swap3A_591, %swap3A_592] {strides = array<i32>} : memref<1x5x512xf32, #tpu.memory_space<vmem>>, vector<16xf32>,
      tpu.vector_store %arg10[%swap3A_590, %swap3A_591, %swap3A_592], %get3A_587 {strides = array<i32>} : memref<1x5x512xf32, #tpu.memory_space<vmem>>, vector<16xf32>,
      %get3A_594 = arith.constant 0 : i32
      %get3A_595 = arith.constant 73 : i32
      %get3A_596 = arith.index_cast %get3A_594 : i32 to index
      %get3A_597 = arith.index_cast %get3A_595 : i32 to index
      %get3A_598 = arith.constant 208 : index
      %get3A_599 = tpu.vector_load %arg8[%get3A_596, %get3A_597, %get3A_598] {strides = array<i32>} : memref<1x80x512xf32, #tpu.memory_space<vmem>>, vector<16xf32>,
      %swap3A_600 = arith.constant 0 : i32
      %swap3A_601 = arith.constant 1 : i32
      %swap3A_602 = arith.index_cast %swap3A_600 : i32 to index
      %swap3A_603 = arith.index_cast %swap3A_601 : i32 to index
      %swap3A_604 = arith.constant 208 : index
      %swap3A_605 = tpu.vector_load %arg10[%swap3A_602, %swap3A_603, %swap3A_604] {strides = array<i32>} : memref<1x5x512xf32, #tpu.memory_space<vmem>>, vector<16xf32>,
      tpu.vector_store %arg10[%swap3A_602, %swap3A_603, %swap3A_604], %get3A_599 {strides = array<i32>} : memref<1x5x512xf32, #tpu.memory_space<vmem>>, vector<16xf32>,
      %get3A_606 = arith.constant 0 : i32
      %get3A_607 = arith.constant 73 : i32
      %get3A_608 = arith.index_cast %get3A_606 : i32 to index
      %get3A_609 = arith.index_cast %get3A_607 : i32 to index
      %get3A_610 = arith.constant 224 : index
      %get3A_611 = tpu.vector_load %arg8[%get3A_608, %get3A_609, %get3A_610] {strides = array<i32>} : memref<1x80x512xf32, #tpu.memory_space<vmem>>, vector<16xf32>,
      %swap3A_612 = arith.constant 0 : i32
      %swap3A_613 = arith.constant 1 : i32
      %swap3A_614 = arith.index_cast %swap3A_612 : i32 to index
      %swap3A_615 = arith.index_cast %swap3A_613 : i32 to index
      %swap3A_616 = arith.constant 224 : index
      %swap3A_617 = tpu.vector_load %arg10[%swap3A_614, %swap3A_615, %swap3A_616] {strides = array<i32>} : memref<1x5x512xf32, #tpu.memory_space<vmem>>, vector<16xf32>,
      tpu.vector_store %arg10[%swap3A_614, %swap3A_615, %swap3A_616], %get3A_611 {strides = array<i32>} : memref<1x5x512xf32, #tpu.memory_space<vmem>>, vector<16xf32>,
      %get3A_618 = arith.constant 0 : i32
      %get3A_619 = arith.constant 73 : i32
      %get3A_620 = arith.index_cast %get3A_618 : i32 to index
      %get3A_621 = arith.index_cast %get3A_619 : i32 to index
      %get3A_622 = arith.constant 240 : index
      %get3A_623 = tpu.vector_load %arg8[%get3A_620, %get3A_621, %get3A_622] {strides = array<i32>} : memref<1x80x512xf32, #tpu.memory_space<vmem>>, vector<16xf32>,
      %swap3A_624 = arith.constant 0 : i32
      %swap3A_625 = arith.constant 1 : i32
      %swap3A_626 = arith.index_cast %swap3A_624 : i32 to index
      %swap3A_627 = arith.index_cast %swap3A_625 : i32 to index
      %swap3A_628 = arith.constant 240 : index
      %swap3A_629 = tpu.vector_load %arg10[%swap3A_626, %swap3A_627, %swap3A_628] {strides = array<i32>} : memref<1x5x512xf32, #tpu.memory_space<vmem>>, vector<16xf32>,
      tpu.vector_store %arg10[%swap3A_626, %swap3A_627, %swap3A_628], %get3A_623 {strides = array<i32>} : memref<1x5x512xf32, #tpu.memory_space<vmem>>, vector<16xf32>,
      %get3A_630 = arith.constant 0 : i32
      %get3A_631 = arith.constant 73 : i32
      %get3A_632 = arith.index_cast %get3A_630 : i32 to index
      %get3A_633 = arith.index_cast %get3A_631 : i32 to index
      %get3A_634 = arith.constant 256 : index
      %get3A_635 = tpu.vector_load %arg8[%get3A_632, %get3A_633, %get3A_634] {strides = array<i32>} : memref<1x80x512xf32, #tpu.memory_space<vmem>>, vector<16xf32>,
      %swap3A_636 = arith.constant 0 : i32
      %swap3A_637 = arith.constant 1 : i32
      %swap3A_638 = arith.index_cast %swap3A_636 : i32 to index
      %swap3A_639 = arith.index_cast %swap3A_637 : i32 to index
      %swap3A_640 = arith.constant 256 : index
      %swap3A_641 = tpu.vector_load %arg10[%swap3A_638, %swap3A_639, %swap3A_640] {strides = array<i32>} : memref<1x5x512xf32, #tpu.memory_space<vmem>>, vector<16xf32>,
      tpu.vector_store %arg10[%swap3A_638, %swap3A_639, %swap3A_640], %get3A_635 {strides = array<i32>} : memref<1x5x512xf32, #tpu.memory_space<vmem>>, vector<16xf32>,
      %get3A_642 = arith.constant 0 : i32
      %get3A_643 = arith.constant 73 : i32
      %get3A_644 = arith.index_cast %get3A_642 : i32 to index
      %get3A_645 = arith.index_cast %get3A_643 : i32 to index
      %get3A_646 = arith.constant 272 : index
      %get3A_647 = tpu.vector_load %arg8[%get3A_644, %get3A_645, %get3A_646] {strides = array<i32>} : memref<1x80x512xf32, #tpu.memory_space<vmem>>, vector<16xf32>,
      %swap3A_648 = arith.constant 0 : i32
      %swap3A_649 = arith.constant 1 : i32
      %swap3A_650 = arith.index_cast %swap3A_648 : i32 to index
      %swap3A_651 = arith.index_cast %swap3A_649 : i32 to index
      %swap3A_652 = arith.constant 272 : index
      %swap3A_653 = tpu.vector_load %arg10[%swap3A_650, %swap3A_651, %swap3A_652] {strides = array<i32>} : memref<1x5x512xf32, #tpu.memory_space<vmem>>, vector<16xf32>,
      tpu.vector_store %arg10[%swap3A_650, %swap3A_651, %swap3A_652], %get3A_647 {strides = array<i32>} : memref<1x5x512xf32, #tpu.memory_space<vmem>>, vector<16xf32>,
      %get3A_654 = arith.constant 0 : i32
      %get3A_655 = arith.constant 73 : i32
      %get3A_656 = arith.index_cast %get3A_654 : i32 to index
      %get3A_657 = arith.index_cast %get3A_655 : i32 to index
      %get3A_658 = arith.constant 288 : index
      %get3A_659 = tpu.vector_load %arg8[%get3A_656, %get3A_657, %get3A_658] {strides = array<i32>} : memref<1x80x512xf32, #tpu.memory_space<vmem>>, vector<16xf32>,
      %swap3A_660 = arith.constant 0 : i32
      %swap3A_661 = arith.constant 1 : i32
      %swap3A_662 = arith.index_cast %swap3A_660 : i32 to index
      %swap3A_663 = arith.index_cast %swap3A_661 : i32 to index
      %swap3A_664 = arith.constant 288 : index
      %swap3A_665 = tpu.vector_load %arg10[%swap3A_662, %swap3A_663, %swap3A_664] {strides = array<i32>} : memref<1x5x512xf32, #tpu.memory_space<vmem>>, vector<16xf32>,
      tpu.vector_store %arg10[%swap3A_662, %swap3A_663, %swap3A_664], %get3A_659 {strides = array<i32>} : memref<1x5x512xf32, #tpu.memory_space<vmem>>, vector<16xf32>,
      %get3A_666 = arith.constant 0 : i32
      %get3A_667 = arith.constant 73 : i32
      %get3A_668 = arith.index_cast %get3A_666 : i32 to index
      %get3A_669 = arith.index_cast %get3A_667 : i32 to index
      %get3A_670 = arith.constant 304 : index
      %get3A_671 = tpu.vector_load %arg8[%get3A_668, %get3A_669, %get3A_670] {strides = array<i32>} : memref<1x80x512xf32, #tpu.memory_space<vmem>>, vector<16xf32>,
      %swap3A_672 = arith.constant 0 : i32
      %swap3A_673 = arith.constant 1 : i32
      %swap3A_674 = arith.index_cast %swap3A_672 : i32 to index
      %swap3A_675 = arith.index_cast %swap3A_673 : i32 to index
      %swap3A_676 = arith.constant 304 : index
      %swap3A_677 = tpu.vector_load %arg10[%swap3A_674, %swap3A_675, %swap3A_676] {strides = array<i32>} : memref<1x5x512xf32, #tpu.memory_space<vmem>>, vector<16xf32>,
      tpu.vector_store %arg10[%swap3A_674, %swap3A_675, %swap3A_676], %get3A_671 {strides = array<i32>} : memref<1x5x512xf32, #tpu.memory_space<vmem>>, vector<16xf32>,
      %get3A_678 = arith.constant 0 : i32
      %get3A_679 = arith.constant 73 : i32
      %get3A_680 = arith.index_cast %get3A_678 : i32 to index
      %get3A_681 = arith.index_cast %get3A_679 : i32 to index
      %get3A_682 = arith.constant 320 : index
      %get3A_683 = tpu.vector_load %arg8[%get3A_680, %get3A_681, %get3A_682] {strides = array<i32>} : memref<1x80x512xf32, #tpu.memory_space<vmem>>, vector<16xf32>,
      %swap3A_684 = arith.constant 0 : i32
      %swap3A_685 = arith.constant 1 : i32
      %swap3A_686 = arith.index_cast %swap3A_684 : i32 to index
      %swap3A_687 = arith.index_cast %swap3A_685 : i32 to index
      %swap3A_688 = arith.constant 320 : index
      %swap3A_689 = tpu.vector_load %arg10[%swap3A_686, %swap3A_687, %swap3A_688] {strides = array<i32>} : memref<1x5x512xf32, #tpu.memory_space<vmem>>, vector<16xf32>,
      tpu.vector_store %arg10[%swap3A_686, %swap3A_687, %swap3A_688], %get3A_683 {strides = array<i32>} : memref<1x5x512xf32, #tpu.memory_space<vmem>>, vector<16xf32>,
      %get3A_690 = arith.constant 0 : i32
      %get3A_691 = arith.constant 73 : i32
      %get3A_692 = arith.index_cast %get3A_690 : i32 to index
      %get3A_693 = arith.index_cast %get3A_691 : i32 to index
      %get3A_694 = arith.constant 336 : index
      %get3A_695 = tpu.vector_load %arg8[%get3A_692, %get3A_693, %get3A_694] {strides = array<i32>} : memref<1x80x512xf32, #tpu.memory_space<vmem>>, vector<16xf32>,
      %swap3A_696 = arith.constant 0 : i32
      %swap3A_697 = arith.constant 1 : i32
      %swap3A_698 = arith.index_cast %swap3A_696 : i32 to index
      %swap3A_699 = arith.index_cast %swap3A_697 : i32 to index
      %swap3A_700 = arith.constant 336 : index
      %swap3A_701 = tpu.vector_load %arg10[%swap3A_698, %swap3A_699, %swap3A_700] {strides = array<i32>} : memref<1x5x512xf32, #tpu.memory_space<vmem>>, vector<16xf32>,
      tpu.vector_store %arg10[%swap3A_698, %swap3A_699, %swap3A_700], %get3A_695 {strides = array<i32>} : memref<1x5x512xf32, #tpu.memory_space<vmem>>, vector<16xf32>,
      %get3A_702 = arith.constant 0 : i32
      %get3A_703 = arith.constant 73 : i32
      %get3A_704 = arith.index_cast %get3A_702 : i32 to index
      %get3A_705 = arith.index_cast %get3A_703 : i32 to index
      %get3A_706 = arith.constant 352 : index
      %get3A_707 = tpu.vector_load %arg8[%get3A_704, %get3A_705, %get3A_706] {strides = array<i32>} : memref<1x80x512xf32, #tpu.memory_space<vmem>>, vector<16xf32>,
      %swap3A_708 = arith.constant 0 : i32
      %swap3A_709 = arith.constant 1 : i32
      %swap3A_710 = arith.index_cast %swap3A_708 : i32 to index
      %swap3A_711 = arith.index_cast %swap3A_709 : i32 to index
      %swap3A_712 = arith.constant 352 : index
      %swap3A_713 = tpu.vector_load %arg10[%swap3A_710, %swap3A_711, %swap3A_712] {strides = array<i32>} : memref<1x5x512xf32, #tpu.memory_space<vmem>>, vector<16xf32>,
      tpu.vector_store %arg10[%swap3A_710, %swap3A_711, %swap3A_712], %get3A_707 {strides = array<i32>} : memref<1x5x512xf32, #tpu.memory_space<vmem>>, vector<16xf32>,
      %get3A_714 = arith.constant 0 : i32
      %get3A_715 = arith.constant 73 : i32
      %get3A_716 = arith.index_cast %get3A_714 : i32 to index
      %get3A_717 = arith.index_cast %get3A_715 : i32 to index
      %get3A_718 = arith.constant 368 : index
      %get3A_719 = tpu.vector_load %arg8[%get3A_716, %get3A_717, %get3A_718] {strides = array<i32>} : memref<1x80x512xf32, #tpu.memory_space<vmem>>, vector<16xf32>,
      %swap3A_720 = arith.constant 0 : i32
      %swap3A_721 = arith.constant 1 : i32
      %swap3A_722 = arith.index_cast %swap3A_720 : i32 to index
      %swap3A_723 = arith.index_cast %swap3A_721 : i32 to index
      %swap3A_724 = arith.constant 368 : index
      %swap3A_725 = tpu.vector_load %arg10[%swap3A_722, %swap3A_723, %swap3A_724] {strides = array<i32>} : memref<1x5x512xf32, #tpu.memory_space<vmem>>, vector<16xf32>,
      tpu.vector_store %arg10[%swap3A_722, %swap3A_723, %swap3A_724], %get3A_719 {strides = array<i32>} : memref<1x5x512xf32, #tpu.memory_space<vmem>>, vector<16xf32>,
      %get3A_726 = arith.constant 0 : i32
      %get3A_727 = arith.constant 73 : i32
      %get3A_728 = arith.index_cast %get3A_726 : i32 to index
      %get3A_729 = arith.index_cast %get3A_727 : i32 to index
      %get3A_730 = arith.constant 384 : index
      %get3A_731 = tpu.vector_load %arg8[%get3A_728, %get3A_729, %get3A_730] {strides = array<i32>} : memref<1x80x512xf32, #tpu.memory_space<vmem>>, vector<16xf32>,
      %swap3A_732 = arith.constant 0 : i32
      %swap3A_733 = arith.constant 1 : i32
      %swap3A_734 = arith.index_cast %swap3A_732 : i32 to index
      %swap3A_735 = arith.index_cast %swap3A_733 : i32 to index
      %swap3A_736 = arith.constant 384 : index
      %swap3A_737 = tpu.vector_load %arg10[%swap3A_734, %swap3A_735, %swap3A_736] {strides = array<i32>} : memref<1x5x512xf32, #tpu.memory_space<vmem>>, vector<16xf32>,
      tpu.vector_store %arg10[%swap3A_734, %swap3A_735, %swap3A_736], %get3A_731 {strides = array<i32>} : memref<1x5x512xf32, #tpu.memory_space<vmem>>, vector<16xf32>,
      %get3A_738 = arith.constant 0 : i32
      %get3A_739 = arith.constant 73 : i32
      %get3A_740 = arith.index_cast %get3A_738 : i32 to index
      %get3A_741 = arith.index_cast %get3A_739 : i32 to index
      %get3A_742 = arith.constant 400 : index
      %get3A_743 = tpu.vector_load %arg8[%get3A_740, %get3A_741, %get3A_742] {strides = array<i32>} : memref<1x80x512xf32, #tpu.memory_space<vmem>>, vector<16xf32>,
      %swap3A_744 = arith.constant 0 : i32
      %swap3A_745 = arith.constant 1 : i32
      %swap3A_746 = arith.index_cast %swap3A_744 : i32 to index
      %swap3A_747 = arith.index_cast %swap3A_745 : i32 to index
      %swap3A_748 = arith.constant 400 : index
      %swap3A_749 = tpu.vector_load %arg10[%swap3A_746, %swap3A_747, %swap3A_748] {strides = array<i32>} : memref<1x5x512xf32, #tpu.memory_space<vmem>>, vector<16xf32>,
      tpu.vector_store %arg10[%swap3A_746, %swap3A_747, %swap3A_748], %get3A_743 {strides = array<i32>} : memref<1x5x512xf32, #tpu.memory_space<vmem>>, vector<16xf32>,
      %get3A_750 = arith.constant 0 : i32
      %get3A_751 = arith.constant 73 : i32
      %get3A_752 = arith.index_cast %get3A_750 : i32 to index
      %get3A_753 = arith.index_cast %get3A_751 : i32 to index
      %get3A_754 = arith.constant 416 : index
      %get3A_755 = tpu.vector_load %arg8[%get3A_752, %get3A_753, %get3A_754] {strides = array<i32>} : memref<1x80x512xf32, #tpu.memory_space<vmem>>, vector<16xf32>,
      %swap3A_756 = arith.constant 0 : i32
      %swap3A_757 = arith.constant 1 : i32
      %swap3A_758 = arith.index_cast %swap3A_756 : i32 to index
      %swap3A_759 = arith.index_cast %swap3A_757 : i32 to index
      %swap3A_760 = arith.constant 416 : index
      %swap3A_761 = tpu.vector_load %arg10[%swap3A_758, %swap3A_759, %swap3A_760] {strides = array<i32>} : memref<1x5x512xf32, #tpu.memory_space<vmem>>, vector<16xf32>,
      tpu.vector_store %arg10[%swap3A_758, %swap3A_759, %swap3A_760], %get3A_755 {strides = array<i32>} : memref<1x5x512xf32, #tpu.memory_space<vmem>>, vector<16xf32>,
      %get3A_762 = arith.constant 0 : i32
      %get3A_763 = arith.constant 73 : i32
      %get3A_764 = arith.index_cast %get3A_762 : i32 to index
      %get3A_765 = arith.index_cast %get3A_763 : i32 to index
      %get3A_766 = arith.constant 432 : index
      %get3A_767 = tpu.vector_load %arg8[%get3A_764, %get3A_765, %get3A_766] {strides = array<i32>} : memref<1x80x512xf32, #tpu.memory_space<vmem>>, vector<16xf32>,
      %swap3A_768 = arith.constant 0 : i32
      %swap3A_769 = arith.constant 1 : i32
      %swap3A_770 = arith.index_cast %swap3A_768 : i32 to index
      %swap3A_771 = arith.index_cast %swap3A_769 : i32 to index
      %swap3A_772 = arith.constant 432 : index
      %swap3A_773 = tpu.vector_load %arg10[%swap3A_770, %swap3A_771, %swap3A_772] {strides = array<i32>} : memref<1x5x512xf32, #tpu.memory_space<vmem>>, vector<16xf32>,
      tpu.vector_store %arg10[%swap3A_770, %swap3A_771, %swap3A_772], %get3A_767 {strides = array<i32>} : memref<1x5x512xf32, #tpu.memory_space<vmem>>, vector<16xf32>,
      %get3A_774 = arith.constant 0 : i32
      %get3A_775 = arith.constant 73 : i32
      %get3A_776 = arith.index_cast %get3A_774 : i32 to index
      %get3A_777 = arith.index_cast %get3A_775 : i32 to index
      %get3A_778 = arith.constant 448 : index
      %get3A_779 = tpu.vector_load %arg8[%get3A_776, %get3A_777, %get3A_778] {strides = array<i32>} : memref<1x80x512xf32, #tpu.memory_space<vmem>>, vector<16xf32>,
      %swap3A_780 = arith.constant 0 : i32
      %swap3A_781 = arith.constant 1 : i32
      %swap3A_782 = arith.index_cast %swap3A_780 : i32 to index
      %swap3A_783 = arith.index_cast %swap3A_781 : i32 to index
      %swap3A_784 = arith.constant 448 : index
      %swap3A_785 = tpu.vector_load %arg10[%swap3A_782, %swap3A_783, %swap3A_784] {strides = array<i32>} : memref<1x5x512xf32, #tpu.memory_space<vmem>>, vector<16xf32>,
      tpu.vector_store %arg10[%swap3A_782, %swap3A_783, %swap3A_784], %get3A_779 {strides = array<i32>} : memref<1x5x512xf32, #tpu.memory_space<vmem>>, vector<16xf32>,
      %get3A_786 = arith.constant 0 : i32
      %get3A_787 = arith.constant 73 : i32
      %get3A_788 = arith.index_cast %get3A_786 : i32 to index
      %get3A_789 = arith.index_cast %get3A_787 : i32 to index
      %get3A_790 = arith.constant 464 : index
      %get3A_791 = tpu.vector_load %arg8[%get3A_788, %get3A_789, %get3A_790] {strides = array<i32>} : memref<1x80x512xf32, #tpu.memory_space<vmem>>, vector<16xf32>,
      %swap3A_792 = arith.constant 0 : i32
      %swap3A_793 = arith.constant 1 : i32
      %swap3A_794 = arith.index_cast %swap3A_792 : i32 to index
      %swap3A_795 = arith.index_cast %swap3A_793 : i32 to index
      %swap3A_796 = arith.constant 464 : index
      %swap3A_797 = tpu.vector_load %arg10[%swap3A_794, %swap3A_795, %swap3A_796] {strides = array<i32>} : memref<1x5x512xf32, #tpu.memory_space<vmem>>, vector<16xf32>,
      tpu.vector_store %arg10[%swap3A_794, %swap3A_795, %swap3A_796], %get3A_791 {strides = array<i32>} : memref<1x5x512xf32, #tpu.memory_space<vmem>>, vector<16xf32>,
      %get3A_798 = arith.constant 0 : i32
      %get3A_799 = arith.constant 73 : i32
      %get3A_800 = arith.index_cast %get3A_798 : i32 to index
      %get3A_801 = arith.index_cast %get3A_799 : i32 to index
      %get3A_802 = arith.constant 480 : index
      %get3A_803 = tpu.vector_load %arg8[%get3A_800, %get3A_801, %get3A_802] {strides = array<i32>} : memref<1x80x512xf32, #tpu.memory_space<vmem>>, vector<16xf32>,
      %swap3A_804 = arith.constant 0 : i32
      %swap3A_805 = arith.constant 1 : i32
      %swap3A_806 = arith.index_cast %swap3A_804 : i32 to index
      %swap3A_807 = arith.index_cast %swap3A_805 : i32 to index
      %swap3A_808 = arith.constant 480 : index
      %swap3A_809 = tpu.vector_load %arg10[%swap3A_806, %swap3A_807, %swap3A_808] {strides = array<i32>} : memref<1x5x512xf32, #tpu.memory_space<vmem>>, vector<16xf32>,
      tpu.vector_store %arg10[%swap3A_806, %swap3A_807, %swap3A_808], %get3A_803 {strides = array<i32>} : memref<1x5x512xf32, #tpu.memory_space<vmem>>, vector<16xf32>,
      %get3A_810 = arith.constant 0 : i32
      %get3A_811 = arith.constant 73 : i32
      %get3A_812 = arith.index_cast %get3A_810 : i32 to index
      %get3A_813 = arith.index_cast %get3A_811 : i32 to index
      %get3A_814 = arith.constant 496 : index
      %get3A_815 = tpu.vector_load %arg8[%get3A_812, %get3A_813, %get3A_814] {strides = array<i32>} : memref<1x80x512xf32, #tpu.memory_space<vmem>>, vector<16xf32>,
      %swap3A_816 = arith.constant 0 : i32
      %swap3A_817 = arith.constant 1 : i32
      %swap3A_818 = arith.index_cast %swap3A_816 : i32 to index
      %swap3A_819 = arith.index_cast %swap3A_817 : i32 to index
      %swap3A_820 = arith.constant 496 : index
      %swap3A_821 = tpu.vector_load %arg10[%swap3A_818, %swap3A_819, %swap3A_820] {strides = array<i32>} : memref<1x5x512xf32, #tpu.memory_space<vmem>>, vector<16xf32>,
      tpu.vector_store %arg10[%swap3A_818, %swap3A_819, %swap3A_820], %get3A_815 {strides = array<i32>} : memref<1x5x512xf32, #tpu.memory_space<vmem>>, vector<16xf32>,
      %get3A_822 = arith.constant 0 : i32
      %get3A_823 = arith.constant 74 : i32
      %get3A_824 = arith.index_cast %get3A_822 : i32 to index
      %get3A_825 = arith.index_cast %get3A_823 : i32 to index
      %get3A_826 = arith.constant 0 : index
      %get3A_827 = tpu.vector_load %arg8[%get3A_824, %get3A_825, %get3A_826] {strides = array<i32>} : memref<1x80x512xf32, #tpu.memory_space<vmem>>, vector<16xf32>,
      %swap3A_828 = arith.constant 0 : i32
      %swap3A_829 = arith.constant 2 : i32
      %swap3A_830 = arith.index_cast %swap3A_828 : i32 to index
      %swap3A_831 = arith.index_cast %swap3A_829 : i32 to index
      %swap3A_832 = arith.constant 0 : index
      %swap3A_833 = tpu.vector_load %arg10[%swap3A_830, %swap3A_831, %swap3A_832] {strides = array<i32>} : memref<1x5x512xf32, #tpu.memory_space<vmem>>, vector<16xf32>,
      tpu.vector_store %arg10[%swap3A_830, %swap3A_831, %swap3A_832], %get3A_827 {strides = array<i32>} : memref<1x5x512xf32, #tpu.memory_space<vmem>>, vector<16xf32>,
      %get3A_834 = arith.constant 0 : i32
      %get3A_835 = arith.constant 74 : i32
      %get3A_836 = arith.index_cast %get3A_834 : i32 to index
      %get3A_837 = arith.index_cast %get3A_835 : i32 to index
      %get3A_838 = arith.constant 16 : index
      %get3A_839 = tpu.vector_load %arg8[%get3A_836, %get3A_837, %get3A_838] {strides = array<i32>} : memref<1x80x512xf32, #tpu.memory_space<vmem>>, vector<16xf32>,
      %swap3A_840 = arith.constant 0 : i32
      %swap3A_841 = arith.constant 2 : i32
      %swap3A_842 = arith.index_cast %swap3A_840 : i32 to index
      %swap3A_843 = arith.index_cast %swap3A_841 : i32 to index
      %swap3A_844 = arith.constant 16 : index
      %swap3A_845 = tpu.vector_load %arg10[%swap3A_842, %swap3A_843, %swap3A_844] {strides = array<i32>} : memref<1x5x512xf32, #tpu.memory_space<vmem>>, vector<16xf32>,
      tpu.vector_store %arg10[%swap3A_842, %swap3A_843, %swap3A_844], %get3A_839 {strides = array<i32>} : memref<1x5x512xf32, #tpu.memory_space<vmem>>, vector<16xf32>,
      %get3A_846 = arith.constant 0 : i32
      %get3A_847 = arith.constant 74 : i32
      %get3A_848 = arith.index_cast %get3A_846 : i32 to index
      %get3A_849 = arith.index_cast %get3A_847 : i32 to index
      %get3A_850 = arith.constant 32 : index
      %get3A_851 = tpu.vector_load %arg8[%get3A_848, %get3A_849, %get3A_850] {strides = array<i32>} : memref<1x80x512xf32, #tpu.memory_space<vmem>>, vector<16xf32>,
      %swap3A_852 = arith.constant 0 : i32
      %swap3A_853 = arith.constant 2 : i32
      %swap3A_854 = arith.index_cast %swap3A_852 : i32 to index
      %swap3A_855 = arith.index_cast %swap3A_853 : i32 to index
      %swap3A_856 = arith.constant 32 : index
      %swap3A_857 = tpu.vector_load %arg10[%swap3A_854, %swap3A_855, %swap3A_856] {strides = array<i32>} : memref<1x5x512xf32, #tpu.memory_space<vmem>>, vector<16xf32>,
      tpu.vector_store %arg10[%swap3A_854, %swap3A_855, %swap3A_856], %get3A_851 {strides = array<i32>} : memref<1x5x512xf32, #tpu.memory_space<vmem>>, vector<16xf32>,
      %get3A_858 = arith.constant 0 : i32
      %get3A_859 = arith.constant 74 : i32
      %get3A_860 = arith.index_cast %get3A_858 : i32 to index
      %get3A_861 = arith.index_cast %get3A_859 : i32 to index
      %get3A_862 = arith.constant 48 : index
      %get3A_863 = tpu.vector_load %arg8[%get3A_860, %get3A_861, %get3A_862] {strides = array<i32>} : memref<1x80x512xf32, #tpu.memory_space<vmem>>, vector<16xf32>,
      %swap3A_864 = arith.constant 0 : i32
      %swap3A_865 = arith.constant 2 : i32
      %swap3A_866 = arith.index_cast %swap3A_864 : i32 to index
      %swap3A_867 = arith.index_cast %swap3A_865 : i32 to index
      %swap3A_868 = arith.constant 48 : index
      %swap3A_869 = tpu.vector_load %arg10[%swap3A_866, %swap3A_867, %swap3A_868] {strides = array<i32>} : memref<1x5x512xf32, #tpu.memory_space<vmem>>, vector<16xf32>,
      tpu.vector_store %arg10[%swap3A_866, %swap3A_867, %swap3A_868], %get3A_863 {strides = array<i32>} : memref<1x5x512xf32, #tpu.memory_space<vmem>>, vector<16xf32>,
      %get3A_870 = arith.constant 0 : i32
      %get3A_871 = arith.constant 74 : i32
      %get3A_872 = arith.index_cast %get3A_870 : i32 to index
      %get3A_873 = arith.index_cast %get3A_871 : i32 to index
      %get3A_874 = arith.constant 64 : index
      %get3A_875 = tpu.vector_load %arg8[%get3A_872, %get3A_873, %get3A_874] {strides = array<i32>} : memref<1x80x512xf32, #tpu.memory_space<vmem>>, vector<16xf32>,
      %swap3A_876 = arith.constant 0 : i32
      %swap3A_877 = arith.constant 2 : i32
      %swap3A_878 = arith.index_cast %swap3A_876 : i32 to index
      %swap3A_879 = arith.index_cast %swap3A_877 : i32 to index
      %swap3A_880 = arith.constant 64 : index
      %swap3A_881 = tpu.vector_load %arg10[%swap3A_878, %swap3A_879, %swap3A_880] {strides = array<i32>} : memref<1x5x512xf32, #tpu.memory_space<vmem>>, vector<16xf32>,
      tpu.vector_store %arg10[%swap3A_878, %swap3A_879, %swap3A_880], %get3A_875 {strides = array<i32>} : memref<1x5x512xf32, #tpu.memory_space<vmem>>, vector<16xf32>,
      %get3A_882 = arith.constant 0 : i32
      %get3A_883 = arith.constant 74 : i32
      %get3A_884 = arith.index_cast %get3A_882 : i32 to index
      %get3A_885 = arith.index_cast %get3A_883 : i32 to index
      %get3A_886 = arith.constant 80 : index
      %get3A_887 = tpu.vector_load %arg8[%get3A_884, %get3A_885, %get3A_886] {strides = array<i32>} : memref<1x80x512xf32, #tpu.memory_space<vmem>>, vector<16xf32>,
      %swap3A_888 = arith.constant 0 : i32
      %swap3A_889 = arith.constant 2 : i32
      %swap3A_890 = arith.index_cast %swap3A_888 : i32 to index
      %swap3A_891 = arith.index_cast %swap3A_889 : i32 to index
      %swap3A_892 = arith.constant 80 : index
      %swap3A_893 = tpu.vector_load %arg10[%swap3A_890, %swap3A_891, %swap3A_892] {strides = array<i32>} : memref<1x5x512xf32, #tpu.memory_space<vmem>>, vector<16xf32>,
      tpu.vector_store %arg10[%swap3A_890, %swap3A_891, %swap3A_892], %get3A_887 {strides = array<i32>} : memref<1x5x512xf32, #tpu.memory_space<vmem>>, vector<16xf32>,
      %get3A_894 = arith.constant 0 : i32
      %get3A_895 = arith.constant 74 : i32
      %get3A_896 = arith.index_cast %get3A_894 : i32 to index
      %get3A_897 = arith.index_cast %get3A_895 : i32 to index
      %get3A_898 = arith.constant 96 : index
      %get3A_899 = tpu.vector_load %arg8[%get3A_896, %get3A_897, %get3A_898] {strides = array<i32>} : memref<1x80x512xf32, #tpu.memory_space<vmem>>, vector<16xf32>,
      %swap3A_900 = arith.constant 0 : i32
      %swap3A_901 = arith.constant 2 : i32
      %swap3A_902 = arith.index_cast %swap3A_900 : i32 to index
      %swap3A_903 = arith.index_cast %swap3A_901 : i32 to index
      %swap3A_904 = arith.constant 96 : index
      %swap3A_905 = tpu.vector_load %arg10[%swap3A_902, %swap3A_903, %swap3A_904] {strides = array<i32>} : memref<1x5x512xf32, #tpu.memory_space<vmem>>, vector<16xf32>,
      tpu.vector_store %arg10[%swap3A_902, %swap3A_903, %swap3A_904], %get3A_899 {strides = array<i32>} : memref<1x5x512xf32, #tpu.memory_space<vmem>>, vector<16xf32>,
      %get3A_906 = arith.constant 0 : i32
      %get3A_907 = arith.constant 74 : i32
      %get3A_908 = arith.index_cast %get3A_906 : i32 to index
      %get3A_909 = arith.index_cast %get3A_907 : i32 to index
      %get3A_910 = arith.constant 112 : index
      %get3A_911 = tpu.vector_load %arg8[%get3A_908, %get3A_909, %get3A_910] {strides = array<i32>} : memref<1x80x512xf32, #tpu.memory_space<vmem>>, vector<16xf32>,
      %swap3A_912 = arith.constant 0 : i32
      %swap3A_913 = arith.constant 2 : i32
      %swap3A_914 = arith.index_cast %swap3A_912 : i32 to index
      %swap3A_915 = arith.index_cast %swap3A_913 : i32 to index
      %swap3A_916 = arith.constant 112 : index
      %swap3A_917 = tpu.vector_load %arg10[%swap3A_914, %swap3A_915, %swap3A_916] {strides = array<i32>} : memref<1x5x512xf32, #tpu.memory_space<vmem>>, vector<16xf32>,
      tpu.vector_store %arg10[%swap3A_914, %swap3A_915, %swap3A_916], %get3A_911 {strides = array<i32>} : memref<1x5x512xf32, #tpu.memory_space<vmem>>, vector<16xf32>,
      %get3A_918 = arith.constant 0 : i32
      %get3A_919 = arith.constant 74 : i32
      %get3A_920 = arith.index_cast %get3A_918 : i32 to index
      %get3A_921 = arith.index_cast %get3A_919 : i32 to index
      %get3A_922 = arith.constant 128 : index
      %get3A_923 = tpu.vector_load %arg8[%get3A_920, %get3A_921, %get3A_922] {strides = array<i32>} : memref<1x80x512xf32, #tpu.memory_space<vmem>>, vector<16xf32>,
      %swap3A_924 = arith.constant 0 : i32
      %swap3A_925 = arith.constant 2 : i32
      %swap3A_926 = arith.index_cast %swap3A_924 : i32 to index
      %swap3A_927 = arith.index_cast %swap3A_925 : i32 to index
      %swap3A_928 = arith.constant 128 : index
      %swap3A_929 = tpu.vector_load %arg10[%swap3A_926, %swap3A_927, %swap3A_928] {strides = array<i32>} : memref<1x5x512xf32, #tpu.memory_space<vmem>>, vector<16xf32>,
      tpu.vector_store %arg10[%swap3A_926, %swap3A_927, %swap3A_928], %get3A_923 {strides = array<i32>} : memref<1x5x512xf32, #tpu.memory_space<vmem>>, vector<16xf32>,
      %get3A_930 = arith.constant 0 : i32
      %get3A_931 = arith.constant 74 : i32
      %get3A_932 = arith.index_cast %get3A_930 : i32 to index
      %get3A_933 = arith.index_cast %get3A_931 : i32 to index
      %get3A_934 = arith.constant 144 : index
      %get3A_935 = tpu.vector_load %arg8[%get3A_932, %get3A_933, %get3A_934] {strides = array<i32>} : memref<1x80x512xf32, #tpu.memory_space<vmem>>, vector<16xf32>,
      %swap3A_936 = arith.constant 0 : i32
      %swap3A_937 = arith.constant 2 : i32
      %swap3A_938 = arith.index_cast %swap3A_936 : i32 to index
      %swap3A_939 = arith.index_cast %swap3A_937 : i32 to index
      %swap3A_940 = arith.constant 144 : index
      %swap3A_941 = tpu.vector_load %arg10[%swap3A_938, %swap3A_939, %swap3A_940] {strides = array<i32>} : memref<1x5x512xf32, #tpu.memory_space<vmem>>, vector<16xf32>,
      tpu.vector_store %arg10[%swap3A_938, %swap3A_939, %swap3A_940], %get3A_935 {strides = array<i32>} : memref<1x5x512xf32, #tpu.memory_space<vmem>>, vector<16xf32>,
      %get3A_942 = arith.constant 0 : i32
      %get3A_943 = arith.constant 74 : i32
      %get3A_944 = arith.index_cast %get3A_942 : i32 to index
      %get3A_945 = arith.index_cast %get3A_943 : i32 to index
      %get3A_946 = arith.constant 160 : index
      %get3A_947 = tpu.vector_load %arg8[%get3A_944, %get3A_945, %get3A_946] {strides = array<i32>} : memref<1x80x512xf32, #tpu.memory_space<vmem>>, vector<16xf32>,
      %swap3A_948 = arith.constant 0 : i32
      %swap3A_949 = arith.constant 2 : i32
      %swap3A_950 = arith.index_cast %swap3A_948 : i32 to index
      %swap3A_951 = arith.index_cast %swap3A_949 : i32 to index
      %swap3A_952 = arith.constant 160 : index
      %swap3A_953 = tpu.vector_load %arg10[%swap3A_950, %swap3A_951, %swap3A_952] {strides = array<i32>} : memref<1x5x512xf32, #tpu.memory_space<vmem>>, vector<16xf32>,
      tpu.vector_store %arg10[%swap3A_950, %swap3A_951, %swap3A_952], %get3A_947 {strides = array<i32>} : memref<1x5x512xf32, #tpu.memory_space<vmem>>, vector<16xf32>,
      %get3A_954 = arith.constant 0 : i32
      %get3A_955 = arith.constant 74 : i32
      %get3A_956 = arith.index_cast %get3A_954 : i32 to index
      %get3A_957 = arith.index_cast %get3A_955 : i32 to index
      %get3A_958 = arith.constant 176 : index
      %get3A_959 = tpu.vector_load %arg8[%get3A_956, %get3A_957, %get3A_958] {strides = array<i32>} : memref<1x80x512xf32, #tpu.memory_space<vmem>>, vector<16xf32>,
      %swap3A_960 = arith.constant 0 : i32
      %swap3A_961 = arith.constant 2 : i32
      %swap3A_962 = arith.index_cast %swap3A_960 : i32 to index
      %swap3A_963 = arith.index_cast %swap3A_961 : i32 to index
      %swap3A_964 = arith.constant 176 : index
      %swap3A_965 = tpu.vector_load %arg10[%swap3A_962, %swap3A_963, %swap3A_964] {strides = array<i32>} : memref<1x5x512xf32, #tpu.memory_space<vmem>>, vector<16xf32>,
      tpu.vector_store %arg10[%swap3A_962, %swap3A_963, %swap3A_964], %get3A_959 {strides = array<i32>} : memref<1x5x512xf32, #tpu.memory_space<vmem>>, vector<16xf32>,
      %get3A_966 = arith.constant 0 : i32
      %get3A_967 = arith.constant 74 : i32
      %get3A_968 = arith.index_cast %get3A_966 : i32 to index
      %get3A_969 = arith.index_cast %get3A_967 : i32 to index
      %get3A_970 = arith.constant 192 : index
      %get3A_971 = tpu.vector_load %arg8[%get3A_968, %get3A_969, %get3A_970] {strides = array<i32>} : memref<1x80x512xf32, #tpu.memory_space<vmem>>, vector<16xf32>,
      %swap3A_972 = arith.constant 0 : i32
      %swap3A_973 = arith.constant 2 : i32
      %swap3A_974 = arith.index_cast %swap3A_972 : i32 to index
      %swap3A_975 = arith.index_cast %swap3A_973 : i32 to index
      %swap3A_976 = arith.constant 192 : index
      %swap3A_977 = tpu.vector_load %arg10[%swap3A_974, %swap3A_975, %swap3A_976] {strides = array<i32>} : memref<1x5x512xf32, #tpu.memory_space<vmem>>, vector<16xf32>,
      tpu.vector_store %arg10[%swap3A_974, %swap3A_975, %swap3A_976], %get3A_971 {strides = array<i32>} : memref<1x5x512xf32, #tpu.memory_space<vmem>>, vector<16xf32>,
      %get3A_978 = arith.constant 0 : i32
      %get3A_979 = arith.constant 74 : i32
      %get3A_980 = arith.index_cast %get3A_978 : i32 to index
      %get3A_981 = arith.index_cast %get3A_979 : i32 to index
      %get3A_982 = arith.constant 208 : index
      %get3A_983 = tpu.vector_load %arg8[%get3A_980, %get3A_981, %get3A_982] {strides = array<i32>} : memref<1x80x512xf32, #tpu.memory_space<vmem>>, vector<16xf32>,
      %swap3A_984 = arith.constant 0 : i32
      %swap3A_985 = arith.constant 2 : i32
      %swap3A_986 = arith.index_cast %swap3A_984 : i32 to index
      %swap3A_987 = arith.index_cast %swap3A_985 : i32 to index
      %swap3A_988 = arith.constant 208 : index
      %swap3A_989 = tpu.vector_load %arg10[%swap3A_986, %swap3A_987, %swap3A_988] {strides = array<i32>} : memref<1x5x512xf32, #tpu.memory_space<vmem>>, vector<16xf32>,
      tpu.vector_store %arg10[%swap3A_986, %swap3A_987, %swap3A_988], %get3A_983 {strides = array<i32>} : memref<1x5x512xf32, #tpu.memory_space<vmem>>, vector<16xf32>,
      %get3A_990 = arith.constant 0 : i32
      %get3A_991 = arith.constant 74 : i32
      %get3A_992 = arith.index_cast %get3A_990 : i32 to index
      %get3A_993 = arith.index_cast %get3A_991 : i32 to index
      %get3A_994 = arith.constant 224 : index
      %get3A_995 = tpu.vector_load %arg8[%get3A_992, %get3A_993, %get3A_994] {strides = array<i32>} : memref<1x80x512xf32, #tpu.memory_space<vmem>>, vector<16xf32>,
      %swap3A_996 = arith.constant 0 : i32
      %swap3A_997 = arith.constant 2 : i32
      %swap3A_998 = arith.index_cast %swap3A_996 : i32 to index
      %swap3A_999 = arith.index_cast %swap3A_997 : i32 to index
      %swap3A_1000 = arith.constant 224 : index
      %swap3A_1001 = tpu.vector_load %arg10[%swap3A_998, %swap3A_999, %swap3A_1000] {strides = array<i32>} : memref<1x5x512xf32, #tpu.memory_space<vmem>>, vector<16xf32>,
      tpu.vector_store %arg10[%swap3A_998, %swap3A_999, %swap3A_1000], %get3A_995 {strides = array<i32>} : memref<1x5x512xf32, #tpu.memory_space<vmem>>, vector<16xf32>,
      %get3A_1002 = arith.constant 0 : i32
      %get3A_1003 = arith.constant 74 : i32
      %get3A_1004 = arith.index_cast %get3A_1002 : i32 to index
      %get3A_1005 = arith.index_cast %get3A_1003 : i32 to index
      %get3A_1006 = arith.constant 240 : index
      %get3A_1007 = tpu.vector_load %arg8[%get3A_1004, %get3A_1005, %get3A_1006] {strides = array<i32>} : memref<1x80x512xf32, #tpu.memory_space<vmem>>, vector<16xf32>,
      %swap3A_1008 = arith.constant 0 : i32
      %swap3A_1009 = arith.constant 2 : i32
      %swap3A_1010 = arith.index_cast %swap3A_1008 : i32 to index
      %swap3A_1011 = arith.index_cast %swap3A_1009 : i32 to index
      %swap3A_1012 = arith.constant 240 : index
      %swap3A_1013 = tpu.vector_load %arg10[%swap3A_1010, %swap3A_1011, %swap3A_1012] {strides = array<i32>} : memref<1x5x512xf32, #tpu.memory_space<vmem>>, vector<16xf32>,
      tpu.vector_store %arg10[%swap3A_1010, %swap3A_1011, %swap3A_1012], %get3A_1007 {strides = array<i32>} : memref<1x5x512xf32, #tpu.memory_space<vmem>>, vector<16xf32>,
      %get3A_1014 = arith.constant 0 : i32
      %get3A_1015 = arith.constant 74 : i32
      %get3A_1016 = arith.index_cast %get3A_1014 : i32 to index
      %get3A_1017 = arith.index_cast %get3A_1015 : i32 to index
      %get3A_1018 = arith.constant 256 : index
      %get3A_1019 = tpu.vector_load %arg8[%get3A_1016, %get3A_1017, %get3A_1018] {strides = array<i32>} : memref<1x80x512xf32, #tpu.memory_space<vmem>>, vector<16xf32>,
      %swap3A_1020 = arith.constant 0 : i32
      %swap3A_1021 = arith.constant 2 : i32
      %swap3A_1022 = arith.index_cast %swap3A_1020 : i32 to index
      %swap3A_1023 = arith.index_cast %swap3A_1021 : i32 to index
      %swap3A_1024 = arith.constant 256 : index
      %swap3A_1025 = tpu.vector_load %arg10[%swap3A_1022, %swap3A_1023, %swap3A_1024] {strides = array<i32>} : memref<1x5x512xf32, #tpu.memory_space<vmem>>, vector<16xf32>,
      tpu.vector_store %arg10[%swap3A_1022, %swap3A_1023, %swap3A_1024], %get3A_1019 {strides = array<i32>} : memref<1x5x512xf32, #tpu.memory_space<vmem>>, vector<16xf32>,
      %get3A_1026 = arith.constant 0 : i32
      %get3A_1027 = arith.constant 74 : i32
      %get3A_1028 = arith.index_cast %get3A_1026 : i32 to index
      %get3A_1029 = arith.index_cast %get3A_1027 : i32 to index
      %get3A_1030 = arith.constant 272 : index
      %get3A_1031 = tpu.vector_load %arg8[%get3A_1028, %get3A_1029, %get3A_1030] {strides = array<i32>} : memref<1x80x512xf32, #tpu.memory_space<vmem>>, vector<16xf32>,
      %swap3A_1032 = arith.constant 0 : i32
      %swap3A_1033 = arith.constant 2 : i32
      %swap3A_1034 = arith.index_cast %swap3A_1032 : i32 to index
      %swap3A_1035 = arith.index_cast %swap3A_1033 : i32 to index
      %swap3A_1036 = arith.constant 272 : index
      %swap3A_1037 = tpu.vector_load %arg10[%swap3A_1034, %swap3A_1035, %swap3A_1036] {strides = array<i32>} : memref<1x5x512xf32, #tpu.memory_space<vmem>>, vector<16xf32>,
      tpu.vector_store %arg10[%swap3A_1034, %swap3A_1035, %swap3A_1036], %get3A_1031 {strides = array<i32>} : memref<1x5x512xf32, #tpu.memory_space<vmem>>, vector<16xf32>,
      %get3A_1038 = arith.constant 0 : i32
      %get3A_1039 = arith.constant 74 : i32
      %get3A_1040 = arith.index_cast %get3A_1038 : i32 to index
      %get3A_1041 = arith.index_cast %get3A_1039 : i32 to index
      %get3A_1042 = arith.constant 288 : index
      %get3A_1043 = tpu.vector_load %arg8[%get3A_1040, %get3A_1041, %get3A_1042] {strides = array<i32>} : memref<1x80x512xf32, #tpu.memory_space<vmem>>, vector<16xf32>,
      %swap3A_1044 = arith.constant 0 : i32
      %swap3A_1045 = arith.constant 2 : i32
      %swap3A_1046 = arith.index_cast %swap3A_1044 : i32 to index
      %swap3A_1047 = arith.index_cast %swap3A_1045 : i32 to index
      %swap3A_1048 = arith.constant 288 : index
      %swap3A_1049 = tpu.vector_load %arg10[%swap3A_1046, %swap3A_1047, %swap3A_1048] {strides = array<i32>} : memref<1x5x512xf32, #tpu.memory_space<vmem>>, vector<16xf32>,
      tpu.vector_store %arg10[%swap3A_1046, %swap3A_1047, %swap3A_1048], %get3A_1043 {strides = array<i32>} : memref<1x5x512xf32, #tpu.memory_space<vmem>>, vector<16xf32>,
      %get3A_1050 = arith.constant 0 : i32
      %get3A_1051 = arith.constant 74 : i32
      %get3A_1052 = arith.index_cast %get3A_1050 : i32 to index
      %get3A_1053 = arith.index_cast %get3A_1051 : i32 to index
      %get3A_1054 = arith.constant 304 : index
      %get3A_1055 = tpu.vector_load %arg8[%get3A_1052, %get3A_1053, %get3A_1054] {strides = array<i32>} : memref<1x80x512xf32, #tpu.memory_space<vmem>>, vector<16xf32>,
      %swap3A_1056 = arith.constant 0 : i32
      %swap3A_1057 = arith.constant 2 : i32
      %swap3A_1058 = arith.index_cast %swap3A_1056 : i32 to index
      %swap3A_1059 = arith.index_cast %swap3A_1057 : i32 to index
      %swap3A_1060 = arith.constant 304 : index
      %swap3A_1061 = tpu.vector_load %arg10[%swap3A_1058, %swap3A_1059, %swap3A_1060] {strides = array<i32>} : memref<1x5x512xf32, #tpu.memory_space<vmem>>, vector<16xf32>,
      tpu.vector_store %arg10[%swap3A_1058, %swap3A_1059, %swap3A_1060], %get3A_1055 {strides = array<i32>} : memref<1x5x512xf32, #tpu.memory_space<vmem>>, vector<16xf32>,
      %get3A_1062 = arith.constant 0 : i32
      %get3A_1063 = arith.constant 74 : i32
      %get3A_1064 = arith.index_cast %get3A_1062 : i32 to index
      %get3A_1065 = arith.index_cast %get3A_1063 : i32 to index
      %get3A_1066 = arith.constant 320 : index
      %get3A_1067 = tpu.vector_load %arg8[%get3A_1064, %get3A_1065, %get3A_1066] {strides = array<i32>} : memref<1x80x512xf32, #tpu.memory_space<vmem>>, vector<16xf32>,
      %swap3A_1068 = arith.constant 0 : i32
      %swap3A_1069 = arith.constant 2 : i32
      %swap3A_1070 = arith.index_cast %swap3A_1068 : i32 to index
      %swap3A_1071 = arith.index_cast %swap3A_1069 : i32 to index
      %swap3A_1072 = arith.constant 320 : index
      %swap3A_1073 = tpu.vector_load %arg10[%swap3A_1070, %swap3A_1071, %swap3A_1072] {strides = array<i32>} : memref<1x5x512xf32, #tpu.memory_space<vmem>>, vector<16xf32>,
      tpu.vector_store %arg10[%swap3A_1070, %swap3A_1071, %swap3A_1072], %get3A_1067 {strides = array<i32>} : memref<1x5x512xf32, #tpu.memory_space<vmem>>, vector<16xf32>,
      %get3A_1074 = arith.constant 0 : i32
      %get3A_1075 = arith.constant 74 : i32
      %get3A_1076 = arith.index_cast %get3A_1074 : i32 to index
      %get3A_1077 = arith.index_cast %get3A_1075 : i32 to index
      %get3A_1078 = arith.constant 336 : index
      %get3A_1079 = tpu.vector_load %arg8[%get3A_1076, %get3A_1077, %get3A_1078] {strides = array<i32>} : memref<1x80x512xf32, #tpu.memory_space<vmem>>, vector<16xf32>,
      %swap3A_1080 = arith.constant 0 : i32
      %swap3A_1081 = arith.constant 2 : i32
      %swap3A_1082 = arith.index_cast %swap3A_1080 : i32 to index
      %swap3A_1083 = arith.index_cast %swap3A_1081 : i32 to index
      %swap3A_1084 = arith.constant 336 : index
      %swap3A_1085 = tpu.vector_load %arg10[%swap3A_1082, %swap3A_1083, %swap3A_1084] {strides = array<i32>} : memref<1x5x512xf32, #tpu.memory_space<vmem>>, vector<16xf32>,
      tpu.vector_store %arg10[%swap3A_1082, %swap3A_1083, %swap3A_1084], %get3A_1079 {strides = array<i32>} : memref<1x5x512xf32, #tpu.memory_space<vmem>>, vector<16xf32>,
      %get3A_1086 = arith.constant 0 : i32
      %get3A_1087 = arith.constant 74 : i32
      %get3A_1088 = arith.index_cast %get3A_1086 : i32 to index
      %get3A_1089 = arith.index_cast %get3A_1087 : i32 to index
      %get3A_1090 = arith.constant 352 : index
      %get3A_1091 = tpu.vector_load %arg8[%get3A_1088, %get3A_1089, %get3A_1090] {strides = array<i32>} : memref<1x80x512xf32, #tpu.memory_space<vmem>>, vector<16xf32>,
      %swap3A_1092 = arith.constant 0 : i32
      %swap3A_1093 = arith.constant 2 : i32
      %swap3A_1094 = arith.index_cast %swap3A_1092 : i32 to index
      %swap3A_1095 = arith.index_cast %swap3A_1093 : i32 to index
      %swap3A_1096 = arith.constant 352 : index
      %swap3A_1097 = tpu.vector_load %arg10[%swap3A_1094, %swap3A_1095, %swap3A_1096] {strides = array<i32>} : memref<1x5x512xf32, #tpu.memory_space<vmem>>, vector<16xf32>,
      tpu.vector_store %arg10[%swap3A_1094, %swap3A_1095, %swap3A_1096], %get3A_1091 {strides = array<i32>} : memref<1x5x512xf32, #tpu.memory_space<vmem>>, vector<16xf32>,
      %get3A_1098 = arith.constant 0 : i32
      %get3A_1099 = arith.constant 74 : i32
      %get3A_1100 = arith.index_cast %get3A_1098 : i32 to index
      %get3A_1101 = arith.index_cast %get3A_1099 : i32 to index
      %get3A_1102 = arith.constant 368 : index
      %get3A_1103 = tpu.vector_load %arg8[%get3A_1100, %get3A_1101, %get3A_1102] {strides = array<i32>} : memref<1x80x512xf32, #tpu.memory_space<vmem>>, vector<16xf32>,
      %swap3A_1104 = arith.constant 0 : i32
      %swap3A_1105 = arith.constant 2 : i32
      %swap3A_1106 = arith.index_cast %swap3A_1104 : i32 to index
      %swap3A_1107 = arith.index_cast %swap3A_1105 : i32 to index
      %swap3A_1108 = arith.constant 368 : index
      %swap3A_1109 = tpu.vector_load %arg10[%swap3A_1106, %swap3A_1107, %swap3A_1108] {strides = array<i32>} : memref<1x5x512xf32, #tpu.memory_space<vmem>>, vector<16xf32>,
      tpu.vector_store %arg10[%swap3A_1106, %swap3A_1107, %swap3A_1108], %get3A_1103 {strides = array<i32>} : memref<1x5x512xf32, #tpu.memory_space<vmem>>, vector<16xf32>,
      %get3A_1110 = arith.constant 0 : i32
      %get3A_1111 = arith.constant 74 : i32
      %get3A_1112 = arith.index_cast %get3A_1110 : i32 to index
      %get3A_1113 = arith.index_cast %get3A_1111 : i32 to index
      %get3A_1114 = arith.constant 384 : index
      %get3A_1115 = tpu.vector_load %arg8[%get3A_1112, %get3A_1113, %get3A_1114] {strides = array<i32>} : memref<1x80x512xf32, #tpu.memory_space<vmem>>, vector<16xf32>,
      %swap3A_1116 = arith.constant 0 : i32
      %swap3A_1117 = arith.constant 2 : i32
      %swap3A_1118 = arith.index_cast %swap3A_1116 : i32 to index
      %swap3A_1119 = arith.index_cast %swap3A_1117 : i32 to index
      %swap3A_1120 = arith.constant 384 : index
      %swap3A_1121 = tpu.vector_load %arg10[%swap3A_1118, %swap3A_1119, %swap3A_1120] {strides = array<i32>} : memref<1x5x512xf32, #tpu.memory_space<vmem>>, vector<16xf32>,
      tpu.vector_store %arg10[%swap3A_1118, %swap3A_1119, %swap3A_1120], %get3A_1115 {strides = array<i32>} : memref<1x5x512xf32, #tpu.memory_space<vmem>>, vector<16xf32>,
      %get3A_1122 = arith.constant 0 : i32
      %get3A_1123 = arith.constant 74 : i32
      %get3A_1124 = arith.index_cast %get3A_1122 : i32 to index
      %get3A_1125 = arith.index_cast %get3A_1123 : i32 to index
      %get3A_1126 = arith.constant 400 : index
      %get3A_1127 = tpu.vector_load %arg8[%get3A_1124, %get3A_1125, %get3A_1126] {strides = array<i32>} : memref<1x80x512xf32, #tpu.memory_space<vmem>>, vector<16xf32>,
      %swap3A_1128 = arith.constant 0 : i32
      %swap3A_1129 = arith.constant 2 : i32
      %swap3A_1130 = arith.index_cast %swap3A_1128 : i32 to index
      %swap3A_1131 = arith.index_cast %swap3A_1129 : i32 to index
      %swap3A_1132 = arith.constant 400 : index
      %swap3A_1133 = tpu.vector_load %arg10[%swap3A_1130, %swap3A_1131, %swap3A_1132] {strides = array<i32>} : memref<1x5x512xf32, #tpu.memory_space<vmem>>, vector<16xf32>,
      tpu.vector_store %arg10[%swap3A_1130, %swap3A_1131, %swap3A_1132], %get3A_1127 {strides = array<i32>} : memref<1x5x512xf32, #tpu.memory_space<vmem>>, vector<16xf32>,
      %get3A_1134 = arith.constant 0 : i32
      %get3A_1135 = arith.constant 74 : i32
      %get3A_1136 = arith.index_cast %get3A_1134 : i32 to index
      %get3A_1137 = arith.index_cast %get3A_1135 : i32 to index
      %get3A_1138 = arith.constant 416 : index
      %get3A_1139 = tpu.vector_load %arg8[%get3A_1136, %get3A_1137, %get3A_1138] {strides = array<i32>} : memref<1x80x512xf32, #tpu.memory_space<vmem>>, vector<16xf32>,
      %swap3A_1140 = arith.constant 0 : i32
      %swap3A_1141 = arith.constant 2 : i32
      %swap3A_1142 = arith.index_cast %swap3A_1140 : i32 to index
      %swap3A_1143 = arith.index_cast %swap3A_1141 : i32 to index
      %swap3A_1144 = arith.constant 416 : index
      %swap3A_1145 = tpu.vector_load %arg10[%swap3A_1142, %swap3A_1143, %swap3A_1144] {strides = array<i32>} : memref<1x5x512xf32, #tpu.memory_space<vmem>>, vector<16xf32>,
      tpu.vector_store %arg10[%swap3A_1142, %swap3A_1143, %swap3A_1144], %get3A_1139 {strides = array<i32>} : memref<1x5x512xf32, #tpu.memory_space<vmem>>, vector<16xf32>,
      %get3A_1146 = arith.constant 0 : i32
      %get3A_1147 = arith.constant 74 : i32
      %get3A_1148 = arith.index_cast %get3A_1146 : i32 to index
      %get3A_1149 = arith.index_cast %get3A_1147 : i32 to index
      %get3A_1150 = arith.constant 432 : index
      %get3A_1151 = tpu.vector_load %arg8[%get3A_1148, %get3A_1149, %get3A_1150] {strides = array<i32>} : memref<1x80x512xf32, #tpu.memory_space<vmem>>, vector<16xf32>,
      %swap3A_1152 = arith.constant 0 : i32
      %swap3A_1153 = arith.constant 2 : i32
      %swap3A_1154 = arith.index_cast %swap3A_1152 : i32 to index
      %swap3A_1155 = arith.index_cast %swap3A_1153 : i32 to index
      %swap3A_1156 = arith.constant 432 : index
      %swap3A_1157 = tpu.vector_load %arg10[%swap3A_1154, %swap3A_1155, %swap3A_1156] {strides = array<i32>} : memref<1x5x512xf32, #tpu.memory_space<vmem>>, vector<16xf32>,
      tpu.vector_store %arg10[%swap3A_1154, %swap3A_1155, %swap3A_1156], %get3A_1151 {strides = array<i32>} : memref<1x5x512xf32, #tpu.memory_space<vmem>>, vector<16xf32>,
      %get3A_1158 = arith.constant 0 : i32
      %get3A_1159 = arith.constant 74 : i32
      %get3A_1160 = arith.index_cast %get3A_1158 : i32 to index
      %get3A_1161 = arith.index_cast %get3A_1159 : i32 to index
      %get3A_1162 = arith.constant 448 : index
      %get3A_1163 = tpu.vector_load %arg8[%get3A_1160, %get3A_1161, %get3A_1162] {strides = array<i32>} : memref<1x80x512xf32, #tpu.memory_space<vmem>>, vector<16xf32>,
      %swap3A_1164 = arith.constant 0 : i32
      %swap3A_1165 = arith.constant 2 : i32
      %swap3A_1166 = arith.index_cast %swap3A_1164 : i32 to index
      %swap3A_1167 = arith.index_cast %swap3A_1165 : i32 to index
      %swap3A_1168 = arith.constant 448 : index
      %swap3A_1169 = tpu.vector_load %arg10[%swap3A_1166, %swap3A_1167, %swap3A_1168] {strides = array<i32>} : memref<1x5x512xf32, #tpu.memory_space<vmem>>, vector<16xf32>,
      tpu.vector_store %arg10[%swap3A_1166, %swap3A_1167, %swap3A_1168], %get3A_1163 {strides = array<i32>} : memref<1x5x512xf32, #tpu.memory_space<vmem>>, vector<16xf32>,
      %get3A_1170 = arith.constant 0 : i32
      %get3A_1171 = arith.constant 74 : i32
      %get3A_1172 = arith.index_cast %get3A_1170 : i32 to index
      %get3A_1173 = arith.index_cast %get3A_1171 : i32 to index
      %get3A_1174 = arith.constant 464 : index
      %get3A_1175 = tpu.vector_load %arg8[%get3A_1172, %get3A_1173, %get3A_1174] {strides = array<i32>} : memref<1x80x512xf32, #tpu.memory_space<vmem>>, vector<16xf32>,
      %swap3A_1176 = arith.constant 0 : i32
      %swap3A_1177 = arith.constant 2 : i32
      %swap3A_1178 = arith.index_cast %swap3A_1176 : i32 to index
      %swap3A_1179 = arith.index_cast %swap3A_1177 : i32 to index
      %swap3A_1180 = arith.constant 464 : index
      %swap3A_1181 = tpu.vector_load %arg10[%swap3A_1178, %swap3A_1179, %swap3A_1180] {strides = array<i32>} : memref<1x5x512xf32, #tpu.memory_space<vmem>>, vector<16xf32>,
      tpu.vector_store %arg10[%swap3A_1178, %swap3A_1179, %swap3A_1180], %get3A_1175 {strides = array<i32>} : memref<1x5x512xf32, #tpu.memory_space<vmem>>, vector<16xf32>,
      %get3A_1182 = arith.constant 0 : i32
      %get3A_1183 = arith.constant 74 : i32
      %get3A_1184 = arith.index_cast %get3A_1182 : i32 to index
      %get3A_1185 = arith.index_cast %get3A_1183 : i32 to index
      %get3A_1186 = arith.constant 480 : index
      %get3A_1187 = tpu.vector_load %arg8[%get3A_1184, %get3A_1185, %get3A_1186] {strides = array<i32>} : memref<1x80x512xf32, #tpu.memory_space<vmem>>, vector<16xf32>,
      %swap3A_1188 = arith.constant 0 : i32
      %swap3A_1189 = arith.constant 2 : i32
      %swap3A_1190 = arith.index_cast %swap3A_1188 : i32 to index
      %swap3A_1191 = arith.index_cast %swap3A_1189 : i32 to index
      %swap3A_1192 = arith.constant 480 : index
      %swap3A_1193 = tpu.vector_load %arg10[%swap3A_1190, %swap3A_1191, %swap3A_1192] {strides = array<i32>} : memref<1x5x512xf32, #tpu.memory_space<vmem>>, vector<16xf32>,
      tpu.vector_store %arg10[%swap3A_1190, %swap3A_1191, %swap3A_1192], %get3A_1187 {strides = array<i32>} : memref<1x5x512xf32, #tpu.memory_space<vmem>>, vector<16xf32>,
      %get3A_1194 = arith.constant 0 : i32
      %get3A_1195 = arith.constant 74 : i32
      %get3A_1196 = arith.index_cast %get3A_1194 : i32 to index
      %get3A_1197 = arith.index_cast %get3A_1195 : i32 to index
      %get3A_1198 = arith.constant 496 : index
      %get3A_1199 = tpu.vector_load %arg8[%get3A_1196, %get3A_1197, %get3A_1198] {strides = array<i32>} : memref<1x80x512xf32, #tpu.memory_space<vmem>>, vector<16xf32>,
      %swap3A_1200 = arith.constant 0 : i32
      %swap3A_1201 = arith.constant 2 : i32
      %swap3A_1202 = arith.index_cast %swap3A_1200 : i32 to index
      %swap3A_1203 = arith.index_cast %swap3A_1201 : i32 to index
      %swap3A_1204 = arith.constant 496 : index
      %swap3A_1205 = tpu.vector_load %arg10[%swap3A_1202, %swap3A_1203, %swap3A_1204] {strides = array<i32>} : memref<1x5x512xf32, #tpu.memory_space<vmem>>, vector<16xf32>,
      tpu.vector_store %arg10[%swap3A_1202, %swap3A_1203, %swap3A_1204], %get3A_1199 {strides = array<i32>} : memref<1x5x512xf32, #tpu.memory_space<vmem>>, vector<16xf32>,
      %get3A_1206 = arith.constant 0 : i32
      %get3A_1207 = arith.constant 75 : i32
      %get3A_1208 = arith.index_cast %get3A_1206 : i32 to index
      %get3A_1209 = arith.index_cast %get3A_1207 : i32 to index
      %get3A_1210 = arith.constant 0 : index
      %get3A_1211 = tpu.vector_load %arg8[%get3A_1208, %get3A_1209, %get3A_1210] {strides = array<i32>} : memref<1x80x512xf32, #tpu.memory_space<vmem>>, vector<16xf32>,
      %swap3A_1212 = arith.constant 0 : i32
      %swap3A_1213 = arith.constant 3 : i32
      %swap3A_1214 = arith.index_cast %swap3A_1212 : i32 to index
      %swap3A_1215 = arith.index_cast %swap3A_1213 : i32 to index
      %swap3A_1216 = arith.constant 0 : index
      %swap3A_1217 = tpu.vector_load %arg10[%swap3A_1214, %swap3A_1215, %swap3A_1216] {strides = array<i32>} : memref<1x5x512xf32, #tpu.memory_space<vmem>>, vector<16xf32>,
      tpu.vector_store %arg10[%swap3A_1214, %swap3A_1215, %swap3A_1216], %get3A_1211 {strides = array<i32>} : memref<1x5x512xf32, #tpu.memory_space<vmem>>, vector<16xf32>,
      %get3A_1218 = arith.constant 0 : i32
      %get3A_1219 = arith.constant 75 : i32
      %get3A_1220 = arith.index_cast %get3A_1218 : i32 to index
      %get3A_1221 = arith.index_cast %get3A_1219 : i32 to index
      %get3A_1222 = arith.constant 16 : index
      %get3A_1223 = tpu.vector_load %arg8[%get3A_1220, %get3A_1221, %get3A_1222] {strides = array<i32>} : memref<1x80x512xf32, #tpu.memory_space<vmem>>, vector<16xf32>,
      %swap3A_1224 = arith.constant 0 : i32
      %swap3A_1225 = arith.constant 3 : i32
      %swap3A_1226 = arith.index_cast %swap3A_1224 : i32 to index
      %swap3A_1227 = arith.index_cast %swap3A_1225 : i32 to index
      %swap3A_1228 = arith.constant 16 : index
      %swap3A_1229 = tpu.vector_load %arg10[%swap3A_1226, %swap3A_1227, %swap3A_1228] {strides = array<i32>} : memref<1x5x512xf32, #tpu.memory_space<vmem>>, vector<16xf32>,
      tpu.vector_store %arg10[%swap3A_1226, %swap3A_1227, %swap3A_1228], %get3A_1223 {strides = array<i32>} : memref<1x5x512xf32, #tpu.memory_space<vmem>>, vector<16xf32>,
      %get3A_1230 = arith.constant 0 : i32
      %get3A_1231 = arith.constant 75 : i32
      %get3A_1232 = arith.index_cast %get3A_1230 : i32 to index
      %get3A_1233 = arith.index_cast %get3A_1231 : i32 to index
      %get3A_1234 = arith.constant 32 : index
      %get3A_1235 = tpu.vector_load %arg8[%get3A_1232, %get3A_1233, %get3A_1234] {strides = array<i32>} : memref<1x80x512xf32, #tpu.memory_space<vmem>>, vector<16xf32>,
      %swap3A_1236 = arith.constant 0 : i32
      %swap3A_1237 = arith.constant 3 : i32
      %swap3A_1238 = arith.index_cast %swap3A_1236 : i32 to index
      %swap3A_1239 = arith.index_cast %swap3A_1237 : i32 to index
      %swap3A_1240 = arith.constant 32 : index
      %swap3A_1241 = tpu.vector_load %arg10[%swap3A_1238, %swap3A_1239, %swap3A_1240] {strides = array<i32>} : memref<1x5x512xf32, #tpu.memory_space<vmem>>, vector<16xf32>,
      tpu.vector_store %arg10[%swap3A_1238, %swap3A_1239, %swap3A_1240], %get3A_1235 {strides = array<i32>} : memref<1x5x512xf32, #tpu.memory_space<vmem>>, vector<16xf32>,
      %get3A_1242 = arith.constant 0 : i32
      %get3A_1243 = arith.constant 75 : i32
      %get3A_1244 = arith.index_cast %get3A_1242 : i32 to index
      %get3A_1245 = arith.index_cast %get3A_1243 : i32 to index
      %get3A_1246 = arith.constant 48 : index
      %get3A_1247 = tpu.vector_load %arg8[%get3A_1244, %get3A_1245, %get3A_1246] {strides = array<i32>} : memref<1x80x512xf32, #tpu.memory_space<vmem>>, vector<16xf32>,
      %swap3A_1248 = arith.constant 0 : i32
      %swap3A_1249 = arith.constant 3 : i32
      %swap3A_1250 = arith.index_cast %swap3A_1248 : i32 to index
      %swap3A_1251 = arith.index_cast %swap3A_1249 : i32 to index
      %swap3A_1252 = arith.constant 48 : index
      %swap3A_1253 = tpu.vector_load %arg10[%swap3A_1250, %swap3A_1251, %swap3A_1252] {strides = array<i32>} : memref<1x5x512xf32, #tpu.memory_space<vmem>>, vector<16xf32>,
      tpu.vector_store %arg10[%swap3A_1250, %swap3A_1251, %swap3A_1252], %get3A_1247 {strides = array<i32>} : memref<1x5x512xf32, #tpu.memory_space<vmem>>, vector<16xf32>,
      %get3A_1254 = arith.constant 0 : i32
      %get3A_1255 = arith.constant 75 : i32
      %get3A_1256 = arith.index_cast %get3A_1254 : i32 to index
      %get3A_1257 = arith.index_cast %get3A_1255 : i32 to index
      %get3A_1258 = arith.constant 64 : index
      %get3A_1259 = tpu.vector_load %arg8[%get3A_1256, %get3A_1257, %get3A_1258] {strides = array<i32>} : memref<1x80x512xf32, #tpu.memory_space<vmem>>, vector<16xf32>,
      %swap3A_1260 = arith.constant 0 : i32
      %swap3A_1261 = arith.constant 3 : i32
      %swap3A_1262 = arith.index_cast %swap3A_1260 : i32 to index
      %swap3A_1263 = arith.index_cast %swap3A_1261 : i32 to index
      %swap3A_1264 = arith.constant 64 : index
      %swap3A_1265 = tpu.vector_load %arg10[%swap3A_1262, %swap3A_1263, %swap3A_1264] {strides = array<i32>} : memref<1x5x512xf32, #tpu.memory_space<vmem>>, vector<16xf32>,
      tpu.vector_store %arg10[%swap3A_1262, %swap3A_1263, %swap3A_1264], %get3A_1259 {strides = array<i32>} : memref<1x5x512xf32, #tpu.memory_space<vmem>>, vector<16xf32>,
      %get3A_1266 = arith.constant 0 : i32
      %get3A_1267 = arith.constant 75 : i32
      %get3A_1268 = arith.index_cast %get3A_1266 : i32 to index
      %get3A_1269 = arith.index_cast %get3A_1267 : i32 to index
      %get3A_1270 = arith.constant 80 : index
      %get3A_1271 = tpu.vector_load %arg8[%get3A_1268, %get3A_1269, %get3A_1270] {strides = array<i32>} : memref<1x80x512xf32, #tpu.memory_space<vmem>>, vector<16xf32>,
      %swap3A_1272 = arith.constant 0 : i32
      %swap3A_1273 = arith.constant 3 : i32
      %swap3A_1274 = arith.index_cast %swap3A_1272 : i32 to index
      %swap3A_1275 = arith.index_cast %swap3A_1273 : i32 to index
      %swap3A_1276 = arith.constant 80 : index
      %swap3A_1277 = tpu.vector_load %arg10[%swap3A_1274, %swap3A_1275, %swap3A_1276] {strides = array<i32>} : memref<1x5x512xf32, #tpu.memory_space<vmem>>, vector<16xf32>,
      tpu.vector_store %arg10[%swap3A_1274, %swap3A_1275, %swap3A_1276], %get3A_1271 {strides = array<i32>} : memref<1x5x512xf32, #tpu.memory_space<vmem>>, vector<16xf32>,
      %get3A_1278 = arith.constant 0 : i32
      %get3A_1279 = arith.constant 75 : i32
      %get3A_1280 = arith.index_cast %get3A_1278 : i32 to index
      %get3A_1281 = arith.index_cast %get3A_1279 : i32 to index
      %get3A_1282 = arith.constant 96 : index
      %get3A_1283 = tpu.vector_load %arg8[%get3A_1280, %get3A_1281, %get3A_1282] {strides = array<i32>} : memref<1x80x512xf32, #tpu.memory_space<vmem>>, vector<16xf32>,
      %swap3A_1284 = arith.constant 0 : i32
      %swap3A_1285 = arith.constant 3 : i32
      %swap3A_1286 = arith.index_cast %swap3A_1284 : i32 to index
      %swap3A_1287 = arith.index_cast %swap3A_1285 : i32 to index
      %swap3A_1288 = arith.constant 96 : index
      %swap3A_1289 = tpu.vector_load %arg10[%swap3A_1286, %swap3A_1287, %swap3A_1288] {strides = array<i32>} : memref<1x5x512xf32, #tpu.memory_space<vmem>>, vector<16xf32>,
      tpu.vector_store %arg10[%swap3A_1286, %swap3A_1287, %swap3A_1288], %get3A_1283 {strides = array<i32>} : memref<1x5x512xf32, #tpu.memory_space<vmem>>, vector<16xf32>,
      %get3A_1290 = arith.constant 0 : i32
      %get3A_1291 = arith.constant 75 : i32
      %get3A_1292 = arith.index_cast %get3A_1290 : i32 to index
      %get3A_1293 = arith.index_cast %get3A_1291 : i32 to index
      %get3A_1294 = arith.constant 112 : index
      %get3A_1295 = tpu.vector_load %arg8[%get3A_1292, %get3A_1293, %get3A_1294] {strides = array<i32>} : memref<1x80x512xf32, #tpu.memory_space<vmem>>, vector<16xf32>,
      %swap3A_1296 = arith.constant 0 : i32
      %swap3A_1297 = arith.constant 3 : i32
      %swap3A_1298 = arith.index_cast %swap3A_1296 : i32 to index
      %swap3A_1299 = arith.index_cast %swap3A_1297 : i32 to index
      %swap3A_1300 = arith.constant 112 : index
      %swap3A_1301 = tpu.vector_load %arg10[%swap3A_1298, %swap3A_1299, %swap3A_1300] {strides = array<i32>} : memref<1x5x512xf32, #tpu.memory_space<vmem>>, vector<16xf32>,
      tpu.vector_store %arg10[%swap3A_1298, %swap3A_1299, %swap3A_1300], %get3A_1295 {strides = array<i32>} : memref<1x5x512xf32, #tpu.memory_space<vmem>>, vector<16xf32>,
      %get3A_1302 = arith.constant 0 : i32
      %get3A_1303 = arith.constant 75 : i32
      %get3A_1304 = arith.index_cast %get3A_1302 : i32 to index
      %get3A_1305 = arith.index_cast %get3A_1303 : i32 to index
      %get3A_1306 = arith.constant 128 : index
      %get3A_1307 = tpu.vector_load %arg8[%get3A_1304, %get3A_1305, %get3A_1306] {strides = array<i32>} : memref<1x80x512xf32, #tpu.memory_space<vmem>>, vector<16xf32>,
      %swap3A_1308 = arith.constant 0 : i32
      %swap3A_1309 = arith.constant 3 : i32
      %swap3A_1310 = arith.index_cast %swap3A_1308 : i32 to index
      %swap3A_1311 = arith.index_cast %swap3A_1309 : i32 to index
      %swap3A_1312 = arith.constant 128 : index
      %swap3A_1313 = tpu.vector_load %arg10[%swap3A_1310, %swap3A_1311, %swap3A_1312] {strides = array<i32>} : memref<1x5x512xf32, #tpu.memory_space<vmem>>, vector<16xf32>,
      tpu.vector_store %arg10[%swap3A_1310, %swap3A_1311, %swap3A_1312], %get3A_1307 {strides = array<i32>} : memref<1x5x512xf32, #tpu.memory_space<vmem>>, vector<16xf32>,
      %get3A_1314 = arith.constant 0 : i32
      %get3A_1315 = arith.constant 75 : i32
      %get3A_1316 = arith.index_cast %get3A_1314 : i32 to index
      %get3A_1317 = arith.index_cast %get3A_1315 : i32 to index
      %get3A_1318 = arith.constant 144 : index
      %get3A_1319 = tpu.vector_load %arg8[%get3A_1316, %get3A_1317, %get3A_1318] {strides = array<i32>} : memref<1x80x512xf32, #tpu.memory_space<vmem>>, vector<16xf32>,
      %swap3A_1320 = arith.constant 0 : i32
      %swap3A_1321 = arith.constant 3 : i32
      %swap3A_1322 = arith.index_cast %swap3A_1320 : i32 to index
      %swap3A_1323 = arith.index_cast %swap3A_1321 : i32 to index
      %swap3A_1324 = arith.constant 144 : index
      %swap3A_1325 = tpu.vector_load %arg10[%swap3A_1322, %swap3A_1323, %swap3A_1324] {strides = array<i32>} : memref<1x5x512xf32, #tpu.memory_space<vmem>>, vector<16xf32>,
      tpu.vector_store %arg10[%swap3A_1322, %swap3A_1323, %swap3A_1324], %get3A_1319 {strides = array<i32>} : memref<1x5x512xf32, #tpu.memory_space<vmem>>, vector<16xf32>,
      %get3A_1326 = arith.constant 0 : i32
      %get3A_1327 = arith.constant 75 : i32
      %get3A_1328 = arith.index_cast %get3A_1326 : i32 to index
      %get3A_1329 = arith.index_cast %get3A_1327 : i32 to index
      %get3A_1330 = arith.constant 160 : index
      %get3A_1331 = tpu.vector_load %arg8[%get3A_1328, %get3A_1329, %get3A_1330] {strides = array<i32>} : memref<1x80x512xf32, #tpu.memory_space<vmem>>, vector<16xf32>,
      %swap3A_1332 = arith.constant 0 : i32
      %swap3A_1333 = arith.constant 3 : i32
      %swap3A_1334 = arith.index_cast %swap3A_1332 : i32 to index
      %swap3A_1335 = arith.index_cast %swap3A_1333 : i32 to index
      %swap3A_1336 = arith.constant 160 : index
      %swap3A_1337 = tpu.vector_load %arg10[%swap3A_1334, %swap3A_1335, %swap3A_1336] {strides = array<i32>} : memref<1x5x512xf32, #tpu.memory_space<vmem>>, vector<16xf32>,
      tpu.vector_store %arg10[%swap3A_1334, %swap3A_1335, %swap3A_1336], %get3A_1331 {strides = array<i32>} : memref<1x5x512xf32, #tpu.memory_space<vmem>>, vector<16xf32>,
      %get3A_1338 = arith.constant 0 : i32
      %get3A_1339 = arith.constant 75 : i32
      %get3A_1340 = arith.index_cast %get3A_1338 : i32 to index
      %get3A_1341 = arith.index_cast %get3A_1339 : i32 to index
      %get3A_1342 = arith.constant 176 : index
      %get3A_1343 = tpu.vector_load %arg8[%get3A_1340, %get3A_1341, %get3A_1342] {strides = array<i32>} : memref<1x80x512xf32, #tpu.memory_space<vmem>>, vector<16xf32>,
      %swap3A_1344 = arith.constant 0 : i32
      %swap3A_1345 = arith.constant 3 : i32
      %swap3A_1346 = arith.index_cast %swap3A_1344 : i32 to index
      %swap3A_1347 = arith.index_cast %swap3A_1345 : i32 to index
      %swap3A_1348 = arith.constant 176 : index
      %swap3A_1349 = tpu.vector_load %arg10[%swap3A_1346, %swap3A_1347, %swap3A_1348] {strides = array<i32>} : memref<1x5x512xf32, #tpu.memory_space<vmem>>, vector<16xf32>,
      tpu.vector_store %arg10[%swap3A_1346, %swap3A_1347, %swap3A_1348], %get3A_1343 {strides = array<i32>} : memref<1x5x512xf32, #tpu.memory_space<vmem>>, vector<16xf32>,
      %get3A_1350 = arith.constant 0 : i32
      %get3A_1351 = arith.constant 75 : i32
      %get3A_1352 = arith.index_cast %get3A_1350 : i32 to index
      %get3A_1353 = arith.index_cast %get3A_1351 : i32 to index
      %get3A_1354 = arith.constant 192 : index
      %get3A_1355 = tpu.vector_load %arg8[%get3A_1352, %get3A_1353, %get3A_1354] {strides = array<i32>} : memref<1x80x512xf32, #tpu.memory_space<vmem>>, vector<16xf32>,
      %swap3A_1356 = arith.constant 0 : i32
      %swap3A_1357 = arith.constant 3 : i32
      %swap3A_1358 = arith.index_cast %swap3A_1356 : i32 to index
      %swap3A_1359 = arith.index_cast %swap3A_1357 : i32 to index
      %swap3A_1360 = arith.constant 192 : index
      %swap3A_1361 = tpu.vector_load %arg10[%swap3A_1358, %swap3A_1359, %swap3A_1360] {strides = array<i32>} : memref<1x5x512xf32, #tpu.memory_space<vmem>>, vector<16xf32>,
      tpu.vector_store %arg10[%swap3A_1358, %swap3A_1359, %swap3A_1360], %get3A_1355 {strides = array<i32>} : memref<1x5x512xf32, #tpu.memory_space<vmem>>, vector<16xf32>,
      %get3A_1362 = arith.constant 0 : i32
      %get3A_1363 = arith.constant 75 : i32
      %get3A_1364 = arith.index_cast %get3A_1362 : i32 to index
      %get3A_1365 = arith.index_cast %get3A_1363 : i32 to index
      %get3A_1366 = arith.constant 208 : index
      %get3A_1367 = tpu.vector_load %arg8[%get3A_1364, %get3A_1365, %get3A_1366] {strides = array<i32>} : memref<1x80x512xf32, #tpu.memory_space<vmem>>, vector<16xf32>,
      %swap3A_1368 = arith.constant 0 : i32
      %swap3A_1369 = arith.constant 3 : i32
      %swap3A_1370 = arith.index_cast %swap3A_1368 : i32 to index
      %swap3A_1371 = arith.index_cast %swap3A_1369 : i32 to index
      %swap3A_1372 = arith.constant 208 : index
      %swap3A_1373 = tpu.vector_load %arg10[%swap3A_1370, %swap3A_1371, %swap3A_1372] {strides = array<i32>} : memref<1x5x512xf32, #tpu.memory_space<vmem>>, vector<16xf32>,
      tpu.vector_store %arg10[%swap3A_1370, %swap3A_1371, %swap3A_1372], %get3A_1367 {strides = array<i32>} : memref<1x5x512xf32, #tpu.memory_space<vmem>>, vector<16xf32>,
      %get3A_1374 = arith.constant 0 : i32
      %get3A_1375 = arith.constant 75 : i32
      %get3A_1376 = arith.index_cast %get3A_1374 : i32 to index
      %get3A_1377 = arith.index_cast %get3A_1375 : i32 to index
      %get3A_1378 = arith.constant 224 : index
      %get3A_1379 = tpu.vector_load %arg8[%get3A_1376, %get3A_1377, %get3A_1378] {strides = array<i32>} : memref<1x80x512xf32, #tpu.memory_space<vmem>>, vector<16xf32>,
      %swap3A_1380 = arith.constant 0 : i32
      %swap3A_1381 = arith.constant 3 : i32
      %swap3A_1382 = arith.index_cast %swap3A_1380 : i32 to index
      %swap3A_1383 = arith.index_cast %swap3A_1381 : i32 to index
      %swap3A_1384 = arith.constant 224 : index
      %swap3A_1385 = tpu.vector_load %arg10[%swap3A_1382, %swap3A_1383, %swap3A_1384] {strides = array<i32>} : memref<1x5x512xf32, #tpu.memory_space<vmem>>, vector<16xf32>,
      tpu.vector_store %arg10[%swap3A_1382, %swap3A_1383, %swap3A_1384], %get3A_1379 {strides = array<i32>} : memref<1x5x512xf32, #tpu.memory_space<vmem>>, vector<16xf32>,
      %get3A_1386 = arith.constant 0 : i32
      %get3A_1387 = arith.constant 75 : i32
      %get3A_1388 = arith.index_cast %get3A_1386 : i32 to index
      %get3A_1389 = arith.index_cast %get3A_1387 : i32 to index
      %get3A_1390 = arith.constant 240 : index
      %get3A_1391 = tpu.vector_load %arg8[%get3A_1388, %get3A_1389, %get3A_1390] {strides = array<i32>} : memref<1x80x512xf32, #tpu.memory_space<vmem>>, vector<16xf32>,
      %swap3A_1392 = arith.constant 0 : i32
      %swap3A_1393 = arith.constant 3 : i32
      %swap3A_1394 = arith.index_cast %swap3A_1392 : i32 to index
      %swap3A_1395 = arith.index_cast %swap3A_1393 : i32 to index
      %swap3A_1396 = arith.constant 240 : index
      %swap3A_1397 = tpu.vector_load %arg10[%swap3A_1394, %swap3A_1395, %swap3A_1396] {strides = array<i32>} : memref<1x5x512xf32, #tpu.memory_space<vmem>>, vector<16xf32>,
      tpu.vector_store %arg10[%swap3A_1394, %swap3A_1395, %swap3A_1396], %get3A_1391 {strides = array<i32>} : memref<1x5x512xf32, #tpu.memory_space<vmem>>, vector<16xf32>,
      %get3A_1398 = arith.constant 0 : i32
      %get3A_1399 = arith.constant 75 : i32
      %get3A_1400 = arith.index_cast %get3A_1398 : i32 to index
      %get3A_1401 = arith.index_cast %get3A_1399 : i32 to index
      %get3A_1402 = arith.constant 256 : index
      %get3A_1403 = tpu.vector_load %arg8[%get3A_1400, %get3A_1401, %get3A_1402] {strides = array<i32>} : memref<1x80x512xf32, #tpu.memory_space<vmem>>, vector<16xf32>,
      %swap3A_1404 = arith.constant 0 : i32
      %swap3A_1405 = arith.constant 3 : i32
      %swap3A_1406 = arith.index_cast %swap3A_1404 : i32 to index
      %swap3A_1407 = arith.index_cast %swap3A_1405 : i32 to index
      %swap3A_1408 = arith.constant 256 : index
      %swap3A_1409 = tpu.vector_load %arg10[%swap3A_1406, %swap3A_1407, %swap3A_1408] {strides = array<i32>} : memref<1x5x512xf32, #tpu.memory_space<vmem>>, vector<16xf32>,
      tpu.vector_store %arg10[%swap3A_1406, %swap3A_1407, %swap3A_1408], %get3A_1403 {strides = array<i32>} : memref<1x5x512xf32, #tpu.memory_space<vmem>>, vector<16xf32>,
      %get3A_1410 = arith.constant 0 : i32
      %get3A_1411 = arith.constant 75 : i32
      %get3A_1412 = arith.index_cast %get3A_1410 : i32 to index
      %get3A_1413 = arith.index_cast %get3A_1411 : i32 to index
      %get3A_1414 = arith.constant 272 : index
      %get3A_1415 = tpu.vector_load %arg8[%get3A_1412, %get3A_1413, %get3A_1414] {strides = array<i32>} : memref<1x80x512xf32, #tpu.memory_space<vmem>>, vector<16xf32>,
      %swap3A_1416 = arith.constant 0 : i32
      %swap3A_1417 = arith.constant 3 : i32
      %swap3A_1418 = arith.index_cast %swap3A_1416 : i32 to index
      %swap3A_1419 = arith.index_cast %swap3A_1417 : i32 to index
      %swap3A_1420 = arith.constant 272 : index
      %swap3A_1421 = tpu.vector_load %arg10[%swap3A_1418, %swap3A_1419, %swap3A_1420] {strides = array<i32>} : memref<1x5x512xf32, #tpu.memory_space<vmem>>, vector<16xf32>,
      tpu.vector_store %arg10[%swap3A_1418, %swap3A_1419, %swap3A_1420], %get3A_1415 {strides = array<i32>} : memref<1x5x512xf32, #tpu.memory_space<vmem>>, vector<16xf32>,
      %get3A_1422 = arith.constant 0 : i32
      %get3A_1423 = arith.constant 75 : i32
      %get3A_1424 = arith.index_cast %get3A_1422 : i32 to index
      %get3A_1425 = arith.index_cast %get3A_1423 : i32 to index
      %get3A_1426 = arith.constant 288 : index
      %get3A_1427 = tpu.vector_load %arg8[%get3A_1424, %get3A_1425, %get3A_1426] {strides = array<i32>} : memref<1x80x512xf32, #tpu.memory_space<vmem>>, vector<16xf32>,
      %swap3A_1428 = arith.constant 0 : i32
      %swap3A_1429 = arith.constant 3 : i32
      %swap3A_1430 = arith.index_cast %swap3A_1428 : i32 to index
      %swap3A_1431 = arith.index_cast %swap3A_1429 : i32 to index
      %swap3A_1432 = arith.constant 288 : index
      %swap3A_1433 = tpu.vector_load %arg10[%swap3A_1430, %swap3A_1431, %swap3A_1432] {strides = array<i32>} : memref<1x5x512xf32, #tpu.memory_space<vmem>>, vector<16xf32>,
      tpu.vector_store %arg10[%swap3A_1430, %swap3A_1431, %swap3A_1432], %get3A_1427 {strides = array<i32>} : memref<1x5x512xf32, #tpu.memory_space<vmem>>, vector<16xf32>,
      %get3A_1434 = arith.constant 0 : i32
      %get3A_1435 = arith.constant 75 : i32
      %get3A_1436 = arith.index_cast %get3A_1434 : i32 to index
      %get3A_1437 = arith.index_cast %get3A_1435 : i32 to index
      %get3A_1438 = arith.constant 304 : index
      %get3A_1439 = tpu.vector_load %arg8[%get3A_1436, %get3A_1437, %get3A_1438] {strides = array<i32>} : memref<1x80x512xf32, #tpu.memory_space<vmem>>, vector<16xf32>,
      %swap3A_1440 = arith.constant 0 : i32
      %swap3A_1441 = arith.constant 3 : i32
      %swap3A_1442 = arith.index_cast %swap3A_1440 : i32 to index
      %swap3A_1443 = arith.index_cast %swap3A_1441 : i32 to index
      %swap3A_1444 = arith.constant 304 : index
      %swap3A_1445 = tpu.vector_load %arg10[%swap3A_1442, %swap3A_1443, %swap3A_1444] {strides = array<i32>} : memref<1x5x512xf32, #tpu.memory_space<vmem>>, vector<16xf32>,
      tpu.vector_store %arg10[%swap3A_1442, %swap3A_1443, %swap3A_1444], %get3A_1439 {strides = array<i32>} : memref<1x5x512xf32, #tpu.memory_space<vmem>>, vector<16xf32>,
      %get3A_1446 = arith.constant 0 : i32
      %get3A_1447 = arith.constant 75 : i32
      %get3A_1448 = arith.index_cast %get3A_1446 : i32 to index
      %get3A_1449 = arith.index_cast %get3A_1447 : i32 to index
      %get3A_1450 = arith.constant 320 : index
      %get3A_1451 = tpu.vector_load %arg8[%get3A_1448, %get3A_1449, %get3A_1450] {strides = array<i32>} : memref<1x80x512xf32, #tpu.memory_space<vmem>>, vector<16xf32>,
      %swap3A_1452 = arith.constant 0 : i32
      %swap3A_1453 = arith.constant 3 : i32
      %swap3A_1454 = arith.index_cast %swap3A_1452 : i32 to index
      %swap3A_1455 = arith.index_cast %swap3A_1453 : i32 to index
      %swap3A_1456 = arith.constant 320 : index
      %swap3A_1457 = tpu.vector_load %arg10[%swap3A_1454, %swap3A_1455, %swap3A_1456] {strides = array<i32>} : memref<1x5x512xf32, #tpu.memory_space<vmem>>, vector<16xf32>,
      tpu.vector_store %arg10[%swap3A_1454, %swap3A_1455, %swap3A_1456], %get3A_1451 {strides = array<i32>} : memref<1x5x512xf32, #tpu.memory_space<vmem>>, vector<16xf32>,
      %get3A_1458 = arith.constant 0 : i32
      %get3A_1459 = arith.constant 75 : i32
      %get3A_1460 = arith.index_cast %get3A_1458 : i32 to index
      %get3A_1461 = arith.index_cast %get3A_1459 : i32 to index
      %get3A_1462 = arith.constant 336 : index
      %get3A_1463 = tpu.vector_load %arg8[%get3A_1460, %get3A_1461, %get3A_1462] {strides = array<i32>} : memref<1x80x512xf32, #tpu.memory_space<vmem>>, vector<16xf32>,
      %swap3A_1464 = arith.constant 0 : i32
      %swap3A_1465 = arith.constant 3 : i32
      %swap3A_1466 = arith.index_cast %swap3A_1464 : i32 to index
      %swap3A_1467 = arith.index_cast %swap3A_1465 : i32 to index
      %swap3A_1468 = arith.constant 336 : index
      %swap3A_1469 = tpu.vector_load %arg10[%swap3A_1466, %swap3A_1467, %swap3A_1468] {strides = array<i32>} : memref<1x5x512xf32, #tpu.memory_space<vmem>>, vector<16xf32>,
      tpu.vector_store %arg10[%swap3A_1466, %swap3A_1467, %swap3A_1468], %get3A_1463 {strides = array<i32>} : memref<1x5x512xf32, #tpu.memory_space<vmem>>, vector<16xf32>,
      %get3A_1470 = arith.constant 0 : i32
      %get3A_1471 = arith.constant 75 : i32
      %get3A_1472 = arith.index_cast %get3A_1470 : i32 to index
      %get3A_1473 = arith.index_cast %get3A_1471 : i32 to index
      %get3A_1474 = arith.constant 352 : index
      %get3A_1475 = tpu.vector_load %arg8[%get3A_1472, %get3A_1473, %get3A_1474] {strides = array<i32>} : memref<1x80x512xf32, #tpu.memory_space<vmem>>, vector<16xf32>,
      %swap3A_1476 = arith.constant 0 : i32
      %swap3A_1477 = arith.constant 3 : i32
      %swap3A_1478 = arith.index_cast %swap3A_1476 : i32 to index
      %swap3A_1479 = arith.index_cast %swap3A_1477 : i32 to index
      %swap3A_1480 = arith.constant 352 : index
      %swap3A_1481 = tpu.vector_load %arg10[%swap3A_1478, %swap3A_1479, %swap3A_1480] {strides = array<i32>} : memref<1x5x512xf32, #tpu.memory_space<vmem>>, vector<16xf32>,
      tpu.vector_store %arg10[%swap3A_1478, %swap3A_1479, %swap3A_1480], %get3A_1475 {strides = array<i32>} : memref<1x5x512xf32, #tpu.memory_space<vmem>>, vector<16xf32>,
      %get3A_1482 = arith.constant 0 : i32
      %get3A_1483 = arith.constant 75 : i32
      %get3A_1484 = arith.index_cast %get3A_1482 : i32 to index
      %get3A_1485 = arith.index_cast %get3A_1483 : i32 to index
      %get3A_1486 = arith.constant 368 : index
      %get3A_1487 = tpu.vector_load %arg8[%get3A_1484, %get3A_1485, %get3A_1486] {strides = array<i32>} : memref<1x80x512xf32, #tpu.memory_space<vmem>>, vector<16xf32>,
      %swap3A_1488 = arith.constant 0 : i32
      %swap3A_1489 = arith.constant 3 : i32
      %swap3A_1490 = arith.index_cast %swap3A_1488 : i32 to index
      %swap3A_1491 = arith.index_cast %swap3A_1489 : i32 to index
      %swap3A_1492 = arith.constant 368 : index
      %swap3A_1493 = tpu.vector_load %arg10[%swap3A_1490, %swap3A_1491, %swap3A_1492] {strides = array<i32>} : memref<1x5x512xf32, #tpu.memory_space<vmem>>, vector<16xf32>,
      tpu.vector_store %arg10[%swap3A_1490, %swap3A_1491, %swap3A_1492], %get3A_1487 {strides = array<i32>} : memref<1x5x512xf32, #tpu.memory_space<vmem>>, vector<16xf32>,
      %get3A_1494 = arith.constant 0 : i32
      %get3A_1495 = arith.constant 75 : i32
      %get3A_1496 = arith.index_cast %get3A_1494 : i32 to index
      %get3A_1497 = arith.index_cast %get3A_1495 : i32 to index
      %get3A_1498 = arith.constant 384 : index
      %get3A_1499 = tpu.vector_load %arg8[%get3A_1496, %get3A_1497, %get3A_1498] {strides = array<i32>} : memref<1x80x512xf32, #tpu.memory_space<vmem>>, vector<16xf32>,
      %swap3A_1500 = arith.constant 0 : i32
      %swap3A_1501 = arith.constant 3 : i32
      %swap3A_1502 = arith.index_cast %swap3A_1500 : i32 to index
      %swap3A_1503 = arith.index_cast %swap3A_1501 : i32 to index
      %swap3A_1504 = arith.constant 384 : index
      %swap3A_1505 = tpu.vector_load %arg10[%swap3A_1502, %swap3A_1503, %swap3A_1504] {strides = array<i32>} : memref<1x5x512xf32, #tpu.memory_space<vmem>>, vector<16xf32>,
      tpu.vector_store %arg10[%swap3A_1502, %swap3A_1503, %swap3A_1504], %get3A_1499 {strides = array<i32>} : memref<1x5x512xf32, #tpu.memory_space<vmem>>, vector<16xf32>,
      %get3A_1506 = arith.constant 0 : i32
      %get3A_1507 = arith.constant 75 : i32
      %get3A_1508 = arith.index_cast %get3A_1506 : i32 to index
      %get3A_1509 = arith.index_cast %get3A_1507 : i32 to index
      %get3A_1510 = arith.constant 400 : index
      %get3A_1511 = tpu.vector_load %arg8[%get3A_1508, %get3A_1509, %get3A_1510] {strides = array<i32>} : memref<1x80x512xf32, #tpu.memory_space<vmem>>, vector<16xf32>,
      %swap3A_1512 = arith.constant 0 : i32
      %swap3A_1513 = arith.constant 3 : i32
      %swap3A_1514 = arith.index_cast %swap3A_1512 : i32 to index
      %swap3A_1515 = arith.index_cast %swap3A_1513 : i32 to index
      %swap3A_1516 = arith.constant 400 : index
      %swap3A_1517 = tpu.vector_load %arg10[%swap3A_1514, %swap3A_1515, %swap3A_1516] {strides = array<i32>} : memref<1x5x512xf32, #tpu.memory_space<vmem>>, vector<16xf32>,
      tpu.vector_store %arg10[%swap3A_1514, %swap3A_1515, %swap3A_1516], %get3A_1511 {strides = array<i32>} : memref<1x5x512xf32, #tpu.memory_space<vmem>>, vector<16xf32>,
      %get3A_1518 = arith.constant 0 : i32
      %get3A_1519 = arith.constant 75 : i32
      %get3A_1520 = arith.index_cast %get3A_1518 : i32 to index
      %get3A_1521 = arith.index_cast %get3A_1519 : i32 to index
      %get3A_1522 = arith.constant 416 : index
      %get3A_1523 = tpu.vector_load %arg8[%get3A_1520, %get3A_1521, %get3A_1522] {strides = array<i32>} : memref<1x80x512xf32, #tpu.memory_space<vmem>>, vector<16xf32>,
      %swap3A_1524 = arith.constant 0 : i32
      %swap3A_1525 = arith.constant 3 : i32
      %swap3A_1526 = arith.index_cast %swap3A_1524 : i32 to index
      %swap3A_1527 = arith.index_cast %swap3A_1525 : i32 to index
      %swap3A_1528 = arith.constant 416 : index
      %swap3A_1529 = tpu.vector_load %arg10[%swap3A_1526, %swap3A_1527, %swap3A_1528] {strides = array<i32>} : memref<1x5x512xf32, #tpu.memory_space<vmem>>, vector<16xf32>,
      tpu.vector_store %arg10[%swap3A_1526, %swap3A_1527, %swap3A_1528], %get3A_1523 {strides = array<i32>} : memref<1x5x512xf32, #tpu.memory_space<vmem>>, vector<16xf32>,
      %get3A_1530 = arith.constant 0 : i32
      %get3A_1531 = arith.constant 75 : i32
      %get3A_1532 = arith.index_cast %get3A_1530 : i32 to index
      %get3A_1533 = arith.index_cast %get3A_1531 : i32 to index
      %get3A_1534 = arith.constant 432 : index
      %get3A_1535 = tpu.vector_load %arg8[%get3A_1532, %get3A_1533, %get3A_1534] {strides = array<i32>} : memref<1x80x512xf32, #tpu.memory_space<vmem>>, vector<16xf32>,
      %swap3A_1536 = arith.constant 0 : i32
      %swap3A_1537 = arith.constant 3 : i32
      %swap3A_1538 = arith.index_cast %swap3A_1536 : i32 to index
      %swap3A_1539 = arith.index_cast %swap3A_1537 : i32 to index
      %swap3A_1540 = arith.constant 432 : index
      %swap3A_1541 = tpu.vector_load %arg10[%swap3A_1538, %swap3A_1539, %swap3A_1540] {strides = array<i32>} : memref<1x5x512xf32, #tpu.memory_space<vmem>>, vector<16xf32>,
      tpu.vector_store %arg10[%swap3A_1538, %swap3A_1539, %swap3A_1540], %get3A_1535 {strides = array<i32>} : memref<1x5x512xf32, #tpu.memory_space<vmem>>, vector<16xf32>,
      %get3A_1542 = arith.constant 0 : i32
      %get3A_1543 = arith.constant 75 : i32
      %get3A_1544 = arith.index_cast %get3A_1542 : i32 to index
      %get3A_1545 = arith.index_cast %get3A_1543 : i32 to index
      %get3A_1546 = arith.constant 448 : index
      %get3A_1547 = tpu.vector_load %arg8[%get3A_1544, %get3A_1545, %get3A_1546] {strides = array<i32>} : memref<1x80x512xf32, #tpu.memory_space<vmem>>, vector<16xf32>,
      %swap3A_1548 = arith.constant 0 : i32
      %swap3A_1549 = arith.constant 3 : i32
      %swap3A_1550 = arith.index_cast %swap3A_1548 : i32 to index
      %swap3A_1551 = arith.index_cast %swap3A_1549 : i32 to index
      %swap3A_1552 = arith.constant 448 : index
      %swap3A_1553 = tpu.vector_load %arg10[%swap3A_1550, %swap3A_1551, %swap3A_1552] {strides = array<i32>} : memref<1x5x512xf32, #tpu.memory_space<vmem>>, vector<16xf32>,
      tpu.vector_store %arg10[%swap3A_1550, %swap3A_1551, %swap3A_1552], %get3A_1547 {strides = array<i32>} : memref<1x5x512xf32, #tpu.memory_space<vmem>>, vector<16xf32>,
      %get3A_1554 = arith.constant 0 : i32
      %get3A_1555 = arith.constant 75 : i32
      %get3A_1556 = arith.index_cast %get3A_1554 : i32 to index
      %get3A_1557 = arith.index_cast %get3A_1555 : i32 to index
      %get3A_1558 = arith.constant 464 : index
      %get3A_1559 = tpu.vector_load %arg8[%get3A_1556, %get3A_1557, %get3A_1558] {strides = array<i32>} : memref<1x80x512xf32, #tpu.memory_space<vmem>>, vector<16xf32>,
      %swap3A_1560 = arith.constant 0 : i32
      %swap3A_1561 = arith.constant 3 : i32
      %swap3A_1562 = arith.index_cast %swap3A_1560 : i32 to index
      %swap3A_1563 = arith.index_cast %swap3A_1561 : i32 to index
      %swap3A_1564 = arith.constant 464 : index
      %swap3A_1565 = tpu.vector_load %arg10[%swap3A_1562, %swap3A_1563, %swap3A_1564] {strides = array<i32>} : memref<1x5x512xf32, #tpu.memory_space<vmem>>, vector<16xf32>,
      tpu.vector_store %arg10[%swap3A_1562, %swap3A_1563, %swap3A_1564], %get3A_1559 {strides = array<i32>} : memref<1x5x512xf32, #tpu.memory_space<vmem>>, vector<16xf32>,
      %get3A_1566 = arith.constant 0 : i32
      %get3A_1567 = arith.constant 75 : i32
      %get3A_1568 = arith.index_cast %get3A_1566 : i32 to index
      %get3A_1569 = arith.index_cast %get3A_1567 : i32 to index
      %get3A_1570 = arith.constant 480 : index
      %get3A_1571 = tpu.vector_load %arg8[%get3A_1568, %get3A_1569, %get3A_1570] {strides = array<i32>} : memref<1x80x512xf32, #tpu.memory_space<vmem>>, vector<16xf32>,
      %swap3A_1572 = arith.constant 0 : i32
      %swap3A_1573 = arith.constant 3 : i32
      %swap3A_1574 = arith.index_cast %swap3A_1572 : i32 to index
      %swap3A_1575 = arith.index_cast %swap3A_1573 : i32 to index
      %swap3A_1576 = arith.constant 480 : index
      %swap3A_1577 = tpu.vector_load %arg10[%swap3A_1574, %swap3A_1575, %swap3A_1576] {strides = array<i32>} : memref<1x5x512xf32, #tpu.memory_space<vmem>>, vector<16xf32>,
      tpu.vector_store %arg10[%swap3A_1574, %swap3A_1575, %swap3A_1576], %get3A_1571 {strides = array<i32>} : memref<1x5x512xf32, #tpu.memory_space<vmem>>, vector<16xf32>,
      %get3A_1578 = arith.constant 0 : i32
      %get3A_1579 = arith.constant 75 : i32
      %get3A_1580 = arith.index_cast %get3A_1578 : i32 to index
      %get3A_1581 = arith.index_cast %get3A_1579 : i32 to index
      %get3A_1582 = arith.constant 496 : index
      %get3A_1583 = tpu.vector_load %arg8[%get3A_1580, %get3A_1581, %get3A_1582] {strides = array<i32>} : memref<1x80x512xf32, #tpu.memory_space<vmem>>, vector<16xf32>,
      %swap3A_1584 = arith.constant 0 : i32
      %swap3A_1585 = arith.constant 3 : i32
      %swap3A_1586 = arith.index_cast %swap3A_1584 : i32 to index
      %swap3A_1587 = arith.index_cast %swap3A_1585 : i32 to index
      %swap3A_1588 = arith.constant 496 : index
      %swap3A_1589 = tpu.vector_load %arg10[%swap3A_1586, %swap3A_1587, %swap3A_1588] {strides = array<i32>} : memref<1x5x512xf32, #tpu.memory_space<vmem>>, vector<16xf32>,
      tpu.vector_store %arg10[%swap3A_1586, %swap3A_1587, %swap3A_1588], %get3A_1583 {strides = array<i32>} : memref<1x5x512xf32, #tpu.memory_space<vmem>>, vector<16xf32>,
      %get3A_1590 = arith.constant 0 : i32
      %get3A_1591 = arith.constant 76 : i32
      %get3A_1592 = arith.index_cast %get3A_1590 : i32 to index
      %get3A_1593 = arith.index_cast %get3A_1591 : i32 to index
      %get3A_1594 = arith.constant 0 : index
      %get3A_1595 = tpu.vector_load %arg8[%get3A_1592, %get3A_1593, %get3A_1594] {strides = array<i32>} : memref<1x80x512xf32, #tpu.memory_space<vmem>>, vector<16xf32>,
      %swap3A_1596 = arith.constant 0 : i32
      %swap3A_1597 = arith.constant 4 : i32
      %swap3A_1598 = arith.index_cast %swap3A_1596 : i32 to index
      %swap3A_1599 = arith.index_cast %swap3A_1597 : i32 to index
      %swap3A_1600 = arith.constant 0 : index
      %swap3A_1601 = tpu.vector_load %arg10[%swap3A_1598, %swap3A_1599, %swap3A_1600] {strides = array<i32>} : memref<1x5x512xf32, #tpu.memory_space<vmem>>, vector<16xf32>,
      tpu.vector_store %arg10[%swap3A_1598, %swap3A_1599, %swap3A_1600], %get3A_1595 {strides = array<i32>} : memref<1x5x512xf32, #tpu.memory_space<vmem>>, vector<16xf32>,
      %get3A_1602 = arith.constant 0 : i32
      %get3A_1603 = arith.constant 76 : i32
      %get3A_1604 = arith.index_cast %get3A_1602 : i32 to index
      %get3A_1605 = arith.index_cast %get3A_1603 : i32 to index
      %get3A_1606 = arith.constant 16 : index
      %get3A_1607 = tpu.vector_load %arg8[%get3A_1604, %get3A_1605, %get3A_1606] {strides = array<i32>} : memref<1x80x512xf32, #tpu.memory_space<vmem>>, vector<16xf32>,
      %swap3A_1608 = arith.constant 0 : i32
      %swap3A_1609 = arith.constant 4 : i32
      %swap3A_1610 = arith.index_cast %swap3A_1608 : i32 to index
      %swap3A_1611 = arith.index_cast %swap3A_1609 : i32 to index
      %swap3A_1612 = arith.constant 16 : index
      %swap3A_1613 = tpu.vector_load %arg10[%swap3A_1610, %swap3A_1611, %swap3A_1612] {strides = array<i32>} : memref<1x5x512xf32, #tpu.memory_space<vmem>>, vector<16xf32>,
      tpu.vector_store %arg10[%swap3A_1610, %swap3A_1611, %swap3A_1612], %get3A_1607 {strides = array<i32>} : memref<1x5x512xf32, #tpu.memory_space<vmem>>, vector<16xf32>,
      %get3A_1614 = arith.constant 0 : i32
      %get3A_1615 = arith.constant 76 : i32
      %get3A_1616 = arith.index_cast %get3A_1614 : i32 to index
      %get3A_1617 = arith.index_cast %get3A_1615 : i32 to index
      %get3A_1618 = arith.constant 32 : index
      %get3A_1619 = tpu.vector_load %arg8[%get3A_1616, %get3A_1617, %get3A_1618] {strides = array<i32>} : memref<1x80x512xf32, #tpu.memory_space<vmem>>, vector<16xf32>,
      %swap3A_1620 = arith.constant 0 : i32
      %swap3A_1621 = arith.constant 4 : i32
      %swap3A_1622 = arith.index_cast %swap3A_1620 : i32 to index
      %swap3A_1623 = arith.index_cast %swap3A_1621 : i32 to index
      %swap3A_1624 = arith.constant 32 : index
      %swap3A_1625 = tpu.vector_load %arg10[%swap3A_1622, %swap3A_1623, %swap3A_1624] {strides = array<i32>} : memref<1x5x512xf32, #tpu.memory_space<vmem>>, vector<16xf32>,
      tpu.vector_store %arg10[%swap3A_1622, %swap3A_1623, %swap3A_1624], %get3A_1619 {strides = array<i32>} : memref<1x5x512xf32, #tpu.memory_space<vmem>>, vector<16xf32>,
      %get3A_1626 = arith.constant 0 : i32
      %get3A_1627 = arith.constant 76 : i32
      %get3A_1628 = arith.index_cast %get3A_1626 : i32 to index
      %get3A_1629 = arith.index_cast %get3A_1627 : i32 to index
      %get3A_1630 = arith.constant 48 : index
      %get3A_1631 = tpu.vector_load %arg8[%get3A_1628, %get3A_1629, %get3A_1630] {strides = array<i32>} : memref<1x80x512xf32, #tpu.memory_space<vmem>>, vector<16xf32>,
      %swap3A_1632 = arith.constant 0 : i32
      %swap3A_1633 = arith.constant 4 : i32
      %swap3A_1634 = arith.index_cast %swap3A_1632 : i32 to index
      %swap3A_1635 = arith.index_cast %swap3A_1633 : i32 to index
      %swap3A_1636 = arith.constant 48 : index
      %swap3A_1637 = tpu.vector_load %arg10[%swap3A_1634, %swap3A_1635, %swap3A_1636] {strides = array<i32>} : memref<1x5x512xf32, #tpu.memory_space<vmem>>, vector<16xf32>,
      tpu.vector_store %arg10[%swap3A_1634, %swap3A_1635, %swap3A_1636], %get3A_1631 {strides = array<i32>} : memref<1x5x512xf32, #tpu.memory_space<vmem>>, vector<16xf32>,
      %get3A_1638 = arith.constant 0 : i32
      %get3A_1639 = arith.constant 76 : i32
      %get3A_1640 = arith.index_cast %get3A_1638 : i32 to index
      %get3A_1641 = arith.index_cast %get3A_1639 : i32 to index
      %get3A_1642 = arith.constant 64 : index
      %get3A_1643 = tpu.vector_load %arg8[%get3A_1640, %get3A_1641, %get3A_1642] {strides = array<i32>} : memref<1x80x512xf32, #tpu.memory_space<vmem>>, vector<16xf32>,
      %swap3A_1644 = arith.constant 0 : i32
      %swap3A_1645 = arith.constant 4 : i32
      %swap3A_1646 = arith.index_cast %swap3A_1644 : i32 to index
      %swap3A_1647 = arith.index_cast %swap3A_1645 : i32 to index
      %swap3A_1648 = arith.constant 64 : index
      %swap3A_1649 = tpu.vector_load %arg10[%swap3A_1646, %swap3A_1647, %swap3A_1648] {strides = array<i32>} : memref<1x5x512xf32, #tpu.memory_space<vmem>>, vector<16xf32>,
      tpu.vector_store %arg10[%swap3A_1646, %swap3A_1647, %swap3A_1648], %get3A_1643 {strides = array<i32>} : memref<1x5x512xf32, #tpu.memory_space<vmem>>, vector<16xf32>,
      %get3A_1650 = arith.constant 0 : i32
      %get3A_1651 = arith.constant 76 : i32
      %get3A_1652 = arith.index_cast %get3A_1650 : i32 to index
      %get3A_1653 = arith.index_cast %get3A_1651 : i32 to index
      %get3A_1654 = arith.constant 80 : index
      %get3A_1655 = tpu.vector_load %arg8[%get3A_1652, %get3A_1653, %get3A_1654] {strides = array<i32>} : memref<1x80x512xf32, #tpu.memory_space<vmem>>, vector<16xf32>,
      %swap3A_1656 = arith.constant 0 : i32
      %swap3A_1657 = arith.constant 4 : i32
      %swap3A_1658 = arith.index_cast %swap3A_1656 : i32 to index
      %swap3A_1659 = arith.index_cast %swap3A_1657 : i32 to index
      %swap3A_1660 = arith.constant 80 : index
      %swap3A_1661 = tpu.vector_load %arg10[%swap3A_1658, %swap3A_1659, %swap3A_1660] {strides = array<i32>} : memref<1x5x512xf32, #tpu.memory_space<vmem>>, vector<16xf32>,
      tpu.vector_store %arg10[%swap3A_1658, %swap3A_1659, %swap3A_1660], %get3A_1655 {strides = array<i32>} : memref<1x5x512xf32, #tpu.memory_space<vmem>>, vector<16xf32>,
      %get3A_1662 = arith.constant 0 : i32
      %get3A_1663 = arith.constant 76 : i32
      %get3A_1664 = arith.index_cast %get3A_1662 : i32 to index
      %get3A_1665 = arith.index_cast %get3A_1663 : i32 to index
      %get3A_1666 = arith.constant 96 : index
      %get3A_1667 = tpu.vector_load %arg8[%get3A_1664, %get3A_1665, %get3A_1666] {strides = array<i32>} : memref<1x80x512xf32, #tpu.memory_space<vmem>>, vector<16xf32>,
      %swap3A_1668 = arith.constant 0 : i32
      %swap3A_1669 = arith.constant 4 : i32
      %swap3A_1670 = arith.index_cast %swap3A_1668 : i32 to index
      %swap3A_1671 = arith.index_cast %swap3A_1669 : i32 to index
      %swap3A_1672 = arith.constant 96 : index
      %swap3A_1673 = tpu.vector_load %arg10[%swap3A_1670, %swap3A_1671, %swap3A_1672] {strides = array<i32>} : memref<1x5x512xf32, #tpu.memory_space<vmem>>, vector<16xf32>,
      tpu.vector_store %arg10[%swap3A_1670, %swap3A_1671, %swap3A_1672], %get3A_1667 {strides = array<i32>} : memref<1x5x512xf32, #tpu.memory_space<vmem>>, vector<16xf32>,
      %get3A_1674 = arith.constant 0 : i32
      %get3A_1675 = arith.constant 76 : i32
      %get3A_1676 = arith.index_cast %get3A_1674 : i32 to index
      %get3A_1677 = arith.index_cast %get3A_1675 : i32 to index
      %get3A_1678 = arith.constant 112 : index
      %get3A_1679 = tpu.vector_load %arg8[%get3A_1676, %get3A_1677, %get3A_1678] {strides = array<i32>} : memref<1x80x512xf32, #tpu.memory_space<vmem>>, vector<16xf32>,
      %swap3A_1680 = arith.constant 0 : i32
      %swap3A_1681 = arith.constant 4 : i32
      %swap3A_1682 = arith.index_cast %swap3A_1680 : i32 to index
      %swap3A_1683 = arith.index_cast %swap3A_1681 : i32 to index
      %swap3A_1684 = arith.constant 112 : index
      %swap3A_1685 = tpu.vector_load %arg10[%swap3A_1682, %swap3A_1683, %swap3A_1684] {strides = array<i32>} : memref<1x5x512xf32, #tpu.memory_space<vmem>>, vector<16xf32>,
      tpu.vector_store %arg10[%swap3A_1682, %swap3A_1683, %swap3A_1684], %get3A_1679 {strides = array<i32>} : memref<1x5x512xf32, #tpu.memory_space<vmem>>, vector<16xf32>,
      %get3A_1686 = arith.constant 0 : i32
      %get3A_1687 = arith.constant 76 : i32
      %get3A_1688 = arith.index_cast %get3A_1686 : i32 to index
      %get3A_1689 = arith.index_cast %get3A_1687 : i32 to index
      %get3A_1690 = arith.constant 128 : index
      %get3A_1691 = tpu.vector_load %arg8[%get3A_1688, %get3A_1689, %get3A_1690] {strides = array<i32>} : memref<1x80x512xf32, #tpu.memory_space<vmem>>, vector<16xf32>,
      %swap3A_1692 = arith.constant 0 : i32
      %swap3A_1693 = arith.constant 4 : i32
      %swap3A_1694 = arith.index_cast %swap3A_1692 : i32 to index
      %swap3A_1695 = arith.index_cast %swap3A_1693 : i32 to index
      %swap3A_1696 = arith.constant 128 : index
      %swap3A_1697 = tpu.vector_load %arg10[%swap3A_1694, %swap3A_1695, %swap3A_1696] {strides = array<i32>} : memref<1x5x512xf32, #tpu.memory_space<vmem>>, vector<16xf32>,
      tpu.vector_store %arg10[%swap3A_1694, %swap3A_1695, %swap3A_1696], %get3A_1691 {strides = array<i32>} : memref<1x5x512xf32, #tpu.memory_space<vmem>>, vector<16xf32>,
      %get3A_1698 = arith.constant 0 : i32
      %get3A_1699 = arith.constant 76 : i32
      %get3A_1700 = arith.index_cast %get3A_1698 : i32 to index
      %get3A_1701 = arith.index_cast %get3A_1699 : i32 to index
      %get3A_1702 = arith.constant 144 : index
      %get3A_1703 = tpu.vector_load %arg8[%get3A_1700, %get3A_1701, %get3A_1702] {strides = array<i32>} : memref<1x80x512xf32, #tpu.memory_space<vmem>>, vector<16xf32>,
      %swap3A_1704 = arith.constant 0 : i32
      %swap3A_1705 = arith.constant 4 : i32
      %swap3A_1706 = arith.index_cast %swap3A_1704 : i32 to index
      %swap3A_1707 = arith.index_cast %swap3A_1705 : i32 to index
      %swap3A_1708 = arith.constant 144 : index
      %swap3A_1709 = tpu.vector_load %arg10[%swap3A_1706, %swap3A_1707, %swap3A_1708] {strides = array<i32>} : memref<1x5x512xf32, #tpu.memory_space<vmem>>, vector<16xf32>,
      tpu.vector_store %arg10[%swap3A_1706, %swap3A_1707, %swap3A_1708], %get3A_1703 {strides = array<i32>} : memref<1x5x512xf32, #tpu.memory_space<vmem>>, vector<16xf32>,
      %get3A_1710 = arith.constant 0 : i32
      %get3A_1711 = arith.constant 76 : i32
      %get3A_1712 = arith.index_cast %get3A_1710 : i32 to index
      %get3A_1713 = arith.index_cast %get3A_1711 : i32 to index
      %get3A_1714 = arith.constant 160 : index
      %get3A_1715 = tpu.vector_load %arg8[%get3A_1712, %get3A_1713, %get3A_1714] {strides = array<i32>} : memref<1x80x512xf32, #tpu.memory_space<vmem>>, vector<16xf32>,
      %swap3A_1716 = arith.constant 0 : i32
      %swap3A_1717 = arith.constant 4 : i32
      %swap3A_1718 = arith.index_cast %swap3A_1716 : i32 to index
      %swap3A_1719 = arith.index_cast %swap3A_1717 : i32 to index
      %swap3A_1720 = arith.constant 160 : index
      %swap3A_1721 = tpu.vector_load %arg10[%swap3A_1718, %swap3A_1719, %swap3A_1720] {strides = array<i32>} : memref<1x5x512xf32, #tpu.memory_space<vmem>>, vector<16xf32>,
      tpu.vector_store %arg10[%swap3A_1718, %swap3A_1719, %swap3A_1720], %get3A_1715 {strides = array<i32>} : memref<1x5x512xf32, #tpu.memory_space<vmem>>, vector<16xf32>,
      %get3A_1722 = arith.constant 0 : i32
      %get3A_1723 = arith.constant 76 : i32
      %get3A_1724 = arith.index_cast %get3A_1722 : i32 to index
      %get3A_1725 = arith.index_cast %get3A_1723 : i32 to index
      %get3A_1726 = arith.constant 176 : index
      %get3A_1727 = tpu.vector_load %arg8[%get3A_1724, %get3A_1725, %get3A_1726] {strides = array<i32>} : memref<1x80x512xf32, #tpu.memory_space<vmem>>, vector<16xf32>,
      %swap3A_1728 = arith.constant 0 : i32
      %swap3A_1729 = arith.constant 4 : i32
      %swap3A_1730 = arith.index_cast %swap3A_1728 : i32 to index
      %swap3A_1731 = arith.index_cast %swap3A_1729 : i32 to index
      %swap3A_1732 = arith.constant 176 : index
      %swap3A_1733 = tpu.vector_load %arg10[%swap3A_1730, %swap3A_1731, %swap3A_1732] {strides = array<i32>} : memref<1x5x512xf32, #tpu.memory_space<vmem>>, vector<16xf32>,
      tpu.vector_store %arg10[%swap3A_1730, %swap3A_1731, %swap3A_1732], %get3A_1727 {strides = array<i32>} : memref<1x5x512xf32, #tpu.memory_space<vmem>>, vector<16xf32>,
      %get3A_1734 = arith.constant 0 : i32
      %get3A_1735 = arith.constant 76 : i32
      %get3A_1736 = arith.index_cast %get3A_1734 : i32 to index
      %get3A_1737 = arith.index_cast %get3A_1735 : i32 to index
      %get3A_1738 = arith.constant 192 : index
      %get3A_1739 = tpu.vector_load %arg8[%get3A_1736, %get3A_1737, %get3A_1738] {strides = array<i32>} : memref<1x80x512xf32, #tpu.memory_space<vmem>>, vector<16xf32>,
      %swap3A_1740 = arith.constant 0 : i32
      %swap3A_1741 = arith.constant 4 : i32
      %swap3A_1742 = arith.index_cast %swap3A_1740 : i32 to index
      %swap3A_1743 = arith.index_cast %swap3A_1741 : i32 to index
      %swap3A_1744 = arith.constant 192 : index
      %swap3A_1745 = tpu.vector_load %arg10[%swap3A_1742, %swap3A_1743, %swap3A_1744] {strides = array<i32>} : memref<1x5x512xf32, #tpu.memory_space<vmem>>, vector<16xf32>,
      tpu.vector_store %arg10[%swap3A_1742, %swap3A_1743, %swap3A_1744], %get3A_1739 {strides = array<i32>} : memref<1x5x512xf32, #tpu.memory_space<vmem>>, vector<16xf32>,
      %get3A_1746 = arith.constant 0 : i32
      %get3A_1747 = arith.constant 76 : i32
      %get3A_1748 = arith.index_cast %get3A_1746 : i32 to index
      %get3A_1749 = arith.index_cast %get3A_1747 : i32 to index
      %get3A_1750 = arith.constant 208 : index
      %get3A_1751 = tpu.vector_load %arg8[%get3A_1748, %get3A_1749, %get3A_1750] {strides = array<i32>} : memref<1x80x512xf32, #tpu.memory_space<vmem>>, vector<16xf32>,
      %swap3A_1752 = arith.constant 0 : i32
      %swap3A_1753 = arith.constant 4 : i32
      %swap3A_1754 = arith.index_cast %swap3A_1752 : i32 to index
      %swap3A_1755 = arith.index_cast %swap3A_1753 : i32 to index
      %swap3A_1756 = arith.constant 208 : index
      %swap3A_1757 = tpu.vector_load %arg10[%swap3A_1754, %swap3A_1755, %swap3A_1756] {strides = array<i32>} : memref<1x5x512xf32, #tpu.memory_space<vmem>>, vector<16xf32>,
      tpu.vector_store %arg10[%swap3A_1754, %swap3A_1755, %swap3A_1756], %get3A_1751 {strides = array<i32>} : memref<1x5x512xf32, #tpu.memory_space<vmem>>, vector<16xf32>,
      %get3A_1758 = arith.constant 0 : i32
      %get3A_1759 = arith.constant 76 : i32
      %get3A_1760 = arith.index_cast %get3A_1758 : i32 to index
      %get3A_1761 = arith.index_cast %get3A_1759 : i32 to index
      %get3A_1762 = arith.constant 224 : index
      %get3A_1763 = tpu.vector_load %arg8[%get3A_1760, %get3A_1761, %get3A_1762] {strides = array<i32>} : memref<1x80x512xf32, #tpu.memory_space<vmem>>, vector<16xf32>,
      %swap3A_1764 = arith.constant 0 : i32
      %swap3A_1765 = arith.constant 4 : i32
      %swap3A_1766 = arith.index_cast %swap3A_1764 : i32 to index
      %swap3A_1767 = arith.index_cast %swap3A_1765 : i32 to index
      %swap3A_1768 = arith.constant 224 : index
      %swap3A_1769 = tpu.vector_load %arg10[%swap3A_1766, %swap3A_1767, %swap3A_1768] {strides = array<i32>} : memref<1x5x512xf32, #tpu.memory_space<vmem>>, vector<16xf32>,
      tpu.vector_store %arg10[%swap3A_1766, %swap3A_1767, %swap3A_1768], %get3A_1763 {strides = array<i32>} : memref<1x5x512xf32, #tpu.memory_space<vmem>>, vector<16xf32>,
      %get3A_1770 = arith.constant 0 : i32
      %get3A_1771 = arith.constant 76 : i32
      %get3A_1772 = arith.index_cast %get3A_1770 : i32 to index
      %get3A_1773 = arith.index_cast %get3A_1771 : i32 to index
      %get3A_1774 = arith.constant 240 : index
      %get3A_1775 = tpu.vector_load %arg8[%get3A_1772, %get3A_1773, %get3A_1774] {strides = array<i32>} : memref<1x80x512xf32, #tpu.memory_space<vmem>>, vector<16xf32>,
      %swap3A_1776 = arith.constant 0 : i32
      %swap3A_1777 = arith.constant 4 : i32
      %swap3A_1778 = arith.index_cast %swap3A_1776 : i32 to index
      %swap3A_1779 = arith.index_cast %swap3A_1777 : i32 to index
      %swap3A_1780 = arith.constant 240 : index
      %swap3A_1781 = tpu.vector_load %arg10[%swap3A_1778, %swap3A_1779, %swap3A_1780] {strides = array<i32>} : memref<1x5x512xf32, #tpu.memory_space<vmem>>, vector<16xf32>,
      tpu.vector_store %arg10[%swap3A_1778, %swap3A_1779, %swap3A_1780], %get3A_1775 {strides = array<i32>} : memref<1x5x512xf32, #tpu.memory_space<vmem>>, vector<16xf32>,
      %get3A_1782 = arith.constant 0 : i32
      %get3A_1783 = arith.constant 76 : i32
      %get3A_1784 = arith.index_cast %get3A_1782 : i32 to index
      %get3A_1785 = arith.index_cast %get3A_1783 : i32 to index
      %get3A_1786 = arith.constant 256 : index
      %get3A_1787 = tpu.vector_load %arg8[%get3A_1784, %get3A_1785, %get3A_1786] {strides = array<i32>} : memref<1x80x512xf32, #tpu.memory_space<vmem>>, vector<16xf32>,
      %swap3A_1788 = arith.constant 0 : i32
      %swap3A_1789 = arith.constant 4 : i32
      %swap3A_1790 = arith.index_cast %swap3A_1788 : i32 to index
      %swap3A_1791 = arith.index_cast %swap3A_1789 : i32 to index
      %swap3A_1792 = arith.constant 256 : index
      %swap3A_1793 = tpu.vector_load %arg10[%swap3A_1790, %swap3A_1791, %swap3A_1792] {strides = array<i32>} : memref<1x5x512xf32, #tpu.memory_space<vmem>>, vector<16xf32>,
      tpu.vector_store %arg10[%swap3A_1790, %swap3A_1791, %swap3A_1792], %get3A_1787 {strides = array<i32>} : memref<1x5x512xf32, #tpu.memory_space<vmem>>, vector<16xf32>,
      %get3A_1794 = arith.constant 0 : i32
      %get3A_1795 = arith.constant 76 : i32
      %get3A_1796 = arith.index_cast %get3A_1794 : i32 to index
      %get3A_1797 = arith.index_cast %get3A_1795 : i32 to index
      %get3A_1798 = arith.constant 272 : index
      %get3A_1799 = tpu.vector_load %arg8[%get3A_1796, %get3A_1797, %get3A_1798] {strides = array<i32>} : memref<1x80x512xf32, #tpu.memory_space<vmem>>, vector<16xf32>,
      %swap3A_1800 = arith.constant 0 : i32
      %swap3A_1801 = arith.constant 4 : i32
      %swap3A_1802 = arith.index_cast %swap3A_1800 : i32 to index
      %swap3A_1803 = arith.index_cast %swap3A_1801 : i32 to index
      %swap3A_1804 = arith.constant 272 : index
      %swap3A_1805 = tpu.vector_load %arg10[%swap3A_1802, %swap3A_1803, %swap3A_1804] {strides = array<i32>} : memref<1x5x512xf32, #tpu.memory_space<vmem>>, vector<16xf32>,
      tpu.vector_store %arg10[%swap3A_1802, %swap3A_1803, %swap3A_1804], %get3A_1799 {strides = array<i32>} : memref<1x5x512xf32, #tpu.memory_space<vmem>>, vector<16xf32>,
      %get3A_1806 = arith.constant 0 : i32
      %get3A_1807 = arith.constant 76 : i32
      %get3A_1808 = arith.index_cast %get3A_1806 : i32 to index
      %get3A_1809 = arith.index_cast %get3A_1807 : i32 to index
      %get3A_1810 = arith.constant 288 : index
      %get3A_1811 = tpu.vector_load %arg8[%get3A_1808, %get3A_1809, %get3A_1810] {strides = array<i32>} : memref<1x80x512xf32, #tpu.memory_space<vmem>>, vector<16xf32>,
      %swap3A_1812 = arith.constant 0 : i32
      %swap3A_1813 = arith.constant 4 : i32
      %swap3A_1814 = arith.index_cast %swap3A_1812 : i32 to index
      %swap3A_1815 = arith.index_cast %swap3A_1813 : i32 to index
      %swap3A_1816 = arith.constant 288 : index
      %swap3A_1817 = tpu.vector_load %arg10[%swap3A_1814, %swap3A_1815, %swap3A_1816] {strides = array<i32>} : memref<1x5x512xf32, #tpu.memory_space<vmem>>, vector<16xf32>,
      tpu.vector_store %arg10[%swap3A_1814, %swap3A_1815, %swap3A_1816], %get3A_1811 {strides = array<i32>} : memref<1x5x512xf32, #tpu.memory_space<vmem>>, vector<16xf32>,
      %get3A_1818 = arith.constant 0 : i32
      %get3A_1819 = arith.constant 76 : i32
      %get3A_1820 = arith.index_cast %get3A_1818 : i32 to index
      %get3A_1821 = arith.index_cast %get3A_1819 : i32 to index
      %get3A_1822 = arith.constant 304 : index
      %get3A_1823 = tpu.vector_load %arg8[%get3A_1820, %get3A_1821, %get3A_1822] {strides = array<i32>} : memref<1x80x512xf32, #tpu.memory_space<vmem>>, vector<16xf32>,
      %swap3A_1824 = arith.constant 0 : i32
      %swap3A_1825 = arith.constant 4 : i32
      %swap3A_1826 = arith.index_cast %swap3A_1824 : i32 to index
      %swap3A_1827 = arith.index_cast %swap3A_1825 : i32 to index
      %swap3A_1828 = arith.constant 304 : index
      %swap3A_1829 = tpu.vector_load %arg10[%swap3A_1826, %swap3A_1827, %swap3A_1828] {strides = array<i32>} : memref<1x5x512xf32, #tpu.memory_space<vmem>>, vector<16xf32>,
      tpu.vector_store %arg10[%swap3A_1826, %swap3A_1827, %swap3A_1828], %get3A_1823 {strides = array<i32>} : memref<1x5x512xf32, #tpu.memory_space<vmem>>, vector<16xf32>,
      %get3A_1830 = arith.constant 0 : i32
      %get3A_1831 = arith.constant 76 : i32
      %get3A_1832 = arith.index_cast %get3A_1830 : i32 to index
      %get3A_1833 = arith.index_cast %get3A_1831 : i32 to index
      %get3A_1834 = arith.constant 320 : index
      %get3A_1835 = tpu.vector_load %arg8[%get3A_1832, %get3A_1833, %get3A_1834] {strides = array<i32>} : memref<1x80x512xf32, #tpu.memory_space<vmem>>, vector<16xf32>,
      %swap3A_1836 = arith.constant 0 : i32
      %swap3A_1837 = arith.constant 4 : i32
      %swap3A_1838 = arith.index_cast %swap3A_1836 : i32 to index
      %swap3A_1839 = arith.index_cast %swap3A_1837 : i32 to index
      %swap3A_1840 = arith.constant 320 : index
      %swap3A_1841 = tpu.vector_load %arg10[%swap3A_1838, %swap3A_1839, %swap3A_1840] {strides = array<i32>} : memref<1x5x512xf32, #tpu.memory_space<vmem>>, vector<16xf32>,
      tpu.vector_store %arg10[%swap3A_1838, %swap3A_1839, %swap3A_1840], %get3A_1835 {strides = array<i32>} : memref<1x5x512xf32, #tpu.memory_space<vmem>>, vector<16xf32>,
      %get3A_1842 = arith.constant 0 : i32
      %get3A_1843 = arith.constant 76 : i32
      %get3A_1844 = arith.index_cast %get3A_1842 : i32 to index
      %get3A_1845 = arith.index_cast %get3A_1843 : i32 to index
      %get3A_1846 = arith.constant 336 : index
      %get3A_1847 = tpu.vector_load %arg8[%get3A_1844, %get3A_1845, %get3A_1846] {strides = array<i32>} : memref<1x80x512xf32, #tpu.memory_space<vmem>>, vector<16xf32>,
      %swap3A_1848 = arith.constant 0 : i32
      %swap3A_1849 = arith.constant 4 : i32
      %swap3A_1850 = arith.index_cast %swap3A_1848 : i32 to index
      %swap3A_1851 = arith.index_cast %swap3A_1849 : i32 to index
      %swap3A_1852 = arith.constant 336 : index
      %swap3A_1853 = tpu.vector_load %arg10[%swap3A_1850, %swap3A_1851, %swap3A_1852] {strides = array<i32>} : memref<1x5x512xf32, #tpu.memory_space<vmem>>, vector<16xf32>,
      tpu.vector_store %arg10[%swap3A_1850, %swap3A_1851, %swap3A_1852], %get3A_1847 {strides = array<i32>} : memref<1x5x512xf32, #tpu.memory_space<vmem>>, vector<16xf32>,
      %get3A_1854 = arith.constant 0 : i32
      %get3A_1855 = arith.constant 76 : i32
      %get3A_1856 = arith.index_cast %get3A_1854 : i32 to index
      %get3A_1857 = arith.index_cast %get3A_1855 : i32 to index
      %get3A_1858 = arith.constant 352 : index
      %get3A_1859 = tpu.vector_load %arg8[%get3A_1856, %get3A_1857, %get3A_1858] {strides = array<i32>} : memref<1x80x512xf32, #tpu.memory_space<vmem>>, vector<16xf32>,
      %swap3A_1860 = arith.constant 0 : i32
      %swap3A_1861 = arith.constant 4 : i32
      %swap3A_1862 = arith.index_cast %swap3A_1860 : i32 to index
      %swap3A_1863 = arith.index_cast %swap3A_1861 : i32 to index
      %swap3A_1864 = arith.constant 352 : index
      %swap3A_1865 = tpu.vector_load %arg10[%swap3A_1862, %swap3A_1863, %swap3A_1864] {strides = array<i32>} : memref<1x5x512xf32, #tpu.memory_space<vmem>>, vector<16xf32>,
      tpu.vector_store %arg10[%swap3A_1862, %swap3A_1863, %swap3A_1864], %get3A_1859 {strides = array<i32>} : memref<1x5x512xf32, #tpu.memory_space<vmem>>, vector<16xf32>,
      %get3A_1866 = arith.constant 0 : i32
      %get3A_1867 = arith.constant 76 : i32
      %get3A_1868 = arith.index_cast %get3A_1866 : i32 to index
      %get3A_1869 = arith.index_cast %get3A_1867 : i32 to index
      %get3A_1870 = arith.constant 368 : index
      %get3A_1871 = tpu.vector_load %arg8[%get3A_1868, %get3A_1869, %get3A_1870] {strides = array<i32>} : memref<1x80x512xf32, #tpu.memory_space<vmem>>, vector<16xf32>,
      %swap3A_1872 = arith.constant 0 : i32
      %swap3A_1873 = arith.constant 4 : i32
      %swap3A_1874 = arith.index_cast %swap3A_1872 : i32 to index
      %swap3A_1875 = arith.index_cast %swap3A_1873 : i32 to index
      %swap3A_1876 = arith.constant 368 : index
      %swap3A_1877 = tpu.vector_load %arg10[%swap3A_1874, %swap3A_1875, %swap3A_1876] {strides = array<i32>} : memref<1x5x512xf32, #tpu.memory_space<vmem>>, vector<16xf32>,
      tpu.vector_store %arg10[%swap3A_1874, %swap3A_1875, %swap3A_1876], %get3A_1871 {strides = array<i32>} : memref<1x5x512xf32, #tpu.memory_space<vmem>>, vector<16xf32>,
      %get3A_1878 = arith.constant 0 : i32
      %get3A_1879 = arith.constant 76 : i32
      %get3A_1880 = arith.index_cast %get3A_1878 : i32 to index
      %get3A_1881 = arith.index_cast %get3A_1879 : i32 to index
      %get3A_1882 = arith.constant 384 : index
      %get3A_1883 = tpu.vector_load %arg8[%get3A_1880, %get3A_1881, %get3A_1882] {strides = array<i32>} : memref<1x80x512xf32, #tpu.memory_space<vmem>>, vector<16xf32>,
      %swap3A_1884 = arith.constant 0 : i32
      %swap3A_1885 = arith.constant 4 : i32
      %swap3A_1886 = arith.index_cast %swap3A_1884 : i32 to index
      %swap3A_1887 = arith.index_cast %swap3A_1885 : i32 to index
      %swap3A_1888 = arith.constant 384 : index
      %swap3A_1889 = tpu.vector_load %arg10[%swap3A_1886, %swap3A_1887, %swap3A_1888] {strides = array<i32>} : memref<1x5x512xf32, #tpu.memory_space<vmem>>, vector<16xf32>,
      tpu.vector_store %arg10[%swap3A_1886, %swap3A_1887, %swap3A_1888], %get3A_1883 {strides = array<i32>} : memref<1x5x512xf32, #tpu.memory_space<vmem>>, vector<16xf32>,
      %get3A_1890 = arith.constant 0 : i32
      %get3A_1891 = arith.constant 76 : i32
      %get3A_1892 = arith.index_cast %get3A_1890 : i32 to index
      %get3A_1893 = arith.index_cast %get3A_1891 : i32 to index
      %get3A_1894 = arith.constant 400 : index
      %get3A_1895 = tpu.vector_load %arg8[%get3A_1892, %get3A_1893, %get3A_1894] {strides = array<i32>} : memref<1x80x512xf32, #tpu.memory_space<vmem>>, vector<16xf32>,
      %swap3A_1896 = arith.constant 0 : i32
      %swap3A_1897 = arith.constant 4 : i32
      %swap3A_1898 = arith.index_cast %swap3A_1896 : i32 to index
      %swap3A_1899 = arith.index_cast %swap3A_1897 : i32 to index
      %swap3A_1900 = arith.constant 400 : index
      %swap3A_1901 = tpu.vector_load %arg10[%swap3A_1898, %swap3A_1899, %swap3A_1900] {strides = array<i32>} : memref<1x5x512xf32, #tpu.memory_space<vmem>>, vector<16xf32>,
      tpu.vector_store %arg10[%swap3A_1898, %swap3A_1899, %swap3A_1900], %get3A_1895 {strides = array<i32>} : memref<1x5x512xf32, #tpu.memory_space<vmem>>, vector<16xf32>,
      %get3A_1902 = arith.constant 0 : i32
      %get3A_1903 = arith.constant 76 : i32
      %get3A_1904 = arith.index_cast %get3A_1902 : i32 to index
      %get3A_1905 = arith.index_cast %get3A_1903 : i32 to index
      %get3A_1906 = arith.constant 416 : index
      %get3A_1907 = tpu.vector_load %arg8[%get3A_1904, %get3A_1905, %get3A_1906] {strides = array<i32>} : memref<1x80x512xf32, #tpu.memory_space<vmem>>, vector<16xf32>,
      %swap3A_1908 = arith.constant 0 : i32
      %swap3A_1909 = arith.constant 4 : i32
      %swap3A_1910 = arith.index_cast %swap3A_1908 : i32 to index
      %swap3A_1911 = arith.index_cast %swap3A_1909 : i32 to index
      %swap3A_1912 = arith.constant 416 : index
      %swap3A_1913 = tpu.vector_load %arg10[%swap3A_1910, %swap3A_1911, %swap3A_1912] {strides = array<i32>} : memref<1x5x512xf32, #tpu.memory_space<vmem>>, vector<16xf32>,
      tpu.vector_store %arg10[%swap3A_1910, %swap3A_1911, %swap3A_1912], %get3A_1907 {strides = array<i32>} : memref<1x5x512xf32, #tpu.memory_space<vmem>>, vector<16xf32>,
      %get3A_1914 = arith.constant 0 : i32
      %get3A_1915 = arith.constant 76 : i32
      %get3A_1916 = arith.index_cast %get3A_1914 : i32 to index
      %get3A_1917 = arith.index_cast %get3A_1915 : i32 to index
      %get3A_1918 = arith.constant 432 : index
      %get3A_1919 = tpu.vector_load %arg8[%get3A_1916, %get3A_1917, %get3A_1918] {strides = array<i32>} : memref<1x80x512xf32, #tpu.memory_space<vmem>>, vector<16xf32>,
      %swap3A_1920 = arith.constant 0 : i32
      %swap3A_1921 = arith.constant 4 : i32
      %swap3A_1922 = arith.index_cast %swap3A_1920 : i32 to index
      %swap3A_1923 = arith.index_cast %swap3A_1921 : i32 to index
      %swap3A_1924 = arith.constant 432 : index
      %swap3A_1925 = tpu.vector_load %arg10[%swap3A_1922, %swap3A_1923, %swap3A_1924] {strides = array<i32>} : memref<1x5x512xf32, #tpu.memory_space<vmem>>, vector<16xf32>,
      tpu.vector_store %arg10[%swap3A_1922, %swap3A_1923, %swap3A_1924], %get3A_1919 {strides = array<i32>} : memref<1x5x512xf32, #tpu.memory_space<vmem>>, vector<16xf32>,
      %get3A_1926 = arith.constant 0 : i32
      %get3A_1927 = arith.constant 76 : i32
      %get3A_1928 = arith.index_cast %get3A_1926 : i32 to index
      %get3A_1929 = arith.index_cast %get3A_1927 : i32 to index
      %get3A_1930 = arith.constant 448 : index
      %get3A_1931 = tpu.vector_load %arg8[%get3A_1928, %get3A_1929, %get3A_1930] {strides = array<i32>} : memref<1x80x512xf32, #tpu.memory_space<vmem>>, vector<16xf32>,
      %swap3A_1932 = arith.constant 0 : i32
      %swap3A_1933 = arith.constant 4 : i32
      %swap3A_1934 = arith.index_cast %swap3A_1932 : i32 to index
      %swap3A_1935 = arith.index_cast %swap3A_1933 : i32 to index
      %swap3A_1936 = arith.constant 448 : index
      %swap3A_1937 = tpu.vector_load %arg10[%swap3A_1934, %swap3A_1935, %swap3A_1936] {strides = array<i32>} : memref<1x5x512xf32, #tpu.memory_space<vmem>>, vector<16xf32>,
      tpu.vector_store %arg10[%swap3A_1934, %swap3A_1935, %swap3A_1936], %get3A_1931 {strides = array<i32>} : memref<1x5x512xf32, #tpu.memory_space<vmem>>, vector<16xf32>,
      %get3A_1938 = arith.constant 0 : i32
      %get3A_1939 = arith.constant 76 : i32
      %get3A_1940 = arith.index_cast %get3A_1938 : i32 to index
      %get3A_1941 = arith.index_cast %get3A_1939 : i32 to index
      %get3A_1942 = arith.constant 464 : index
      %get3A_1943 = tpu.vector_load %arg8[%get3A_1940, %get3A_1941, %get3A_1942] {strides = array<i32>} : memref<1x80x512xf32, #tpu.memory_space<vmem>>, vector<16xf32>,
      %swap3A_1944 = arith.constant 0 : i32
      %swap3A_1945 = arith.constant 4 : i32
      %swap3A_1946 = arith.index_cast %swap3A_1944 : i32 to index
      %swap3A_1947 = arith.index_cast %swap3A_1945 : i32 to index
      %swap3A_1948 = arith.constant 464 : index
      %swap3A_1949 = tpu.vector_load %arg10[%swap3A_1946, %swap3A_1947, %swap3A_1948] {strides = array<i32>} : memref<1x5x512xf32, #tpu.memory_space<vmem>>, vector<16xf32>,
      tpu.vector_store %arg10[%swap3A_1946, %swap3A_1947, %swap3A_1948], %get3A_1943 {strides = array<i32>} : memref<1x5x512xf32, #tpu.memory_space<vmem>>, vector<16xf32>,
      %get3A_1950 = arith.constant 0 : i32
      %get3A_1951 = arith.constant 76 : i32
      %get3A_1952 = arith.index_cast %get3A_1950 : i32 to index
      %get3A_1953 = arith.index_cast %get3A_1951 : i32 to index
      %get3A_1954 = arith.constant 480 : index
      %get3A_1955 = tpu.vector_load %arg8[%get3A_1952, %get3A_1953, %get3A_1954] {strides = array<i32>} : memref<1x80x512xf32, #tpu.memory_space<vmem>>, vector<16xf32>,
      %swap3A_1956 = arith.constant 0 : i32
      %swap3A_1957 = arith.constant 4 : i32
      %swap3A_1958 = arith.index_cast %swap3A_1956 : i32 to index
      %swap3A_1959 = arith.index_cast %swap3A_1957 : i32 to index
      %swap3A_1960 = arith.constant 480 : index
      %swap3A_1961 = tpu.vector_load %arg10[%swap3A_1958, %swap3A_1959, %swap3A_1960] {strides = array<i32>} : memref<1x5x512xf32, #tpu.memory_space<vmem>>, vector<16xf32>,
      tpu.vector_store %arg10[%swap3A_1958, %swap3A_1959, %swap3A_1960], %get3A_1955 {strides = array<i32>} : memref<1x5x512xf32, #tpu.memory_space<vmem>>, vector<16xf32>,
      %get3A_1962 = arith.constant 0 : i32
      %get3A_1963 = arith.constant 76 : i32
      %get3A_1964 = arith.index_cast %get3A_1962 : i32 to index
      %get3A_1965 = arith.index_cast %get3A_1963 : i32 to index
      %get3A_1966 = arith.constant 496 : index
      %get3A_1967 = tpu.vector_load %arg8[%get3A_1964, %get3A_1965, %get3A_1966] {strides = array<i32>} : memref<1x80x512xf32, #tpu.memory_space<vmem>>, vector<16xf32>,
      %swap3A_1968 = arith.constant 0 : i32
      %swap3A_1969 = arith.constant 4 : i32
      %swap3A_1970 = arith.index_cast %swap3A_1968 : i32 to index
      %swap3A_1971 = arith.index_cast %swap3A_1969 : i32 to index
      %swap3A_1972 = arith.constant 496 : index
      %swap3A_1973 = tpu.vector_load %arg10[%swap3A_1970, %swap3A_1971, %swap3A_1972] {strides = array<i32>} : memref<1x5x512xf32, #tpu.memory_space<vmem>>, vector<16xf32>,
      tpu.vector_store %arg10[%swap3A_1970, %swap3A_1971, %swap3A_1972], %get3A_1967 {strides = array<i32>} : memref<1x5x512xf32, #tpu.memory_space<vmem>>, vector<16xf32>,
      %add3A_1974 = arith.addi %mul3A_2, %add3A_34 : i32
      %dma_start3A_1975 = arith.constant 72 : i32
      %dma_start3A_1976 = arith.constant 0 : i32
      %dma_start3A_1977 = tpu.memref_slice %arg4[%add3A_1974, %dma_start3A_1975, %dma_start3A_1976] : memref<4096x77x512xf32, #tpu.memory_space<hbm>> -> memref<1x5x512xf32, #tpu.memory_space<hbm>>
      %dma_start3A_1978 = arith.constant 72 : i32
      %dma_start3A_1979 = arith.constant 0 : i32
      %dma_start3A_1980 = tpu.memref_slice %arg4[%add3A_1974, %dma_start3A_1978, %dma_start3A_1979] : memref<4096x77x512xf32, #tpu.memory_space<hbm>> -> memref<1x5x512xf32, #tpu.memory_space<hbm>>
      tpu.enqueue_dma source(%arg10 : memref<1x5x512xf32, #tpu.memory_space<vmem>>) target(%dma_start3A_1980 : memref<1x5x512xf32, #tpu.memory_space<hbm>>) target_semaphore(%arg14 : memref<!tpu.dma_semaphore, #tpu.memory_space<semaphore_mem>>)
      %dma_wait3A_1981 = arith.constant 0 : i32
      %dma_wait3A_1982 = arith.constant 0 : i32
      %dma_wait3A_1983 = arith.constant 0 : i32
      %dma_wait3A_1984 = tpu.memref_slice %arg8[%dma_wait3A_1981, %dma_wait3A_1982, %dma_wait3A_1983] : memref<1x80x512xf32, #tpu.memory_space<vmem>> -> memref<1x72x512xf32, #tpu.memory_space<vmem>>
      %dma_wait3A_1985 = arith.constant 0 : i32
      %dma_wait3A_1986 = arith.constant 0 : i32
      %dma_wait3A_1987 = tpu.memref_slice %arg4[%add3A_40, %dma_wait3A_1985, %dma_wait3A_1986] : memref<4096x77x512xf32, #tpu.memory_space<hbm>> -> memref<1x72x512xf32, #tpu.memory_space<hbm>>
      %dma_wait3A_1988 = arith.constant 0 : i32
      %dma_wait3A_1989 = arith.constant 0 : i32
      %dma_wait3A_1990 = tpu.memref_slice %arg4[%add3A_40, %dma_wait3A_1988, %dma_wait3A_1989] : memref<4096x77x512xf32, #tpu.memory_space<hbm>> -> memref<1x72x512xf32, #tpu.memory_space<hbm>>
      %dma_wait3A_1991 = arith.constant 0 : i32
      %dma_wait3A_1992 = arith.constant 0 : i32
      %dma_wait3A_1993 = arith.constant 0 : i32
      %dma_wait3A_1994 = tpu.memref_slice %arg8[%dma_wait3A_1991, %dma_wait3A_1992, %dma_wait3A_1993] : memref<1x80x512xf32, #tpu.memory_space<vmem>> -> memref<1x72x512xf32, #tpu.memory_space<vmem>>
      tpu.wait_dma2 semaphore(%arg14 : memref<!tpu.dma_semaphore, #tpu.memory_space<semaphore_mem>>) src(%dma_wait3A_1994 : memref<1x72x512xf32, #tpu.memory_space<vmem>>) dst(%dma_wait3A_1990 : memref<1x72x512xf32, #tpu.memory_space<hbm>>)
      %dma_wait3A_1995 = arith.constant 72 : i32
      %dma_wait3A_1996 = arith.constant 0 : i32
      %dma_wait3A_1997 = tpu.memref_slice %arg4[%add3A_1974, %dma_wait3A_1995, %dma_wait3A_1996] : memref<4096x77x512xf32, #tpu.memory_space<hbm>> -> memref<1x5x512xf32, #tpu.memory_space<hbm>>
      %dma_wait3A_1998 = arith.constant 72 : i32
      %dma_wait3A_1999 = arith.constant 0 : i32
      %dma_wait3A_2000 = tpu.memref_slice %arg4[%add3A_1974, %dma_wait3A_1998, %dma_wait3A_1999] : memref<4096x77x512xf32, #tpu.memory_space<hbm>> -> memref<1x5x512xf32, #tpu.memory_space<hbm>>
      tpu.wait_dma2 semaphore(%arg14 : memref<!tpu.dma_semaphore, #tpu.memory_space<semaphore_mem>>) src(%arg10 : memref<1x5x512xf32, #tpu.memory_space<vmem>>) dst(%dma_wait3A_2000 : memref<1x5x512xf32, #tpu.memory_space<hbm>>)
      %add3A_2001 = arith.constant 2 : i32
      %add3A_2002 = arith.addi %add3A_34, %add3A_2001 : i32
      %lt3A = arith.constant 128 : i32
      %lt3A_2003 = arith.cmpi slt, %add3A_2002, %lt3A : i32
      %convert_element_type3A = arith.extui %lt3A_2003 : i1 to i32
      %cond3A = arith.constant 0 : i32
      %cond3A_2004 = arith.cmpi ne, %convert_element_type3A, %cond3A : i32
      scf.if %cond3A_2004 {
        %add3A_3985 = arith.constant 2 : i32
        %add3A_3986 = arith.addi %add3A_34, %add3A_3985 : i32
        %broadcast_in_dim3A_3987 = vector.broadcast %add3A_3986 : i32 to vector<16xi32>
        %gather3A_3988 = tpu.vector_load_idx %arg5[%broadcast_in_dim3A_3, %broadcast_in_dim3A_3987] : memref<1x128xi32, #tpu.memory_space<vmem>>[vector<16xi32>, vector<16xi32>], vector<16xi32>,
        %swap3A_3989 = arith.constant 0 : index
        %swap3A_3990 = tpu.vector_load %arg6[%swap3A_3989] {strides = array<i32>} : memref<16xi32, #tpu.memory_space<vmem>>, vector<16xi32>,
        tpu.vector_store %arg6[%swap3A_3989], %gather3A_3988 {strides = array<i32>} : memref<16xi32, #tpu.memory_space<vmem>>, vector<16xi32>,
        %dma_start3A_3991 = arith.constant 0 : i32
        %dma_start3A_3992 = tpu.memref_slice %arg6[%dma_start3A_3991] : memref<16xi32, #tpu.memory_space<vmem>> -> memref<1xi32, #tpu.memory_space<vmem>>
        %dma_start3A_3993 = arith.constant 0 : i32
        %dma_start3A_3994 = arith.constant 0 : i32
        %dma_start3A_3995 = arith.constant 0 : i32
        %dma_start3A_3996 = tpu.memref_slice %arg3[%dma_start3A_3993, %dma_start3A_3994, %dma_start3A_3995] : memref<1000x80x512xf32, #tpu.memory_space<hbm>> -> memref<1000x80x512xf32, #tpu.memory_space<hbm>>
        tpu.enqueue_indirect_dma source(%dma_start3A_3996 : memref<1000x80x512xf32, #tpu.memory_space<hbm>>) target(%arg8 : memref<1x80x512xf32, #tpu.memory_space<vmem>>) offsets(%dma_start3A_3992 : memref<1xi32, #tpu.memory_space<vmem>>) semaphore(%arg12 : memref<!tpu.dma_semaphore, #tpu.memory_space<semaphore_mem>>)
      } else {
      }
      %mul3A_2005 = arith.constant 2 : i32
      %mul3A_2006 = arith.muli %mul3A_2005, %scan3A_29 : i32
      %add3A_2007 = arith.constant 1 : i32
      %add3A_2008 = arith.addi %mul3A_2006, %add3A_2007 : i32
      %dma_wait3A_2009 = arith.constant 0 : i32
      %dma_wait3A_2010 = tpu.memref_slice %arg7[%dma_wait3A_2009] : memref<16xi32, #tpu.memory_space<vmem>> -> memref<1xi32, #tpu.memory_space<vmem>>
      %dma_wait3A_2011 = arith.constant 0 : i32
      %dma_wait3A_2012 = arith.constant 0 : i32
      %dma_wait3A_2013 = arith.constant 0 : i32
      %dma_wait3A_2014 = tpu.memref_slice %arg3[%dma_wait3A_2011, %dma_wait3A_2012, %dma_wait3A_2013] : memref<1000x80x512xf32, #tpu.memory_space<hbm>> -> memref<1000x80x512xf32, #tpu.memory_space<hbm>>
      tpu.wait_indirect_dma semaphore(%arg13 : memref<!tpu.dma_semaphore, #tpu.memory_space<semaphore_mem>>) src(%dma_wait3A_2014 : memref<1000x80x512xf32, #tpu.memory_space<hbm>>) dst(%arg9 : memref<1x80x512xf32, #tpu.memory_space<vmem>>)
      %add3A_2015 = arith.addi %mul3A_2, %add3A_2008 : i32
      %dma_start3A_2016 = arith.constant 0 : i32
      %dma_start3A_2017 = arith.constant 0 : i32
      %dma_start3A_2018 = arith.constant 0 : i32
      %dma_start3A_2019 = tpu.memref_slice %arg9[%dma_start3A_2016, %dma_start3A_2017, %dma_start3A_2018] : memref<1x80x512xf32, #tpu.memory_space<vmem>> -> memref<1x72x512xf32, #tpu.memory_space<vmem>>
      %dma_start3A_2020 = arith.constant 0 : i32
      %dma_start3A_2021 = arith.constant 0 : i32
      %dma_start3A_2022 = tpu.memref_slice %arg4[%add3A_2015, %dma_start3A_2020, %dma_start3A_2021] : memref<4096x77x512xf32, #tpu.memory_space<hbm>> -> memref<1x72x512xf32, #tpu.memory_space<hbm>>
      %dma_start3A_2023 = arith.constant 0 : i32
      %dma_start3A_2024 = arith.constant 0 : i32
      %dma_start3A_2025 = tpu.memref_slice %arg4[%add3A_2015, %dma_start3A_2023, %dma_start3A_2024] : memref<4096x77x512xf32, #tpu.memory_space<hbm>> -> memref<1x72x512xf32, #tpu.memory_space<hbm>>
      %dma_start3A_2026 = arith.constant 0 : i32
      %dma_start3A_2027 = arith.constant 0 : i32
      %dma_start3A_2028 = arith.constant 0 : i32
      %dma_start3A_2029 = tpu.memref_slice %arg9[%dma_start3A_2026, %dma_start3A_2027, %dma_start3A_2028] : memref<1x80x512xf32, #tpu.memory_space<vmem>> -> memref<1x72x512xf32, #tpu.memory_space<vmem>>
      tpu.enqueue_dma source(%dma_start3A_2029 : memref<1x72x512xf32, #tpu.memory_space<vmem>>) target(%dma_start3A_2025 : memref<1x72x512xf32, #tpu.memory_space<hbm>>) target_semaphore(%arg15 : memref<!tpu.dma_semaphore, #tpu.memory_space<semaphore_mem>>)
      %get3A_2030 = arith.constant 0 : i32
      %get3A_2031 = arith.constant 72 : i32
      %get3A_2032 = arith.index_cast %get3A_2030 : i32 to index
      %get3A_2033 = arith.index_cast %get3A_2031 : i32 to index
      %get3A_2034 = arith.constant 0 : index
      %get3A_2035 = tpu.vector_load %arg9[%get3A_2032, %get3A_2033, %get3A_2034] {strides = array<i32>} : memref<1x80x512xf32, #tpu.memory_space<vmem>>, vector<16xf32>,
      %swap3A_2036 = arith.constant 0 : i32
      %swap3A_2037 = arith.constant 0 : i32
      %swap3A_2038 = arith.index_cast %swap3A_2036 : i32 to index
      %swap3A_2039 = arith.index_cast %swap3A_2037 : i32 to index
      %swap3A_2040 = arith.constant 0 : index
      %swap3A_2041 = tpu.vector_load %arg11[%swap3A_2038, %swap3A_2039, %swap3A_2040] {strides = array<i32>} : memref<1x5x512xf32, #tpu.memory_space<vmem>>, vector<16xf32>,
      tpu.vector_store %arg11[%swap3A_2038, %swap3A_2039, %swap3A_2040], %get3A_2035 {strides = array<i32>} : memref<1x5x512xf32, #tpu.memory_space<vmem>>, vector<16xf32>,
      %get3A_2042 = arith.constant 0 : i32
      %get3A_2043 = arith.constant 72 : i32
      %get3A_2044 = arith.index_cast %get3A_2042 : i32 to index
      %get3A_2045 = arith.index_cast %get3A_2043 : i32 to index
      %get3A_2046 = arith.constant 16 : index
      %get3A_2047 = tpu.vector_load %arg9[%get3A_2044, %get3A_2045, %get3A_2046] {strides = array<i32>} : memref<1x80x512xf32, #tpu.memory_space<vmem>>, vector<16xf32>,
      %swap3A_2048 = arith.constant 0 : i32
      %swap3A_2049 = arith.constant 0 : i32
      %swap3A_2050 = arith.index_cast %swap3A_2048 : i32 to index
      %swap3A_2051 = arith.index_cast %swap3A_2049 : i32 to index
      %swap3A_2052 = arith.constant 16 : index
      %swap3A_2053 = tpu.vector_load %arg11[%swap3A_2050, %swap3A_2051, %swap3A_2052] {strides = array<i32>} : memref<1x5x512xf32, #tpu.memory_space<vmem>>, vector<16xf32>,
      tpu.vector_store %arg11[%swap3A_2050, %swap3A_2051, %swap3A_2052], %get3A_2047 {strides = array<i32>} : memref<1x5x512xf32, #tpu.memory_space<vmem>>, vector<16xf32>,
      %get3A_2054 = arith.constant 0 : i32
      %get3A_2055 = arith.constant 72 : i32
      %get3A_2056 = arith.index_cast %get3A_2054 : i32 to index
      %get3A_2057 = arith.index_cast %get3A_2055 : i32 to index
      %get3A_2058 = arith.constant 32 : index
      %get3A_2059 = tpu.vector_load %arg9[%get3A_2056, %get3A_2057, %get3A_2058] {strides = array<i32>} : memref<1x80x512xf32, #tpu.memory_space<vmem>>, vector<16xf32>,
      %swap3A_2060 = arith.constant 0 : i32
      %swap3A_2061 = arith.constant 0 : i32
      %swap3A_2062 = arith.index_cast %swap3A_2060 : i32 to index
      %swap3A_2063 = arith.index_cast %swap3A_2061 : i32 to index
      %swap3A_2064 = arith.constant 32 : index
      %swap3A_2065 = tpu.vector_load %arg11[%swap3A_2062, %swap3A_2063, %swap3A_2064] {strides = array<i32>} : memref<1x5x512xf32, #tpu.memory_space<vmem>>, vector<16xf32>,
      tpu.vector_store %arg11[%swap3A_2062, %swap3A_2063, %swap3A_2064], %get3A_2059 {strides = array<i32>} : memref<1x5x512xf32, #tpu.memory_space<vmem>>, vector<16xf32>,
      %get3A_2066 = arith.constant 0 : i32
      %get3A_2067 = arith.constant 72 : i32
      %get3A_2068 = arith.index_cast %get3A_2066 : i32 to index
      %get3A_2069 = arith.index_cast %get3A_2067 : i32 to index
      %get3A_2070 = arith.constant 48 : index
      %get3A_2071 = tpu.vector_load %arg9[%get3A_2068, %get3A_2069, %get3A_2070] {strides = array<i32>} : memref<1x80x512xf32, #tpu.memory_space<vmem>>, vector<16xf32>,
      %swap3A_2072 = arith.constant 0 : i32
      %swap3A_2073 = arith.constant 0 : i32
      %swap3A_2074 = arith.index_cast %swap3A_2072 : i32 to index
      %swap3A_2075 = arith.index_cast %swap3A_2073 : i32 to index
      %swap3A_2076 = arith.constant 48 : index
      %swap3A_2077 = tpu.vector_load %arg11[%swap3A_2074, %swap3A_2075, %swap3A_2076] {strides = array<i32>} : memref<1x5x512xf32, #tpu.memory_space<vmem>>, vector<16xf32>,
      tpu.vector_store %arg11[%swap3A_2074, %swap3A_2075, %swap3A_2076], %get3A_2071 {strides = array<i32>} : memref<1x5x512xf32, #tpu.memory_space<vmem>>, vector<16xf32>,
      %get3A_2078 = arith.constant 0 : i32
      %get3A_2079 = arith.constant 72 : i32
      %get3A_2080 = arith.index_cast %get3A_2078 : i32 to index
      %get3A_2081 = arith.index_cast %get3A_2079 : i32 to index
      %get3A_2082 = arith.constant 64 : index
      %get3A_2083 = tpu.vector_load %arg9[%get3A_2080, %get3A_2081, %get3A_2082] {strides = array<i32>} : memref<1x80x512xf32, #tpu.memory_space<vmem>>, vector<16xf32>,
      %swap3A_2084 = arith.constant 0 : i32
      %swap3A_2085 = arith.constant 0 : i32
      %swap3A_2086 = arith.index_cast %swap3A_2084 : i32 to index
      %swap3A_2087 = arith.index_cast %swap3A_2085 : i32 to index
      %swap3A_2088 = arith.constant 64 : index
      %swap3A_2089 = tpu.vector_load %arg11[%swap3A_2086, %swap3A_2087, %swap3A_2088] {strides = array<i32>} : memref<1x5x512xf32, #tpu.memory_space<vmem>>, vector<16xf32>,
      tpu.vector_store %arg11[%swap3A_2086, %swap3A_2087, %swap3A_2088], %get3A_2083 {strides = array<i32>} : memref<1x5x512xf32, #tpu.memory_space<vmem>>, vector<16xf32>,
      %get3A_2090 = arith.constant 0 : i32
      %get3A_2091 = arith.constant 72 : i32
      %get3A_2092 = arith.index_cast %get3A_2090 : i32 to index
      %get3A_2093 = arith.index_cast %get3A_2091 : i32 to index
      %get3A_2094 = arith.constant 80 : index
      %get3A_2095 = tpu.vector_load %arg9[%get3A_2092, %get3A_2093, %get3A_2094] {strides = array<i32>} : memref<1x80x512xf32, #tpu.memory_space<vmem>>, vector<16xf32>,
      %swap3A_2096 = arith.constant 0 : i32
      %swap3A_2097 = arith.constant 0 : i32
      %swap3A_2098 = arith.index_cast %swap3A_2096 : i32 to index
      %swap3A_2099 = arith.index_cast %swap3A_2097 : i32 to index
      %swap3A_2100 = arith.constant 80 : index
      %swap3A_2101 = tpu.vector_load %arg11[%swap3A_2098, %swap3A_2099, %swap3A_2100] {strides = array<i32>} : memref<1x5x512xf32, #tpu.memory_space<vmem>>, vector<16xf32>,
      tpu.vector_store %arg11[%swap3A_2098, %swap3A_2099, %swap3A_2100], %get3A_2095 {strides = array<i32>} : memref<1x5x512xf32, #tpu.memory_space<vmem>>, vector<16xf32>,
      %get3A_2102 = arith.constant 0 : i32
      %get3A_2103 = arith.constant 72 : i32
      %get3A_2104 = arith.index_cast %get3A_2102 : i32 to index
      %get3A_2105 = arith.index_cast %get3A_2103 : i32 to index
      %get3A_2106 = arith.constant 96 : index
      %get3A_2107 = tpu.vector_load %arg9[%get3A_2104, %get3A_2105, %get3A_2106] {strides = array<i32>} : memref<1x80x512xf32, #tpu.memory_space<vmem>>, vector<16xf32>,
      %swap3A_2108 = arith.constant 0 : i32
      %swap3A_2109 = arith.constant 0 : i32
      %swap3A_2110 = arith.index_cast %swap3A_2108 : i32 to index
      %swap3A_2111 = arith.index_cast %swap3A_2109 : i32 to index
      %swap3A_2112 = arith.constant 96 : index
      %swap3A_2113 = tpu.vector_load %arg11[%swap3A_2110, %swap3A_2111, %swap3A_2112] {strides = array<i32>} : memref<1x5x512xf32, #tpu.memory_space<vmem>>, vector<16xf32>,
      tpu.vector_store %arg11[%swap3A_2110, %swap3A_2111, %swap3A_2112], %get3A_2107 {strides = array<i32>} : memref<1x5x512xf32, #tpu.memory_space<vmem>>, vector<16xf32>,
      %get3A_2114 = arith.constant 0 : i32
      %get3A_2115 = arith.constant 72 : i32
      %get3A_2116 = arith.index_cast %get3A_2114 : i32 to index
      %get3A_2117 = arith.index_cast %get3A_2115 : i32 to index
      %get3A_2118 = arith.constant 112 : index
      %get3A_2119 = tpu.vector_load %arg9[%get3A_2116, %get3A_2117, %get3A_2118] {strides = array<i32>} : memref<1x80x512xf32, #tpu.memory_space<vmem>>, vector<16xf32>,
      %swap3A_2120 = arith.constant 0 : i32
      %swap3A_2121 = arith.constant 0 : i32
      %swap3A_2122 = arith.index_cast %swap3A_2120 : i32 to index
      %swap3A_2123 = arith.index_cast %swap3A_2121 : i32 to index
      %swap3A_2124 = arith.constant 112 : index
      %swap3A_2125 = tpu.vector_load %arg11[%swap3A_2122, %swap3A_2123, %swap3A_2124] {strides = array<i32>} : memref<1x5x512xf32, #tpu.memory_space<vmem>>, vector<16xf32>,
      tpu.vector_store %arg11[%swap3A_2122, %swap3A_2123, %swap3A_2124], %get3A_2119 {strides = array<i32>} : memref<1x5x512xf32, #tpu.memory_space<vmem>>, vector<16xf32>,
      %get3A_2126 = arith.constant 0 : i32
      %get3A_2127 = arith.constant 72 : i32
      %get3A_2128 = arith.index_cast %get3A_2126 : i32 to index
      %get3A_2129 = arith.index_cast %get3A_2127 : i32 to index
      %get3A_2130 = arith.constant 128 : index
      %get3A_2131 = tpu.vector_load %arg9[%get3A_2128, %get3A_2129, %get3A_2130] {strides = array<i32>} : memref<1x80x512xf32, #tpu.memory_space<vmem>>, vector<16xf32>,
      %swap3A_2132 = arith.constant 0 : i32
      %swap3A_2133 = arith.constant 0 : i32
      %swap3A_2134 = arith.index_cast %swap3A_2132 : i32 to index
      %swap3A_2135 = arith.index_cast %swap3A_2133 : i32 to index
      %swap3A_2136 = arith.constant 128 : index
      %swap3A_2137 = tpu.vector_load %arg11[%swap3A_2134, %swap3A_2135, %swap3A_2136] {strides = array<i32>} : memref<1x5x512xf32, #tpu.memory_space<vmem>>, vector<16xf32>,
      tpu.vector_store %arg11[%swap3A_2134, %swap3A_2135, %swap3A_2136], %get3A_2131 {strides = array<i32>} : memref<1x5x512xf32, #tpu.memory_space<vmem>>, vector<16xf32>,
      %get3A_2138 = arith.constant 0 : i32
      %get3A_2139 = arith.constant 72 : i32
      %get3A_2140 = arith.index_cast %get3A_2138 : i32 to index
      %get3A_2141 = arith.index_cast %get3A_2139 : i32 to index
      %get3A_2142 = arith.constant 144 : index
      %get3A_2143 = tpu.vector_load %arg9[%get3A_2140, %get3A_2141, %get3A_2142] {strides = array<i32>} : memref<1x80x512xf32, #tpu.memory_space<vmem>>, vector<16xf32>,
      %swap3A_2144 = arith.constant 0 : i32
      %swap3A_2145 = arith.constant 0 : i32
      %swap3A_2146 = arith.index_cast %swap3A_2144 : i32 to index
      %swap3A_2147 = arith.index_cast %swap3A_2145 : i32 to index
      %swap3A_2148 = arith.constant 144 : index
      %swap3A_2149 = tpu.vector_load %arg11[%swap3A_2146, %swap3A_2147, %swap3A_2148] {strides = array<i32>} : memref<1x5x512xf32, #tpu.memory_space<vmem>>, vector<16xf32>,
      tpu.vector_store %arg11[%swap3A_2146, %swap3A_2147, %swap3A_2148], %get3A_2143 {strides = array<i32>} : memref<1x5x512xf32, #tpu.memory_space<vmem>>, vector<16xf32>,
      %get3A_2150 = arith.constant 0 : i32
      %get3A_2151 = arith.constant 72 : i32
      %get3A_2152 = arith.index_cast %get3A_2150 : i32 to index
      %get3A_2153 = arith.index_cast %get3A_2151 : i32 to index
      %get3A_2154 = arith.constant 160 : index
      %get3A_2155 = tpu.vector_load %arg9[%get3A_2152, %get3A_2153, %get3A_2154] {strides = array<i32>} : memref<1x80x512xf32, #tpu.memory_space<vmem>>, vector<16xf32>,
      %swap3A_2156 = arith.constant 0 : i32
      %swap3A_2157 = arith.constant 0 : i32
      %swap3A_2158 = arith.index_cast %swap3A_2156 : i32 to index
      %swap3A_2159 = arith.index_cast %swap3A_2157 : i32 to index
      %swap3A_2160 = arith.constant 160 : index
      %swap3A_2161 = tpu.vector_load %arg11[%swap3A_2158, %swap3A_2159, %swap3A_2160] {strides = array<i32>} : memref<1x5x512xf32, #tpu.memory_space<vmem>>, vector<16xf32>,
      tpu.vector_store %arg11[%swap3A_2158, %swap3A_2159, %swap3A_2160], %get3A_2155 {strides = array<i32>} : memref<1x5x512xf32, #tpu.memory_space<vmem>>, vector<16xf32>,
      %get3A_2162 = arith.constant 0 : i32
      %get3A_2163 = arith.constant 72 : i32
      %get3A_2164 = arith.index_cast %get3A_2162 : i32 to index
      %get3A_2165 = arith.index_cast %get3A_2163 : i32 to index
      %get3A_2166 = arith.constant 176 : index
      %get3A_2167 = tpu.vector_load %arg9[%get3A_2164, %get3A_2165, %get3A_2166] {strides = array<i32>} : memref<1x80x512xf32, #tpu.memory_space<vmem>>, vector<16xf32>,
      %swap3A_2168 = arith.constant 0 : i32
      %swap3A_2169 = arith.constant 0 : i32
      %swap3A_2170 = arith.index_cast %swap3A_2168 : i32 to index
      %swap3A_2171 = arith.index_cast %swap3A_2169 : i32 to index
      %swap3A_2172 = arith.constant 176 : index
      %swap3A_2173 = tpu.vector_load %arg11[%swap3A_2170, %swap3A_2171, %swap3A_2172] {strides = array<i32>} : memref<1x5x512xf32, #tpu.memory_space<vmem>>, vector<16xf32>,
      tpu.vector_store %arg11[%swap3A_2170, %swap3A_2171, %swap3A_2172], %get3A_2167 {strides = array<i32>} : memref<1x5x512xf32, #tpu.memory_space<vmem>>, vector<16xf32>,
      %get3A_2174 = arith.constant 0 : i32
      %get3A_2175 = arith.constant 72 : i32
      %get3A_2176 = arith.index_cast %get3A_2174 : i32 to index
      %get3A_2177 = arith.index_cast %get3A_2175 : i32 to index
      %get3A_2178 = arith.constant 192 : index
      %get3A_2179 = tpu.vector_load %arg9[%get3A_2176, %get3A_2177, %get3A_2178] {strides = array<i32>} : memref<1x80x512xf32, #tpu.memory_space<vmem>>, vector<16xf32>,
      %swap3A_2180 = arith.constant 0 : i32
      %swap3A_2181 = arith.constant 0 : i32
      %swap3A_2182 = arith.index_cast %swap3A_2180 : i32 to index
      %swap3A_2183 = arith.index_cast %swap3A_2181 : i32 to index
      %swap3A_2184 = arith.constant 192 : index
      %swap3A_2185 = tpu.vector_load %arg11[%swap3A_2182, %swap3A_2183, %swap3A_2184] {strides = array<i32>} : memref<1x5x512xf32, #tpu.memory_space<vmem>>, vector<16xf32>,
      tpu.vector_store %arg11[%swap3A_2182, %swap3A_2183, %swap3A_2184], %get3A_2179 {strides = array<i32>} : memref<1x5x512xf32, #tpu.memory_space<vmem>>, vector<16xf32>,
      %get3A_2186 = arith.constant 0 : i32
      %get3A_2187 = arith.constant 72 : i32
      %get3A_2188 = arith.index_cast %get3A_2186 : i32 to index
      %get3A_2189 = arith.index_cast %get3A_2187 : i32 to index
      %get3A_2190 = arith.constant 208 : index
      %get3A_2191 = tpu.vector_load %arg9[%get3A_2188, %get3A_2189, %get3A_2190] {strides = array<i32>} : memref<1x80x512xf32, #tpu.memory_space<vmem>>, vector<16xf32>,
      %swap3A_2192 = arith.constant 0 : i32
      %swap3A_2193 = arith.constant 0 : i32
      %swap3A_2194 = arith.index_cast %swap3A_2192 : i32 to index
      %swap3A_2195 = arith.index_cast %swap3A_2193 : i32 to index
      %swap3A_2196 = arith.constant 208 : index
      %swap3A_2197 = tpu.vector_load %arg11[%swap3A_2194, %swap3A_2195, %swap3A_2196] {strides = array<i32>} : memref<1x5x512xf32, #tpu.memory_space<vmem>>, vector<16xf32>,
      tpu.vector_store %arg11[%swap3A_2194, %swap3A_2195, %swap3A_2196], %get3A_2191 {strides = array<i32>} : memref<1x5x512xf32, #tpu.memory_space<vmem>>, vector<16xf32>,
      %get3A_2198 = arith.constant 0 : i32
      %get3A_2199 = arith.constant 72 : i32
      %get3A_2200 = arith.index_cast %get3A_2198 : i32 to index
      %get3A_2201 = arith.index_cast %get3A_2199 : i32 to index
      %get3A_2202 = arith.constant 224 : index
      %get3A_2203 = tpu.vector_load %arg9[%get3A_2200, %get3A_2201, %get3A_2202] {strides = array<i32>} : memref<1x80x512xf32, #tpu.memory_space<vmem>>, vector<16xf32>,
      %swap3A_2204 = arith.constant 0 : i32
      %swap3A_2205 = arith.constant 0 : i32
      %swap3A_2206 = arith.index_cast %swap3A_2204 : i32 to index
      %swap3A_2207 = arith.index_cast %swap3A_2205 : i32 to index
      %swap3A_2208 = arith.constant 224 : index
      %swap3A_2209 = tpu.vector_load %arg11[%swap3A_2206, %swap3A_2207, %swap3A_2208] {strides = array<i32>} : memref<1x5x512xf32, #tpu.memory_space<vmem>>, vector<16xf32>,
      tpu.vector_store %arg11[%swap3A_2206, %swap3A_2207, %swap3A_2208], %get3A_2203 {strides = array<i32>} : memref<1x5x512xf32, #tpu.memory_space<vmem>>, vector<16xf32>,
      %get3A_2210 = arith.constant 0 : i32
      %get3A_2211 = arith.constant 72 : i32
      %get3A_2212 = arith.index_cast %get3A_2210 : i32 to index
      %get3A_2213 = arith.index_cast %get3A_2211 : i32 to index
      %get3A_2214 = arith.constant 240 : index
      %get3A_2215 = tpu.vector_load %arg9[%get3A_2212, %get3A_2213, %get3A_2214] {strides = array<i32>} : memref<1x80x512xf32, #tpu.memory_space<vmem>>, vector<16xf32>,
      %swap3A_2216 = arith.constant 0 : i32
      %swap3A_2217 = arith.constant 0 : i32
      %swap3A_2218 = arith.index_cast %swap3A_2216 : i32 to index
      %swap3A_2219 = arith.index_cast %swap3A_2217 : i32 to index
      %swap3A_2220 = arith.constant 240 : index
      %swap3A_2221 = tpu.vector_load %arg11[%swap3A_2218, %swap3A_2219, %swap3A_2220] {strides = array<i32>} : memref<1x5x512xf32, #tpu.memory_space<vmem>>, vector<16xf32>,
      tpu.vector_store %arg11[%swap3A_2218, %swap3A_2219, %swap3A_2220], %get3A_2215 {strides = array<i32>} : memref<1x5x512xf32, #tpu.memory_space<vmem>>, vector<16xf32>,
      %get3A_2222 = arith.constant 0 : i32
      %get3A_2223 = arith.constant 72 : i32
      %get3A_2224 = arith.index_cast %get3A_2222 : i32 to index
      %get3A_2225 = arith.index_cast %get3A_2223 : i32 to index
      %get3A_2226 = arith.constant 256 : index
      %get3A_2227 = tpu.vector_load %arg9[%get3A_2224, %get3A_2225, %get3A_2226] {strides = array<i32>} : memref<1x80x512xf32, #tpu.memory_space<vmem>>, vector<16xf32>,
      %swap3A_2228 = arith.constant 0 : i32
      %swap3A_2229 = arith.constant 0 : i32
      %swap3A_2230 = arith.index_cast %swap3A_2228 : i32 to index
      %swap3A_2231 = arith.index_cast %swap3A_2229 : i32 to index
      %swap3A_2232 = arith.constant 256 : index
      %swap3A_2233 = tpu.vector_load %arg11[%swap3A_2230, %swap3A_2231, %swap3A_2232] {strides = array<i32>} : memref<1x5x512xf32, #tpu.memory_space<vmem>>, vector<16xf32>,
      tpu.vector_store %arg11[%swap3A_2230, %swap3A_2231, %swap3A_2232], %get3A_2227 {strides = array<i32>} : memref<1x5x512xf32, #tpu.memory_space<vmem>>, vector<16xf32>,
      %get3A_2234 = arith.constant 0 : i32
      %get3A_2235 = arith.constant 72 : i32
      %get3A_2236 = arith.index_cast %get3A_2234 : i32 to index
      %get3A_2237 = arith.index_cast %get3A_2235 : i32 to index
      %get3A_2238 = arith.constant 272 : index
      %get3A_2239 = tpu.vector_load %arg9[%get3A_2236, %get3A_2237, %get3A_2238] {strides = array<i32>} : memref<1x80x512xf32, #tpu.memory_space<vmem>>, vector<16xf32>,
      %swap3A_2240 = arith.constant 0 : i32
      %swap3A_2241 = arith.constant 0 : i32
      %swap3A_2242 = arith.index_cast %swap3A_2240 : i32 to index
      %swap3A_2243 = arith.index_cast %swap3A_2241 : i32 to index
      %swap3A_2244 = arith.constant 272 : index
      %swap3A_2245 = tpu.vector_load %arg11[%swap3A_2242, %swap3A_2243, %swap3A_2244] {strides = array<i32>} : memref<1x5x512xf32, #tpu.memory_space<vmem>>, vector<16xf32>,
      tpu.vector_store %arg11[%swap3A_2242, %swap3A_2243, %swap3A_2244], %get3A_2239 {strides = array<i32>} : memref<1x5x512xf32, #tpu.memory_space<vmem>>, vector<16xf32>,
      %get3A_2246 = arith.constant 0 : i32
      %get3A_2247 = arith.constant 72 : i32
      %get3A_2248 = arith.index_cast %get3A_2246 : i32 to index
      %get3A_2249 = arith.index_cast %get3A_2247 : i32 to index
      %get3A_2250 = arith.constant 288 : index
      %get3A_2251 = tpu.vector_load %arg9[%get3A_2248, %get3A_2249, %get3A_2250] {strides = array<i32>} : memref<1x80x512xf32, #tpu.memory_space<vmem>>, vector<16xf32>,
      %swap3A_2252 = arith.constant 0 : i32
      %swap3A_2253 = arith.constant 0 : i32
      %swap3A_2254 = arith.index_cast %swap3A_2252 : i32 to index
      %swap3A_2255 = arith.index_cast %swap3A_2253 : i32 to index
      %swap3A_2256 = arith.constant 288 : index
      %swap3A_2257 = tpu.vector_load %arg11[%swap3A_2254, %swap3A_2255, %swap3A_2256] {strides = array<i32>} : memref<1x5x512xf32, #tpu.memory_space<vmem>>, vector<16xf32>,
      tpu.vector_store %arg11[%swap3A_2254, %swap3A_2255, %swap3A_2256], %get3A_2251 {strides = array<i32>} : memref<1x5x512xf32, #tpu.memory_space<vmem>>, vector<16xf32>,
      %get3A_2258 = arith.constant 0 : i32
      %get3A_2259 = arith.constant 72 : i32
      %get3A_2260 = arith.index_cast %get3A_2258 : i32 to index
      %get3A_2261 = arith.index_cast %get3A_2259 : i32 to index
      %get3A_2262 = arith.constant 304 : index
      %get3A_2263 = tpu.vector_load %arg9[%get3A_2260, %get3A_2261, %get3A_2262] {strides = array<i32>} : memref<1x80x512xf32, #tpu.memory_space<vmem>>, vector<16xf32>,
      %swap3A_2264 = arith.constant 0 : i32
      %swap3A_2265 = arith.constant 0 : i32
      %swap3A_2266 = arith.index_cast %swap3A_2264 : i32 to index
      %swap3A_2267 = arith.index_cast %swap3A_2265 : i32 to index
      %swap3A_2268 = arith.constant 304 : index
      %swap3A_2269 = tpu.vector_load %arg11[%swap3A_2266, %swap3A_2267, %swap3A_2268] {strides = array<i32>} : memref<1x5x512xf32, #tpu.memory_space<vmem>>, vector<16xf32>,
      tpu.vector_store %arg11[%swap3A_2266, %swap3A_2267, %swap3A_2268], %get3A_2263 {strides = array<i32>} : memref<1x5x512xf32, #tpu.memory_space<vmem>>, vector<16xf32>,
      %get3A_2270 = arith.constant 0 : i32
      %get3A_2271 = arith.constant 72 : i32
      %get3A_2272 = arith.index_cast %get3A_2270 : i32 to index
      %get3A_2273 = arith.index_cast %get3A_2271 : i32 to index
      %get3A_2274 = arith.constant 320 : index
      %get3A_2275 = tpu.vector_load %arg9[%get3A_2272, %get3A_2273, %get3A_2274] {strides = array<i32>} : memref<1x80x512xf32, #tpu.memory_space<vmem>>, vector<16xf32>,
      %swap3A_2276 = arith.constant 0 : i32
      %swap3A_2277 = arith.constant 0 : i32
      %swap3A_2278 = arith.index_cast %swap3A_2276 : i32 to index
      %swap3A_2279 = arith.index_cast %swap3A_2277 : i32 to index
      %swap3A_2280 = arith.constant 320 : index
      %swap3A_2281 = tpu.vector_load %arg11[%swap3A_2278, %swap3A_2279, %swap3A_2280] {strides = array<i32>} : memref<1x5x512xf32, #tpu.memory_space<vmem>>, vector<16xf32>,
      tpu.vector_store %arg11[%swap3A_2278, %swap3A_2279, %swap3A_2280], %get3A_2275 {strides = array<i32>} : memref<1x5x512xf32, #tpu.memory_space<vmem>>, vector<16xf32>,
      %get3A_2282 = arith.constant 0 : i32
      %get3A_2283 = arith.constant 72 : i32
      %get3A_2284 = arith.index_cast %get3A_2282 : i32 to index
      %get3A_2285 = arith.index_cast %get3A_2283 : i32 to index
      %get3A_2286 = arith.constant 336 : index
      %get3A_2287 = tpu.vector_load %arg9[%get3A_2284, %get3A_2285, %get3A_2286] {strides = array<i32>} : memref<1x80x512xf32, #tpu.memory_space<vmem>>, vector<16xf32>,
      %swap3A_2288 = arith.constant 0 : i32
      %swap3A_2289 = arith.constant 0 : i32
      %swap3A_2290 = arith.index_cast %swap3A_2288 : i32 to index
      %swap3A_2291 = arith.index_cast %swap3A_2289 : i32 to index
      %swap3A_2292 = arith.constant 336 : index
      %swap3A_2293 = tpu.vector_load %arg11[%swap3A_2290, %swap3A_2291, %swap3A_2292] {strides = array<i32>} : memref<1x5x512xf32, #tpu.memory_space<vmem>>, vector<16xf32>,
      tpu.vector_store %arg11[%swap3A_2290, %swap3A_2291, %swap3A_2292], %get3A_2287 {strides = array<i32>} : memref<1x5x512xf32, #tpu.memory_space<vmem>>, vector<16xf32>,
      %get3A_2294 = arith.constant 0 : i32
      %get3A_2295 = arith.constant 72 : i32
      %get3A_2296 = arith.index_cast %get3A_2294 : i32 to index
      %get3A_2297 = arith.index_cast %get3A_2295 : i32 to index
      %get3A_2298 = arith.constant 352 : index
      %get3A_2299 = tpu.vector_load %arg9[%get3A_2296, %get3A_2297, %get3A_2298] {strides = array<i32>} : memref<1x80x512xf32, #tpu.memory_space<vmem>>, vector<16xf32>,
      %swap3A_2300 = arith.constant 0 : i32
      %swap3A_2301 = arith.constant 0 : i32
      %swap3A_2302 = arith.index_cast %swap3A_2300 : i32 to index
      %swap3A_2303 = arith.index_cast %swap3A_2301 : i32 to index
      %swap3A_2304 = arith.constant 352 : index
      %swap3A_2305 = tpu.vector_load %arg11[%swap3A_2302, %swap3A_2303, %swap3A_2304] {strides = array<i32>} : memref<1x5x512xf32, #tpu.memory_space<vmem>>, vector<16xf32>,
      tpu.vector_store %arg11[%swap3A_2302, %swap3A_2303, %swap3A_2304], %get3A_2299 {strides = array<i32>} : memref<1x5x512xf32, #tpu.memory_space<vmem>>, vector<16xf32>,
      %get3A_2306 = arith.constant 0 : i32
      %get3A_2307 = arith.constant 72 : i32
      %get3A_2308 = arith.index_cast %get3A_2306 : i32 to index
      %get3A_2309 = arith.index_cast %get3A_2307 : i32 to index
      %get3A_2310 = arith.constant 368 : index
      %get3A_2311 = tpu.vector_load %arg9[%get3A_2308, %get3A_2309, %get3A_2310] {strides = array<i32>} : memref<1x80x512xf32, #tpu.memory_space<vmem>>, vector<16xf32>,
      %swap3A_2312 = arith.constant 0 : i32
      %swap3A_2313 = arith.constant 0 : i32
      %swap3A_2314 = arith.index_cast %swap3A_2312 : i32 to index
      %swap3A_2315 = arith.index_cast %swap3A_2313 : i32 to index
      %swap3A_2316 = arith.constant 368 : index
      %swap3A_2317 = tpu.vector_load %arg11[%swap3A_2314, %swap3A_2315, %swap3A_2316] {strides = array<i32>} : memref<1x5x512xf32, #tpu.memory_space<vmem>>, vector<16xf32>,
      tpu.vector_store %arg11[%swap3A_2314, %swap3A_2315, %swap3A_2316], %get3A_2311 {strides = array<i32>} : memref<1x5x512xf32, #tpu.memory_space<vmem>>, vector<16xf32>,
      %get3A_2318 = arith.constant 0 : i32
      %get3A_2319 = arith.constant 72 : i32
      %get3A_2320 = arith.index_cast %get3A_2318 : i32 to index
      %get3A_2321 = arith.index_cast %get3A_2319 : i32 to index
      %get3A_2322 = arith.constant 384 : index
      %get3A_2323 = tpu.vector_load %arg9[%get3A_2320, %get3A_2321, %get3A_2322] {strides = array<i32>} : memref<1x80x512xf32, #tpu.memory_space<vmem>>, vector<16xf32>,
      %swap3A_2324 = arith.constant 0 : i32
      %swap3A_2325 = arith.constant 0 : i32
      %swap3A_2326 = arith.index_cast %swap3A_2324 : i32 to index
      %swap3A_2327 = arith.index_cast %swap3A_2325 : i32 to index
      %swap3A_2328 = arith.constant 384 : index
      %swap3A_2329 = tpu.vector_load %arg11[%swap3A_2326, %swap3A_2327, %swap3A_2328] {strides = array<i32>} : memref<1x5x512xf32, #tpu.memory_space<vmem>>, vector<16xf32>,
      tpu.vector_store %arg11[%swap3A_2326, %swap3A_2327, %swap3A_2328], %get3A_2323 {strides = array<i32>} : memref<1x5x512xf32, #tpu.memory_space<vmem>>, vector<16xf32>,
      %get3A_2330 = arith.constant 0 : i32
      %get3A_2331 = arith.constant 72 : i32
      %get3A_2332 = arith.index_cast %get3A_2330 : i32 to index
      %get3A_2333 = arith.index_cast %get3A_2331 : i32 to index
      %get3A_2334 = arith.constant 400 : index
      %get3A_2335 = tpu.vector_load %arg9[%get3A_2332, %get3A_2333, %get3A_2334] {strides = array<i32>} : memref<1x80x512xf32, #tpu.memory_space<vmem>>, vector<16xf32>,
      %swap3A_2336 = arith.constant 0 : i32
      %swap3A_2337 = arith.constant 0 : i32
      %swap3A_2338 = arith.index_cast %swap3A_2336 : i32 to index
      %swap3A_2339 = arith.index_cast %swap3A_2337 : i32 to index
      %swap3A_2340 = arith.constant 400 : index
      %swap3A_2341 = tpu.vector_load %arg11[%swap3A_2338, %swap3A_2339, %swap3A_2340] {strides = array<i32>} : memref<1x5x512xf32, #tpu.memory_space<vmem>>, vector<16xf32>,
      tpu.vector_store %arg11[%swap3A_2338, %swap3A_2339, %swap3A_2340], %get3A_2335 {strides = array<i32>} : memref<1x5x512xf32, #tpu.memory_space<vmem>>, vector<16xf32>,
      %get3A_2342 = arith.constant 0 : i32
      %get3A_2343 = arith.constant 72 : i32
      %get3A_2344 = arith.index_cast %get3A_2342 : i32 to index
      %get3A_2345 = arith.index_cast %get3A_2343 : i32 to index
      %get3A_2346 = arith.constant 416 : index
      %get3A_2347 = tpu.vector_load %arg9[%get3A_2344, %get3A_2345, %get3A_2346] {strides = array<i32>} : memref<1x80x512xf32, #tpu.memory_space<vmem>>, vector<16xf32>,
      %swap3A_2348 = arith.constant 0 : i32
      %swap3A_2349 = arith.constant 0 : i32
      %swap3A_2350 = arith.index_cast %swap3A_2348 : i32 to index
      %swap3A_2351 = arith.index_cast %swap3A_2349 : i32 to index
      %swap3A_2352 = arith.constant 416 : index
      %swap3A_2353 = tpu.vector_load %arg11[%swap3A_2350, %swap3A_2351, %swap3A_2352] {strides = array<i32>} : memref<1x5x512xf32, #tpu.memory_space<vmem>>, vector<16xf32>,
      tpu.vector_store %arg11[%swap3A_2350, %swap3A_2351, %swap3A_2352], %get3A_2347 {strides = array<i32>} : memref<1x5x512xf32, #tpu.memory_space<vmem>>, vector<16xf32>,
      %get3A_2354 = arith.constant 0 : i32
      %get3A_2355 = arith.constant 72 : i32
      %get3A_2356 = arith.index_cast %get3A_2354 : i32 to index
      %get3A_2357 = arith.index_cast %get3A_2355 : i32 to index
      %get3A_2358 = arith.constant 432 : index
      %get3A_2359 = tpu.vector_load %arg9[%get3A_2356, %get3A_2357, %get3A_2358] {strides = array<i32>} : memref<1x80x512xf32, #tpu.memory_space<vmem>>, vector<16xf32>,
      %swap3A_2360 = arith.constant 0 : i32
      %swap3A_2361 = arith.constant 0 : i32
      %swap3A_2362 = arith.index_cast %swap3A_2360 : i32 to index
      %swap3A_2363 = arith.index_cast %swap3A_2361 : i32 to index
      %swap3A_2364 = arith.constant 432 : index
      %swap3A_2365 = tpu.vector_load %arg11[%swap3A_2362, %swap3A_2363, %swap3A_2364] {strides = array<i32>} : memref<1x5x512xf32, #tpu.memory_space<vmem>>, vector<16xf32>,
      tpu.vector_store %arg11[%swap3A_2362, %swap3A_2363, %swap3A_2364], %get3A_2359 {strides = array<i32>} : memref<1x5x512xf32, #tpu.memory_space<vmem>>, vector<16xf32>,
      %get3A_2366 = arith.constant 0 : i32
      %get3A_2367 = arith.constant 72 : i32
      %get3A_2368 = arith.index_cast %get3A_2366 : i32 to index
      %get3A_2369 = arith.index_cast %get3A_2367 : i32 to index
      %get3A_2370 = arith.constant 448 : index
      %get3A_2371 = tpu.vector_load %arg9[%get3A_2368, %get3A_2369, %get3A_2370] {strides = array<i32>} : memref<1x80x512xf32, #tpu.memory_space<vmem>>, vector<16xf32>,
      %swap3A_2372 = arith.constant 0 : i32
      %swap3A_2373 = arith.constant 0 : i32
      %swap3A_2374 = arith.index_cast %swap3A_2372 : i32 to index
      %swap3A_2375 = arith.index_cast %swap3A_2373 : i32 to index
      %swap3A_2376 = arith.constant 448 : index
      %swap3A_2377 = tpu.vector_load %arg11[%swap3A_2374, %swap3A_2375, %swap3A_2376] {strides = array<i32>} : memref<1x5x512xf32, #tpu.memory_space<vmem>>, vector<16xf32>,
      tpu.vector_store %arg11[%swap3A_2374, %swap3A_2375, %swap3A_2376], %get3A_2371 {strides = array<i32>} : memref<1x5x512xf32, #tpu.memory_space<vmem>>, vector<16xf32>,
      %get3A_2378 = arith.constant 0 : i32
      %get3A_2379 = arith.constant 72 : i32
      %get3A_2380 = arith.index_cast %get3A_2378 : i32 to index
      %get3A_2381 = arith.index_cast %get3A_2379 : i32 to index
      %get3A_2382 = arith.constant 464 : index
      %get3A_2383 = tpu.vector_load %arg9[%get3A_2380, %get3A_2381, %get3A_2382] {strides = array<i32>} : memref<1x80x512xf32, #tpu.memory_space<vmem>>, vector<16xf32>,
      %swap3A_2384 = arith.constant 0 : i32
      %swap3A_2385 = arith.constant 0 : i32
      %swap3A_2386 = arith.index_cast %swap3A_2384 : i32 to index
      %swap3A_2387 = arith.index_cast %swap3A_2385 : i32 to index
      %swap3A_2388 = arith.constant 464 : index
      %swap3A_2389 = tpu.vector_load %arg11[%swap3A_2386, %swap3A_2387, %swap3A_2388] {strides = array<i32>} : memref<1x5x512xf32, #tpu.memory_space<vmem>>, vector<16xf32>,
      tpu.vector_store %arg11[%swap3A_2386, %swap3A_2387, %swap3A_2388], %get3A_2383 {strides = array<i32>} : memref<1x5x512xf32, #tpu.memory_space<vmem>>, vector<16xf32>,
      %get3A_2390 = arith.constant 0 : i32
      %get3A_2391 = arith.constant 72 : i32
      %get3A_2392 = arith.index_cast %get3A_2390 : i32 to index
      %get3A_2393 = arith.index_cast %get3A_2391 : i32 to index
      %get3A_2394 = arith.constant 480 : index
      %get3A_2395 = tpu.vector_load %arg9[%get3A_2392, %get3A_2393, %get3A_2394] {strides = array<i32>} : memref<1x80x512xf32, #tpu.memory_space<vmem>>, vector<16xf32>,
      %swap3A_2396 = arith.constant 0 : i32
      %swap3A_2397 = arith.constant 0 : i32
      %swap3A_2398 = arith.index_cast %swap3A_2396 : i32 to index
      %swap3A_2399 = arith.index_cast %swap3A_2397 : i32 to index
      %swap3A_2400 = arith.constant 480 : index
      %swap3A_2401 = tpu.vector_load %arg11[%swap3A_2398, %swap3A_2399, %swap3A_2400] {strides = array<i32>} : memref<1x5x512xf32, #tpu.memory_space<vmem>>, vector<16xf32>,
      tpu.vector_store %arg11[%swap3A_2398, %swap3A_2399, %swap3A_2400], %get3A_2395 {strides = array<i32>} : memref<1x5x512xf32, #tpu.memory_space<vmem>>, vector<16xf32>,
      %get3A_2402 = arith.constant 0 : i32
      %get3A_2403 = arith.constant 72 : i32
      %get3A_2404 = arith.index_cast %get3A_2402 : i32 to index
      %get3A_2405 = arith.index_cast %get3A_2403 : i32 to index
      %get3A_2406 = arith.constant 496 : index
      %get3A_2407 = tpu.vector_load %arg9[%get3A_2404, %get3A_2405, %get3A_2406] {strides = array<i32>} : memref<1x80x512xf32, #tpu.memory_space<vmem>>, vector<16xf32>,
      %swap3A_2408 = arith.constant 0 : i32
      %swap3A_2409 = arith.constant 0 : i32
      %swap3A_2410 = arith.index_cast %swap3A_2408 : i32 to index
      %swap3A_2411 = arith.index_cast %swap3A_2409 : i32 to index
      %swap3A_2412 = arith.constant 496 : index
      %swap3A_2413 = tpu.vector_load %arg11[%swap3A_2410, %swap3A_2411, %swap3A_2412] {strides = array<i32>} : memref<1x5x512xf32, #tpu.memory_space<vmem>>, vector<16xf32>,
      tpu.vector_store %arg11[%swap3A_2410, %swap3A_2411, %swap3A_2412], %get3A_2407 {strides = array<i32>} : memref<1x5x512xf32, #tpu.memory_space<vmem>>, vector<16xf32>,
      %get3A_2414 = arith.constant 0 : i32
      %get3A_2415 = arith.constant 73 : i32
      %get3A_2416 = arith.index_cast %get3A_2414 : i32 to index
      %get3A_2417 = arith.index_cast %get3A_2415 : i32 to index
      %get3A_2418 = arith.constant 0 : index
      %get3A_2419 = tpu.vector_load %arg9[%get3A_2416, %get3A_2417, %get3A_2418] {strides = array<i32>} : memref<1x80x512xf32, #tpu.memory_space<vmem>>, vector<16xf32>,
      %swap3A_2420 = arith.constant 0 : i32
      %swap3A_2421 = arith.constant 1 : i32
      %swap3A_2422 = arith.index_cast %swap3A_2420 : i32 to index
      %swap3A_2423 = arith.index_cast %swap3A_2421 : i32 to index
      %swap3A_2424 = arith.constant 0 : index
      %swap3A_2425 = tpu.vector_load %arg11[%swap3A_2422, %swap3A_2423, %swap3A_2424] {strides = array<i32>} : memref<1x5x512xf32, #tpu.memory_space<vmem>>, vector<16xf32>,
      tpu.vector_store %arg11[%swap3A_2422, %swap3A_2423, %swap3A_2424], %get3A_2419 {strides = array<i32>} : memref<1x5x512xf32, #tpu.memory_space<vmem>>, vector<16xf32>,
      %get3A_2426 = arith.constant 0 : i32
      %get3A_2427 = arith.constant 73 : i32
      %get3A_2428 = arith.index_cast %get3A_2426 : i32 to index
      %get3A_2429 = arith.index_cast %get3A_2427 : i32 to index
      %get3A_2430 = arith.constant 16 : index
      %get3A_2431 = tpu.vector_load %arg9[%get3A_2428, %get3A_2429, %get3A_2430] {strides = array<i32>} : memref<1x80x512xf32, #tpu.memory_space<vmem>>, vector<16xf32>,
      %swap3A_2432 = arith.constant 0 : i32
      %swap3A_2433 = arith.constant 1 : i32
      %swap3A_2434 = arith.index_cast %swap3A_2432 : i32 to index
      %swap3A_2435 = arith.index_cast %swap3A_2433 : i32 to index
      %swap3A_2436 = arith.constant 16 : index
      %swap3A_2437 = tpu.vector_load %arg11[%swap3A_2434, %swap3A_2435, %swap3A_2436] {strides = array<i32>} : memref<1x5x512xf32, #tpu.memory_space<vmem>>, vector<16xf32>,
      tpu.vector_store %arg11[%swap3A_2434, %swap3A_2435, %swap3A_2436], %get3A_2431 {strides = array<i32>} : memref<1x5x512xf32, #tpu.memory_space<vmem>>, vector<16xf32>,
      %get3A_2438 = arith.constant 0 : i32
      %get3A_2439 = arith.constant 73 : i32
      %get3A_2440 = arith.index_cast %get3A_2438 : i32 to index
      %get3A_2441 = arith.index_cast %get3A_2439 : i32 to index
      %get3A_2442 = arith.constant 32 : index
      %get3A_2443 = tpu.vector_load %arg9[%get3A_2440, %get3A_2441, %get3A_2442] {strides = array<i32>} : memref<1x80x512xf32, #tpu.memory_space<vmem>>, vector<16xf32>,
      %swap3A_2444 = arith.constant 0 : i32
      %swap3A_2445 = arith.constant 1 : i32
      %swap3A_2446 = arith.index_cast %swap3A_2444 : i32 to index
      %swap3A_2447 = arith.index_cast %swap3A_2445 : i32 to index
      %swap3A_2448 = arith.constant 32 : index
      %swap3A_2449 = tpu.vector_load %arg11[%swap3A_2446, %swap3A_2447, %swap3A_2448] {strides = array<i32>} : memref<1x5x512xf32, #tpu.memory_space<vmem>>, vector<16xf32>,
      tpu.vector_store %arg11[%swap3A_2446, %swap3A_2447, %swap3A_2448], %get3A_2443 {strides = array<i32>} : memref<1x5x512xf32, #tpu.memory_space<vmem>>, vector<16xf32>,
      %get3A_2450 = arith.constant 0 : i32
      %get3A_2451 = arith.constant 73 : i32
      %get3A_2452 = arith.index_cast %get3A_2450 : i32 to index
      %get3A_2453 = arith.index_cast %get3A_2451 : i32 to index
      %get3A_2454 = arith.constant 48 : index
      %get3A_2455 = tpu.vector_load %arg9[%get3A_2452, %get3A_2453, %get3A_2454] {strides = array<i32>} : memref<1x80x512xf32, #tpu.memory_space<vmem>>, vector<16xf32>,
      %swap3A_2456 = arith.constant 0 : i32
      %swap3A_2457 = arith.constant 1 : i32
      %swap3A_2458 = arith.index_cast %swap3A_2456 : i32 to index
      %swap3A_2459 = arith.index_cast %swap3A_2457 : i32 to index
      %swap3A_2460 = arith.constant 48 : index
      %swap3A_2461 = tpu.vector_load %arg11[%swap3A_2458, %swap3A_2459, %swap3A_2460] {strides = array<i32>} : memref<1x5x512xf32, #tpu.memory_space<vmem>>, vector<16xf32>,
      tpu.vector_store %arg11[%swap3A_2458, %swap3A_2459, %swap3A_2460], %get3A_2455 {strides = array<i32>} : memref<1x5x512xf32, #tpu.memory_space<vmem>>, vector<16xf32>,
      %get3A_2462 = arith.constant 0 : i32
      %get3A_2463 = arith.constant 73 : i32
      %get3A_2464 = arith.index_cast %get3A_2462 : i32 to index
      %get3A_2465 = arith.index_cast %get3A_2463 : i32 to index
      %get3A_2466 = arith.constant 64 : index
      %get3A_2467 = tpu.vector_load %arg9[%get3A_2464, %get3A_2465, %get3A_2466] {strides = array<i32>} : memref<1x80x512xf32, #tpu.memory_space<vmem>>, vector<16xf32>,
      %swap3A_2468 = arith.constant 0 : i32
      %swap3A_2469 = arith.constant 1 : i32
      %swap3A_2470 = arith.index_cast %swap3A_2468 : i32 to index
      %swap3A_2471 = arith.index_cast %swap3A_2469 : i32 to index
      %swap3A_2472 = arith.constant 64 : index
      %swap3A_2473 = tpu.vector_load %arg11[%swap3A_2470, %swap3A_2471, %swap3A_2472] {strides = array<i32>} : memref<1x5x512xf32, #tpu.memory_space<vmem>>, vector<16xf32>,
      tpu.vector_store %arg11[%swap3A_2470, %swap3A_2471, %swap3A_2472], %get3A_2467 {strides = array<i32>} : memref<1x5x512xf32, #tpu.memory_space<vmem>>, vector<16xf32>,
      %get3A_2474 = arith.constant 0 : i32
      %get3A_2475 = arith.constant 73 : i32
      %get3A_2476 = arith.index_cast %get3A_2474 : i32 to index
      %get3A_2477 = arith.index_cast %get3A_2475 : i32 to index
      %get3A_2478 = arith.constant 80 : index
      %get3A_2479 = tpu.vector_load %arg9[%get3A_2476, %get3A_2477, %get3A_2478] {strides = array<i32>} : memref<1x80x512xf32, #tpu.memory_space<vmem>>, vector<16xf32>,
      %swap3A_2480 = arith.constant 0 : i32
      %swap3A_2481 = arith.constant 1 : i32
      %swap3A_2482 = arith.index_cast %swap3A_2480 : i32 to index
      %swap3A_2483 = arith.index_cast %swap3A_2481 : i32 to index
      %swap3A_2484 = arith.constant 80 : index
      %swap3A_2485 = tpu.vector_load %arg11[%swap3A_2482, %swap3A_2483, %swap3A_2484] {strides = array<i32>} : memref<1x5x512xf32, #tpu.memory_space<vmem>>, vector<16xf32>,
      tpu.vector_store %arg11[%swap3A_2482, %swap3A_2483, %swap3A_2484], %get3A_2479 {strides = array<i32>} : memref<1x5x512xf32, #tpu.memory_space<vmem>>, vector<16xf32>,
      %get3A_2486 = arith.constant 0 : i32
      %get3A_2487 = arith.constant 73 : i32
      %get3A_2488 = arith.index_cast %get3A_2486 : i32 to index
      %get3A_2489 = arith.index_cast %get3A_2487 : i32 to index
      %get3A_2490 = arith.constant 96 : index
      %get3A_2491 = tpu.vector_load %arg9[%get3A_2488, %get3A_2489, %get3A_2490] {strides = array<i32>} : memref<1x80x512xf32, #tpu.memory_space<vmem>>, vector<16xf32>,
      %swap3A_2492 = arith.constant 0 : i32
      %swap3A_2493 = arith.constant 1 : i32
      %swap3A_2494 = arith.index_cast %swap3A_2492 : i32 to index
      %swap3A_2495 = arith.index_cast %swap3A_2493 : i32 to index
      %swap3A_2496 = arith.constant 96 : index
      %swap3A_2497 = tpu.vector_load %arg11[%swap3A_2494, %swap3A_2495, %swap3A_2496] {strides = array<i32>} : memref<1x5x512xf32, #tpu.memory_space<vmem>>, vector<16xf32>,
      tpu.vector_store %arg11[%swap3A_2494, %swap3A_2495, %swap3A_2496], %get3A_2491 {strides = array<i32>} : memref<1x5x512xf32, #tpu.memory_space<vmem>>, vector<16xf32>,
      %get3A_2498 = arith.constant 0 : i32
      %get3A_2499 = arith.constant 73 : i32
      %get3A_2500 = arith.index_cast %get3A_2498 : i32 to index
      %get3A_2501 = arith.index_cast %get3A_2499 : i32 to index
      %get3A_2502 = arith.constant 112 : index
      %get3A_2503 = tpu.vector_load %arg9[%get3A_2500, %get3A_2501, %get3A_2502] {strides = array<i32>} : memref<1x80x512xf32, #tpu.memory_space<vmem>>, vector<16xf32>,
      %swap3A_2504 = arith.constant 0 : i32
      %swap3A_2505 = arith.constant 1 : i32
      %swap3A_2506 = arith.index_cast %swap3A_2504 : i32 to index
      %swap3A_2507 = arith.index_cast %swap3A_2505 : i32 to index
      %swap3A_2508 = arith.constant 112 : index
      %swap3A_2509 = tpu.vector_load %arg11[%swap3A_2506, %swap3A_2507, %swap3A_2508] {strides = array<i32>} : memref<1x5x512xf32, #tpu.memory_space<vmem>>, vector<16xf32>,
      tpu.vector_store %arg11[%swap3A_2506, %swap3A_2507, %swap3A_2508], %get3A_2503 {strides = array<i32>} : memref<1x5x512xf32, #tpu.memory_space<vmem>>, vector<16xf32>,
      %get3A_2510 = arith.constant 0 : i32
      %get3A_2511 = arith.constant 73 : i32
      %get3A_2512 = arith.index_cast %get3A_2510 : i32 to index
      %get3A_2513 = arith.index_cast %get3A_2511 : i32 to index
      %get3A_2514 = arith.constant 128 : index
      %get3A_2515 = tpu.vector_load %arg9[%get3A_2512, %get3A_2513, %get3A_2514] {strides = array<i32>} : memref<1x80x512xf32, #tpu.memory_space<vmem>>, vector<16xf32>,
      %swap3A_2516 = arith.constant 0 : i32
      %swap3A_2517 = arith.constant 1 : i32
      %swap3A_2518 = arith.index_cast %swap3A_2516 : i32 to index
      %swap3A_2519 = arith.index_cast %swap3A_2517 : i32 to index
      %swap3A_2520 = arith.constant 128 : index
      %swap3A_2521 = tpu.vector_load %arg11[%swap3A_2518, %swap3A_2519, %swap3A_2520] {strides = array<i32>} : memref<1x5x512xf32, #tpu.memory_space<vmem>>, vector<16xf32>,
      tpu.vector_store %arg11[%swap3A_2518, %swap3A_2519, %swap3A_2520], %get3A_2515 {strides = array<i32>} : memref<1x5x512xf32, #tpu.memory_space<vmem>>, vector<16xf32>,
      %get3A_2522 = arith.constant 0 : i32
      %get3A_2523 = arith.constant 73 : i32
      %get3A_2524 = arith.index_cast %get3A_2522 : i32 to index
      %get3A_2525 = arith.index_cast %get3A_2523 : i32 to index
      %get3A_2526 = arith.constant 144 : index
      %get3A_2527 = tpu.vector_load %arg9[%get3A_2524, %get3A_2525, %get3A_2526] {strides = array<i32>} : memref<1x80x512xf32, #tpu.memory_space<vmem>>, vector<16xf32>,
      %swap3A_2528 = arith.constant 0 : i32
      %swap3A_2529 = arith.constant 1 : i32
      %swap3A_2530 = arith.index_cast %swap3A_2528 : i32 to index
      %swap3A_2531 = arith.index_cast %swap3A_2529 : i32 to index
      %swap3A_2532 = arith.constant 144 : index
      %swap3A_2533 = tpu.vector_load %arg11[%swap3A_2530, %swap3A_2531, %swap3A_2532] {strides = array<i32>} : memref<1x5x512xf32, #tpu.memory_space<vmem>>, vector<16xf32>,
      tpu.vector_store %arg11[%swap3A_2530, %swap3A_2531, %swap3A_2532], %get3A_2527 {strides = array<i32>} : memref<1x5x512xf32, #tpu.memory_space<vmem>>, vector<16xf32>,
      %get3A_2534 = arith.constant 0 : i32
      %get3A_2535 = arith.constant 73 : i32
      %get3A_2536 = arith.index_cast %get3A_2534 : i32 to index
      %get3A_2537 = arith.index_cast %get3A_2535 : i32 to index
      %get3A_2538 = arith.constant 160 : index
      %get3A_2539 = tpu.vector_load %arg9[%get3A_2536, %get3A_2537, %get3A_2538] {strides = array<i32>} : memref<1x80x512xf32, #tpu.memory_space<vmem>>, vector<16xf32>,
      %swap3A_2540 = arith.constant 0 : i32
      %swap3A_2541 = arith.constant 1 : i32
      %swap3A_2542 = arith.index_cast %swap3A_2540 : i32 to index
      %swap3A_2543 = arith.index_cast %swap3A_2541 : i32 to index
      %swap3A_2544 = arith.constant 160 : index
      %swap3A_2545 = tpu.vector_load %arg11[%swap3A_2542, %swap3A_2543, %swap3A_2544] {strides = array<i32>} : memref<1x5x512xf32, #tpu.memory_space<vmem>>, vector<16xf32>,
      tpu.vector_store %arg11[%swap3A_2542, %swap3A_2543, %swap3A_2544], %get3A_2539 {strides = array<i32>} : memref<1x5x512xf32, #tpu.memory_space<vmem>>, vector<16xf32>,
      %get3A_2546 = arith.constant 0 : i32
      %get3A_2547 = arith.constant 73 : i32
      %get3A_2548 = arith.index_cast %get3A_2546 : i32 to index
      %get3A_2549 = arith.index_cast %get3A_2547 : i32 to index
      %get3A_2550 = arith.constant 176 : index
      %get3A_2551 = tpu.vector_load %arg9[%get3A_2548, %get3A_2549, %get3A_2550] {strides = array<i32>} : memref<1x80x512xf32, #tpu.memory_space<vmem>>, vector<16xf32>,
      %swap3A_2552 = arith.constant 0 : i32
      %swap3A_2553 = arith.constant 1 : i32
      %swap3A_2554 = arith.index_cast %swap3A_2552 : i32 to index
      %swap3A_2555 = arith.index_cast %swap3A_2553 : i32 to index
      %swap3A_2556 = arith.constant 176 : index
      %swap3A_2557 = tpu.vector_load %arg11[%swap3A_2554, %swap3A_2555, %swap3A_2556] {strides = array<i32>} : memref<1x5x512xf32, #tpu.memory_space<vmem>>, vector<16xf32>,
      tpu.vector_store %arg11[%swap3A_2554, %swap3A_2555, %swap3A_2556], %get3A_2551 {strides = array<i32>} : memref<1x5x512xf32, #tpu.memory_space<vmem>>, vector<16xf32>,
      %get3A_2558 = arith.constant 0 : i32
      %get3A_2559 = arith.constant 73 : i32
      %get3A_2560 = arith.index_cast %get3A_2558 : i32 to index
      %get3A_2561 = arith.index_cast %get3A_2559 : i32 to index
      %get3A_2562 = arith.constant 192 : index
      %get3A_2563 = tpu.vector_load %arg9[%get3A_2560, %get3A_2561, %get3A_2562] {strides = array<i32>} : memref<1x80x512xf32, #tpu.memory_space<vmem>>, vector<16xf32>,
      %swap3A_2564 = arith.constant 0 : i32
      %swap3A_2565 = arith.constant 1 : i32
      %swap3A_2566 = arith.index_cast %swap3A_2564 : i32 to index
      %swap3A_2567 = arith.index_cast %swap3A_2565 : i32 to index
      %swap3A_2568 = arith.constant 192 : index
      %swap3A_2569 = tpu.vector_load %arg11[%swap3A_2566, %swap3A_2567, %swap3A_2568] {strides = array<i32>} : memref<1x5x512xf32, #tpu.memory_space<vmem>>, vector<16xf32>,
      tpu.vector_store %arg11[%swap3A_2566, %swap3A_2567, %swap3A_2568], %get3A_2563 {strides = array<i32>} : memref<1x5x512xf32, #tpu.memory_space<vmem>>, vector<16xf32>,
      %get3A_2570 = arith.constant 0 : i32
      %get3A_2571 = arith.constant 73 : i32
      %get3A_2572 = arith.index_cast %get3A_2570 : i32 to index
      %get3A_2573 = arith.index_cast %get3A_2571 : i32 to index
      %get3A_2574 = arith.constant 208 : index
      %get3A_2575 = tpu.vector_load %arg9[%get3A_2572, %get3A_2573, %get3A_2574] {strides = array<i32>} : memref<1x80x512xf32, #tpu.memory_space<vmem>>, vector<16xf32>,
      %swap3A_2576 = arith.constant 0 : i32
      %swap3A_2577 = arith.constant 1 : i32
      %swap3A_2578 = arith.index_cast %swap3A_2576 : i32 to index
      %swap3A_2579 = arith.index_cast %swap3A_2577 : i32 to index
      %swap3A_2580 = arith.constant 208 : index
      %swap3A_2581 = tpu.vector_load %arg11[%swap3A_2578, %swap3A_2579, %swap3A_2580] {strides = array<i32>} : memref<1x5x512xf32, #tpu.memory_space<vmem>>, vector<16xf32>,
      tpu.vector_store %arg11[%swap3A_2578, %swap3A_2579, %swap3A_2580], %get3A_2575 {strides = array<i32>} : memref<1x5x512xf32, #tpu.memory_space<vmem>>, vector<16xf32>,
      %get3A_2582 = arith.constant 0 : i32
      %get3A_2583 = arith.constant 73 : i32
      %get3A_2584 = arith.index_cast %get3A_2582 : i32 to index
      %get3A_2585 = arith.index_cast %get3A_2583 : i32 to index
      %get3A_2586 = arith.constant 224 : index
      %get3A_2587 = tpu.vector_load %arg9[%get3A_2584, %get3A_2585, %get3A_2586] {strides = array<i32>} : memref<1x80x512xf32, #tpu.memory_space<vmem>>, vector<16xf32>,
      %swap3A_2588 = arith.constant 0 : i32
      %swap3A_2589 = arith.constant 1 : i32
      %swap3A_2590 = arith.index_cast %swap3A_2588 : i32 to index
      %swap3A_2591 = arith.index_cast %swap3A_2589 : i32 to index
      %swap3A_2592 = arith.constant 224 : index
      %swap3A_2593 = tpu.vector_load %arg11[%swap3A_2590, %swap3A_2591, %swap3A_2592] {strides = array<i32>} : memref<1x5x512xf32, #tpu.memory_space<vmem>>, vector<16xf32>,
      tpu.vector_store %arg11[%swap3A_2590, %swap3A_2591, %swap3A_2592], %get3A_2587 {strides = array<i32>} : memref<1x5x512xf32, #tpu.memory_space<vmem>>, vector<16xf32>,
      %get3A_2594 = arith.constant 0 : i32
      %get3A_2595 = arith.constant 73 : i32
      %get3A_2596 = arith.index_cast %get3A_2594 : i32 to index
      %get3A_2597 = arith.index_cast %get3A_2595 : i32 to index
      %get3A_2598 = arith.constant 240 : index
      %get3A_2599 = tpu.vector_load %arg9[%get3A_2596, %get3A_2597, %get3A_2598] {strides = array<i32>} : memref<1x80x512xf32, #tpu.memory_space<vmem>>, vector<16xf32>,
      %swap3A_2600 = arith.constant 0 : i32
      %swap3A_2601 = arith.constant 1 : i32
      %swap3A_2602 = arith.index_cast %swap3A_2600 : i32 to index
      %swap3A_2603 = arith.index_cast %swap3A_2601 : i32 to index
      %swap3A_2604 = arith.constant 240 : index
      %swap3A_2605 = tpu.vector_load %arg11[%swap3A_2602, %swap3A_2603, %swap3A_2604] {strides = array<i32>} : memref<1x5x512xf32, #tpu.memory_space<vmem>>, vector<16xf32>,
      tpu.vector_store %arg11[%swap3A_2602, %swap3A_2603, %swap3A_2604], %get3A_2599 {strides = array<i32>} : memref<1x5x512xf32, #tpu.memory_space<vmem>>, vector<16xf32>,
      %get3A_2606 = arith.constant 0 : i32
      %get3A_2607 = arith.constant 73 : i32
      %get3A_2608 = arith.index_cast %get3A_2606 : i32 to index
      %get3A_2609 = arith.index_cast %get3A_2607 : i32 to index
      %get3A_2610 = arith.constant 256 : index
      %get3A_2611 = tpu.vector_load %arg9[%get3A_2608, %get3A_2609, %get3A_2610] {strides = array<i32>} : memref<1x80x512xf32, #tpu.memory_space<vmem>>, vector<16xf32>,
      %swap3A_2612 = arith.constant 0 : i32
      %swap3A_2613 = arith.constant 1 : i32
      %swap3A_2614 = arith.index_cast %swap3A_2612 : i32 to index
      %swap3A_2615 = arith.index_cast %swap3A_2613 : i32 to index
      %swap3A_2616 = arith.constant 256 : index
      %swap3A_2617 = tpu.vector_load %arg11[%swap3A_2614, %swap3A_2615, %swap3A_2616] {strides = array<i32>} : memref<1x5x512xf32, #tpu.memory_space<vmem>>, vector<16xf32>,
      tpu.vector_store %arg11[%swap3A_2614, %swap3A_2615, %swap3A_2616], %get3A_2611 {strides = array<i32>} : memref<1x5x512xf32, #tpu.memory_space<vmem>>, vector<16xf32>,
      %get3A_2618 = arith.constant 0 : i32
      %get3A_2619 = arith.constant 73 : i32
      %get3A_2620 = arith.index_cast %get3A_2618 : i32 to index
      %get3A_2621 = arith.index_cast %get3A_2619 : i32 to index
      %get3A_2622 = arith.constant 272 : index
      %get3A_2623 = tpu.vector_load %arg9[%get3A_2620, %get3A_2621, %get3A_2622] {strides = array<i32>} : memref<1x80x512xf32, #tpu.memory_space<vmem>>, vector<16xf32>,
      %swap3A_2624 = arith.constant 0 : i32
      %swap3A_2625 = arith.constant 1 : i32
      %swap3A_2626 = arith.index_cast %swap3A_2624 : i32 to index
      %swap3A_2627 = arith.index_cast %swap3A_2625 : i32 to index
      %swap3A_2628 = arith.constant 272 : index
      %swap3A_2629 = tpu.vector_load %arg11[%swap3A_2626, %swap3A_2627, %swap3A_2628] {strides = array<i32>} : memref<1x5x512xf32, #tpu.memory_space<vmem>>, vector<16xf32>,
      tpu.vector_store %arg11[%swap3A_2626, %swap3A_2627, %swap3A_2628], %get3A_2623 {strides = array<i32>} : memref<1x5x512xf32, #tpu.memory_space<vmem>>, vector<16xf32>,
      %get3A_2630 = arith.constant 0 : i32
      %get3A_2631 = arith.constant 73 : i32
      %get3A_2632 = arith.index_cast %get3A_2630 : i32 to index
      %get3A_2633 = arith.index_cast %get3A_2631 : i32 to index
      %get3A_2634 = arith.constant 288 : index
      %get3A_2635 = tpu.vector_load %arg9[%get3A_2632, %get3A_2633, %get3A_2634] {strides = array<i32>} : memref<1x80x512xf32, #tpu.memory_space<vmem>>, vector<16xf32>,
      %swap3A_2636 = arith.constant 0 : i32
      %swap3A_2637 = arith.constant 1 : i32
      %swap3A_2638 = arith.index_cast %swap3A_2636 : i32 to index
      %swap3A_2639 = arith.index_cast %swap3A_2637 : i32 to index
      %swap3A_2640 = arith.constant 288 : index
      %swap3A_2641 = tpu.vector_load %arg11[%swap3A_2638, %swap3A_2639, %swap3A_2640] {strides = array<i32>} : memref<1x5x512xf32, #tpu.memory_space<vmem>>, vector<16xf32>,
      tpu.vector_store %arg11[%swap3A_2638, %swap3A_2639, %swap3A_2640], %get3A_2635 {strides = array<i32>} : memref<1x5x512xf32, #tpu.memory_space<vmem>>, vector<16xf32>,
      %get3A_2642 = arith.constant 0 : i32
      %get3A_2643 = arith.constant 73 : i32
      %get3A_2644 = arith.index_cast %get3A_2642 : i32 to index
      %get3A_2645 = arith.index_cast %get3A_2643 : i32 to index
      %get3A_2646 = arith.constant 304 : index
      %get3A_2647 = tpu.vector_load %arg9[%get3A_2644, %get3A_2645, %get3A_2646] {strides = array<i32>} : memref<1x80x512xf32, #tpu.memory_space<vmem>>, vector<16xf32>,
      %swap3A_2648 = arith.constant 0 : i32
      %swap3A_2649 = arith.constant 1 : i32
      %swap3A_2650 = arith.index_cast %swap3A_2648 : i32 to index
      %swap3A_2651 = arith.index_cast %swap3A_2649 : i32 to index
      %swap3A_2652 = arith.constant 304 : index
      %swap3A_2653 = tpu.vector_load %arg11[%swap3A_2650, %swap3A_2651, %swap3A_2652] {strides = array<i32>} : memref<1x5x512xf32, #tpu.memory_space<vmem>>, vector<16xf32>,
      tpu.vector_store %arg11[%swap3A_2650, %swap3A_2651, %swap3A_2652], %get3A_2647 {strides = array<i32>} : memref<1x5x512xf32, #tpu.memory_space<vmem>>, vector<16xf32>,
      %get3A_2654 = arith.constant 0 : i32
      %get3A_2655 = arith.constant 73 : i32
      %get3A_2656 = arith.index_cast %get3A_2654 : i32 to index
      %get3A_2657 = arith.index_cast %get3A_2655 : i32 to index
      %get3A_2658 = arith.constant 320 : index
      %get3A_2659 = tpu.vector_load %arg9[%get3A_2656, %get3A_2657, %get3A_2658] {strides = array<i32>} : memref<1x80x512xf32, #tpu.memory_space<vmem>>, vector<16xf32>,
      %swap3A_2660 = arith.constant 0 : i32
      %swap3A_2661 = arith.constant 1 : i32
      %swap3A_2662 = arith.index_cast %swap3A_2660 : i32 to index
      %swap3A_2663 = arith.index_cast %swap3A_2661 : i32 to index
      %swap3A_2664 = arith.constant 320 : index
      %swap3A_2665 = tpu.vector_load %arg11[%swap3A_2662, %swap3A_2663, %swap3A_2664] {strides = array<i32>} : memref<1x5x512xf32, #tpu.memory_space<vmem>>, vector<16xf32>,
      tpu.vector_store %arg11[%swap3A_2662, %swap3A_2663, %swap3A_2664], %get3A_2659 {strides = array<i32>} : memref<1x5x512xf32, #tpu.memory_space<vmem>>, vector<16xf32>,
      %get3A_2666 = arith.constant 0 : i32
      %get3A_2667 = arith.constant 73 : i32
      %get3A_2668 = arith.index_cast %get3A_2666 : i32 to index
      %get3A_2669 = arith.index_cast %get3A_2667 : i32 to index
      %get3A_2670 = arith.constant 336 : index
      %get3A_2671 = tpu.vector_load %arg9[%get3A_2668, %get3A_2669, %get3A_2670] {strides = array<i32>} : memref<1x80x512xf32, #tpu.memory_space<vmem>>, vector<16xf32>,
      %swap3A_2672 = arith.constant 0 : i32
      %swap3A_2673 = arith.constant 1 : i32
      %swap3A_2674 = arith.index_cast %swap3A_2672 : i32 to index
      %swap3A_2675 = arith.index_cast %swap3A_2673 : i32 to index
      %swap3A_2676 = arith.constant 336 : index
      %swap3A_2677 = tpu.vector_load %arg11[%swap3A_2674, %swap3A_2675, %swap3A_2676] {strides = array<i32>} : memref<1x5x512xf32, #tpu.memory_space<vmem>>, vector<16xf32>,
      tpu.vector_store %arg11[%swap3A_2674, %swap3A_2675, %swap3A_2676], %get3A_2671 {strides = array<i32>} : memref<1x5x512xf32, #tpu.memory_space<vmem>>, vector<16xf32>,
      %get3A_2678 = arith.constant 0 : i32
      %get3A_2679 = arith.constant 73 : i32
      %get3A_2680 = arith.index_cast %get3A_2678 : i32 to index
      %get3A_2681 = arith.index_cast %get3A_2679 : i32 to index
      %get3A_2682 = arith.constant 352 : index
      %get3A_2683 = tpu.vector_load %arg9[%get3A_2680, %get3A_2681, %get3A_2682] {strides = array<i32>} : memref<1x80x512xf32, #tpu.memory_space<vmem>>, vector<16xf32>,
      %swap3A_2684 = arith.constant 0 : i32
      %swap3A_2685 = arith.constant 1 : i32
      %swap3A_2686 = arith.index_cast %swap3A_2684 : i32 to index
      %swap3A_2687 = arith.index_cast %swap3A_2685 : i32 to index
      %swap3A_2688 = arith.constant 352 : index
      %swap3A_2689 = tpu.vector_load %arg11[%swap3A_2686, %swap3A_2687, %swap3A_2688] {strides = array<i32>} : memref<1x5x512xf32, #tpu.memory_space<vmem>>, vector<16xf32>,
      tpu.vector_store %arg11[%swap3A_2686, %swap3A_2687, %swap3A_2688], %get3A_2683 {strides = array<i32>} : memref<1x5x512xf32, #tpu.memory_space<vmem>>, vector<16xf32>,
      %get3A_2690 = arith.constant 0 : i32
      %get3A_2691 = arith.constant 73 : i32
      %get3A_2692 = arith.index_cast %get3A_2690 : i32 to index
      %get3A_2693 = arith.index_cast %get3A_2691 : i32 to index
      %get3A_2694 = arith.constant 368 : index
      %get3A_2695 = tpu.vector_load %arg9[%get3A_2692, %get3A_2693, %get3A_2694] {strides = array<i32>} : memref<1x80x512xf32, #tpu.memory_space<vmem>>, vector<16xf32>,
      %swap3A_2696 = arith.constant 0 : i32
      %swap3A_2697 = arith.constant 1 : i32
      %swap3A_2698 = arith.index_cast %swap3A_2696 : i32 to index
      %swap3A_2699 = arith.index_cast %swap3A_2697 : i32 to index
      %swap3A_2700 = arith.constant 368 : index
      %swap3A_2701 = tpu.vector_load %arg11[%swap3A_2698, %swap3A_2699, %swap3A_2700] {strides = array<i32>} : memref<1x5x512xf32, #tpu.memory_space<vmem>>, vector<16xf32>,
      tpu.vector_store %arg11[%swap3A_2698, %swap3A_2699, %swap3A_2700], %get3A_2695 {strides = array<i32>} : memref<1x5x512xf32, #tpu.memory_space<vmem>>, vector<16xf32>,
      %get3A_2702 = arith.constant 0 : i32
      %get3A_2703 = arith.constant 73 : i32
      %get3A_2704 = arith.index_cast %get3A_2702 : i32 to index
      %get3A_2705 = arith.index_cast %get3A_2703 : i32 to index
      %get3A_2706 = arith.constant 384 : index
      %get3A_2707 = tpu.vector_load %arg9[%get3A_2704, %get3A_2705, %get3A_2706] {strides = array<i32>} : memref<1x80x512xf32, #tpu.memory_space<vmem>>, vector<16xf32>,
      %swap3A_2708 = arith.constant 0 : i32
      %swap3A_2709 = arith.constant 1 : i32
      %swap3A_2710 = arith.index_cast %swap3A_2708 : i32 to index
      %swap3A_2711 = arith.index_cast %swap3A_2709 : i32 to index
      %swap3A_2712 = arith.constant 384 : index
      %swap3A_2713 = tpu.vector_load %arg11[%swap3A_2710, %swap3A_2711, %swap3A_2712] {strides = array<i32>} : memref<1x5x512xf32, #tpu.memory_space<vmem>>, vector<16xf32>,
      tpu.vector_store %arg11[%swap3A_2710, %swap3A_2711, %swap3A_2712], %get3A_2707 {strides = array<i32>} : memref<1x5x512xf32, #tpu.memory_space<vmem>>, vector<16xf32>,
      %get3A_2714 = arith.constant 0 : i32
      %get3A_2715 = arith.constant 73 : i32
      %get3A_2716 = arith.index_cast %get3A_2714 : i32 to index
      %get3A_2717 = arith.index_cast %get3A_2715 : i32 to index
      %get3A_2718 = arith.constant 400 : index
      %get3A_2719 = tpu.vector_load %arg9[%get3A_2716, %get3A_2717, %get3A_2718] {strides = array<i32>} : memref<1x80x512xf32, #tpu.memory_space<vmem>>, vector<16xf32>,
      %swap3A_2720 = arith.constant 0 : i32
      %swap3A_2721 = arith.constant 1 : i32
      %swap3A_2722 = arith.index_cast %swap3A_2720 : i32 to index
      %swap3A_2723 = arith.index_cast %swap3A_2721 : i32 to index
      %swap3A_2724 = arith.constant 400 : index
      %swap3A_2725 = tpu.vector_load %arg11[%swap3A_2722, %swap3A_2723, %swap3A_2724] {strides = array<i32>} : memref<1x5x512xf32, #tpu.memory_space<vmem>>, vector<16xf32>,
      tpu.vector_store %arg11[%swap3A_2722, %swap3A_2723, %swap3A_2724], %get3A_2719 {strides = array<i32>} : memref<1x5x512xf32, #tpu.memory_space<vmem>>, vector<16xf32>,
      %get3A_2726 = arith.constant 0 : i32
      %get3A_2727 = arith.constant 73 : i32
      %get3A_2728 = arith.index_cast %get3A_2726 : i32 to index
      %get3A_2729 = arith.index_cast %get3A_2727 : i32 to index
      %get3A_2730 = arith.constant 416 : index
      %get3A_2731 = tpu.vector_load %arg9[%get3A_2728, %get3A_2729, %get3A_2730] {strides = array<i32>} : memref<1x80x512xf32, #tpu.memory_space<vmem>>, vector<16xf32>,
      %swap3A_2732 = arith.constant 0 : i32
      %swap3A_2733 = arith.constant 1 : i32
      %swap3A_2734 = arith.index_cast %swap3A_2732 : i32 to index
      %swap3A_2735 = arith.index_cast %swap3A_2733 : i32 to index
      %swap3A_2736 = arith.constant 416 : index
      %swap3A_2737 = tpu.vector_load %arg11[%swap3A_2734, %swap3A_2735, %swap3A_2736] {strides = array<i32>} : memref<1x5x512xf32, #tpu.memory_space<vmem>>, vector<16xf32>,
      tpu.vector_store %arg11[%swap3A_2734, %swap3A_2735, %swap3A_2736], %get3A_2731 {strides = array<i32>} : memref<1x5x512xf32, #tpu.memory_space<vmem>>, vector<16xf32>,
      %get3A_2738 = arith.constant 0 : i32
      %get3A_2739 = arith.constant 73 : i32
      %get3A_2740 = arith.index_cast %get3A_2738 : i32 to index
      %get3A_2741 = arith.index_cast %get3A_2739 : i32 to index
      %get3A_2742 = arith.constant 432 : index
      %get3A_2743 = tpu.vector_load %arg9[%get3A_2740, %get3A_2741, %get3A_2742] {strides = array<i32>} : memref<1x80x512xf32, #tpu.memory_space<vmem>>, vector<16xf32>,
      %swap3A_2744 = arith.constant 0 : i32
      %swap3A_2745 = arith.constant 1 : i32
      %swap3A_2746 = arith.index_cast %swap3A_2744 : i32 to index
      %swap3A_2747 = arith.index_cast %swap3A_2745 : i32 to index
      %swap3A_2748 = arith.constant 432 : index
      %swap3A_2749 = tpu.vector_load %arg11[%swap3A_2746, %swap3A_2747, %swap3A_2748] {strides = array<i32>} : memref<1x5x512xf32, #tpu.memory_space<vmem>>, vector<16xf32>,
      tpu.vector_store %arg11[%swap3A_2746, %swap3A_2747, %swap3A_2748], %get3A_2743 {strides = array<i32>} : memref<1x5x512xf32, #tpu.memory_space<vmem>>, vector<16xf32>,
      %get3A_2750 = arith.constant 0 : i32
      %get3A_2751 = arith.constant 73 : i32
      %get3A_2752 = arith.index_cast %get3A_2750 : i32 to index
      %get3A_2753 = arith.index_cast %get3A_2751 : i32 to index
      %get3A_2754 = arith.constant 448 : index
      %get3A_2755 = tpu.vector_load %arg9[%get3A_2752, %get3A_2753, %get3A_2754] {strides = array<i32>} : memref<1x80x512xf32, #tpu.memory_space<vmem>>, vector<16xf32>,
      %swap3A_2756 = arith.constant 0 : i32
      %swap3A_2757 = arith.constant 1 : i32
      %swap3A_2758 = arith.index_cast %swap3A_2756 : i32 to index
      %swap3A_2759 = arith.index_cast %swap3A_2757 : i32 to index
      %swap3A_2760 = arith.constant 448 : index
      %swap3A_2761 = tpu.vector_load %arg11[%swap3A_2758, %swap3A_2759, %swap3A_2760] {strides = array<i32>} : memref<1x5x512xf32, #tpu.memory_space<vmem>>, vector<16xf32>,
      tpu.vector_store %arg11[%swap3A_2758, %swap3A_2759, %swap3A_2760], %get3A_2755 {strides = array<i32>} : memref<1x5x512xf32, #tpu.memory_space<vmem>>, vector<16xf32>,
      %get3A_2762 = arith.constant 0 : i32
      %get3A_2763 = arith.constant 73 : i32
      %get3A_2764 = arith.index_cast %get3A_2762 : i32 to index
      %get3A_2765 = arith.index_cast %get3A_2763 : i32 to index
      %get3A_2766 = arith.constant 464 : index
      %get3A_2767 = tpu.vector_load %arg9[%get3A_2764, %get3A_2765, %get3A_2766] {strides = array<i32>} : memref<1x80x512xf32, #tpu.memory_space<vmem>>, vector<16xf32>,
      %swap3A_2768 = arith.constant 0 : i32
      %swap3A_2769 = arith.constant 1 : i32
      %swap3A_2770 = arith.index_cast %swap3A_2768 : i32 to index
      %swap3A_2771 = arith.index_cast %swap3A_2769 : i32 to index
      %swap3A_2772 = arith.constant 464 : index
      %swap3A_2773 = tpu.vector_load %arg11[%swap3A_2770, %swap3A_2771, %swap3A_2772] {strides = array<i32>} : memref<1x5x512xf32, #tpu.memory_space<vmem>>, vector<16xf32>,
      tpu.vector_store %arg11[%swap3A_2770, %swap3A_2771, %swap3A_2772], %get3A_2767 {strides = array<i32>} : memref<1x5x512xf32, #tpu.memory_space<vmem>>, vector<16xf32>,
      %get3A_2774 = arith.constant 0 : i32
      %get3A_2775 = arith.constant 73 : i32
      %get3A_2776 = arith.index_cast %get3A_2774 : i32 to index
      %get3A_2777 = arith.index_cast %get3A_2775 : i32 to index
      %get3A_2778 = arith.constant 480 : index
      %get3A_2779 = tpu.vector_load %arg9[%get3A_2776, %get3A_2777, %get3A_2778] {strides = array<i32>} : memref<1x80x512xf32, #tpu.memory_space<vmem>>, vector<16xf32>,
      %swap3A_2780 = arith.constant 0 : i32
      %swap3A_2781 = arith.constant 1 : i32
      %swap3A_2782 = arith.index_cast %swap3A_2780 : i32 to index
      %swap3A_2783 = arith.index_cast %swap3A_2781 : i32 to index
      %swap3A_2784 = arith.constant 480 : index
      %swap3A_2785 = tpu.vector_load %arg11[%swap3A_2782, %swap3A_2783, %swap3A_2784] {strides = array<i32>} : memref<1x5x512xf32, #tpu.memory_space<vmem>>, vector<16xf32>,
      tpu.vector_store %arg11[%swap3A_2782, %swap3A_2783, %swap3A_2784], %get3A_2779 {strides = array<i32>} : memref<1x5x512xf32, #tpu.memory_space<vmem>>, vector<16xf32>,
      %get3A_2786 = arith.constant 0 : i32
      %get3A_2787 = arith.constant 73 : i32
      %get3A_2788 = arith.index_cast %get3A_2786 : i32 to index
      %get3A_2789 = arith.index_cast %get3A_2787 : i32 to index
      %get3A_2790 = arith.constant 496 : index
      %get3A_2791 = tpu.vector_load %arg9[%get3A_2788, %get3A_2789, %get3A_2790] {strides = array<i32>} : memref<1x80x512xf32, #tpu.memory_space<vmem>>, vector<16xf32>,
      %swap3A_2792 = arith.constant 0 : i32
      %swap3A_2793 = arith.constant 1 : i32
      %swap3A_2794 = arith.index_cast %swap3A_2792 : i32 to index
      %swap3A_2795 = arith.index_cast %swap3A_2793 : i32 to index
      %swap3A_2796 = arith.constant 496 : index
      %swap3A_2797 = tpu.vector_load %arg11[%swap3A_2794, %swap3A_2795, %swap3A_2796] {strides = array<i32>} : memref<1x5x512xf32, #tpu.memory_space<vmem>>, vector<16xf32>,
      tpu.vector_store %arg11[%swap3A_2794, %swap3A_2795, %swap3A_2796], %get3A_2791 {strides = array<i32>} : memref<1x5x512xf32, #tpu.memory_space<vmem>>, vector<16xf32>,
      %get3A_2798 = arith.constant 0 : i32
      %get3A_2799 = arith.constant 74 : i32
      %get3A_2800 = arith.index_cast %get3A_2798 : i32 to index
      %get3A_2801 = arith.index_cast %get3A_2799 : i32 to index
      %get3A_2802 = arith.constant 0 : index
      %get3A_2803 = tpu.vector_load %arg9[%get3A_2800, %get3A_2801, %get3A_2802] {strides = array<i32>} : memref<1x80x512xf32, #tpu.memory_space<vmem>>, vector<16xf32>,
      %swap3A_2804 = arith.constant 0 : i32
      %swap3A_2805 = arith.constant 2 : i32
      %swap3A_2806 = arith.index_cast %swap3A_2804 : i32 to index
      %swap3A_2807 = arith.index_cast %swap3A_2805 : i32 to index
      %swap3A_2808 = arith.constant 0 : index
      %swap3A_2809 = tpu.vector_load %arg11[%swap3A_2806, %swap3A_2807, %swap3A_2808] {strides = array<i32>} : memref<1x5x512xf32, #tpu.memory_space<vmem>>, vector<16xf32>,
      tpu.vector_store %arg11[%swap3A_2806, %swap3A_2807, %swap3A_2808], %get3A_2803 {strides = array<i32>} : memref<1x5x512xf32, #tpu.memory_space<vmem>>, vector<16xf32>,
      %get3A_2810 = arith.constant 0 : i32
      %get3A_2811 = arith.constant 74 : i32
      %get3A_2812 = arith.index_cast %get3A_2810 : i32 to index
      %get3A_2813 = arith.index_cast %get3A_2811 : i32 to index
      %get3A_2814 = arith.constant 16 : index
      %get3A_2815 = tpu.vector_load %arg9[%get3A_2812, %get3A_2813, %get3A_2814] {strides = array<i32>} : memref<1x80x512xf32, #tpu.memory_space<vmem>>, vector<16xf32>,
      %swap3A_2816 = arith.constant 0 : i32
      %swap3A_2817 = arith.constant 2 : i32
      %swap3A_2818 = arith.index_cast %swap3A_2816 : i32 to index
      %swap3A_2819 = arith.index_cast %swap3A_2817 : i32 to index
      %swap3A_2820 = arith.constant 16 : index
      %swap3A_2821 = tpu.vector_load %arg11[%swap3A_2818, %swap3A_2819, %swap3A_2820] {strides = array<i32>} : memref<1x5x512xf32, #tpu.memory_space<vmem>>, vector<16xf32>,
      tpu.vector_store %arg11[%swap3A_2818, %swap3A_2819, %swap3A_2820], %get3A_2815 {strides = array<i32>} : memref<1x5x512xf32, #tpu.memory_space<vmem>>, vector<16xf32>,
      %get3A_2822 = arith.constant 0 : i32
      %get3A_2823 = arith.constant 74 : i32
      %get3A_2824 = arith.index_cast %get3A_2822 : i32 to index
      %get3A_2825 = arith.index_cast %get3A_2823 : i32 to index
      %get3A_2826 = arith.constant 32 : index
      %get3A_2827 = tpu.vector_load %arg9[%get3A_2824, %get3A_2825, %get3A_2826] {strides = array<i32>} : memref<1x80x512xf32, #tpu.memory_space<vmem>>, vector<16xf32>,
      %swap3A_2828 = arith.constant 0 : i32
      %swap3A_2829 = arith.constant 2 : i32
      %swap3A_2830 = arith.index_cast %swap3A_2828 : i32 to index
      %swap3A_2831 = arith.index_cast %swap3A_2829 : i32 to index
      %swap3A_2832 = arith.constant 32 : index
      %swap3A_2833 = tpu.vector_load %arg11[%swap3A_2830, %swap3A_2831, %swap3A_2832] {strides = array<i32>} : memref<1x5x512xf32, #tpu.memory_space<vmem>>, vector<16xf32>,
      tpu.vector_store %arg11[%swap3A_2830, %swap3A_2831, %swap3A_2832], %get3A_2827 {strides = array<i32>} : memref<1x5x512xf32, #tpu.memory_space<vmem>>, vector<16xf32>,
      %get3A_2834 = arith.constant 0 : i32
      %get3A_2835 = arith.constant 74 : i32
      %get3A_2836 = arith.index_cast %get3A_2834 : i32 to index
      %get3A_2837 = arith.index_cast %get3A_2835 : i32 to index
      %get3A_2838 = arith.constant 48 : index
      %get3A_2839 = tpu.vector_load %arg9[%get3A_2836, %get3A_2837, %get3A_2838] {strides = array<i32>} : memref<1x80x512xf32, #tpu.memory_space<vmem>>, vector<16xf32>,
      %swap3A_2840 = arith.constant 0 : i32
      %swap3A_2841 = arith.constant 2 : i32
      %swap3A_2842 = arith.index_cast %swap3A_2840 : i32 to index
      %swap3A_2843 = arith.index_cast %swap3A_2841 : i32 to index
      %swap3A_2844 = arith.constant 48 : index
      %swap3A_2845 = tpu.vector_load %arg11[%swap3A_2842, %swap3A_2843, %swap3A_2844] {strides = array<i32>} : memref<1x5x512xf32, #tpu.memory_space<vmem>>, vector<16xf32>,
      tpu.vector_store %arg11[%swap3A_2842, %swap3A_2843, %swap3A_2844], %get3A_2839 {strides = array<i32>} : memref<1x5x512xf32, #tpu.memory_space<vmem>>, vector<16xf32>,
      %get3A_2846 = arith.constant 0 : i32
      %get3A_2847 = arith.constant 74 : i32
      %get3A_2848 = arith.index_cast %get3A_2846 : i32 to index
      %get3A_2849 = arith.index_cast %get3A_2847 : i32 to index
      %get3A_2850 = arith.constant 64 : index
      %get3A_2851 = tpu.vector_load %arg9[%get3A_2848, %get3A_2849, %get3A_2850] {strides = array<i32>} : memref<1x80x512xf32, #tpu.memory_space<vmem>>, vector<16xf32>,
      %swap3A_2852 = arith.constant 0 : i32
      %swap3A_2853 = arith.constant 2 : i32
      %swap3A_2854 = arith.index_cast %swap3A_2852 : i32 to index
      %swap3A_2855 = arith.index_cast %swap3A_2853 : i32 to index
      %swap3A_2856 = arith.constant 64 : index
      %swap3A_2857 = tpu.vector_load %arg11[%swap3A_2854, %swap3A_2855, %swap3A_2856] {strides = array<i32>} : memref<1x5x512xf32, #tpu.memory_space<vmem>>, vector<16xf32>,
      tpu.vector_store %arg11[%swap3A_2854, %swap3A_2855, %swap3A_2856], %get3A_2851 {strides = array<i32>} : memref<1x5x512xf32, #tpu.memory_space<vmem>>, vector<16xf32>,
      %get3A_2858 = arith.constant 0 : i32
      %get3A_2859 = arith.constant 74 : i32
      %get3A_2860 = arith.index_cast %get3A_2858 : i32 to index
      %get3A_2861 = arith.index_cast %get3A_2859 : i32 to index
      %get3A_2862 = arith.constant 80 : index
      %get3A_2863 = tpu.vector_load %arg9[%get3A_2860, %get3A_2861, %get3A_2862] {strides = array<i32>} : memref<1x80x512xf32, #tpu.memory_space<vmem>>, vector<16xf32>,
      %swap3A_2864 = arith.constant 0 : i32
      %swap3A_2865 = arith.constant 2 : i32
      %swap3A_2866 = arith.index_cast %swap3A_2864 : i32 to index
      %swap3A_2867 = arith.index_cast %swap3A_2865 : i32 to index
      %swap3A_2868 = arith.constant 80 : index
      %swap3A_2869 = tpu.vector_load %arg11[%swap3A_2866, %swap3A_2867, %swap3A_2868] {strides = array<i32>} : memref<1x5x512xf32, #tpu.memory_space<vmem>>, vector<16xf32>,
      tpu.vector_store %arg11[%swap3A_2866, %swap3A_2867, %swap3A_2868], %get3A_2863 {strides = array<i32>} : memref<1x5x512xf32, #tpu.memory_space<vmem>>, vector<16xf32>,
      %get3A_2870 = arith.constant 0 : i32
      %get3A_2871 = arith.constant 74 : i32
      %get3A_2872 = arith.index_cast %get3A_2870 : i32 to index
      %get3A_2873 = arith.index_cast %get3A_2871 : i32 to index
      %get3A_2874 = arith.constant 96 : index
      %get3A_2875 = tpu.vector_load %arg9[%get3A_2872, %get3A_2873, %get3A_2874] {strides = array<i32>} : memref<1x80x512xf32, #tpu.memory_space<vmem>>, vector<16xf32>,
      %swap3A_2876 = arith.constant 0 : i32
      %swap3A_2877 = arith.constant 2 : i32
      %swap3A_2878 = arith.index_cast %swap3A_2876 : i32 to index
      %swap3A_2879 = arith.index_cast %swap3A_2877 : i32 to index
      %swap3A_2880 = arith.constant 96 : index
      %swap3A_2881 = tpu.vector_load %arg11[%swap3A_2878, %swap3A_2879, %swap3A_2880] {strides = array<i32>} : memref<1x5x512xf32, #tpu.memory_space<vmem>>, vector<16xf32>,
      tpu.vector_store %arg11[%swap3A_2878, %swap3A_2879, %swap3A_2880], %get3A_2875 {strides = array<i32>} : memref<1x5x512xf32, #tpu.memory_space<vmem>>, vector<16xf32>,
      %get3A_2882 = arith.constant 0 : i32
      %get3A_2883 = arith.constant 74 : i32
      %get3A_2884 = arith.index_cast %get3A_2882 : i32 to index
      %get3A_2885 = arith.index_cast %get3A_2883 : i32 to index
      %get3A_2886 = arith.constant 112 : index
      %get3A_2887 = tpu.vector_load %arg9[%get3A_2884, %get3A_2885, %get3A_2886] {strides = array<i32>} : memref<1x80x512xf32, #tpu.memory_space<vmem>>, vector<16xf32>,
      %swap3A_2888 = arith.constant 0 : i32
      %swap3A_2889 = arith.constant 2 : i32
      %swap3A_2890 = arith.index_cast %swap3A_2888 : i32 to index
      %swap3A_2891 = arith.index_cast %swap3A_2889 : i32 to index
      %swap3A_2892 = arith.constant 112 : index
      %swap3A_2893 = tpu.vector_load %arg11[%swap3A_2890, %swap3A_2891, %swap3A_2892] {strides = array<i32>} : memref<1x5x512xf32, #tpu.memory_space<vmem>>, vector<16xf32>,
      tpu.vector_store %arg11[%swap3A_2890, %swap3A_2891, %swap3A_2892], %get3A_2887 {strides = array<i32>} : memref<1x5x512xf32, #tpu.memory_space<vmem>>, vector<16xf32>,
      %get3A_2894 = arith.constant 0 : i32
      %get3A_2895 = arith.constant 74 : i32
      %get3A_2896 = arith.index_cast %get3A_2894 : i32 to index
      %get3A_2897 = arith.index_cast %get3A_2895 : i32 to index
      %get3A_2898 = arith.constant 128 : index
      %get3A_2899 = tpu.vector_load %arg9[%get3A_2896, %get3A_2897, %get3A_2898] {strides = array<i32>} : memref<1x80x512xf32, #tpu.memory_space<vmem>>, vector<16xf32>,
      %swap3A_2900 = arith.constant 0 : i32
      %swap3A_2901 = arith.constant 2 : i32
      %swap3A_2902 = arith.index_cast %swap3A_2900 : i32 to index
      %swap3A_2903 = arith.index_cast %swap3A_2901 : i32 to index
      %swap3A_2904 = arith.constant 128 : index
      %swap3A_2905 = tpu.vector_load %arg11[%swap3A_2902, %swap3A_2903, %swap3A_2904] {strides = array<i32>} : memref<1x5x512xf32, #tpu.memory_space<vmem>>, vector<16xf32>,
      tpu.vector_store %arg11[%swap3A_2902, %swap3A_2903, %swap3A_2904], %get3A_2899 {strides = array<i32>} : memref<1x5x512xf32, #tpu.memory_space<vmem>>, vector<16xf32>,
      %get3A_2906 = arith.constant 0 : i32
      %get3A_2907 = arith.constant 74 : i32
      %get3A_2908 = arith.index_cast %get3A_2906 : i32 to index
      %get3A_2909 = arith.index_cast %get3A_2907 : i32 to index
      %get3A_2910 = arith.constant 144 : index
      %get3A_2911 = tpu.vector_load %arg9[%get3A_2908, %get3A_2909, %get3A_2910] {strides = array<i32>} : memref<1x80x512xf32, #tpu.memory_space<vmem>>, vector<16xf32>,
      %swap3A_2912 = arith.constant 0 : i32
      %swap3A_2913 = arith.constant 2 : i32
      %swap3A_2914 = arith.index_cast %swap3A_2912 : i32 to index
      %swap3A_2915 = arith.index_cast %swap3A_2913 : i32 to index
      %swap3A_2916 = arith.constant 144 : index
      %swap3A_2917 = tpu.vector_load %arg11[%swap3A_2914, %swap3A_2915, %swap3A_2916] {strides = array<i32>} : memref<1x5x512xf32, #tpu.memory_space<vmem>>, vector<16xf32>,
      tpu.vector_store %arg11[%swap3A_2914, %swap3A_2915, %swap3A_2916], %get3A_2911 {strides = array<i32>} : memref<1x5x512xf32, #tpu.memory_space<vmem>>, vector<16xf32>,
      %get3A_2918 = arith.constant 0 : i32
      %get3A_2919 = arith.constant 74 : i32
      %get3A_2920 = arith.index_cast %get3A_2918 : i32 to index
      %get3A_2921 = arith.index_cast %get3A_2919 : i32 to index
      %get3A_2922 = arith.constant 160 : index
      %get3A_2923 = tpu.vector_load %arg9[%get3A_2920, %get3A_2921, %get3A_2922] {strides = array<i32>} : memref<1x80x512xf32, #tpu.memory_space<vmem>>, vector<16xf32>,
      %swap3A_2924 = arith.constant 0 : i32
      %swap3A_2925 = arith.constant 2 : i32
      %swap3A_2926 = arith.index_cast %swap3A_2924 : i32 to index
      %swap3A_2927 = arith.index_cast %swap3A_2925 : i32 to index
      %swap3A_2928 = arith.constant 160 : index
      %swap3A_2929 = tpu.vector_load %arg11[%swap3A_2926, %swap3A_2927, %swap3A_2928] {strides = array<i32>} : memref<1x5x512xf32, #tpu.memory_space<vmem>>, vector<16xf32>,
      tpu.vector_store %arg11[%swap3A_2926, %swap3A_2927, %swap3A_2928], %get3A_2923 {strides = array<i32>} : memref<1x5x512xf32, #tpu.memory_space<vmem>>, vector<16xf32>,
      %get3A_2930 = arith.constant 0 : i32
      %get3A_2931 = arith.constant 74 : i32
      %get3A_2932 = arith.index_cast %get3A_2930 : i32 to index
      %get3A_2933 = arith.index_cast %get3A_2931 : i32 to index
      %get3A_2934 = arith.constant 176 : index
      %get3A_2935 = tpu.vector_load %arg9[%get3A_2932, %get3A_2933, %get3A_2934] {strides = array<i32>} : memref<1x80x512xf32, #tpu.memory_space<vmem>>, vector<16xf32>,
      %swap3A_2936 = arith.constant 0 : i32
      %swap3A_2937 = arith.constant 2 : i32
      %swap3A_2938 = arith.index_cast %swap3A_2936 : i32 to index
      %swap3A_2939 = arith.index_cast %swap3A_2937 : i32 to index
      %swap3A_2940 = arith.constant 176 : index
      %swap3A_2941 = tpu.vector_load %arg11[%swap3A_2938, %swap3A_2939, %swap3A_2940] {strides = array<i32>} : memref<1x5x512xf32, #tpu.memory_space<vmem>>, vector<16xf32>,
      tpu.vector_store %arg11[%swap3A_2938, %swap3A_2939, %swap3A_2940], %get3A_2935 {strides = array<i32>} : memref<1x5x512xf32, #tpu.memory_space<vmem>>, vector<16xf32>,
      %get3A_2942 = arith.constant 0 : i32
      %get3A_2943 = arith.constant 74 : i32
      %get3A_2944 = arith.index_cast %get3A_2942 : i32 to index
      %get3A_2945 = arith.index_cast %get3A_2943 : i32 to index
      %get3A_2946 = arith.constant 192 : index
      %get3A_2947 = tpu.vector_load %arg9[%get3A_2944, %get3A_2945, %get3A_2946] {strides = array<i32>} : memref<1x80x512xf32, #tpu.memory_space<vmem>>, vector<16xf32>,
      %swap3A_2948 = arith.constant 0 : i32
      %swap3A_2949 = arith.constant 2 : i32
      %swap3A_2950 = arith.index_cast %swap3A_2948 : i32 to index
      %swap3A_2951 = arith.index_cast %swap3A_2949 : i32 to index
      %swap3A_2952 = arith.constant 192 : index
      %swap3A_2953 = tpu.vector_load %arg11[%swap3A_2950, %swap3A_2951, %swap3A_2952] {strides = array<i32>} : memref<1x5x512xf32, #tpu.memory_space<vmem>>, vector<16xf32>,
      tpu.vector_store %arg11[%swap3A_2950, %swap3A_2951, %swap3A_2952], %get3A_2947 {strides = array<i32>} : memref<1x5x512xf32, #tpu.memory_space<vmem>>, vector<16xf32>,
      %get3A_2954 = arith.constant 0 : i32
      %get3A_2955 = arith.constant 74 : i32
      %get3A_2956 = arith.index_cast %get3A_2954 : i32 to index
      %get3A_2957 = arith.index_cast %get3A_2955 : i32 to index
      %get3A_2958 = arith.constant 208 : index
      %get3A_2959 = tpu.vector_load %arg9[%get3A_2956, %get3A_2957, %get3A_2958] {strides = array<i32>} : memref<1x80x512xf32, #tpu.memory_space<vmem>>, vector<16xf32>,
      %swap3A_2960 = arith.constant 0 : i32
      %swap3A_2961 = arith.constant 2 : i32
      %swap3A_2962 = arith.index_cast %swap3A_2960 : i32 to index
      %swap3A_2963 = arith.index_cast %swap3A_2961 : i32 to index
      %swap3A_2964 = arith.constant 208 : index
      %swap3A_2965 = tpu.vector_load %arg11[%swap3A_2962, %swap3A_2963, %swap3A_2964] {strides = array<i32>} : memref<1x5x512xf32, #tpu.memory_space<vmem>>, vector<16xf32>,
      tpu.vector_store %arg11[%swap3A_2962, %swap3A_2963, %swap3A_2964], %get3A_2959 {strides = array<i32>} : memref<1x5x512xf32, #tpu.memory_space<vmem>>, vector<16xf32>,
      %get3A_2966 = arith.constant 0 : i32
      %get3A_2967 = arith.constant 74 : i32
      %get3A_2968 = arith.index_cast %get3A_2966 : i32 to index
      %get3A_2969 = arith.index_cast %get3A_2967 : i32 to index
      %get3A_2970 = arith.constant 224 : index
      %get3A_2971 = tpu.vector_load %arg9[%get3A_2968, %get3A_2969, %get3A_2970] {strides = array<i32>} : memref<1x80x512xf32, #tpu.memory_space<vmem>>, vector<16xf32>,
      %swap3A_2972 = arith.constant 0 : i32
      %swap3A_2973 = arith.constant 2 : i32
      %swap3A_2974 = arith.index_cast %swap3A_2972 : i32 to index
      %swap3A_2975 = arith.index_cast %swap3A_2973 : i32 to index
      %swap3A_2976 = arith.constant 224 : index
      %swap3A_2977 = tpu.vector_load %arg11[%swap3A_2974, %swap3A_2975, %swap3A_2976] {strides = array<i32>} : memref<1x5x512xf32, #tpu.memory_space<vmem>>, vector<16xf32>,
      tpu.vector_store %arg11[%swap3A_2974, %swap3A_2975, %swap3A_2976], %get3A_2971 {strides = array<i32>} : memref<1x5x512xf32, #tpu.memory_space<vmem>>, vector<16xf32>,
      %get3A_2978 = arith.constant 0 : i32
      %get3A_2979 = arith.constant 74 : i32
      %get3A_2980 = arith.index_cast %get3A_2978 : i32 to index
      %get3A_2981 = arith.index_cast %get3A_2979 : i32 to index
      %get3A_2982 = arith.constant 240 : index
      %get3A_2983 = tpu.vector_load %arg9[%get3A_2980, %get3A_2981, %get3A_2982] {strides = array<i32>} : memref<1x80x512xf32, #tpu.memory_space<vmem>>, vector<16xf32>,
      %swap3A_2984 = arith.constant 0 : i32
      %swap3A_2985 = arith.constant 2 : i32
      %swap3A_2986 = arith.index_cast %swap3A_2984 : i32 to index
      %swap3A_2987 = arith.index_cast %swap3A_2985 : i32 to index
      %swap3A_2988 = arith.constant 240 : index
      %swap3A_2989 = tpu.vector_load %arg11[%swap3A_2986, %swap3A_2987, %swap3A_2988] {strides = array<i32>} : memref<1x5x512xf32, #tpu.memory_space<vmem>>, vector<16xf32>,
      tpu.vector_store %arg11[%swap3A_2986, %swap3A_2987, %swap3A_2988], %get3A_2983 {strides = array<i32>} : memref<1x5x512xf32, #tpu.memory_space<vmem>>, vector<16xf32>,
      %get3A_2990 = arith.constant 0 : i32
      %get3A_2991 = arith.constant 74 : i32
      %get3A_2992 = arith.index_cast %get3A_2990 : i32 to index
      %get3A_2993 = arith.index_cast %get3A_2991 : i32 to index
      %get3A_2994 = arith.constant 256 : index
      %get3A_2995 = tpu.vector_load %arg9[%get3A_2992, %get3A_2993, %get3A_2994] {strides = array<i32>} : memref<1x80x512xf32, #tpu.memory_space<vmem>>, vector<16xf32>,
      %swap3A_2996 = arith.constant 0 : i32
      %swap3A_2997 = arith.constant 2 : i32
      %swap3A_2998 = arith.index_cast %swap3A_2996 : i32 to index
      %swap3A_2999 = arith.index_cast %swap3A_2997 : i32 to index
      %swap3A_3000 = arith.constant 256 : index
      %swap3A_3001 = tpu.vector_load %arg11[%swap3A_2998, %swap3A_2999, %swap3A_3000] {strides = array<i32>} : memref<1x5x512xf32, #tpu.memory_space<vmem>>, vector<16xf32>,
      tpu.vector_store %arg11[%swap3A_2998, %swap3A_2999, %swap3A_3000], %get3A_2995 {strides = array<i32>} : memref<1x5x512xf32, #tpu.memory_space<vmem>>, vector<16xf32>,
      %get3A_3002 = arith.constant 0 : i32
      %get3A_3003 = arith.constant 74 : i32
      %get3A_3004 = arith.index_cast %get3A_3002 : i32 to index
      %get3A_3005 = arith.index_cast %get3A_3003 : i32 to index
      %get3A_3006 = arith.constant 272 : index
      %get3A_3007 = tpu.vector_load %arg9[%get3A_3004, %get3A_3005, %get3A_3006] {strides = array<i32>} : memref<1x80x512xf32, #tpu.memory_space<vmem>>, vector<16xf32>,
      %swap3A_3008 = arith.constant 0 : i32
      %swap3A_3009 = arith.constant 2 : i32
      %swap3A_3010 = arith.index_cast %swap3A_3008 : i32 to index
      %swap3A_3011 = arith.index_cast %swap3A_3009 : i32 to index
      %swap3A_3012 = arith.constant 272 : index
      %swap3A_3013 = tpu.vector_load %arg11[%swap3A_3010, %swap3A_3011, %swap3A_3012] {strides = array<i32>} : memref<1x5x512xf32, #tpu.memory_space<vmem>>, vector<16xf32>,
      tpu.vector_store %arg11[%swap3A_3010, %swap3A_3011, %swap3A_3012], %get3A_3007 {strides = array<i32>} : memref<1x5x512xf32, #tpu.memory_space<vmem>>, vector<16xf32>,
      %get3A_3014 = arith.constant 0 : i32
      %get3A_3015 = arith.constant 74 : i32
      %get3A_3016 = arith.index_cast %get3A_3014 : i32 to index
      %get3A_3017 = arith.index_cast %get3A_3015 : i32 to index
      %get3A_3018 = arith.constant 288 : index
      %get3A_3019 = tpu.vector_load %arg9[%get3A_3016, %get3A_3017, %get3A_3018] {strides = array<i32>} : memref<1x80x512xf32, #tpu.memory_space<vmem>>, vector<16xf32>,
      %swap3A_3020 = arith.constant 0 : i32
      %swap3A_3021 = arith.constant 2 : i32
      %swap3A_3022 = arith.index_cast %swap3A_3020 : i32 to index
      %swap3A_3023 = arith.index_cast %swap3A_3021 : i32 to index
      %swap3A_3024 = arith.constant 288 : index
      %swap3A_3025 = tpu.vector_load %arg11[%swap3A_3022, %swap3A_3023, %swap3A_3024] {strides = array<i32>} : memref<1x5x512xf32, #tpu.memory_space<vmem>>, vector<16xf32>,
      tpu.vector_store %arg11[%swap3A_3022, %swap3A_3023, %swap3A_3024], %get3A_3019 {strides = array<i32>} : memref<1x5x512xf32, #tpu.memory_space<vmem>>, vector<16xf32>,
      %get3A_3026 = arith.constant 0 : i32
      %get3A_3027 = arith.constant 74 : i32
      %get3A_3028 = arith.index_cast %get3A_3026 : i32 to index
      %get3A_3029 = arith.index_cast %get3A_3027 : i32 to index
      %get3A_3030 = arith.constant 304 : index
      %get3A_3031 = tpu.vector_load %arg9[%get3A_3028, %get3A_3029, %get3A_3030] {strides = array<i32>} : memref<1x80x512xf32, #tpu.memory_space<vmem>>, vector<16xf32>,
      %swap3A_3032 = arith.constant 0 : i32
      %swap3A_3033 = arith.constant 2 : i32
      %swap3A_3034 = arith.index_cast %swap3A_3032 : i32 to index
      %swap3A_3035 = arith.index_cast %swap3A_3033 : i32 to index
      %swap3A_3036 = arith.constant 304 : index
      %swap3A_3037 = tpu.vector_load %arg11[%swap3A_3034, %swap3A_3035, %swap3A_3036] {strides = array<i32>} : memref<1x5x512xf32, #tpu.memory_space<vmem>>, vector<16xf32>,
      tpu.vector_store %arg11[%swap3A_3034, %swap3A_3035, %swap3A_3036], %get3A_3031 {strides = array<i32>} : memref<1x5x512xf32, #tpu.memory_space<vmem>>, vector<16xf32>,
      %get3A_3038 = arith.constant 0 : i32
      %get3A_3039 = arith.constant 74 : i32
      %get3A_3040 = arith.index_cast %get3A_3038 : i32 to index
      %get3A_3041 = arith.index_cast %get3A_3039 : i32 to index
      %get3A_3042 = arith.constant 320 : index
      %get3A_3043 = tpu.vector_load %arg9[%get3A_3040, %get3A_3041, %get3A_3042] {strides = array<i32>} : memref<1x80x512xf32, #tpu.memory_space<vmem>>, vector<16xf32>,
      %swap3A_3044 = arith.constant 0 : i32
      %swap3A_3045 = arith.constant 2 : i32
      %swap3A_3046 = arith.index_cast %swap3A_3044 : i32 to index
      %swap3A_3047 = arith.index_cast %swap3A_3045 : i32 to index
      %swap3A_3048 = arith.constant 320 : index
      %swap3A_3049 = tpu.vector_load %arg11[%swap3A_3046, %swap3A_3047, %swap3A_3048] {strides = array<i32>} : memref<1x5x512xf32, #tpu.memory_space<vmem>>, vector<16xf32>,
      tpu.vector_store %arg11[%swap3A_3046, %swap3A_3047, %swap3A_3048], %get3A_3043 {strides = array<i32>} : memref<1x5x512xf32, #tpu.memory_space<vmem>>, vector<16xf32>,
      %get3A_3050 = arith.constant 0 : i32
      %get3A_3051 = arith.constant 74 : i32
      %get3A_3052 = arith.index_cast %get3A_3050 : i32 to index
      %get3A_3053 = arith.index_cast %get3A_3051 : i32 to index
      %get3A_3054 = arith.constant 336 : index
      %get3A_3055 = tpu.vector_load %arg9[%get3A_3052, %get3A_3053, %get3A_3054] {strides = array<i32>} : memref<1x80x512xf32, #tpu.memory_space<vmem>>, vector<16xf32>,
      %swap3A_3056 = arith.constant 0 : i32
      %swap3A_3057 = arith.constant 2 : i32
      %swap3A_3058 = arith.index_cast %swap3A_3056 : i32 to index
      %swap3A_3059 = arith.index_cast %swap3A_3057 : i32 to index
      %swap3A_3060 = arith.constant 336 : index
      %swap3A_3061 = tpu.vector_load %arg11[%swap3A_3058, %swap3A_3059, %swap3A_3060] {strides = array<i32>} : memref<1x5x512xf32, #tpu.memory_space<vmem>>, vector<16xf32>,
      tpu.vector_store %arg11[%swap3A_3058, %swap3A_3059, %swap3A_3060], %get3A_3055 {strides = array<i32>} : memref<1x5x512xf32, #tpu.memory_space<vmem>>, vector<16xf32>,
      %get3A_3062 = arith.constant 0 : i32
      %get3A_3063 = arith.constant 74 : i32
      %get3A_3064 = arith.index_cast %get3A_3062 : i32 to index
      %get3A_3065 = arith.index_cast %get3A_3063 : i32 to index
      %get3A_3066 = arith.constant 352 : index
      %get3A_3067 = tpu.vector_load %arg9[%get3A_3064, %get3A_3065, %get3A_3066] {strides = array<i32>} : memref<1x80x512xf32, #tpu.memory_space<vmem>>, vector<16xf32>,
      %swap3A_3068 = arith.constant 0 : i32
      %swap3A_3069 = arith.constant 2 : i32
      %swap3A_3070 = arith.index_cast %swap3A_3068 : i32 to index
      %swap3A_3071 = arith.index_cast %swap3A_3069 : i32 to index
      %swap3A_3072 = arith.constant 352 : index
      %swap3A_3073 = tpu.vector_load %arg11[%swap3A_3070, %swap3A_3071, %swap3A_3072] {strides = array<i32>} : memref<1x5x512xf32, #tpu.memory_space<vmem>>, vector<16xf32>,
      tpu.vector_store %arg11[%swap3A_3070, %swap3A_3071, %swap3A_3072], %get3A_3067 {strides = array<i32>} : memref<1x5x512xf32, #tpu.memory_space<vmem>>, vector<16xf32>,
      %get3A_3074 = arith.constant 0 : i32
      %get3A_3075 = arith.constant 74 : i32
      %get3A_3076 = arith.index_cast %get3A_3074 : i32 to index
      %get3A_3077 = arith.index_cast %get3A_3075 : i32 to index
      %get3A_3078 = arith.constant 368 : index
      %get3A_3079 = tpu.vector_load %arg9[%get3A_3076, %get3A_3077, %get3A_3078] {strides = array<i32>} : memref<1x80x512xf32, #tpu.memory_space<vmem>>, vector<16xf32>,
      %swap3A_3080 = arith.constant 0 : i32
      %swap3A_3081 = arith.constant 2 : i32
      %swap3A_3082 = arith.index_cast %swap3A_3080 : i32 to index
      %swap3A_3083 = arith.index_cast %swap3A_3081 : i32 to index
      %swap3A_3084 = arith.constant 368 : index
      %swap3A_3085 = tpu.vector_load %arg11[%swap3A_3082, %swap3A_3083, %swap3A_3084] {strides = array<i32>} : memref<1x5x512xf32, #tpu.memory_space<vmem>>, vector<16xf32>,
      tpu.vector_store %arg11[%swap3A_3082, %swap3A_3083, %swap3A_3084], %get3A_3079 {strides = array<i32>} : memref<1x5x512xf32, #tpu.memory_space<vmem>>, vector<16xf32>,
      %get3A_3086 = arith.constant 0 : i32
      %get3A_3087 = arith.constant 74 : i32
      %get3A_3088 = arith.index_cast %get3A_3086 : i32 to index
      %get3A_3089 = arith.index_cast %get3A_3087 : i32 to index
      %get3A_3090 = arith.constant 384 : index
      %get3A_3091 = tpu.vector_load %arg9[%get3A_3088, %get3A_3089, %get3A_3090] {strides = array<i32>} : memref<1x80x512xf32, #tpu.memory_space<vmem>>, vector<16xf32>,
      %swap3A_3092 = arith.constant 0 : i32
      %swap3A_3093 = arith.constant 2 : i32
      %swap3A_3094 = arith.index_cast %swap3A_3092 : i32 to index
      %swap3A_3095 = arith.index_cast %swap3A_3093 : i32 to index
      %swap3A_3096 = arith.constant 384 : index
      %swap3A_3097 = tpu.vector_load %arg11[%swap3A_3094, %swap3A_3095, %swap3A_3096] {strides = array<i32>} : memref<1x5x512xf32, #tpu.memory_space<vmem>>, vector<16xf32>,
      tpu.vector_store %arg11[%swap3A_3094, %swap3A_3095, %swap3A_3096], %get3A_3091 {strides = array<i32>} : memref<1x5x512xf32, #tpu.memory_space<vmem>>, vector<16xf32>,
      %get3A_3098 = arith.constant 0 : i32
      %get3A_3099 = arith.constant 74 : i32
      %get3A_3100 = arith.index_cast %get3A_3098 : i32 to index
      %get3A_3101 = arith.index_cast %get3A_3099 : i32 to index
      %get3A_3102 = arith.constant 400 : index
      %get3A_3103 = tpu.vector_load %arg9[%get3A_3100, %get3A_3101, %get3A_3102] {strides = array<i32>} : memref<1x80x512xf32, #tpu.memory_space<vmem>>, vector<16xf32>,
      %swap3A_3104 = arith.constant 0 : i32
      %swap3A_3105 = arith.constant 2 : i32
      %swap3A_3106 = arith.index_cast %swap3A_3104 : i32 to index
      %swap3A_3107 = arith.index_cast %swap3A_3105 : i32 to index
      %swap3A_3108 = arith.constant 400 : index
      %swap3A_3109 = tpu.vector_load %arg11[%swap3A_3106, %swap3A_3107, %swap3A_3108] {strides = array<i32>} : memref<1x5x512xf32, #tpu.memory_space<vmem>>, vector<16xf32>,
      tpu.vector_store %arg11[%swap3A_3106, %swap3A_3107, %swap3A_3108], %get3A_3103 {strides = array<i32>} : memref<1x5x512xf32, #tpu.memory_space<vmem>>, vector<16xf32>,
      %get3A_3110 = arith.constant 0 : i32
      %get3A_3111 = arith.constant 74 : i32
      %get3A_3112 = arith.index_cast %get3A_3110 : i32 to index
      %get3A_3113 = arith.index_cast %get3A_3111 : i32 to index
      %get3A_3114 = arith.constant 416 : index
      %get3A_3115 = tpu.vector_load %arg9[%get3A_3112, %get3A_3113, %get3A_3114] {strides = array<i32>} : memref<1x80x512xf32, #tpu.memory_space<vmem>>, vector<16xf32>,
      %swap3A_3116 = arith.constant 0 : i32
      %swap3A_3117 = arith.constant 2 : i32
      %swap3A_3118 = arith.index_cast %swap3A_3116 : i32 to index
      %swap3A_3119 = arith.index_cast %swap3A_3117 : i32 to index
      %swap3A_3120 = arith.constant 416 : index
      %swap3A_3121 = tpu.vector_load %arg11[%swap3A_3118, %swap3A_3119, %swap3A_3120] {strides = array<i32>} : memref<1x5x512xf32, #tpu.memory_space<vmem>>, vector<16xf32>,
      tpu.vector_store %arg11[%swap3A_3118, %swap3A_3119, %swap3A_3120], %get3A_3115 {strides = array<i32>} : memref<1x5x512xf32, #tpu.memory_space<vmem>>, vector<16xf32>,
      %get3A_3122 = arith.constant 0 : i32
      %get3A_3123 = arith.constant 74 : i32
      %get3A_3124 = arith.index_cast %get3A_3122 : i32 to index
      %get3A_3125 = arith.index_cast %get3A_3123 : i32 to index
      %get3A_3126 = arith.constant 432 : index
      %get3A_3127 = tpu.vector_load %arg9[%get3A_3124, %get3A_3125, %get3A_3126] {strides = array<i32>} : memref<1x80x512xf32, #tpu.memory_space<vmem>>, vector<16xf32>,
      %swap3A_3128 = arith.constant 0 : i32
      %swap3A_3129 = arith.constant 2 : i32
      %swap3A_3130 = arith.index_cast %swap3A_3128 : i32 to index
      %swap3A_3131 = arith.index_cast %swap3A_3129 : i32 to index
      %swap3A_3132 = arith.constant 432 : index
      %swap3A_3133 = tpu.vector_load %arg11[%swap3A_3130, %swap3A_3131, %swap3A_3132] {strides = array<i32>} : memref<1x5x512xf32, #tpu.memory_space<vmem>>, vector<16xf32>,
      tpu.vector_store %arg11[%swap3A_3130, %swap3A_3131, %swap3A_3132], %get3A_3127 {strides = array<i32>} : memref<1x5x512xf32, #tpu.memory_space<vmem>>, vector<16xf32>,
      %get3A_3134 = arith.constant 0 : i32
      %get3A_3135 = arith.constant 74 : i32
      %get3A_3136 = arith.index_cast %get3A_3134 : i32 to index
      %get3A_3137 = arith.index_cast %get3A_3135 : i32 to index
      %get3A_3138 = arith.constant 448 : index
      %get3A_3139 = tpu.vector_load %arg9[%get3A_3136, %get3A_3137, %get3A_3138] {strides = array<i32>} : memref<1x80x512xf32, #tpu.memory_space<vmem>>, vector<16xf32>,
      %swap3A_3140 = arith.constant 0 : i32
      %swap3A_3141 = arith.constant 2 : i32
      %swap3A_3142 = arith.index_cast %swap3A_3140 : i32 to index
      %swap3A_3143 = arith.index_cast %swap3A_3141 : i32 to index
      %swap3A_3144 = arith.constant 448 : index
      %swap3A_3145 = tpu.vector_load %arg11[%swap3A_3142, %swap3A_3143, %swap3A_3144] {strides = array<i32>} : memref<1x5x512xf32, #tpu.memory_space<vmem>>, vector<16xf32>,
      tpu.vector_store %arg11[%swap3A_3142, %swap3A_3143, %swap3A_3144], %get3A_3139 {strides = array<i32>} : memref<1x5x512xf32, #tpu.memory_space<vmem>>, vector<16xf32>,
      %get3A_3146 = arith.constant 0 : i32
      %get3A_3147 = arith.constant 74 : i32
      %get3A_3148 = arith.index_cast %get3A_3146 : i32 to index
      %get3A_3149 = arith.index_cast %get3A_3147 : i32 to index
      %get3A_3150 = arith.constant 464 : index
      %get3A_3151 = tpu.vector_load %arg9[%get3A_3148, %get3A_3149, %get3A_3150] {strides = array<i32>} : memref<1x80x512xf32, #tpu.memory_space<vmem>>, vector<16xf32>,
      %swap3A_3152 = arith.constant 0 : i32
      %swap3A_3153 = arith.constant 2 : i32
      %swap3A_3154 = arith.index_cast %swap3A_3152 : i32 to index
      %swap3A_3155 = arith.index_cast %swap3A_3153 : i32 to index
      %swap3A_3156 = arith.constant 464 : index
      %swap3A_3157 = tpu.vector_load %arg11[%swap3A_3154, %swap3A_3155, %swap3A_3156] {strides = array<i32>} : memref<1x5x512xf32, #tpu.memory_space<vmem>>, vector<16xf32>,
      tpu.vector_store %arg11[%swap3A_3154, %swap3A_3155, %swap3A_3156], %get3A_3151 {strides = array<i32>} : memref<1x5x512xf32, #tpu.memory_space<vmem>>, vector<16xf32>,
      %get3A_3158 = arith.constant 0 : i32
      %get3A_3159 = arith.constant 74 : i32
      %get3A_3160 = arith.index_cast %get3A_3158 : i32 to index
      %get3A_3161 = arith.index_cast %get3A_3159 : i32 to index
      %get3A_3162 = arith.constant 480 : index
      %get3A_3163 = tpu.vector_load %arg9[%get3A_3160, %get3A_3161, %get3A_3162] {strides = array<i32>} : memref<1x80x512xf32, #tpu.memory_space<vmem>>, vector<16xf32>,
      %swap3A_3164 = arith.constant 0 : i32
      %swap3A_3165 = arith.constant 2 : i32
      %swap3A_3166 = arith.index_cast %swap3A_3164 : i32 to index
      %swap3A_3167 = arith.index_cast %swap3A_3165 : i32 to index
      %swap3A_3168 = arith.constant 480 : index
      %swap3A_3169 = tpu.vector_load %arg11[%swap3A_3166, %swap3A_3167, %swap3A_3168] {strides = array<i32>} : memref<1x5x512xf32, #tpu.memory_space<vmem>>, vector<16xf32>,
      tpu.vector_store %arg11[%swap3A_3166, %swap3A_3167, %swap3A_3168], %get3A_3163 {strides = array<i32>} : memref<1x5x512xf32, #tpu.memory_space<vmem>>, vector<16xf32>,
      %get3A_3170 = arith.constant 0 : i32
      %get3A_3171 = arith.constant 74 : i32
      %get3A_3172 = arith.index_cast %get3A_3170 : i32 to index
      %get3A_3173 = arith.index_cast %get3A_3171 : i32 to index
      %get3A_3174 = arith.constant 496 : index
      %get3A_3175 = tpu.vector_load %arg9[%get3A_3172, %get3A_3173, %get3A_3174] {strides = array<i32>} : memref<1x80x512xf32, #tpu.memory_space<vmem>>, vector<16xf32>,
      %swap3A_3176 = arith.constant 0 : i32
      %swap3A_3177 = arith.constant 2 : i32
      %swap3A_3178 = arith.index_cast %swap3A_3176 : i32 to index
      %swap3A_3179 = arith.index_cast %swap3A_3177 : i32 to index
      %swap3A_3180 = arith.constant 496 : index
      %swap3A_3181 = tpu.vector_load %arg11[%swap3A_3178, %swap3A_3179, %swap3A_3180] {strides = array<i32>} : memref<1x5x512xf32, #tpu.memory_space<vmem>>, vector<16xf32>,
      tpu.vector_store %arg11[%swap3A_3178, %swap3A_3179, %swap3A_3180], %get3A_3175 {strides = array<i32>} : memref<1x5x512xf32, #tpu.memory_space<vmem>>, vector<16xf32>,
      %get3A_3182 = arith.constant 0 : i32
      %get3A_3183 = arith.constant 75 : i32
      %get3A_3184 = arith.index_cast %get3A_3182 : i32 to index
      %get3A_3185 = arith.index_cast %get3A_3183 : i32 to index
      %get3A_3186 = arith.constant 0 : index
      %get3A_3187 = tpu.vector_load %arg9[%get3A_3184, %get3A_3185, %get3A_3186] {strides = array<i32>} : memref<1x80x512xf32, #tpu.memory_space<vmem>>, vector<16xf32>,
      %swap3A_3188 = arith.constant 0 : i32
      %swap3A_3189 = arith.constant 3 : i32
      %swap3A_3190 = arith.index_cast %swap3A_3188 : i32 to index
      %swap3A_3191 = arith.index_cast %swap3A_3189 : i32 to index
      %swap3A_3192 = arith.constant 0 : index
      %swap3A_3193 = tpu.vector_load %arg11[%swap3A_3190, %swap3A_3191, %swap3A_3192] {strides = array<i32>} : memref<1x5x512xf32, #tpu.memory_space<vmem>>, vector<16xf32>,
      tpu.vector_store %arg11[%swap3A_3190, %swap3A_3191, %swap3A_3192], %get3A_3187 {strides = array<i32>} : memref<1x5x512xf32, #tpu.memory_space<vmem>>, vector<16xf32>,
      %get3A_3194 = arith.constant 0 : i32
      %get3A_3195 = arith.constant 75 : i32
      %get3A_3196 = arith.index_cast %get3A_3194 : i32 to index
      %get3A_3197 = arith.index_cast %get3A_3195 : i32 to index
      %get3A_3198 = arith.constant 16 : index
      %get3A_3199 = tpu.vector_load %arg9[%get3A_3196, %get3A_3197, %get3A_3198] {strides = array<i32>} : memref<1x80x512xf32, #tpu.memory_space<vmem>>, vector<16xf32>,
      %swap3A_3200 = arith.constant 0 : i32
      %swap3A_3201 = arith.constant 3 : i32
      %swap3A_3202 = arith.index_cast %swap3A_3200 : i32 to index
      %swap3A_3203 = arith.index_cast %swap3A_3201 : i32 to index
      %swap3A_3204 = arith.constant 16 : index
      %swap3A_3205 = tpu.vector_load %arg11[%swap3A_3202, %swap3A_3203, %swap3A_3204] {strides = array<i32>} : memref<1x5x512xf32, #tpu.memory_space<vmem>>, vector<16xf32>,
      tpu.vector_store %arg11[%swap3A_3202, %swap3A_3203, %swap3A_3204], %get3A_3199 {strides = array<i32>} : memref<1x5x512xf32, #tpu.memory_space<vmem>>, vector<16xf32>,
      %get3A_3206 = arith.constant 0 : i32
      %get3A_3207 = arith.constant 75 : i32
      %get3A_3208 = arith.index_cast %get3A_3206 : i32 to index
      %get3A_3209 = arith.index_cast %get3A_3207 : i32 to index
      %get3A_3210 = arith.constant 32 : index
      %get3A_3211 = tpu.vector_load %arg9[%get3A_3208, %get3A_3209, %get3A_3210] {strides = array<i32>} : memref<1x80x512xf32, #tpu.memory_space<vmem>>, vector<16xf32>,
      %swap3A_3212 = arith.constant 0 : i32
      %swap3A_3213 = arith.constant 3 : i32
      %swap3A_3214 = arith.index_cast %swap3A_3212 : i32 to index
      %swap3A_3215 = arith.index_cast %swap3A_3213 : i32 to index
      %swap3A_3216 = arith.constant 32 : index
      %swap3A_3217 = tpu.vector_load %arg11[%swap3A_3214, %swap3A_3215, %swap3A_3216] {strides = array<i32>} : memref<1x5x512xf32, #tpu.memory_space<vmem>>, vector<16xf32>,
      tpu.vector_store %arg11[%swap3A_3214, %swap3A_3215, %swap3A_3216], %get3A_3211 {strides = array<i32>} : memref<1x5x512xf32, #tpu.memory_space<vmem>>, vector<16xf32>,
      %get3A_3218 = arith.constant 0 : i32
      %get3A_3219 = arith.constant 75 : i32
      %get3A_3220 = arith.index_cast %get3A_3218 : i32 to index
      %get3A_3221 = arith.index_cast %get3A_3219 : i32 to index
      %get3A_3222 = arith.constant 48 : index
      %get3A_3223 = tpu.vector_load %arg9[%get3A_3220, %get3A_3221, %get3A_3222] {strides = array<i32>} : memref<1x80x512xf32, #tpu.memory_space<vmem>>, vector<16xf32>,
      %swap3A_3224 = arith.constant 0 : i32
      %swap3A_3225 = arith.constant 3 : i32
      %swap3A_3226 = arith.index_cast %swap3A_3224 : i32 to index
      %swap3A_3227 = arith.index_cast %swap3A_3225 : i32 to index
      %swap3A_3228 = arith.constant 48 : index
      %swap3A_3229 = tpu.vector_load %arg11[%swap3A_3226, %swap3A_3227, %swap3A_3228] {strides = array<i32>} : memref<1x5x512xf32, #tpu.memory_space<vmem>>, vector<16xf32>,
      tpu.vector_store %arg11[%swap3A_3226, %swap3A_3227, %swap3A_3228], %get3A_3223 {strides = array<i32>} : memref<1x5x512xf32, #tpu.memory_space<vmem>>, vector<16xf32>,
      %get3A_3230 = arith.constant 0 : i32
      %get3A_3231 = arith.constant 75 : i32
      %get3A_3232 = arith.index_cast %get3A_3230 : i32 to index
      %get3A_3233 = arith.index_cast %get3A_3231 : i32 to index
      %get3A_3234 = arith.constant 64 : index
      %get3A_3235 = tpu.vector_load %arg9[%get3A_3232, %get3A_3233, %get3A_3234] {strides = array<i32>} : memref<1x80x512xf32, #tpu.memory_space<vmem>>, vector<16xf32>,
      %swap3A_3236 = arith.constant 0 : i32
      %swap3A_3237 = arith.constant 3 : i32
      %swap3A_3238 = arith.index_cast %swap3A_3236 : i32 to index
      %swap3A_3239 = arith.index_cast %swap3A_3237 : i32 to index
      %swap3A_3240 = arith.constant 64 : index
      %swap3A_3241 = tpu.vector_load %arg11[%swap3A_3238, %swap3A_3239, %swap3A_3240] {strides = array<i32>} : memref<1x5x512xf32, #tpu.memory_space<vmem>>, vector<16xf32>,
      tpu.vector_store %arg11[%swap3A_3238, %swap3A_3239, %swap3A_3240], %get3A_3235 {strides = array<i32>} : memref<1x5x512xf32, #tpu.memory_space<vmem>>, vector<16xf32>,
      %get3A_3242 = arith.constant 0 : i32
      %get3A_3243 = arith.constant 75 : i32
      %get3A_3244 = arith.index_cast %get3A_3242 : i32 to index
      %get3A_3245 = arith.index_cast %get3A_3243 : i32 to index
      %get3A_3246 = arith.constant 80 : index
      %get3A_3247 = tpu.vector_load %arg9[%get3A_3244, %get3A_3245, %get3A_3246] {strides = array<i32>} : memref<1x80x512xf32, #tpu.memory_space<vmem>>, vector<16xf32>,
      %swap3A_3248 = arith.constant 0 : i32
      %swap3A_3249 = arith.constant 3 : i32
      %swap3A_3250 = arith.index_cast %swap3A_3248 : i32 to index
      %swap3A_3251 = arith.index_cast %swap3A_3249 : i32 to index
      %swap3A_3252 = arith.constant 80 : index
      %swap3A_3253 = tpu.vector_load %arg11[%swap3A_3250, %swap3A_3251, %swap3A_3252] {strides = array<i32>} : memref<1x5x512xf32, #tpu.memory_space<vmem>>, vector<16xf32>,
      tpu.vector_store %arg11[%swap3A_3250, %swap3A_3251, %swap3A_3252], %get3A_3247 {strides = array<i32>} : memref<1x5x512xf32, #tpu.memory_space<vmem>>, vector<16xf32>,
      %get3A_3254 = arith.constant 0 : i32
      %get3A_3255 = arith.constant 75 : i32
      %get3A_3256 = arith.index_cast %get3A_3254 : i32 to index
      %get3A_3257 = arith.index_cast %get3A_3255 : i32 to index
      %get3A_3258 = arith.constant 96 : index
      %get3A_3259 = tpu.vector_load %arg9[%get3A_3256, %get3A_3257, %get3A_3258] {strides = array<i32>} : memref<1x80x512xf32, #tpu.memory_space<vmem>>, vector<16xf32>,
      %swap3A_3260 = arith.constant 0 : i32
      %swap3A_3261 = arith.constant 3 : i32
      %swap3A_3262 = arith.index_cast %swap3A_3260 : i32 to index
      %swap3A_3263 = arith.index_cast %swap3A_3261 : i32 to index
      %swap3A_3264 = arith.constant 96 : index
      %swap3A_3265 = tpu.vector_load %arg11[%swap3A_3262, %swap3A_3263, %swap3A_3264] {strides = array<i32>} : memref<1x5x512xf32, #tpu.memory_space<vmem>>, vector<16xf32>,
      tpu.vector_store %arg11[%swap3A_3262, %swap3A_3263, %swap3A_3264], %get3A_3259 {strides = array<i32>} : memref<1x5x512xf32, #tpu.memory_space<vmem>>, vector<16xf32>,
      %get3A_3266 = arith.constant 0 : i32
      %get3A_3267 = arith.constant 75 : i32
      %get3A_3268 = arith.index_cast %get3A_3266 : i32 to index
      %get3A_3269 = arith.index_cast %get3A_3267 : i32 to index
      %get3A_3270 = arith.constant 112 : index
      %get3A_3271 = tpu.vector_load %arg9[%get3A_3268, %get3A_3269, %get3A_3270] {strides = array<i32>} : memref<1x80x512xf32, #tpu.memory_space<vmem>>, vector<16xf32>,
      %swap3A_3272 = arith.constant 0 : i32
      %swap3A_3273 = arith.constant 3 : i32
      %swap3A_3274 = arith.index_cast %swap3A_3272 : i32 to index
      %swap3A_3275 = arith.index_cast %swap3A_3273 : i32 to index
      %swap3A_3276 = arith.constant 112 : index
      %swap3A_3277 = tpu.vector_load %arg11[%swap3A_3274, %swap3A_3275, %swap3A_3276] {strides = array<i32>} : memref<1x5x512xf32, #tpu.memory_space<vmem>>, vector<16xf32>,
      tpu.vector_store %arg11[%swap3A_3274, %swap3A_3275, %swap3A_3276], %get3A_3271 {strides = array<i32>} : memref<1x5x512xf32, #tpu.memory_space<vmem>>, vector<16xf32>,
      %get3A_3278 = arith.constant 0 : i32
      %get3A_3279 = arith.constant 75 : i32
      %get3A_3280 = arith.index_cast %get3A_3278 : i32 to index
      %get3A_3281 = arith.index_cast %get3A_3279 : i32 to index
      %get3A_3282 = arith.constant 128 : index
      %get3A_3283 = tpu.vector_load %arg9[%get3A_3280, %get3A_3281, %get3A_3282] {strides = array<i32>} : memref<1x80x512xf32, #tpu.memory_space<vmem>>, vector<16xf32>,
      %swap3A_3284 = arith.constant 0 : i32
      %swap3A_3285 = arith.constant 3 : i32
      %swap3A_3286 = arith.index_cast %swap3A_3284 : i32 to index
      %swap3A_3287 = arith.index_cast %swap3A_3285 : i32 to index
      %swap3A_3288 = arith.constant 128 : index
      %swap3A_3289 = tpu.vector_load %arg11[%swap3A_3286, %swap3A_3287, %swap3A_3288] {strides = array<i32>} : memref<1x5x512xf32, #tpu.memory_space<vmem>>, vector<16xf32>,
      tpu.vector_store %arg11[%swap3A_3286, %swap3A_3287, %swap3A_3288], %get3A_3283 {strides = array<i32>} : memref<1x5x512xf32, #tpu.memory_space<vmem>>, vector<16xf32>,
      %get3A_3290 = arith.constant 0 : i32
      %get3A_3291 = arith.constant 75 : i32
      %get3A_3292 = arith.index_cast %get3A_3290 : i32 to index
      %get3A_3293 = arith.index_cast %get3A_3291 : i32 to index
      %get3A_3294 = arith.constant 144 : index
      %get3A_3295 = tpu.vector_load %arg9[%get3A_3292, %get3A_3293, %get3A_3294] {strides = array<i32>} : memref<1x80x512xf32, #tpu.memory_space<vmem>>, vector<16xf32>,
      %swap3A_3296 = arith.constant 0 : i32
      %swap3A_3297 = arith.constant 3 : i32
      %swap3A_3298 = arith.index_cast %swap3A_3296 : i32 to index
      %swap3A_3299 = arith.index_cast %swap3A_3297 : i32 to index
      %swap3A_3300 = arith.constant 144 : index
      %swap3A_3301 = tpu.vector_load %arg11[%swap3A_3298, %swap3A_3299, %swap3A_3300] {strides = array<i32>} : memref<1x5x512xf32, #tpu.memory_space<vmem>>, vector<16xf32>,
      tpu.vector_store %arg11[%swap3A_3298, %swap3A_3299, %swap3A_3300], %get3A_3295 {strides = array<i32>} : memref<1x5x512xf32, #tpu.memory_space<vmem>>, vector<16xf32>,
      %get3A_3302 = arith.constant 0 : i32
      %get3A_3303 = arith.constant 75 : i32
      %get3A_3304 = arith.index_cast %get3A_3302 : i32 to index
      %get3A_3305 = arith.index_cast %get3A_3303 : i32 to index
      %get3A_3306 = arith.constant 160 : index
      %get3A_3307 = tpu.vector_load %arg9[%get3A_3304, %get3A_3305, %get3A_3306] {strides = array<i32>} : memref<1x80x512xf32, #tpu.memory_space<vmem>>, vector<16xf32>,
      %swap3A_3308 = arith.constant 0 : i32
      %swap3A_3309 = arith.constant 3 : i32
      %swap3A_3310 = arith.index_cast %swap3A_3308 : i32 to index
      %swap3A_3311 = arith.index_cast %swap3A_3309 : i32 to index
      %swap3A_3312 = arith.constant 160 : index
      %swap3A_3313 = tpu.vector_load %arg11[%swap3A_3310, %swap3A_3311, %swap3A_3312] {strides = array<i32>} : memref<1x5x512xf32, #tpu.memory_space<vmem>>, vector<16xf32>,
      tpu.vector_store %arg11[%swap3A_3310, %swap3A_3311, %swap3A_3312], %get3A_3307 {strides = array<i32>} : memref<1x5x512xf32, #tpu.memory_space<vmem>>, vector<16xf32>,
      %get3A_3314 = arith.constant 0 : i32
      %get3A_3315 = arith.constant 75 : i32
      %get3A_3316 = arith.index_cast %get3A_3314 : i32 to index
      %get3A_3317 = arith.index_cast %get3A_3315 : i32 to index
      %get3A_3318 = arith.constant 176 : index
      %get3A_3319 = tpu.vector_load %arg9[%get3A_3316, %get3A_3317, %get3A_3318] {strides = array<i32>} : memref<1x80x512xf32, #tpu.memory_space<vmem>>, vector<16xf32>,
      %swap3A_3320 = arith.constant 0 : i32
      %swap3A_3321 = arith.constant 3 : i32
      %swap3A_3322 = arith.index_cast %swap3A_3320 : i32 to index
      %swap3A_3323 = arith.index_cast %swap3A_3321 : i32 to index
      %swap3A_3324 = arith.constant 176 : index
      %swap3A_3325 = tpu.vector_load %arg11[%swap3A_3322, %swap3A_3323, %swap3A_3324] {strides = array<i32>} : memref<1x5x512xf32, #tpu.memory_space<vmem>>, vector<16xf32>,
      tpu.vector_store %arg11[%swap3A_3322, %swap3A_3323, %swap3A_3324], %get3A_3319 {strides = array<i32>} : memref<1x5x512xf32, #tpu.memory_space<vmem>>, vector<16xf32>,
      %get3A_3326 = arith.constant 0 : i32
      %get3A_3327 = arith.constant 75 : i32
      %get3A_3328 = arith.index_cast %get3A_3326 : i32 to index
      %get3A_3329 = arith.index_cast %get3A_3327 : i32 to index
      %get3A_3330 = arith.constant 192 : index
      %get3A_3331 = tpu.vector_load %arg9[%get3A_3328, %get3A_3329, %get3A_3330] {strides = array<i32>} : memref<1x80x512xf32, #tpu.memory_space<vmem>>, vector<16xf32>,
      %swap3A_3332 = arith.constant 0 : i32
      %swap3A_3333 = arith.constant 3 : i32
      %swap3A_3334 = arith.index_cast %swap3A_3332 : i32 to index
      %swap3A_3335 = arith.index_cast %swap3A_3333 : i32 to index
      %swap3A_3336 = arith.constant 192 : index
      %swap3A_3337 = tpu.vector_load %arg11[%swap3A_3334, %swap3A_3335, %swap3A_3336] {strides = array<i32>} : memref<1x5x512xf32, #tpu.memory_space<vmem>>, vector<16xf32>,
      tpu.vector_store %arg11[%swap3A_3334, %swap3A_3335, %swap3A_3336], %get3A_3331 {strides = array<i32>} : memref<1x5x512xf32, #tpu.memory_space<vmem>>, vector<16xf32>,
      %get3A_3338 = arith.constant 0 : i32
      %get3A_3339 = arith.constant 75 : i32
      %get3A_3340 = arith.index_cast %get3A_3338 : i32 to index
      %get3A_3341 = arith.index_cast %get3A_3339 : i32 to index
      %get3A_3342 = arith.constant 208 : index
      %get3A_3343 = tpu.vector_load %arg9[%get3A_3340, %get3A_3341, %get3A_3342] {strides = array<i32>} : memref<1x80x512xf32, #tpu.memory_space<vmem>>, vector<16xf32>,
      %swap3A_3344 = arith.constant 0 : i32
      %swap3A_3345 = arith.constant 3 : i32
      %swap3A_3346 = arith.index_cast %swap3A_3344 : i32 to index
      %swap3A_3347 = arith.index_cast %swap3A_3345 : i32 to index
      %swap3A_3348 = arith.constant 208 : index
      %swap3A_3349 = tpu.vector_load %arg11[%swap3A_3346, %swap3A_3347, %swap3A_3348] {strides = array<i32>} : memref<1x5x512xf32, #tpu.memory_space<vmem>>, vector<16xf32>,
      tpu.vector_store %arg11[%swap3A_3346, %swap3A_3347, %swap3A_3348], %get3A_3343 {strides = array<i32>} : memref<1x5x512xf32, #tpu.memory_space<vmem>>, vector<16xf32>,
      %get3A_3350 = arith.constant 0 : i32
      %get3A_3351 = arith.constant 75 : i32
      %get3A_3352 = arith.index_cast %get3A_3350 : i32 to index
      %get3A_3353 = arith.index_cast %get3A_3351 : i32 to index
      %get3A_3354 = arith.constant 224 : index
      %get3A_3355 = tpu.vector_load %arg9[%get3A_3352, %get3A_3353, %get3A_3354] {strides = array<i32>} : memref<1x80x512xf32, #tpu.memory_space<vmem>>, vector<16xf32>,
      %swap3A_3356 = arith.constant 0 : i32
      %swap3A_3357 = arith.constant 3 : i32
      %swap3A_3358 = arith.index_cast %swap3A_3356 : i32 to index
      %swap3A_3359 = arith.index_cast %swap3A_3357 : i32 to index
      %swap3A_3360 = arith.constant 224 : index
      %swap3A_3361 = tpu.vector_load %arg11[%swap3A_3358, %swap3A_3359, %swap3A_3360] {strides = array<i32>} : memref<1x5x512xf32, #tpu.memory_space<vmem>>, vector<16xf32>,
      tpu.vector_store %arg11[%swap3A_3358, %swap3A_3359, %swap3A_3360], %get3A_3355 {strides = array<i32>} : memref<1x5x512xf32, #tpu.memory_space<vmem>>, vector<16xf32>,
      %get3A_3362 = arith.constant 0 : i32
      %get3A_3363 = arith.constant 75 : i32
      %get3A_3364 = arith.index_cast %get3A_3362 : i32 to index
      %get3A_3365 = arith.index_cast %get3A_3363 : i32 to index
      %get3A_3366 = arith.constant 240 : index
      %get3A_3367 = tpu.vector_load %arg9[%get3A_3364, %get3A_3365, %get3A_3366] {strides = array<i32>} : memref<1x80x512xf32, #tpu.memory_space<vmem>>, vector<16xf32>,
      %swap3A_3368 = arith.constant 0 : i32
      %swap3A_3369 = arith.constant 3 : i32
      %swap3A_3370 = arith.index_cast %swap3A_3368 : i32 to index
      %swap3A_3371 = arith.index_cast %swap3A_3369 : i32 to index
      %swap3A_3372 = arith.constant 240 : index
      %swap3A_3373 = tpu.vector_load %arg11[%swap3A_3370, %swap3A_3371, %swap3A_3372] {strides = array<i32>} : memref<1x5x512xf32, #tpu.memory_space<vmem>>, vector<16xf32>,
      tpu.vector_store %arg11[%swap3A_3370, %swap3A_3371, %swap3A_3372], %get3A_3367 {strides = array<i32>} : memref<1x5x512xf32, #tpu.memory_space<vmem>>, vector<16xf32>,
      %get3A_3374 = arith.constant 0 : i32
      %get3A_3375 = arith.constant 75 : i32
      %get3A_3376 = arith.index_cast %get3A_3374 : i32 to index
      %get3A_3377 = arith.index_cast %get3A_3375 : i32 to index
      %get3A_3378 = arith.constant 256 : index
      %get3A_3379 = tpu.vector_load %arg9[%get3A_3376, %get3A_3377, %get3A_3378] {strides = array<i32>} : memref<1x80x512xf32, #tpu.memory_space<vmem>>, vector<16xf32>,
      %swap3A_3380 = arith.constant 0 : i32
      %swap3A_3381 = arith.constant 3 : i32
      %swap3A_3382 = arith.index_cast %swap3A_3380 : i32 to index
      %swap3A_3383 = arith.index_cast %swap3A_3381 : i32 to index
      %swap3A_3384 = arith.constant 256 : index
      %swap3A_3385 = tpu.vector_load %arg11[%swap3A_3382, %swap3A_3383, %swap3A_3384] {strides = array<i32>} : memref<1x5x512xf32, #tpu.memory_space<vmem>>, vector<16xf32>,
      tpu.vector_store %arg11[%swap3A_3382, %swap3A_3383, %swap3A_3384], %get3A_3379 {strides = array<i32>} : memref<1x5x512xf32, #tpu.memory_space<vmem>>, vector<16xf32>,
      %get3A_3386 = arith.constant 0 : i32
      %get3A_3387 = arith.constant 75 : i32
      %get3A_3388 = arith.index_cast %get3A_3386 : i32 to index
      %get3A_3389 = arith.index_cast %get3A_3387 : i32 to index
      %get3A_3390 = arith.constant 272 : index
      %get3A_3391 = tpu.vector_load %arg9[%get3A_3388, %get3A_3389, %get3A_3390] {strides = array<i32>} : memref<1x80x512xf32, #tpu.memory_space<vmem>>, vector<16xf32>,
      %swap3A_3392 = arith.constant 0 : i32
      %swap3A_3393 = arith.constant 3 : i32
      %swap3A_3394 = arith.index_cast %swap3A_3392 : i32 to index
      %swap3A_3395 = arith.index_cast %swap3A_3393 : i32 to index
      %swap3A_3396 = arith.constant 272 : index
      %swap3A_3397 = tpu.vector_load %arg11[%swap3A_3394, %swap3A_3395, %swap3A_3396] {strides = array<i32>} : memref<1x5x512xf32, #tpu.memory_space<vmem>>, vector<16xf32>,
      tpu.vector_store %arg11[%swap3A_3394, %swap3A_3395, %swap3A_3396], %get3A_3391 {strides = array<i32>} : memref<1x5x512xf32, #tpu.memory_space<vmem>>, vector<16xf32>,
      %get3A_3398 = arith.constant 0 : i32
      %get3A_3399 = arith.constant 75 : i32
      %get3A_3400 = arith.index_cast %get3A_3398 : i32 to index
      %get3A_3401 = arith.index_cast %get3A_3399 : i32 to index
      %get3A_3402 = arith.constant 288 : index
      %get3A_3403 = tpu.vector_load %arg9[%get3A_3400, %get3A_3401, %get3A_3402] {strides = array<i32>} : memref<1x80x512xf32, #tpu.memory_space<vmem>>, vector<16xf32>,
      %swap3A_3404 = arith.constant 0 : i32
      %swap3A_3405 = arith.constant 3 : i32
      %swap3A_3406 = arith.index_cast %swap3A_3404 : i32 to index
      %swap3A_3407 = arith.index_cast %swap3A_3405 : i32 to index
      %swap3A_3408 = arith.constant 288 : index
      %swap3A_3409 = tpu.vector_load %arg11[%swap3A_3406, %swap3A_3407, %swap3A_3408] {strides = array<i32>} : memref<1x5x512xf32, #tpu.memory_space<vmem>>, vector<16xf32>,
      tpu.vector_store %arg11[%swap3A_3406, %swap3A_3407, %swap3A_3408], %get3A_3403 {strides = array<i32>} : memref<1x5x512xf32, #tpu.memory_space<vmem>>, vector<16xf32>,
      %get3A_3410 = arith.constant 0 : i32
      %get3A_3411 = arith.constant 75 : i32
      %get3A_3412 = arith.index_cast %get3A_3410 : i32 to index
      %get3A_3413 = arith.index_cast %get3A_3411 : i32 to index
      %get3A_3414 = arith.constant 304 : index
      %get3A_3415 = tpu.vector_load %arg9[%get3A_3412, %get3A_3413, %get3A_3414] {strides = array<i32>} : memref<1x80x512xf32, #tpu.memory_space<vmem>>, vector<16xf32>,
      %swap3A_3416 = arith.constant 0 : i32
      %swap3A_3417 = arith.constant 3 : i32
      %swap3A_3418 = arith.index_cast %swap3A_3416 : i32 to index
      %swap3A_3419 = arith.index_cast %swap3A_3417 : i32 to index
      %swap3A_3420 = arith.constant 304 : index
      %swap3A_3421 = tpu.vector_load %arg11[%swap3A_3418, %swap3A_3419, %swap3A_3420] {strides = array<i32>} : memref<1x5x512xf32, #tpu.memory_space<vmem>>, vector<16xf32>,
      tpu.vector_store %arg11[%swap3A_3418, %swap3A_3419, %swap3A_3420], %get3A_3415 {strides = array<i32>} : memref<1x5x512xf32, #tpu.memory_space<vmem>>, vector<16xf32>,
      %get3A_3422 = arith.constant 0 : i32
      %get3A_3423 = arith.constant 75 : i32
      %get3A_3424 = arith.index_cast %get3A_3422 : i32 to index
      %get3A_3425 = arith.index_cast %get3A_3423 : i32 to index
      %get3A_3426 = arith.constant 320 : index
      %get3A_3427 = tpu.vector_load %arg9[%get3A_3424, %get3A_3425, %get3A_3426] {strides = array<i32>} : memref<1x80x512xf32, #tpu.memory_space<vmem>>, vector<16xf32>,
      %swap3A_3428 = arith.constant 0 : i32
      %swap3A_3429 = arith.constant 3 : i32
      %swap3A_3430 = arith.index_cast %swap3A_3428 : i32 to index
      %swap3A_3431 = arith.index_cast %swap3A_3429 : i32 to index
      %swap3A_3432 = arith.constant 320 : index
      %swap3A_3433 = tpu.vector_load %arg11[%swap3A_3430, %swap3A_3431, %swap3A_3432] {strides = array<i32>} : memref<1x5x512xf32, #tpu.memory_space<vmem>>, vector<16xf32>,
      tpu.vector_store %arg11[%swap3A_3430, %swap3A_3431, %swap3A_3432], %get3A_3427 {strides = array<i32>} : memref<1x5x512xf32, #tpu.memory_space<vmem>>, vector<16xf32>,
      %get3A_3434 = arith.constant 0 : i32
      %get3A_3435 = arith.constant 75 : i32
      %get3A_3436 = arith.index_cast %get3A_3434 : i32 to index
      %get3A_3437 = arith.index_cast %get3A_3435 : i32 to index
      %get3A_3438 = arith.constant 336 : index
      %get3A_3439 = tpu.vector_load %arg9[%get3A_3436, %get3A_3437, %get3A_3438] {strides = array<i32>} : memref<1x80x512xf32, #tpu.memory_space<vmem>>, vector<16xf32>,
      %swap3A_3440 = arith.constant 0 : i32
      %swap3A_3441 = arith.constant 3 : i32
      %swap3A_3442 = arith.index_cast %swap3A_3440 : i32 to index
      %swap3A_3443 = arith.index_cast %swap3A_3441 : i32 to index
      %swap3A_3444 = arith.constant 336 : index
      %swap3A_3445 = tpu.vector_load %arg11[%swap3A_3442, %swap3A_3443, %swap3A_3444] {strides = array<i32>} : memref<1x5x512xf32, #tpu.memory_space<vmem>>, vector<16xf32>,
      tpu.vector_store %arg11[%swap3A_3442, %swap3A_3443, %swap3A_3444], %get3A_3439 {strides = array<i32>} : memref<1x5x512xf32, #tpu.memory_space<vmem>>, vector<16xf32>,
      %get3A_3446 = arith.constant 0 : i32
      %get3A_3447 = arith.constant 75 : i32
      %get3A_3448 = arith.index_cast %get3A_3446 : i32 to index
      %get3A_3449 = arith.index_cast %get3A_3447 : i32 to index
      %get3A_3450 = arith.constant 352 : index
      %get3A_3451 = tpu.vector_load %arg9[%get3A_3448, %get3A_3449, %get3A_3450] {strides = array<i32>} : memref<1x80x512xf32, #tpu.memory_space<vmem>>, vector<16xf32>,
      %swap3A_3452 = arith.constant 0 : i32
      %swap3A_3453 = arith.constant 3 : i32
      %swap3A_3454 = arith.index_cast %swap3A_3452 : i32 to index
      %swap3A_3455 = arith.index_cast %swap3A_3453 : i32 to index
      %swap3A_3456 = arith.constant 352 : index
      %swap3A_3457 = tpu.vector_load %arg11[%swap3A_3454, %swap3A_3455, %swap3A_3456] {strides = array<i32>} : memref<1x5x512xf32, #tpu.memory_space<vmem>>, vector<16xf32>,
      tpu.vector_store %arg11[%swap3A_3454, %swap3A_3455, %swap3A_3456], %get3A_3451 {strides = array<i32>} : memref<1x5x512xf32, #tpu.memory_space<vmem>>, vector<16xf32>,
      %get3A_3458 = arith.constant 0 : i32
      %get3A_3459 = arith.constant 75 : i32
      %get3A_3460 = arith.index_cast %get3A_3458 : i32 to index
      %get3A_3461 = arith.index_cast %get3A_3459 : i32 to index
      %get3A_3462 = arith.constant 368 : index
      %get3A_3463 = tpu.vector_load %arg9[%get3A_3460, %get3A_3461, %get3A_3462] {strides = array<i32>} : memref<1x80x512xf32, #tpu.memory_space<vmem>>, vector<16xf32>,
      %swap3A_3464 = arith.constant 0 : i32
      %swap3A_3465 = arith.constant 3 : i32
      %swap3A_3466 = arith.index_cast %swap3A_3464 : i32 to index
      %swap3A_3467 = arith.index_cast %swap3A_3465 : i32 to index
      %swap3A_3468 = arith.constant 368 : index
      %swap3A_3469 = tpu.vector_load %arg11[%swap3A_3466, %swap3A_3467, %swap3A_3468] {strides = array<i32>} : memref<1x5x512xf32, #tpu.memory_space<vmem>>, vector<16xf32>,
      tpu.vector_store %arg11[%swap3A_3466, %swap3A_3467, %swap3A_3468], %get3A_3463 {strides = array<i32>} : memref<1x5x512xf32, #tpu.memory_space<vmem>>, vector<16xf32>,
      %get3A_3470 = arith.constant 0 : i32
      %get3A_3471 = arith.constant 75 : i32
      %get3A_3472 = arith.index_cast %get3A_3470 : i32 to index
      %get3A_3473 = arith.index_cast %get3A_3471 : i32 to index
      %get3A_3474 = arith.constant 384 : index
      %get3A_3475 = tpu.vector_load %arg9[%get3A_3472, %get3A_3473, %get3A_3474] {strides = array<i32>} : memref<1x80x512xf32, #tpu.memory_space<vmem>>, vector<16xf32>,
      %swap3A_3476 = arith.constant 0 : i32
      %swap3A_3477 = arith.constant 3 : i32
      %swap3A_3478 = arith.index_cast %swap3A_3476 : i32 to index
      %swap3A_3479 = arith.index_cast %swap3A_3477 : i32 to index
      %swap3A_3480 = arith.constant 384 : index
      %swap3A_3481 = tpu.vector_load %arg11[%swap3A_3478, %swap3A_3479, %swap3A_3480] {strides = array<i32>} : memref<1x5x512xf32, #tpu.memory_space<vmem>>, vector<16xf32>,
      tpu.vector_store %arg11[%swap3A_3478, %swap3A_3479, %swap3A_3480], %get3A_3475 {strides = array<i32>} : memref<1x5x512xf32, #tpu.memory_space<vmem>>, vector<16xf32>,
      %get3A_3482 = arith.constant 0 : i32
      %get3A_3483 = arith.constant 75 : i32
      %get3A_3484 = arith.index_cast %get3A_3482 : i32 to index
      %get3A_3485 = arith.index_cast %get3A_3483 : i32 to index
      %get3A_3486 = arith.constant 400 : index
      %get3A_3487 = tpu.vector_load %arg9[%get3A_3484, %get3A_3485, %get3A_3486] {strides = array<i32>} : memref<1x80x512xf32, #tpu.memory_space<vmem>>, vector<16xf32>,
      %swap3A_3488 = arith.constant 0 : i32
      %swap3A_3489 = arith.constant 3 : i32
      %swap3A_3490 = arith.index_cast %swap3A_3488 : i32 to index
      %swap3A_3491 = arith.index_cast %swap3A_3489 : i32 to index
      %swap3A_3492 = arith.constant 400 : index
      %swap3A_3493 = tpu.vector_load %arg11[%swap3A_3490, %swap3A_3491, %swap3A_3492] {strides = array<i32>} : memref<1x5x512xf32, #tpu.memory_space<vmem>>, vector<16xf32>,
      tpu.vector_store %arg11[%swap3A_3490, %swap3A_3491, %swap3A_3492], %get3A_3487 {strides = array<i32>} : memref<1x5x512xf32, #tpu.memory_space<vmem>>, vector<16xf32>,
      %get3A_3494 = arith.constant 0 : i32
      %get3A_3495 = arith.constant 75 : i32
      %get3A_3496 = arith.index_cast %get3A_3494 : i32 to index
      %get3A_3497 = arith.index_cast %get3A_3495 : i32 to index
      %get3A_3498 = arith.constant 416 : index
      %get3A_3499 = tpu.vector_load %arg9[%get3A_3496, %get3A_3497, %get3A_3498] {strides = array<i32>} : memref<1x80x512xf32, #tpu.memory_space<vmem>>, vector<16xf32>,
      %swap3A_3500 = arith.constant 0 : i32
      %swap3A_3501 = arith.constant 3 : i32
      %swap3A_3502 = arith.index_cast %swap3A_3500 : i32 to index
      %swap3A_3503 = arith.index_cast %swap3A_3501 : i32 to index
      %swap3A_3504 = arith.constant 416 : index
      %swap3A_3505 = tpu.vector_load %arg11[%swap3A_3502, %swap3A_3503, %swap3A_3504] {strides = array<i32>} : memref<1x5x512xf32, #tpu.memory_space<vmem>>, vector<16xf32>,
      tpu.vector_store %arg11[%swap3A_3502, %swap3A_3503, %swap3A_3504], %get3A_3499 {strides = array<i32>} : memref<1x5x512xf32, #tpu.memory_space<vmem>>, vector<16xf32>,
      %get3A_3506 = arith.constant 0 : i32
      %get3A_3507 = arith.constant 75 : i32
      %get3A_3508 = arith.index_cast %get3A_3506 : i32 to index
      %get3A_3509 = arith.index_cast %get3A_3507 : i32 to index
      %get3A_3510 = arith.constant 432 : index
      %get3A_3511 = tpu.vector_load %arg9[%get3A_3508, %get3A_3509, %get3A_3510] {strides = array<i32>} : memref<1x80x512xf32, #tpu.memory_space<vmem>>, vector<16xf32>,
      %swap3A_3512 = arith.constant 0 : i32
      %swap3A_3513 = arith.constant 3 : i32
      %swap3A_3514 = arith.index_cast %swap3A_3512 : i32 to index
      %swap3A_3515 = arith.index_cast %swap3A_3513 : i32 to index
      %swap3A_3516 = arith.constant 432 : index
      %swap3A_3517 = tpu.vector_load %arg11[%swap3A_3514, %swap3A_3515, %swap3A_3516] {strides = array<i32>} : memref<1x5x512xf32, #tpu.memory_space<vmem>>, vector<16xf32>,
      tpu.vector_store %arg11[%swap3A_3514, %swap3A_3515, %swap3A_3516], %get3A_3511 {strides = array<i32>} : memref<1x5x512xf32, #tpu.memory_space<vmem>>, vector<16xf32>,
      %get3A_3518 = arith.constant 0 : i32
      %get3A_3519 = arith.constant 75 : i32
      %get3A_3520 = arith.index_cast %get3A_3518 : i32 to index
      %get3A_3521 = arith.index_cast %get3A_3519 : i32 to index
      %get3A_3522 = arith.constant 448 : index
      %get3A_3523 = tpu.vector_load %arg9[%get3A_3520, %get3A_3521, %get3A_3522] {strides = array<i32>} : memref<1x80x512xf32, #tpu.memory_space<vmem>>, vector<16xf32>,
      %swap3A_3524 = arith.constant 0 : i32
      %swap3A_3525 = arith.constant 3 : i32
      %swap3A_3526 = arith.index_cast %swap3A_3524 : i32 to index
      %swap3A_3527 = arith.index_cast %swap3A_3525 : i32 to index
      %swap3A_3528 = arith.constant 448 : index
      %swap3A_3529 = tpu.vector_load %arg11[%swap3A_3526, %swap3A_3527, %swap3A_3528] {strides = array<i32>} : memref<1x5x512xf32, #tpu.memory_space<vmem>>, vector<16xf32>,
      tpu.vector_store %arg11[%swap3A_3526, %swap3A_3527, %swap3A_3528], %get3A_3523 {strides = array<i32>} : memref<1x5x512xf32, #tpu.memory_space<vmem>>, vector<16xf32>,
      %get3A_3530 = arith.constant 0 : i32
      %get3A_3531 = arith.constant 75 : i32
      %get3A_3532 = arith.index_cast %get3A_3530 : i32 to index
      %get3A_3533 = arith.index_cast %get3A_3531 : i32 to index
      %get3A_3534 = arith.constant 464 : index
      %get3A_3535 = tpu.vector_load %arg9[%get3A_3532, %get3A_3533, %get3A_3534] {strides = array<i32>} : memref<1x80x512xf32, #tpu.memory_space<vmem>>, vector<16xf32>,
      %swap3A_3536 = arith.constant 0 : i32
      %swap3A_3537 = arith.constant 3 : i32
      %swap3A_3538 = arith.index_cast %swap3A_3536 : i32 to index
      %swap3A_3539 = arith.index_cast %swap3A_3537 : i32 to index
      %swap3A_3540 = arith.constant 464 : index
      %swap3A_3541 = tpu.vector_load %arg11[%swap3A_3538, %swap3A_3539, %swap3A_3540] {strides = array<i32>} : memref<1x5x512xf32, #tpu.memory_space<vmem>>, vector<16xf32>,
      tpu.vector_store %arg11[%swap3A_3538, %swap3A_3539, %swap3A_3540], %get3A_3535 {strides = array<i32>} : memref<1x5x512xf32, #tpu.memory_space<vmem>>, vector<16xf32>,
      %get3A_3542 = arith.constant 0 : i32
      %get3A_3543 = arith.constant 75 : i32
      %get3A_3544 = arith.index_cast %get3A_3542 : i32 to index
      %get3A_3545 = arith.index_cast %get3A_3543 : i32 to index
      %get3A_3546 = arith.constant 480 : index
      %get3A_3547 = tpu.vector_load %arg9[%get3A_3544, %get3A_3545, %get3A_3546] {strides = array<i32>} : memref<1x80x512xf32, #tpu.memory_space<vmem>>, vector<16xf32>,
      %swap3A_3548 = arith.constant 0 : i32
      %swap3A_3549 = arith.constant 3 : i32
      %swap3A_3550 = arith.index_cast %swap3A_3548 : i32 to index
      %swap3A_3551 = arith.index_cast %swap3A_3549 : i32 to index
      %swap3A_3552 = arith.constant 480 : index
      %swap3A_3553 = tpu.vector_load %arg11[%swap3A_3550, %swap3A_3551, %swap3A_3552] {strides = array<i32>} : memref<1x5x512xf32, #tpu.memory_space<vmem>>, vector<16xf32>,
      tpu.vector_store %arg11[%swap3A_3550, %swap3A_3551, %swap3A_3552], %get3A_3547 {strides = array<i32>} : memref<1x5x512xf32, #tpu.memory_space<vmem>>, vector<16xf32>,
      %get3A_3554 = arith.constant 0 : i32
      %get3A_3555 = arith.constant 75 : i32
      %get3A_3556 = arith.index_cast %get3A_3554 : i32 to index
      %get3A_3557 = arith.index_cast %get3A_3555 : i32 to index
      %get3A_3558 = arith.constant 496 : index
      %get3A_3559 = tpu.vector_load %arg9[%get3A_3556, %get3A_3557, %get3A_3558] {strides = array<i32>} : memref<1x80x512xf32, #tpu.memory_space<vmem>>, vector<16xf32>,
      %swap3A_3560 = arith.constant 0 : i32
      %swap3A_3561 = arith.constant 3 : i32
      %swap3A_3562 = arith.index_cast %swap3A_3560 : i32 to index
      %swap3A_3563 = arith.index_cast %swap3A_3561 : i32 to index
      %swap3A_3564 = arith.constant 496 : index
      %swap3A_3565 = tpu.vector_load %arg11[%swap3A_3562, %swap3A_3563, %swap3A_3564] {strides = array<i32>} : memref<1x5x512xf32, #tpu.memory_space<vmem>>, vector<16xf32>,
      tpu.vector_store %arg11[%swap3A_3562, %swap3A_3563, %swap3A_3564], %get3A_3559 {strides = array<i32>} : memref<1x5x512xf32, #tpu.memory_space<vmem>>, vector<16xf32>,
      %get3A_3566 = arith.constant 0 : i32
      %get3A_3567 = arith.constant 76 : i32
      %get3A_3568 = arith.index_cast %get3A_3566 : i32 to index
      %get3A_3569 = arith.index_cast %get3A_3567 : i32 to index
      %get3A_3570 = arith.constant 0 : index
      %get3A_3571 = tpu.vector_load %arg9[%get3A_3568, %get3A_3569, %get3A_3570] {strides = array<i32>} : memref<1x80x512xf32, #tpu.memory_space<vmem>>, vector<16xf32>,
      %swap3A_3572 = arith.constant 0 : i32
      %swap3A_3573 = arith.constant 4 : i32
      %swap3A_3574 = arith.index_cast %swap3A_3572 : i32 to index
      %swap3A_3575 = arith.index_cast %swap3A_3573 : i32 to index
      %swap3A_3576 = arith.constant 0 : index
      %swap3A_3577 = tpu.vector_load %arg11[%swap3A_3574, %swap3A_3575, %swap3A_3576] {strides = array<i32>} : memref<1x5x512xf32, #tpu.memory_space<vmem>>, vector<16xf32>,
      tpu.vector_store %arg11[%swap3A_3574, %swap3A_3575, %swap3A_3576], %get3A_3571 {strides = array<i32>} : memref<1x5x512xf32, #tpu.memory_space<vmem>>, vector<16xf32>,
      %get3A_3578 = arith.constant 0 : i32
      %get3A_3579 = arith.constant 76 : i32
      %get3A_3580 = arith.index_cast %get3A_3578 : i32 to index
      %get3A_3581 = arith.index_cast %get3A_3579 : i32 to index
      %get3A_3582 = arith.constant 16 : index
      %get3A_3583 = tpu.vector_load %arg9[%get3A_3580, %get3A_3581, %get3A_3582] {strides = array<i32>} : memref<1x80x512xf32, #tpu.memory_space<vmem>>, vector<16xf32>,
      %swap3A_3584 = arith.constant 0 : i32
      %swap3A_3585 = arith.constant 4 : i32
      %swap3A_3586 = arith.index_cast %swap3A_3584 : i32 to index
      %swap3A_3587 = arith.index_cast %swap3A_3585 : i32 to index
      %swap3A_3588 = arith.constant 16 : index
      %swap3A_3589 = tpu.vector_load %arg11[%swap3A_3586, %swap3A_3587, %swap3A_3588] {strides = array<i32>} : memref<1x5x512xf32, #tpu.memory_space<vmem>>, vector<16xf32>,
      tpu.vector_store %arg11[%swap3A_3586, %swap3A_3587, %swap3A_3588], %get3A_3583 {strides = array<i32>} : memref<1x5x512xf32, #tpu.memory_space<vmem>>, vector<16xf32>,
      %get3A_3590 = arith.constant 0 : i32
      %get3A_3591 = arith.constant 76 : i32
      %get3A_3592 = arith.index_cast %get3A_3590 : i32 to index
      %get3A_3593 = arith.index_cast %get3A_3591 : i32 to index
      %get3A_3594 = arith.constant 32 : index
      %get3A_3595 = tpu.vector_load %arg9[%get3A_3592, %get3A_3593, %get3A_3594] {strides = array<i32>} : memref<1x80x512xf32, #tpu.memory_space<vmem>>, vector<16xf32>,
      %swap3A_3596 = arith.constant 0 : i32
      %swap3A_3597 = arith.constant 4 : i32
      %swap3A_3598 = arith.index_cast %swap3A_3596 : i32 to index
      %swap3A_3599 = arith.index_cast %swap3A_3597 : i32 to index
      %swap3A_3600 = arith.constant 32 : index
      %swap3A_3601 = tpu.vector_load %arg11[%swap3A_3598, %swap3A_3599, %swap3A_3600] {strides = array<i32>} : memref<1x5x512xf32, #tpu.memory_space<vmem>>, vector<16xf32>,
      tpu.vector_store %arg11[%swap3A_3598, %swap3A_3599, %swap3A_3600], %get3A_3595 {strides = array<i32>} : memref<1x5x512xf32, #tpu.memory_space<vmem>>, vector<16xf32>,
      %get3A_3602 = arith.constant 0 : i32
      %get3A_3603 = arith.constant 76 : i32
      %get3A_3604 = arith.index_cast %get3A_3602 : i32 to index
      %get3A_3605 = arith.index_cast %get3A_3603 : i32 to index
      %get3A_3606 = arith.constant 48 : index
      %get3A_3607 = tpu.vector_load %arg9[%get3A_3604, %get3A_3605, %get3A_3606] {strides = array<i32>} : memref<1x80x512xf32, #tpu.memory_space<vmem>>, vector<16xf32>,
      %swap3A_3608 = arith.constant 0 : i32
      %swap3A_3609 = arith.constant 4 : i32
      %swap3A_3610 = arith.index_cast %swap3A_3608 : i32 to index
      %swap3A_3611 = arith.index_cast %swap3A_3609 : i32 to index
      %swap3A_3612 = arith.constant 48 : index
      %swap3A_3613 = tpu.vector_load %arg11[%swap3A_3610, %swap3A_3611, %swap3A_3612] {strides = array<i32>} : memref<1x5x512xf32, #tpu.memory_space<vmem>>, vector<16xf32>,
      tpu.vector_store %arg11[%swap3A_3610, %swap3A_3611, %swap3A_3612], %get3A_3607 {strides = array<i32>} : memref<1x5x512xf32, #tpu.memory_space<vmem>>, vector<16xf32>,
      %get3A_3614 = arith.constant 0 : i32
      %get3A_3615 = arith.constant 76 : i32
      %get3A_3616 = arith.index_cast %get3A_3614 : i32 to index
      %get3A_3617 = arith.index_cast %get3A_3615 : i32 to index
      %get3A_3618 = arith.constant 64 : index
      %get3A_3619 = tpu.vector_load %arg9[%get3A_3616, %get3A_3617, %get3A_3618] {strides = array<i32>} : memref<1x80x512xf32, #tpu.memory_space<vmem>>, vector<16xf32>,
      %swap3A_3620 = arith.constant 0 : i32
      %swap3A_3621 = arith.constant 4 : i32
      %swap3A_3622 = arith.index_cast %swap3A_3620 : i32 to index
      %swap3A_3623 = arith.index_cast %swap3A_3621 : i32 to index
      %swap3A_3624 = arith.constant 64 : index
      %swap3A_3625 = tpu.vector_load %arg11[%swap3A_3622, %swap3A_3623, %swap3A_3624] {strides = array<i32>} : memref<1x5x512xf32, #tpu.memory_space<vmem>>, vector<16xf32>,
      tpu.vector_store %arg11[%swap3A_3622, %swap3A_3623, %swap3A_3624], %get3A_3619 {strides = array<i32>} : memref<1x5x512xf32, #tpu.memory_space<vmem>>, vector<16xf32>,
      %get3A_3626 = arith.constant 0 : i32
      %get3A_3627 = arith.constant 76 : i32
      %get3A_3628 = arith.index_cast %get3A_3626 : i32 to index
      %get3A_3629 = arith.index_cast %get3A_3627 : i32 to index
      %get3A_3630 = arith.constant 80 : index
      %get3A_3631 = tpu.vector_load %arg9[%get3A_3628, %get3A_3629, %get3A_3630] {strides = array<i32>} : memref<1x80x512xf32, #tpu.memory_space<vmem>>, vector<16xf32>,
      %swap3A_3632 = arith.constant 0 : i32
      %swap3A_3633 = arith.constant 4 : i32
      %swap3A_3634 = arith.index_cast %swap3A_3632 : i32 to index
      %swap3A_3635 = arith.index_cast %swap3A_3633 : i32 to index
      %swap3A_3636 = arith.constant 80 : index
      %swap3A_3637 = tpu.vector_load %arg11[%swap3A_3634, %swap3A_3635, %swap3A_3636] {strides = array<i32>} : memref<1x5x512xf32, #tpu.memory_space<vmem>>, vector<16xf32>,
      tpu.vector_store %arg11[%swap3A_3634, %swap3A_3635, %swap3A_3636], %get3A_3631 {strides = array<i32>} : memref<1x5x512xf32, #tpu.memory_space<vmem>>, vector<16xf32>,
      %get3A_3638 = arith.constant 0 : i32
      %get3A_3639 = arith.constant 76 : i32
      %get3A_3640 = arith.index_cast %get3A_3638 : i32 to index
      %get3A_3641 = arith.index_cast %get3A_3639 : i32 to index
      %get3A_3642 = arith.constant 96 : index
      %get3A_3643 = tpu.vector_load %arg9[%get3A_3640, %get3A_3641, %get3A_3642] {strides = array<i32>} : memref<1x80x512xf32, #tpu.memory_space<vmem>>, vector<16xf32>,
      %swap3A_3644 = arith.constant 0 : i32
      %swap3A_3645 = arith.constant 4 : i32
      %swap3A_3646 = arith.index_cast %swap3A_3644 : i32 to index
      %swap3A_3647 = arith.index_cast %swap3A_3645 : i32 to index
      %swap3A_3648 = arith.constant 96 : index
      %swap3A_3649 = tpu.vector_load %arg11[%swap3A_3646, %swap3A_3647, %swap3A_3648] {strides = array<i32>} : memref<1x5x512xf32, #tpu.memory_space<vmem>>, vector<16xf32>,
      tpu.vector_store %arg11[%swap3A_3646, %swap3A_3647, %swap3A_3648], %get3A_3643 {strides = array<i32>} : memref<1x5x512xf32, #tpu.memory_space<vmem>>, vector<16xf32>,
      %get3A_3650 = arith.constant 0 : i32
      %get3A_3651 = arith.constant 76 : i32
      %get3A_3652 = arith.index_cast %get3A_3650 : i32 to index
      %get3A_3653 = arith.index_cast %get3A_3651 : i32 to index
      %get3A_3654 = arith.constant 112 : index
      %get3A_3655 = tpu.vector_load %arg9[%get3A_3652, %get3A_3653, %get3A_3654] {strides = array<i32>} : memref<1x80x512xf32, #tpu.memory_space<vmem>>, vector<16xf32>,
      %swap3A_3656 = arith.constant 0 : i32
      %swap3A_3657 = arith.constant 4 : i32
      %swap3A_3658 = arith.index_cast %swap3A_3656 : i32 to index
      %swap3A_3659 = arith.index_cast %swap3A_3657 : i32 to index
      %swap3A_3660 = arith.constant 112 : index
      %swap3A_3661 = tpu.vector_load %arg11[%swap3A_3658, %swap3A_3659, %swap3A_3660] {strides = array<i32>} : memref<1x5x512xf32, #tpu.memory_space<vmem>>, vector<16xf32>,
      tpu.vector_store %arg11[%swap3A_3658, %swap3A_3659, %swap3A_3660], %get3A_3655 {strides = array<i32>} : memref<1x5x512xf32, #tpu.memory_space<vmem>>, vector<16xf32>,
      %get3A_3662 = arith.constant 0 : i32
      %get3A_3663 = arith.constant 76 : i32
      %get3A_3664 = arith.index_cast %get3A_3662 : i32 to index
      %get3A_3665 = arith.index_cast %get3A_3663 : i32 to index
      %get3A_3666 = arith.constant 128 : index
      %get3A_3667 = tpu.vector_load %arg9[%get3A_3664, %get3A_3665, %get3A_3666] {strides = array<i32>} : memref<1x80x512xf32, #tpu.memory_space<vmem>>, vector<16xf32>,
      %swap3A_3668 = arith.constant 0 : i32
      %swap3A_3669 = arith.constant 4 : i32
      %swap3A_3670 = arith.index_cast %swap3A_3668 : i32 to index
      %swap3A_3671 = arith.index_cast %swap3A_3669 : i32 to index
      %swap3A_3672 = arith.constant 128 : index
      %swap3A_3673 = tpu.vector_load %arg11[%swap3A_3670, %swap3A_3671, %swap3A_3672] {strides = array<i32>} : memref<1x5x512xf32, #tpu.memory_space<vmem>>, vector<16xf32>,
      tpu.vector_store %arg11[%swap3A_3670, %swap3A_3671, %swap3A_3672], %get3A_3667 {strides = array<i32>} : memref<1x5x512xf32, #tpu.memory_space<vmem>>, vector<16xf32>,
      %get3A_3674 = arith.constant 0 : i32
      %get3A_3675 = arith.constant 76 : i32
      %get3A_3676 = arith.index_cast %get3A_3674 : i32 to index
      %get3A_3677 = arith.index_cast %get3A_3675 : i32 to index
      %get3A_3678 = arith.constant 144 : index
      %get3A_3679 = tpu.vector_load %arg9[%get3A_3676, %get3A_3677, %get3A_3678] {strides = array<i32>} : memref<1x80x512xf32, #tpu.memory_space<vmem>>, vector<16xf32>,
      %swap3A_3680 = arith.constant 0 : i32
      %swap3A_3681 = arith.constant 4 : i32
      %swap3A_3682 = arith.index_cast %swap3A_3680 : i32 to index
      %swap3A_3683 = arith.index_cast %swap3A_3681 : i32 to index
      %swap3A_3684 = arith.constant 144 : index
      %swap3A_3685 = tpu.vector_load %arg11[%swap3A_3682, %swap3A_3683, %swap3A_3684] {strides = array<i32>} : memref<1x5x512xf32, #tpu.memory_space<vmem>>, vector<16xf32>,
      tpu.vector_store %arg11[%swap3A_3682, %swap3A_3683, %swap3A_3684], %get3A_3679 {strides = array<i32>} : memref<1x5x512xf32, #tpu.memory_space<vmem>>, vector<16xf32>,
      %get3A_3686 = arith.constant 0 : i32
      %get3A_3687 = arith.constant 76 : i32
      %get3A_3688 = arith.index_cast %get3A_3686 : i32 to index
      %get3A_3689 = arith.index_cast %get3A_3687 : i32 to index
      %get3A_3690 = arith.constant 160 : index
      %get3A_3691 = tpu.vector_load %arg9[%get3A_3688, %get3A_3689, %get3A_3690] {strides = array<i32>} : memref<1x80x512xf32, #tpu.memory_space<vmem>>, vector<16xf32>,
      %swap3A_3692 = arith.constant 0 : i32
      %swap3A_3693 = arith.constant 4 : i32
      %swap3A_3694 = arith.index_cast %swap3A_3692 : i32 to index
      %swap3A_3695 = arith.index_cast %swap3A_3693 : i32 to index
      %swap3A_3696 = arith.constant 160 : index
      %swap3A_3697 = tpu.vector_load %arg11[%swap3A_3694, %swap3A_3695, %swap3A_3696] {strides = array<i32>} : memref<1x5x512xf32, #tpu.memory_space<vmem>>, vector<16xf32>,
      tpu.vector_store %arg11[%swap3A_3694, %swap3A_3695, %swap3A_3696], %get3A_3691 {strides = array<i32>} : memref<1x5x512xf32, #tpu.memory_space<vmem>>, vector<16xf32>,
      %get3A_3698 = arith.constant 0 : i32
      %get3A_3699 = arith.constant 76 : i32
      %get3A_3700 = arith.index_cast %get3A_3698 : i32 to index
      %get3A_3701 = arith.index_cast %get3A_3699 : i32 to index
      %get3A_3702 = arith.constant 176 : index
      %get3A_3703 = tpu.vector_load %arg9[%get3A_3700, %get3A_3701, %get3A_3702] {strides = array<i32>} : memref<1x80x512xf32, #tpu.memory_space<vmem>>, vector<16xf32>,
      %swap3A_3704 = arith.constant 0 : i32
      %swap3A_3705 = arith.constant 4 : i32
      %swap3A_3706 = arith.index_cast %swap3A_3704 : i32 to index
      %swap3A_3707 = arith.index_cast %swap3A_3705 : i32 to index
      %swap3A_3708 = arith.constant 176 : index
      %swap3A_3709 = tpu.vector_load %arg11[%swap3A_3706, %swap3A_3707, %swap3A_3708] {strides = array<i32>} : memref<1x5x512xf32, #tpu.memory_space<vmem>>, vector<16xf32>,
      tpu.vector_store %arg11[%swap3A_3706, %swap3A_3707, %swap3A_3708], %get3A_3703 {strides = array<i32>} : memref<1x5x512xf32, #tpu.memory_space<vmem>>, vector<16xf32>,
      %get3A_3710 = arith.constant 0 : i32
      %get3A_3711 = arith.constant 76 : i32
      %get3A_3712 = arith.index_cast %get3A_3710 : i32 to index
      %get3A_3713 = arith.index_cast %get3A_3711 : i32 to index
      %get3A_3714 = arith.constant 192 : index
      %get3A_3715 = tpu.vector_load %arg9[%get3A_3712, %get3A_3713, %get3A_3714] {strides = array<i32>} : memref<1x80x512xf32, #tpu.memory_space<vmem>>, vector<16xf32>,
      %swap3A_3716 = arith.constant 0 : i32
      %swap3A_3717 = arith.constant 4 : i32
      %swap3A_3718 = arith.index_cast %swap3A_3716 : i32 to index
      %swap3A_3719 = arith.index_cast %swap3A_3717 : i32 to index
      %swap3A_3720 = arith.constant 192 : index
      %swap3A_3721 = tpu.vector_load %arg11[%swap3A_3718, %swap3A_3719, %swap3A_3720] {strides = array<i32>} : memref<1x5x512xf32, #tpu.memory_space<vmem>>, vector<16xf32>,
      tpu.vector_store %arg11[%swap3A_3718, %swap3A_3719, %swap3A_3720], %get3A_3715 {strides = array<i32>} : memref<1x5x512xf32, #tpu.memory_space<vmem>>, vector<16xf32>,
      %get3A_3722 = arith.constant 0 : i32
      %get3A_3723 = arith.constant 76 : i32
      %get3A_3724 = arith.index_cast %get3A_3722 : i32 to index
      %get3A_3725 = arith.index_cast %get3A_3723 : i32 to index
      %get3A_3726 = arith.constant 208 : index
      %get3A_3727 = tpu.vector_load %arg9[%get3A_3724, %get3A_3725, %get3A_3726] {strides = array<i32>} : memref<1x80x512xf32, #tpu.memory_space<vmem>>, vector<16xf32>,
      %swap3A_3728 = arith.constant 0 : i32
      %swap3A_3729 = arith.constant 4 : i32
      %swap3A_3730 = arith.index_cast %swap3A_3728 : i32 to index
      %swap3A_3731 = arith.index_cast %swap3A_3729 : i32 to index
      %swap3A_3732 = arith.constant 208 : index
      %swap3A_3733 = tpu.vector_load %arg11[%swap3A_3730, %swap3A_3731, %swap3A_3732] {strides = array<i32>} : memref<1x5x512xf32, #tpu.memory_space<vmem>>, vector<16xf32>,
      tpu.vector_store %arg11[%swap3A_3730, %swap3A_3731, %swap3A_3732], %get3A_3727 {strides = array<i32>} : memref<1x5x512xf32, #tpu.memory_space<vmem>>, vector<16xf32>,
      %get3A_3734 = arith.constant 0 : i32
      %get3A_3735 = arith.constant 76 : i32
      %get3A_3736 = arith.index_cast %get3A_3734 : i32 to index
      %get3A_3737 = arith.index_cast %get3A_3735 : i32 to index
      %get3A_3738 = arith.constant 224 : index
      %get3A_3739 = tpu.vector_load %arg9[%get3A_3736, %get3A_3737, %get3A_3738] {strides = array<i32>} : memref<1x80x512xf32, #tpu.memory_space<vmem>>, vector<16xf32>,
      %swap3A_3740 = arith.constant 0 : i32
      %swap3A_3741 = arith.constant 4 : i32
      %swap3A_3742 = arith.index_cast %swap3A_3740 : i32 to index
      %swap3A_3743 = arith.index_cast %swap3A_3741 : i32 to index
      %swap3A_3744 = arith.constant 224 : index
      %swap3A_3745 = tpu.vector_load %arg11[%swap3A_3742, %swap3A_3743, %swap3A_3744] {strides = array<i32>} : memref<1x5x512xf32, #tpu.memory_space<vmem>>, vector<16xf32>,
      tpu.vector_store %arg11[%swap3A_3742, %swap3A_3743, %swap3A_3744], %get3A_3739 {strides = array<i32>} : memref<1x5x512xf32, #tpu.memory_space<vmem>>, vector<16xf32>,
      %get3A_3746 = arith.constant 0 : i32
      %get3A_3747 = arith.constant 76 : i32
      %get3A_3748 = arith.index_cast %get3A_3746 : i32 to index
      %get3A_3749 = arith.index_cast %get3A_3747 : i32 to index
      %get3A_3750 = arith.constant 240 : index
      %get3A_3751 = tpu.vector_load %arg9[%get3A_3748, %get3A_3749, %get3A_3750] {strides = array<i32>} : memref<1x80x512xf32, #tpu.memory_space<vmem>>, vector<16xf32>,
      %swap3A_3752 = arith.constant 0 : i32
      %swap3A_3753 = arith.constant 4 : i32
      %swap3A_3754 = arith.index_cast %swap3A_3752 : i32 to index
      %swap3A_3755 = arith.index_cast %swap3A_3753 : i32 to index
      %swap3A_3756 = arith.constant 240 : index
      %swap3A_3757 = tpu.vector_load %arg11[%swap3A_3754, %swap3A_3755, %swap3A_3756] {strides = array<i32>} : memref<1x5x512xf32, #tpu.memory_space<vmem>>, vector<16xf32>,
      tpu.vector_store %arg11[%swap3A_3754, %swap3A_3755, %swap3A_3756], %get3A_3751 {strides = array<i32>} : memref<1x5x512xf32, #tpu.memory_space<vmem>>, vector<16xf32>,
      %get3A_3758 = arith.constant 0 : i32
      %get3A_3759 = arith.constant 76 : i32
      %get3A_3760 = arith.index_cast %get3A_3758 : i32 to index
      %get3A_3761 = arith.index_cast %get3A_3759 : i32 to index
      %get3A_3762 = arith.constant 256 : index
      %get3A_3763 = tpu.vector_load %arg9[%get3A_3760, %get3A_3761, %get3A_3762] {strides = array<i32>} : memref<1x80x512xf32, #tpu.memory_space<vmem>>, vector<16xf32>,
      %swap3A_3764 = arith.constant 0 : i32
      %swap3A_3765 = arith.constant 4 : i32
      %swap3A_3766 = arith.index_cast %swap3A_3764 : i32 to index
      %swap3A_3767 = arith.index_cast %swap3A_3765 : i32 to index
      %swap3A_3768 = arith.constant 256 : index
      %swap3A_3769 = tpu.vector_load %arg11[%swap3A_3766, %swap3A_3767, %swap3A_3768] {strides = array<i32>} : memref<1x5x512xf32, #tpu.memory_space<vmem>>, vector<16xf32>,
      tpu.vector_store %arg11[%swap3A_3766, %swap3A_3767, %swap3A_3768], %get3A_3763 {strides = array<i32>} : memref<1x5x512xf32, #tpu.memory_space<vmem>>, vector<16xf32>,
      %get3A_3770 = arith.constant 0 : i32
      %get3A_3771 = arith.constant 76 : i32
      %get3A_3772 = arith.index_cast %get3A_3770 : i32 to index
      %get3A_3773 = arith.index_cast %get3A_3771 : i32 to index
      %get3A_3774 = arith.constant 272 : index
      %get3A_3775 = tpu.vector_load %arg9[%get3A_3772, %get3A_3773, %get3A_3774] {strides = array<i32>} : memref<1x80x512xf32, #tpu.memory_space<vmem>>, vector<16xf32>,
      %swap3A_3776 = arith.constant 0 : i32
      %swap3A_3777 = arith.constant 4 : i32
      %swap3A_3778 = arith.index_cast %swap3A_3776 : i32 to index
      %swap3A_3779 = arith.index_cast %swap3A_3777 : i32 to index
      %swap3A_3780 = arith.constant 272 : index
      %swap3A_3781 = tpu.vector_load %arg11[%swap3A_3778, %swap3A_3779, %swap3A_3780] {strides = array<i32>} : memref<1x5x512xf32, #tpu.memory_space<vmem>>, vector<16xf32>,
      tpu.vector_store %arg11[%swap3A_3778, %swap3A_3779, %swap3A_3780], %get3A_3775 {strides = array<i32>} : memref<1x5x512xf32, #tpu.memory_space<vmem>>, vector<16xf32>,
      %get3A_3782 = arith.constant 0 : i32
      %get3A_3783 = arith.constant 76 : i32
      %get3A_3784 = arith.index_cast %get3A_3782 : i32 to index
      %get3A_3785 = arith.index_cast %get3A_3783 : i32 to index
      %get3A_3786 = arith.constant 288 : index
      %get3A_3787 = tpu.vector_load %arg9[%get3A_3784, %get3A_3785, %get3A_3786] {strides = array<i32>} : memref<1x80x512xf32, #tpu.memory_space<vmem>>, vector<16xf32>,
      %swap3A_3788 = arith.constant 0 : i32
      %swap3A_3789 = arith.constant 4 : i32
      %swap3A_3790 = arith.index_cast %swap3A_3788 : i32 to index
      %swap3A_3791 = arith.index_cast %swap3A_3789 : i32 to index
      %swap3A_3792 = arith.constant 288 : index
      %swap3A_3793 = tpu.vector_load %arg11[%swap3A_3790, %swap3A_3791, %swap3A_3792] {strides = array<i32>} : memref<1x5x512xf32, #tpu.memory_space<vmem>>, vector<16xf32>,
      tpu.vector_store %arg11[%swap3A_3790, %swap3A_3791, %swap3A_3792], %get3A_3787 {strides = array<i32>} : memref<1x5x512xf32, #tpu.memory_space<vmem>>, vector<16xf32>,
      %get3A_3794 = arith.constant 0 : i32
      %get3A_3795 = arith.constant 76 : i32
      %get3A_3796 = arith.index_cast %get3A_3794 : i32 to index
      %get3A_3797 = arith.index_cast %get3A_3795 : i32 to index
      %get3A_3798 = arith.constant 304 : index
      %get3A_3799 = tpu.vector_load %arg9[%get3A_3796, %get3A_3797, %get3A_3798] {strides = array<i32>} : memref<1x80x512xf32, #tpu.memory_space<vmem>>, vector<16xf32>,
      %swap3A_3800 = arith.constant 0 : i32
      %swap3A_3801 = arith.constant 4 : i32
      %swap3A_3802 = arith.index_cast %swap3A_3800 : i32 to index
      %swap3A_3803 = arith.index_cast %swap3A_3801 : i32 to index
      %swap3A_3804 = arith.constant 304 : index
      %swap3A_3805 = tpu.vector_load %arg11[%swap3A_3802, %swap3A_3803, %swap3A_3804] {strides = array<i32>} : memref<1x5x512xf32, #tpu.memory_space<vmem>>, vector<16xf32>,
      tpu.vector_store %arg11[%swap3A_3802, %swap3A_3803, %swap3A_3804], %get3A_3799 {strides = array<i32>} : memref<1x5x512xf32, #tpu.memory_space<vmem>>, vector<16xf32>,
      %get3A_3806 = arith.constant 0 : i32
      %get3A_3807 = arith.constant 76 : i32
      %get3A_3808 = arith.index_cast %get3A_3806 : i32 to index
      %get3A_3809 = arith.index_cast %get3A_3807 : i32 to index
      %get3A_3810 = arith.constant 320 : index
      %get3A_3811 = tpu.vector_load %arg9[%get3A_3808, %get3A_3809, %get3A_3810] {strides = array<i32>} : memref<1x80x512xf32, #tpu.memory_space<vmem>>, vector<16xf32>,
      %swap3A_3812 = arith.constant 0 : i32
      %swap3A_3813 = arith.constant 4 : i32
      %swap3A_3814 = arith.index_cast %swap3A_3812 : i32 to index
      %swap3A_3815 = arith.index_cast %swap3A_3813 : i32 to index
      %swap3A_3816 = arith.constant 320 : index
      %swap3A_3817 = tpu.vector_load %arg11[%swap3A_3814, %swap3A_3815, %swap3A_3816] {strides = array<i32>} : memref<1x5x512xf32, #tpu.memory_space<vmem>>, vector<16xf32>,
      tpu.vector_store %arg11[%swap3A_3814, %swap3A_3815, %swap3A_3816], %get3A_3811 {strides = array<i32>} : memref<1x5x512xf32, #tpu.memory_space<vmem>>, vector<16xf32>,
      %get3A_3818 = arith.constant 0 : i32
      %get3A_3819 = arith.constant 76 : i32
      %get3A_3820 = arith.index_cast %get3A_3818 : i32 to index
      %get3A_3821 = arith.index_cast %get3A_3819 : i32 to index
      %get3A_3822 = arith.constant 336 : index
      %get3A_3823 = tpu.vector_load %arg9[%get3A_3820, %get3A_3821, %get3A_3822] {strides = array<i32>} : memref<1x80x512xf32, #tpu.memory_space<vmem>>, vector<16xf32>,
      %swap3A_3824 = arith.constant 0 : i32
      %swap3A_3825 = arith.constant 4 : i32
      %swap3A_3826 = arith.index_cast %swap3A_3824 : i32 to index
      %swap3A_3827 = arith.index_cast %swap3A_3825 : i32 to index
      %swap3A_3828 = arith.constant 336 : index
      %swap3A_3829 = tpu.vector_load %arg11[%swap3A_3826, %swap3A_3827, %swap3A_3828] {strides = array<i32>} : memref<1x5x512xf32, #tpu.memory_space<vmem>>, vector<16xf32>,
      tpu.vector_store %arg11[%swap3A_3826, %swap3A_3827, %swap3A_3828], %get3A_3823 {strides = array<i32>} : memref<1x5x512xf32, #tpu.memory_space<vmem>>, vector<16xf32>,
      %get3A_3830 = arith.constant 0 : i32
      %get3A_3831 = arith.constant 76 : i32
      %get3A_3832 = arith.index_cast %get3A_3830 : i32 to index
      %get3A_3833 = arith.index_cast %get3A_3831 : i32 to index
      %get3A_3834 = arith.constant 352 : index
      %get3A_3835 = tpu.vector_load %arg9[%get3A_3832, %get3A_3833, %get3A_3834] {strides = array<i32>} : memref<1x80x512xf32, #tpu.memory_space<vmem>>, vector<16xf32>,
      %swap3A_3836 = arith.constant 0 : i32
      %swap3A_3837 = arith.constant 4 : i32
      %swap3A_3838 = arith.index_cast %swap3A_3836 : i32 to index
      %swap3A_3839 = arith.index_cast %swap3A_3837 : i32 to index
      %swap3A_3840 = arith.constant 352 : index
      %swap3A_3841 = tpu.vector_load %arg11[%swap3A_3838, %swap3A_3839, %swap3A_3840] {strides = array<i32>} : memref<1x5x512xf32, #tpu.memory_space<vmem>>, vector<16xf32>,
      tpu.vector_store %arg11[%swap3A_3838, %swap3A_3839, %swap3A_3840], %get3A_3835 {strides = array<i32>} : memref<1x5x512xf32, #tpu.memory_space<vmem>>, vector<16xf32>,
      %get3A_3842 = arith.constant 0 : i32
      %get3A_3843 = arith.constant 76 : i32
      %get3A_3844 = arith.index_cast %get3A_3842 : i32 to index
      %get3A_3845 = arith.index_cast %get3A_3843 : i32 to index
      %get3A_3846 = arith.constant 368 : index
      %get3A_3847 = tpu.vector_load %arg9[%get3A_3844, %get3A_3845, %get3A_3846] {strides = array<i32>} : memref<1x80x512xf32, #tpu.memory_space<vmem>>, vector<16xf32>,
      %swap3A_3848 = arith.constant 0 : i32
      %swap3A_3849 = arith.constant 4 : i32
      %swap3A_3850 = arith.index_cast %swap3A_3848 : i32 to index
      %swap3A_3851 = arith.index_cast %swap3A_3849 : i32 to index
      %swap3A_3852 = arith.constant 368 : index
      %swap3A_3853 = tpu.vector_load %arg11[%swap3A_3850, %swap3A_3851, %swap3A_3852] {strides = array<i32>} : memref<1x5x512xf32, #tpu.memory_space<vmem>>, vector<16xf32>,
      tpu.vector_store %arg11[%swap3A_3850, %swap3A_3851, %swap3A_3852], %get3A_3847 {strides = array<i32>} : memref<1x5x512xf32, #tpu.memory_space<vmem>>, vector<16xf32>,
      %get3A_3854 = arith.constant 0 : i32
      %get3A_3855 = arith.constant 76 : i32
      %get3A_3856 = arith.index_cast %get3A_3854 : i32 to index
      %get3A_3857 = arith.index_cast %get3A_3855 : i32 to index
      %get3A_3858 = arith.constant 384 : index
      %get3A_3859 = tpu.vector_load %arg9[%get3A_3856, %get3A_3857, %get3A_3858] {strides = array<i32>} : memref<1x80x512xf32, #tpu.memory_space<vmem>>, vector<16xf32>,
      %swap3A_3860 = arith.constant 0 : i32
      %swap3A_3861 = arith.constant 4 : i32
      %swap3A_3862 = arith.index_cast %swap3A_3860 : i32 to index
      %swap3A_3863 = arith.index_cast %swap3A_3861 : i32 to index
      %swap3A_3864 = arith.constant 384 : index
      %swap3A_3865 = tpu.vector_load %arg11[%swap3A_3862, %swap3A_3863, %swap3A_3864] {strides = array<i32>} : memref<1x5x512xf32, #tpu.memory_space<vmem>>, vector<16xf32>,
      tpu.vector_store %arg11[%swap3A_3862, %swap3A_3863, %swap3A_3864], %get3A_3859 {strides = array<i32>} : memref<1x5x512xf32, #tpu.memory_space<vmem>>, vector<16xf32>,
      %get3A_3866 = arith.constant 0 : i32
      %get3A_3867 = arith.constant 76 : i32
      %get3A_3868 = arith.index_cast %get3A_3866 : i32 to index
      %get3A_3869 = arith.index_cast %get3A_3867 : i32 to index
      %get3A_3870 = arith.constant 400 : index
      %get3A_3871 = tpu.vector_load %arg9[%get3A_3868, %get3A_3869, %get3A_3870] {strides = array<i32>} : memref<1x80x512xf32, #tpu.memory_space<vmem>>, vector<16xf32>,
      %swap3A_3872 = arith.constant 0 : i32
      %swap3A_3873 = arith.constant 4 : i32
      %swap3A_3874 = arith.index_cast %swap3A_3872 : i32 to index
      %swap3A_3875 = arith.index_cast %swap3A_3873 : i32 to index
      %swap3A_3876 = arith.constant 400 : index
      %swap3A_3877 = tpu.vector_load %arg11[%swap3A_3874, %swap3A_3875, %swap3A_3876] {strides = array<i32>} : memref<1x5x512xf32, #tpu.memory_space<vmem>>, vector<16xf32>,
      tpu.vector_store %arg11[%swap3A_3874, %swap3A_3875, %swap3A_3876], %get3A_3871 {strides = array<i32>} : memref<1x5x512xf32, #tpu.memory_space<vmem>>, vector<16xf32>,
      %get3A_3878 = arith.constant 0 : i32
      %get3A_3879 = arith.constant 76 : i32
      %get3A_3880 = arith.index_cast %get3A_3878 : i32 to index
      %get3A_3881 = arith.index_cast %get3A_3879 : i32 to index
      %get3A_3882 = arith.constant 416 : index
      %get3A_3883 = tpu.vector_load %arg9[%get3A_3880, %get3A_3881, %get3A_3882] {strides = array<i32>} : memref<1x80x512xf32, #tpu.memory_space<vmem>>, vector<16xf32>,
      %swap3A_3884 = arith.constant 0 : i32
      %swap3A_3885 = arith.constant 4 : i32
      %swap3A_3886 = arith.index_cast %swap3A_3884 : i32 to index
      %swap3A_3887 = arith.index_cast %swap3A_3885 : i32 to index
      %swap3A_3888 = arith.constant 416 : index
      %swap3A_3889 = tpu.vector_load %arg11[%swap3A_3886, %swap3A_3887, %swap3A_3888] {strides = array<i32>} : memref<1x5x512xf32, #tpu.memory_space<vmem>>, vector<16xf32>,
      tpu.vector_store %arg11[%swap3A_3886, %swap3A_3887, %swap3A_3888], %get3A_3883 {strides = array<i32>} : memref<1x5x512xf32, #tpu.memory_space<vmem>>, vector<16xf32>,
      %get3A_3890 = arith.constant 0 : i32
      %get3A_3891 = arith.constant 76 : i32
      %get3A_3892 = arith.index_cast %get3A_3890 : i32 to index
      %get3A_3893 = arith.index_cast %get3A_3891 : i32 to index
      %get3A_3894 = arith.constant 432 : index
      %get3A_3895 = tpu.vector_load %arg9[%get3A_3892, %get3A_3893, %get3A_3894] {strides = array<i32>} : memref<1x80x512xf32, #tpu.memory_space<vmem>>, vector<16xf32>,
      %swap3A_3896 = arith.constant 0 : i32
      %swap3A_3897 = arith.constant 4 : i32
      %swap3A_3898 = arith.index_cast %swap3A_3896 : i32 to index
      %swap3A_3899 = arith.index_cast %swap3A_3897 : i32 to index
      %swap3A_3900 = arith.constant 432 : index
      %swap3A_3901 = tpu.vector_load %arg11[%swap3A_3898, %swap3A_3899, %swap3A_3900] {strides = array<i32>} : memref<1x5x512xf32, #tpu.memory_space<vmem>>, vector<16xf32>,
      tpu.vector_store %arg11[%swap3A_3898, %swap3A_3899, %swap3A_3900], %get3A_3895 {strides = array<i32>} : memref<1x5x512xf32, #tpu.memory_space<vmem>>, vector<16xf32>,
      %get3A_3902 = arith.constant 0 : i32
      %get3A_3903 = arith.constant 76 : i32
      %get3A_3904 = arith.index_cast %get3A_3902 : i32 to index
      %get3A_3905 = arith.index_cast %get3A_3903 : i32 to index
      %get3A_3906 = arith.constant 448 : index
      %get3A_3907 = tpu.vector_load %arg9[%get3A_3904, %get3A_3905, %get3A_3906] {strides = array<i32>} : memref<1x80x512xf32, #tpu.memory_space<vmem>>, vector<16xf32>,
      %swap3A_3908 = arith.constant 0 : i32
      %swap3A_3909 = arith.constant 4 : i32
      %swap3A_3910 = arith.index_cast %swap3A_3908 : i32 to index
      %swap3A_3911 = arith.index_cast %swap3A_3909 : i32 to index
      %swap3A_3912 = arith.constant 448 : index
      %swap3A_3913 = tpu.vector_load %arg11[%swap3A_3910, %swap3A_3911, %swap3A_3912] {strides = array<i32>} : memref<1x5x512xf32, #tpu.memory_space<vmem>>, vector<16xf32>,
      tpu.vector_store %arg11[%swap3A_3910, %swap3A_3911, %swap3A_3912], %get3A_3907 {strides = array<i32>} : memref<1x5x512xf32, #tpu.memory_space<vmem>>, vector<16xf32>,
      %get3A_3914 = arith.constant 0 : i32
      %get3A_3915 = arith.constant 76 : i32
      %get3A_3916 = arith.index_cast %get3A_3914 : i32 to index
      %get3A_3917 = arith.index_cast %get3A_3915 : i32 to index
      %get3A_3918 = arith.constant 464 : index
      %get3A_3919 = tpu.vector_load %arg9[%get3A_3916, %get3A_3917, %get3A_3918] {strides = array<i32>} : memref<1x80x512xf32, #tpu.memory_space<vmem>>, vector<16xf32>,
      %swap3A_3920 = arith.constant 0 : i32
      %swap3A_3921 = arith.constant 4 : i32
      %swap3A_3922 = arith.index_cast %swap3A_3920 : i32 to index
      %swap3A_3923 = arith.index_cast %swap3A_3921 : i32 to index
      %swap3A_3924 = arith.constant 464 : index
      %swap3A_3925 = tpu.vector_load %arg11[%swap3A_3922, %swap3A_3923, %swap3A_3924] {strides = array<i32>} : memref<1x5x512xf32, #tpu.memory_space<vmem>>, vector<16xf32>,
      tpu.vector_store %arg11[%swap3A_3922, %swap3A_3923, %swap3A_3924], %get3A_3919 {strides = array<i32>} : memref<1x5x512xf32, #tpu.memory_space<vmem>>, vector<16xf32>,
      %get3A_3926 = arith.constant 0 : i32
      %get3A_3927 = arith.constant 76 : i32
      %get3A_3928 = arith.index_cast %get3A_3926 : i32 to index
      %get3A_3929 = arith.index_cast %get3A_3927 : i32 to index
      %get3A_3930 = arith.constant 480 : index
      %get3A_3931 = tpu.vector_load %arg9[%get3A_3928, %get3A_3929, %get3A_3930] {strides = array<i32>} : memref<1x80x512xf32, #tpu.memory_space<vmem>>, vector<16xf32>,
      %swap3A_3932 = arith.constant 0 : i32
      %swap3A_3933 = arith.constant 4 : i32
      %swap3A_3934 = arith.index_cast %swap3A_3932 : i32 to index
      %swap3A_3935 = arith.index_cast %swap3A_3933 : i32 to index
      %swap3A_3936 = arith.constant 480 : index
      %swap3A_3937 = tpu.vector_load %arg11[%swap3A_3934, %swap3A_3935, %swap3A_3936] {strides = array<i32>} : memref<1x5x512xf32, #tpu.memory_space<vmem>>, vector<16xf32>,
      tpu.vector_store %arg11[%swap3A_3934, %swap3A_3935, %swap3A_3936], %get3A_3931 {strides = array<i32>} : memref<1x5x512xf32, #tpu.memory_space<vmem>>, vector<16xf32>,
      %get3A_3938 = arith.constant 0 : i32
      %get3A_3939 = arith.constant 76 : i32
      %get3A_3940 = arith.index_cast %get3A_3938 : i32 to index
      %get3A_3941 = arith.index_cast %get3A_3939 : i32 to index
      %get3A_3942 = arith.constant 496 : index
      %get3A_3943 = tpu.vector_load %arg9[%get3A_3940, %get3A_3941, %get3A_3942] {strides = array<i32>} : memref<1x80x512xf32, #tpu.memory_space<vmem>>, vector<16xf32>,
      %swap3A_3944 = arith.constant 0 : i32
      %swap3A_3945 = arith.constant 4 : i32
      %swap3A_3946 = arith.index_cast %swap3A_3944 : i32 to index
      %swap3A_3947 = arith.index_cast %swap3A_3945 : i32 to index
      %swap3A_3948 = arith.constant 496 : index
      %swap3A_3949 = tpu.vector_load %arg11[%swap3A_3946, %swap3A_3947, %swap3A_3948] {strides = array<i32>} : memref<1x5x512xf32, #tpu.memory_space<vmem>>, vector<16xf32>,
      tpu.vector_store %arg11[%swap3A_3946, %swap3A_3947, %swap3A_3948], %get3A_3943 {strides = array<i32>} : memref<1x5x512xf32, #tpu.memory_space<vmem>>, vector<16xf32>,
      %add3A_3950 = arith.addi %mul3A_2, %add3A_2008 : i32
      %dma_start3A_3951 = arith.constant 72 : i32
      %dma_start3A_3952 = arith.constant 0 : i32
      %dma_start3A_3953 = tpu.memref_slice %arg4[%add3A_3950, %dma_start3A_3951, %dma_start3A_3952] : memref<4096x77x512xf32, #tpu.memory_space<hbm>> -> memref<1x5x512xf32, #tpu.memory_space<hbm>>
      %dma_start3A_3954 = arith.constant 72 : i32
      %dma_start3A_3955 = arith.constant 0 : i32
      %dma_start3A_3956 = tpu.memref_slice %arg4[%add3A_3950, %dma_start3A_3954, %dma_start3A_3955] : memref<4096x77x512xf32, #tpu.memory_space<hbm>> -> memref<1x5x512xf32, #tpu.memory_space<hbm>>
      tpu.enqueue_dma source(%arg11 : memref<1x5x512xf32, #tpu.memory_space<vmem>>) target(%dma_start3A_3956 : memref<1x5x512xf32, #tpu.memory_space<hbm>>) target_semaphore(%arg15 : memref<!tpu.dma_semaphore, #tpu.memory_space<semaphore_mem>>)
      %dma_wait3A_3957 = arith.constant 0 : i32
      %dma_wait3A_3958 = arith.constant 0 : i32
      %dma_wait3A_3959 = arith.constant 0 : i32
      %dma_wait3A_3960 = tpu.memref_slice %arg9[%dma_wait3A_3957, %dma_wait3A_3958, %dma_wait3A_3959] : memref<1x80x512xf32, #tpu.memory_space<vmem>> -> memref<1x72x512xf32, #tpu.memory_space<vmem>>
      %dma_wait3A_3961 = arith.constant 0 : i32
      %dma_wait3A_3962 = arith.constant 0 : i32
      %dma_wait3A_3963 = tpu.memref_slice %arg4[%add3A_2015, %dma_wait3A_3961, %dma_wait3A_3962] : memref<4096x77x512xf32, #tpu.memory_space<hbm>> -> memref<1x72x512xf32, #tpu.memory_space<hbm>>
      %dma_wait3A_3964 = arith.constant 0 : i32
      %dma_wait3A_3965 = arith.constant 0 : i32
      %dma_wait3A_3966 = tpu.memref_slice %arg4[%add3A_2015, %dma_wait3A_3964, %dma_wait3A_3965] : memref<4096x77x512xf32, #tpu.memory_space<hbm>> -> memref<1x72x512xf32, #tpu.memory_space<hbm>>
      %dma_wait3A_3967 = arith.constant 0 : i32
      %dma_wait3A_3968 = arith.constant 0 : i32
      %dma_wait3A_3969 = arith.constant 0 : i32
      %dma_wait3A_3970 = tpu.memref_slice %arg9[%dma_wait3A_3967, %dma_wait3A_3968, %dma_wait3A_3969] : memref<1x80x512xf32, #tpu.memory_space<vmem>> -> memref<1x72x512xf32, #tpu.memory_space<vmem>>
      tpu.wait_dma2 semaphore(%arg15 : memref<!tpu.dma_semaphore, #tpu.memory_space<semaphore_mem>>) src(%dma_wait3A_3970 : memref<1x72x512xf32, #tpu.memory_space<vmem>>) dst(%dma_wait3A_3966 : memref<1x72x512xf32, #tpu.memory_space<hbm>>)
      %dma_wait3A_3971 = arith.constant 72 : i32
      %dma_wait3A_3972 = arith.constant 0 : i32
      %dma_wait3A_3973 = tpu.memref_slice %arg4[%add3A_3950, %dma_wait3A_3971, %dma_wait3A_3972] : memref<4096x77x512xf32, #tpu.memory_space<hbm>> -> memref<1x5x512xf32, #tpu.memory_space<hbm>>
      %dma_wait3A_3974 = arith.constant 72 : i32
      %dma_wait3A_3975 = arith.constant 0 : i32
      %dma_wait3A_3976 = tpu.memref_slice %arg4[%add3A_3950, %dma_wait3A_3974, %dma_wait3A_3975] : memref<4096x77x512xf32, #tpu.memory_space<hbm>> -> memref<1x5x512xf32, #tpu.memory_space<hbm>>
      tpu.wait_dma2 semaphore(%arg15 : memref<!tpu.dma_semaphore, #tpu.memory_space<semaphore_mem>>) src(%arg11 : memref<1x5x512xf32, #tpu.memory_space<vmem>>) dst(%dma_wait3A_3976 : memref<1x5x512xf32, #tpu.memory_space<hbm>>)
      %add3A_3977 = arith.constant 2 : i32
      %add3A_3978 = arith.addi %add3A_2008, %add3A_3977 : i32
      %lt3A_3979 = arith.constant 128 : i32
      %lt3A_3980 = arith.cmpi slt, %add3A_3978, %lt3A_3979 : i32
      %convert_element_type3A_3981 = arith.extui %lt3A_3980 : i1 to i32
      %cond3A_3982 = arith.constant 0 : i32
      %cond3A_3983 = arith.cmpi ne, %convert_element_type3A_3981, %cond3A_3982 : i32
      scf.if %cond3A_3983 {
        %add3A_3985 = arith.constant 2 : i32
        %add3A_3986 = arith.addi %add3A_2008, %add3A_3985 : i32
        %broadcast_in_dim3A_3987 = vector.broadcast %add3A_3986 : i32 to vector<16xi32>
        %gather3A_3988 = tpu.vector_load_idx %arg5[%broadcast_in_dim3A_3, %broadcast_in_dim3A_3987] : memref<1x128xi32, #tpu.memory_space<vmem>>[vector<16xi32>, vector<16xi32>], vector<16xi32>,
        %swap3A_3989 = arith.constant 0 : index
        %swap3A_3990 = tpu.vector_load %arg7[%swap3A_3989] {strides = array<i32>} : memref<16xi32, #tpu.memory_space<vmem>>, vector<16xi32>,
        tpu.vector_store %arg7[%swap3A_3989], %gather3A_3988 {strides = array<i32>} : memref<16xi32, #tpu.memory_space<vmem>>, vector<16xi32>,
        %dma_start3A_3991 = arith.constant 0 : i32
        %dma_start3A_3992 = tpu.memref_slice %arg7[%dma_start3A_3991] : memref<16xi32, #tpu.memory_space<vmem>> -> memref<1xi32, #tpu.memory_space<vmem>>
        %dma_start3A_3993 = arith.constant 0 : i32
        %dma_start3A_3994 = arith.constant 0 : i32
        %dma_start3A_3995 = arith.constant 0 : i32
        %dma_start3A_3996 = tpu.memref_slice %arg3[%dma_start3A_3993, %dma_start3A_3994, %dma_start3A_3995] : memref<1000x80x512xf32, #tpu.memory_space<hbm>> -> memref<1000x80x512xf32, #tpu.memory_space<hbm>>
        tpu.enqueue_indirect_dma source(%dma_start3A_3996 : memref<1000x80x512xf32, #tpu.memory_space<hbm>>) target(%arg9 : memref<1x80x512xf32, #tpu.memory_space<vmem>>) offsets(%dma_start3A_3992 : memref<1xi32, #tpu.memory_space<vmem>>) semaphore(%arg13 : memref<!tpu.dma_semaphore, #tpu.memory_space<semaphore_mem>>)
      } else {
      }
      %scan3A_3984 = arith.constant 0 : i32
      scf.yield %scan3A_3984 : i32
    }
    %scan3A_28 = arith.constant 64 : i32
    return
  }
}

</mosaic_0001>

<sc_bundles>
// kernel: kernel.3.cloned.1.call-start
scs
__scs_entry_jumppad:
0x0: {  	(pc) =	sbr.rel $0x88, $3  }
0x1: {  	(tag) =	ssettag $0x0;
	lr =	simm.s32 $0x1  }
0x2: {  	[smem:$0x3F9D] =	sst lr;
	_ =	strace $0xD0000000  }
0x3: {  	_ = 	snop  }
0x4: {  	_ = 	snop  }
0x5: {  	_ = 	snop  }
0x6: {  	_ = 	snop  }
0x7: {  	_ = 	snop  }
__scs_overlays_trampoline_lowered:
0x8: {  	[smem:$0x3FAC] =	sst s0  }
0x9: {  	[smem:$0x3FAD] =	sst s1  }
0xa: {  	[smem:$0x3FAE] =	sst s2  }
0xb: {  	[smem:$0x3FAF] =	sst s3  }
0xc: {  	[smem:$0x3FB0] =	sst s4  }
0xd: {  	[smem:$0x3FB1] =	sst s5  }
0xe: {  	[smem:$0x3FB2] =	sst s6  }
0xf: {  	[smem:$0x3FB3] =	sst s7  }
0x10: {  	[smem:$0x3FB4] =	sst s8  }
0x11: {  	[smem:$0x3FB5] =	sst s9;
	s0 =	simm.s32 @!p0 $0x0  }
0x12: {  	s1 =	sld [smem:$0x3F9B];
	s0 =	simm.s32 @p0 $0x1  }
0x13: {  	[smem:$0x3FB6] =	sst s0;
	s0 =	simm.s32 @!p1 $0x0  }
0x14: {  	s2 =	sld [smem:$0x3F9A];
	s0 =	simm.s32 @p1 $0x1  }
0x15: {  	[smem:$0x3FB7] =	sst s0;
	s0 =	simm.s32 @!p2 $0x0  }
0x16: {  	s3 =	sld [smem:$0x3FDB];
	s0 =	simm.s32 @p2 $0x1  }
0x17: {  	s4 =	simm.s32 $0x1BF5;
	[smem:$0x3FB9] =	sst s0  }
0x18: {  	s0 =	sld [smem:$0x3F9C];
	_ =	swait.ge [sflag:s4], $0x0  }
0x19: {  	s7 =	sld [smem:$0x3F9D]  }
0x1a: {  	s8 =	sadd.s32 $0xFFFFE003, lr  }
0x1b: {  	s9 =	sadd.s32 $0xFFFFFEF7, lr;
	s5 =	simm.s32 $0xFFFFFFFF;
	p2 =	slt.u32 s8, $0xFFFFF086  }
0x1c: {  	p1 =	slt.u32 s9, $0xF7A;
	s5 =	simm.s32 @!p2 $0x0  }
0x1d: {  	s5 =	simm.s32 @p1 $0x1;
	p0 =	seq.s32 s7, s2  }
0x1e: {  	s7 =	smul.u32 @!p0 $0xF7A, s2;
	p2 =	seq.s32 @!p0 s5, $0x0  }
0x1f: {  	s9 =	smul.u32 $0xF7A, s1;
	s8 =	simm.s32 @!p0 $0x1BF5;
	p2 =	por !p2, p0  }
0x20: {  	[sflag:s8] =	ssyncset.s32 @!p0 $0xFFFFF086;
	s6 =	sadd.s32 @!p0 s3, s7;
	s7 =	simm.s32 @!p0 $0x108  }
0x21: {  	s3 =	sadd.s32 s3, s9;
	s6 =	sadd.s32 @!p0 $0x88, s6;
	s7 =	simm.s32 @p2 $0x1082  }
0x22: {  	[simem:s7], [sflag:s8] =	dma.local @!p0 [hbm:s6], $0xF7A  }
0x23: {  	s9 =	sor.u32 $0xD0000000, s2;
	s6 =	simm.s32 $0x108;
	_ =	swait.ge @!p0 [sflag:s8], $0x0  }
0x24: {  	s3 =	sadd.s32 $0x88, s3;
	s6 =	simm.s32 @!p1 $0x1082;
	[sflag:s4] =	ssyncset.s32 $0xFFFFF086  }
0x25: {  	[simem:s6], [sflag:s4] =	dma.local [hbm:s3], $0xF7A  }
0x26: {  	[smem:$0x3F9D] =	sst s1;
	(tag) =	ssettag s2;
	_ =	strace s9  }
0x27: {  	s1 =	sld [smem:$0x3FAD]  }
0x28: {  	s2 =	sld [smem:$0x3FAE]  }
0x29: {  	s4 =	sld [smem:$0x3FB0]  }
0x2a: {  	p0 =	seq.s32 s5, $0x0;
	s5 =	sld [smem:$0x3FB1]  }
0x2b: {  	s6 =	sld [smem:$0x3FB2]  }
0x2c: {  	s7 =	sld [smem:$0x3FB3]  }
0x2d: {  	s3 =	simm.s32 $0x108;
	s8 =	sld [smem:$0x3FB4]  }
0x2e: {  	s3 =	simm.s32 @!p0 $0x1082;
	s9 =	sld [smem:$0x3FB5]  }
0x2f: {  	lr =	sadd.s32 s0, s3;
	s0 =	sld [smem:$0x3FAC]  }
0x30: {  	s3 =	sld [smem:$0x3FAF]  }
0x31: {  	[smem:$0x3FB8] =	sst s10  }
0x32: {  	s10 =	sld [smem:$0x3FB6];
	_ =	sdelay $0x3  }
0x33: {  	p0 =	seq.s32 s10, $0x1;
	s10 =	sld [smem:$0x3FB8];
	_ =	sdelay $0x3  }
0x34: {  	[smem:$0x3FB8] =	sst s10  }
0x35: {  	s10 =	sld [smem:$0x3FB7];
	_ =	sdelay $0x3  }
0x36: {  	p1 =	seq.s32 s10, $0x1;
	s10 =	sld [smem:$0x3FB8];
	_ =	sdelay $0x3  }
0x37: {  	[smem:$0x3FB8] =	sst s10  }
0x38: {  	s10 =	sld [smem:$0x3FB9]  }
0x39: {  	_ = 	snop;
	(pc) =	sbr.ind lr, $3  }
0x3a: {  	_ = 	snop  }
0x3b: {  	_ = 	snop  }
0x3c: {  	p2 =	seq.s32 s10, $0x1;
	s10 =	sld [smem:$0x3FB8]  }
0x3d: {  	_ =	shalt  }
0x3e: {  	_ =	shalt  }
0x3f: {  	_ =	shalt  }
0x40: {  	_ =	shalt  }
0x41: {  	_ =	shalt  }
0x42: {  	_ =	shalt  }
0x43: {  	_ =	shalt  }
0x44: {  	_ =	shalt  }
0x45: {  	_ =	shalt  }
0x46: {  	_ =	shalt  }
0x47: {  	_ =	shalt  }
0x48: {  	_ =	shalt  }
0x49: {  	_ =	shalt  }
0x4a: {  	_ =	shalt  }
0x4b: {  	_ =	shalt  }
0x4c: {  	_ =	shalt  }
0x4d: {  	_ =	shalt  }
0x4e: {  	_ =	shalt  }
0x4f: {  	_ =	shalt  }
0x50: {  	_ =	shalt  }
0x51: {  	_ =	shalt  }
0x52: {  	_ =	shalt  }
0x53: {  	_ =	shalt  }
0x54: {  	_ =	shalt  }
0x55: {  	_ =	shalt  }
0x56: {  	_ =	shalt  }
0x57: {  	_ =	shalt  }
0x58: {  	_ =	shalt  }
0x59: {  	_ =	shalt  }
0x5a: {  	_ =	shalt  }
0x5b: {  	_ =	shalt  }
0x5c: {  	_ =	shalt  }
0x5d: {  	_ =	shalt  }
0x5e: {  	_ =	shalt  }
0x5f: {  	_ =	shalt  }
0x60: {  	_ =	shalt  }
0x61: {  	_ =	shalt  }
0x62: {  	_ =	shalt  }
0x63: {  	_ =	shalt  }
0x64: {  	_ =	shalt  }
0x65: {  	_ =	shalt  }
0x66: {  	_ =	shalt  }
0x67: {  	_ =	shalt  }
0x68: {  	_ =	shalt  }
0x69: {  	_ =	shalt  }
0x6a: {  	_ =	shalt  }
0x6b: {  	_ =	shalt  }
0x6c: {  	_ =	shalt  }
0x6d: {  	_ =	shalt  }
0x6e: {  	_ =	shalt  }
0x6f: {  	_ =	shalt  }
0x70: {  	_ =	shalt  }
0x71: {  	_ =	shalt  }
0x72: {  	_ =	shalt  }
0x73: {  	_ =	shalt  }
0x74: {  	_ =	shalt  }
0x75: {  	_ =	shalt  }
0x76: {  	_ =	shalt  }
0x77: {  	_ =	shalt  }
0x78: {  	_ =	shalt  }
0x79: {  	_ =	shalt  }
0x7a: {  	_ =	shalt  }
0x7b: {  	_ =	shalt  }
0x7c: {  	_ =	shalt  }
0x7d: {  	_ =	shalt  }
0x7e: {  	_ =	shalt  }
0x7f: {  	_ =	shalt  }
0x80: {  	_ =	shalt  }
0x81: {  	_ =	shalt  }
0x82: {  	_ =	shalt  }
0x83: {  	_ =	shalt  }
0x84: {  	_ =	shalt  }
0x85: {  	_ =	shalt  }
0x86: {  	_ =	shalt  }
0x87: {  	_ =	shalt  }
.Lfunc_end0:
.L_simem_size_0:
called_computation_lowered:
.L_overlay_start_0:
0x88: {  	s2 =	sld [smem:$0x3FD9]  }
0x89: {  	s3 =	sld [smem:$0x3FFE];
	_ =	sdelay $0x1  }
0x8a: {  	s1 =	srdreg.scid  }
0x8b: {  	s0 =	sand.u32 $0x1, s1  }
0x8c: {  	s17 =	sshll.u32 s0, $0xA;
	s2 =	sadd.s32 s3, s2  }
0x8d: {  	s2 =	sadd.s32 s2, s17  }
0x8e: {  	[smem:$0x3FC4] =	sst s2  }
0x8f: {  	_ = 	snop  }
0x90: {  	s2 =	sld [smem:$0x3FC9]  }
0x91: {  	s18 =	sld [smem:$0x3FD0];
	(tm) =	ssettm $0x1  }
0x92: {  	s4 =	sld [smem:$0x3FFB];
	_ =	sdelay $0x3  }
0x93: {  	_ =	strace s4  }
0x94: {  	s4 =	sld [smem:$0x3FFC];
	_ =	sdelay $0x3  }
0x95: {  	_ =	strace s4  }
0x96: {  	s4 =	sld [smem:$0x3FFD];
	_ =	sdelay $0x3  }
0x97: {  	_ =	strace s4  }
0x98: {  	_ =	strace $0x8FFFFFFF  }
0x99: {  	s19 =	sld [smem:$0x3FDB];
	_ =	sdelay $0x1  }
0x9a: {  	s5 =	simm.s32 $_scs_section_size  }
0x9b: {  	s6 =	simm.s32 $_size__tile_overlayer_lowered;
	s7 =	simm.s32 $_tile_overlayer_lowered  }
0x9c: {  	s22 =	simm.s32 $0x1BFF;
	s21 =	sshll.u32 s7, $0x1;
	s4 =	sadd.s32 s5, s19  }
0x9d: {  	s8 =	simm.s32 $0x0;
	s20 =	sshll.u32 s6, $0x1;
	s6 =	sadd.s32 s21, s4  }
0x9e: {  	[timem:s8], [sflag:s22] =	dma.local [hbm:s6], s20  }
0x9f: {  	_ =	swait.ge [sflag:s22], s20  }
0xa0: {  	s5 =	ssub.s32 $0x0, s20;
	[sflag:s22] =	ssyncset.done $0x0  }
0xa1: {  	[sflag:s22] =	ssyncadd.s32 s5;
	_ =	sdelay $0x1  }
0xa2: {  	s23 =	simm.s32 $0x1B8B  }
0xa3: {  	_ =	swait.ge [sflag:s23], $0x1  }
0xa4: {  	[sflag:s23] =	ssyncset.done $0x0  }
0xa5: {  	s25 =	simm.s32 $0x1B8E;
	s24 =	sld [smem:$0x3FFE];
	[sflag:s23] =	ssyncadd.s32 $0xFFFFFFFF  }
0xa6: {  	s26 =	simm.s32 $execute0_lowered;
	[smem:$0x3FD2] =	sst s25  }
0xa7: {  	s6 =	sshll.u32 s26, $0x1;
	_ =	strace $0x80000046;
	[dreg:$0x1] =	wrdreg $0xFFFFFFFF  }
0xa8: {  	s28 =	simm.s32 $_size_execute0_lowered;
	s4 =	sadd.s32 s4, s6;
	[dreg:$0x0] =	wrdreg $0x0  }
0xa9: {  	s6 =	sshll.u32 s28, $0x1;
	[dreg:$0x2] =	wrdreg s4  }
0xaa: {  	[dreg:$0x3] =	wrdreg s6  }
0xab: {  	[dreg:$0x4] =	wrdreg $0xC0  }
0xac: {  	_ =	task [dreg:s8], $0x5FFFF  }
0xad: {  	[dreg:$0x1] =	wrdreg $0xFFFFFFFF  }
0xae: {  	[dreg:$0x0] =	wrdreg $0x60  }
0xaf: {  	[dreg:$0x2] =	wrdreg s2  }
0xb0: {  	[dreg:$0x3] =	wrdreg s18  }
0xb1: {  	[dreg:$0x4] =	wrdreg s24  }
0xb2: {  	[dreg:$0x5] =	wrdreg $0x9  }
0xb3: {  	_ =	task.clear_ibuf [dreg:s8], $0x6FFFF;
	_ =	strace $0x90000046  }
0xb4: {  	s29 =	simm.s32 $0x9;
	_ =	strace $0x80000048  }
0xb5: {  	_ =	swait.ge [sflag:s29], $0x1  }
0xb6: {  	[sflag:s29] =	ssyncadd.s32 $0xFFFFFFFF  }
0xb7: {  	_ =	strace $0x90000048  }
0xb8: {  	_ =	sfence  }
0xb9: {  	s30 =	sld [smem:$0x0];
	_ =	sdelay $0x2  }
0xba: {  	s31 =	sshll.u32 s1, $0xD;
	s1 =	sshrl.u32 s1, $0x2  }
0xbb: {  	s3 =	sand.u32 $0x4000, s31;
	s1 =	sadd.s32 s1, s30  }
0xbc: {  	s0 =	sor.u32 s3, s0;
	s1 =	sshll.u32 s1, $0x11  }
0xbd: {  	s0 =	sor.u32 s1, s0  }
0xbe: {  	s0 =	sadd.s32 $0x8F2B, s0  }
0xbf: {  	[sflag:s0] =	ssyncadd.remote.s32 $0x1  }
0xc0: {  	_ =	sfence.sel $0xFFFF  }
0xc1: {  	[dreg:$0x0] =	wrdreg $0xFFFFFFFF;
	(pc) =	sbr.abs _section_cstart, $3  }
0xc2: {  	[dreg:$0x1] =	wrdreg $0xFFFFFFFF  }
0xc3: {  	_ =	task.clear_ibuf [dreg:s8], $0x2FFFF;
	_ =	strace $0x9FFFFFFF  }
0xc4: {  	(tm) =	ssettm $0x7FFFFFFF  }
0xc5: {  	_ =	shalt  }
tec
execute0_lowered:
.L_overlay_start_1:
0x0: {  	(tag) =	ssettag $0x1  }
0x1: {  	s4 =	rddreg [dreg:$0x0]  }
0x2: {  	s1 =	rddreg [dreg:$0x1]  }
0x3: {  	s5 =	rddreg [dreg:$0x2]  }
0x4: {  	s0 =	rddreg [dreg:$0x3];
	s3 =	simm.s32 $0x0;
	s6 =	srdreg.scid  }
0x5: {  	s2 =	stileid.u32;
	s12 =	simm.s32 $0xA180;
	s13 =	simm.s32 $0x1  }
0x6: {  	s14 =	simm.s32 $0x14180;
	s15 =	simm.s32 $0x3;
	s16 =	simm.s32 $0x2  }
0x7: {  	s17 =	simm.s32 $0x15180;
	s18 =	simm.s32 $0x4;
	s19 =	simm.s32 $0x0  }
0x8: {  	[smem:$0x7FF] =	sst s3;
	s6 =	sand.u32 $0x1, s6;
	s7 =	smul.u32 $0xA00000, s2  }
0x9: {  	s8 =	sshll.u32 s2, $0x8;
	s11 =	sadd.s32 $0x2600, s5;
	s9 =	sshll.u32 s6, $0x7  }
0xa: {  	s10 =	smul.u32 $0x500000, s6;
	s25 =	ssub.s32 $0x2, s6;
	s26 =	sor.u32 s9, s8  }
0xb: {  	_ =	strace $0x80000047;
	s28 =	sshrl.u32 s25, $0x1;
	s6 =	sshrl.u32 s26, $0x3  }
0xc: {  	s29 =	sadd.s32 s10, s7;
	s5 =	ssub.s32 s25, s28;
	s10 =	simm.s32 $0x5  }
.Ltmp0:
0xd: {  	s4 =	sadd.s32 s4, s6;
	s30 =	sor.u32 $0xA000, s29;
	(pc) =	sbr.rel .LBB2_1-.Ltmp0, $4  }
0xe: {  	s5 =	smax.u32 s5, $0x1;
	s7 =	sor.u32 $0x13000, s29;
	s31 =	sor.u32 $0x9000, s29  }
0xf: {  	s9 =	sshrl.u32 s29, $0x3;
	s6 =	sshrl.u32 s30, $0x3;
	s7 =	sshrl.u32 s7, $0x3  }
0x10: {  	s8 =	sshrl.u32 s31, $0x3;
	s9 =	sadd.s32 s9, s11;
	s6 =	sadd.s32 s6, s11  }
0x11: {  	vm0 =	vmmov $0x1;
	v0 =	vlaneseq.u32;
	v1 =	vimm.s32 $0x1;
	s7 =	sadd.s32 s7, s11;
	s8 =	sadd.s32 s8, s11;
	s11 =	simm.s32 $0x180  }
.LBB2_4:
0x12: {  	s19 =	sadd.s32 $0x1, s19  }
0x13: {  	p0 =	sne.s32 s19, s5  }
.Ltmp1:
0x14: {  	_ = 	snop;
	(pc) =	sbr.rel @!p0 .LBB2_5-.Ltmp1, $1  }
0x15: {  	_ =	sdelay $0x3  }
.LBB2_1:
0x16: {  	[tilespmem:s3], [sflag:$0x5] =	stream.linear.gather [hbm4b:s4+s3], $0x80, $0x38;
	[tilespmem:$0x16180] =	vst v63  }
0x17: {  	_ =	swait.ge [sflag:s10], $0x80  }
0x18: {  	[sflag:s10] =	ssyncset.done $0x0  }
0x19: {  	[sflag:s10] =	ssyncadd.s32 $0xFFFFFF80  }
0x1a: {  	v2 =	vld.msk [tilespmem:s3+$0x0], $0xffff;
	_ =	sdelay $0x4  }
0x1b: {  	[tilespmem:$0x80] =	vst v2  }
0x1c: {  	v2 =	vld.msk [tilespmem:$0x80], $0x1;
	_ =	sdelay $0x4  }
0x1d: {  	v2 =	vmul.u32 $0xA000, v2;
	_ =	sdelay $0x1  }
0x1e: {  	v2 =	vperm.xlane v2, v0;
	_ =	sdelay $0x5  }
0x1f: {  	[tilespmem:s11], [sflag:$0x1] =	stream.indirect_vreg.gather [hbm4b:s1+s3], $0xA000, v2, vm0, $0x38;
	[tilespmem:$0x16180] =	vst v63  }
0x20: {  	v2 =	vld.idx.msk [tilespmem:v1+s3+$0x0], $0xffff;
	_ =	sdelay $0x4  }
0x21: {  	[tilespmem:$0x100] =	vst v2  }
0x22: {  	v2 =	vld.msk [tilespmem:$0x100], $0x1;
	_ =	sdelay $0x4  }
0x23: {  	v2 =	vmul.u32 $0xA000, v2;
	_ =	sdelay $0x1  }
0x24: {  	v2 =	vperm.xlane v2, v0;
	_ =	sdelay $0x3  }
0x25: {  	s20 =	simm.s32 $0x3;
	s21 =	smov.u32 s9  }
0x26: {  	s22 =	smov.u32 s8;
	s23 =	smov.u32 s7;
	s24 =	smov.u32 s6  }
0x27: {  	[tilespmem:s12], [sflag:$0x2] =	stream.indirect_vreg.gather [hbm4b:s1+s3], $0xA000, v2, vm0, $0x38;
	[tilespmem:$0x16180] =	vst v63  }
.LBB2_2:
0x28: {  	_ =	swait.ge [sflag:s13], $0xA000  }
0x29: {  	[sflag:s13] =	ssyncset.done $0x0  }
0x2a: {  	[sflag:s13] =	ssyncadd.s32 $0xFFFF6000  }
0x2b: {  	[hbm4b:s21+s3] =	stream.linear.scatter [tilespmem:s11], [sflag:$0x3], $0x9000, $0x38;
	[tilespmem:$0x16180] =	vst v63  }
0x2c: {  	v2 =	vld [tilespmem:$0x9180]  }
0x2d: {  	v3 =	vld [tilespmem:$0x9190]  }
0x2e: {  	v4 =	vld [tilespmem:$0x91A0]  }
0x2f: {  	v5 =	vld [tilespmem:$0x91B0]  }
0x30: {  	v6 =	vld [tilespmem:$0x91C0]  }
0x31: {  	v42 =	vld [tilespmem:$0x91F0];
	[tilespmem:$0x14180] =	vst v2  }
0x32: {  	v2 =	vld [tilespmem:$0x91D0];
	[tilespmem:$0x14190] =	vst v3  }
0x33: {  	v3 =	vld [tilespmem:$0x91E0];
	[tilespmem:$0x141A0] =	vst v4  }
0x34: {  	v43 =	vld [tilespmem:$0x9580];
	[tilespmem:$0x141B0] =	vst v5  }
0x35: {  	v44 =	vld [tilespmem:$0x9590];
	[tilespmem:$0x141C0] =	vst v6  }
0x36: {  	v45 =	vld [tilespmem:$0x95C0];
	[tilespmem:$0x141F0] =	vst v42  }
0x37: {  	[tilespmem:$0x141D0] =	vst v2;
	v2 =	vld [tilespmem:$0x95A0]  }
0x38: {  	[tilespmem:$0x141E0] =	vst v3;
	v3 =	vld [tilespmem:$0x95B0]  }
0x39: {  	v46 =	vld [tilespmem:$0x95D0];
	[tilespmem:$0x14580] =	vst v43  }
0x3a: {  	v47 =	vld [tilespmem:$0x95E0];
	[tilespmem:$0x14590] =	vst v44  }
0x3b: {  	v48 =	vld [tilespmem:$0x9990];
	[tilespmem:$0x145C0] =	vst v45  }
0x3c: {  	[tilespmem:$0x145A0] =	vst v2;
	v2 =	vld [tilespmem:$0x95F0]  }
0x3d: {  	[tilespmem:$0x145B0] =	vst v3;
	v3 =	vld [tilespmem:$0x9980]  }
0x3e: {  	v49 =	vld [tilespmem:$0x99A0];
	[tilespmem:$0x145D0] =	vst v46  }
0x3f: {  	v50 =	vld [tilespmem:$0x99B0];
	[tilespmem:$0x145E0] =	vst v47  }
0x40: {  	v51 =	vld [tilespmem:$0x99E0];
	[tilespmem:$0x14990] =	vst v48  }
0x41: {  	[tilespmem:$0x145F0] =	vst v2;
	v2 =	vld [tilespmem:$0x99C0]  }
0x42: {  	[tilespmem:$0x14980] =	vst v3;
	v3 =	vld [tilespmem:$0x99D0]  }
0x43: {  	v52 =	vld [tilespmem:$0x99F0];
	[tilespmem:$0x149A0] =	vst v49  }
0x44: {  	v53 =	vld [tilespmem:$0x9D80];
	[tilespmem:$0x149B0] =	vst v50  }
0x45: {  	v54 =	vld [tilespmem:$0x9DB0];
	[tilespmem:$0x149E0] =	vst v51  }
0x46: {  	[tilespmem:$0x149C0] =	vst v2;
	v2 =	vld [tilespmem:$0x9D90]  }
0x47: {  	[tilespmem:$0x149D0] =	vst v3;
	v3 =	vld [tilespmem:$0x9DA0]  }
0x48: {  	v55 =	vld [tilespmem:$0x9DC0];
	[tilespmem:$0x149F0] =	vst v52  }
0x49: {  	v56 =	vld [tilespmem:$0x9DD0];
	[tilespmem:$0x14D80] =	vst v53  }
0x4a: {  	v57 =	vld [tilespmem:$0x9200];
	[tilespmem:$0x14DB0] =	vst v54  }
0x4b: {  	[tilespmem:$0x14D90] =	vst v2;
	v2 =	vld [tilespmem:$0x9DE0]  }
0x4c: {  	[tilespmem:$0x14DA0] =	vst v3;
	v3 =	vld [tilespmem:$0x9DF0]  }
0x4d: {  	v58 =	vld [tilespmem:$0x9210];
	[tilespmem:$0x14DC0] =	vst v55  }
0x4e: {  	v59 =	vld [tilespmem:$0x9220];
	[tilespmem:$0x14DD0] =	vst v56  }
0x4f: {  	v60 =	vld [tilespmem:$0x9250];
	[tilespmem:$0x14200] =	vst v57  }
0x50: {  	[tilespmem:$0x14DE0] =	vst v2;
	v2 =	vld [tilespmem:$0x9230]  }
0x51: {  	[tilespmem:$0x14DF0] =	vst v3;
	v3 =	vld [tilespmem:$0x9240]  }
0x52: {  	v61 =	vld [tilespmem:$0x9260];
	[tilespmem:$0x14210] =	vst v58  }
0x53: {  	v62 =	vld [tilespmem:$0x9270];
	[tilespmem:$0x14220] =	vst v59  }
0x54: {  	v63 =	vld [tilespmem:$0x9620];
	[tilespmem:$0x14250] =	vst v60  }
0x55: {  	[tilespmem:$0x14230] =	vst v2;
	v2 =	vld [tilespmem:$0x9600]  }
0x56: {  	[tilespmem:$0x14240] =	vst v3;
	v3 =	vld [tilespmem:$0x9610]  }
0x57: {  	v9 =	vld [tilespmem:$0x9630];
	[tilespmem:$0x14260] =	vst v61  }
0x58: {  	v10 =	vld [tilespmem:$0x9640];
	[tilespmem:$0x14270] =	vst v62  }
0x59: {  	v11 =	vld [tilespmem:$0x9670];
	[tilespmem:$0x14620] =	vst v63  }
0x5a: {  	[tilespmem:$0x14600] =	vst v2;
	v2 =	vld [tilespmem:$0x9650]  }
0x5b: {  	[tilespmem:$0x14610] =	vst v3;
	v3 =	vld [tilespmem:$0x9660]  }
0x5c: {  	v12 =	vld [tilespmem:$0x9A00];
	[tilespmem:$0x14630] =	vst v9  }
0x5d: {  	v13 =	vld [tilespmem:$0x9A10];
	[tilespmem:$0x14640] =	vst v10  }
0x5e: {  	v14 =	vld [tilespmem:$0x9A40];
	[tilespmem:$0x14670] =	vst v11  }
0x5f: {  	[tilespmem:$0x14650] =	vst v2;
	v2 =	vld [tilespmem:$0x9A20]  }
0x60: {  	[tilespmem:$0x14660] =	vst v3;
	v3 =	vld [tilespmem:$0x9A30]  }
0x61: {  	v15 =	vld [tilespmem:$0x9A50];
	[tilespmem:$0x14A00] =	vst v12  }
0x62: {  	v16 =	vld [tilespmem:$0x9A60];
	[tilespmem:$0x14A10] =	vst v13  }
0x63: {  	v17 =	vld [tilespmem:$0x9E10];
	[tilespmem:$0x14A40] =	vst v14  }
0x64: {  	[tilespmem:$0x14A20] =	vst v2;
	v2 =	vld [tilespmem:$0x9A70]  }
0x65: {  	[tilespmem:$0x14A30] =	vst v3;
	v3 =	vld [tilespmem:$0x9E00]  }
0x66: {  	v18 =	vld [tilespmem:$0x9E20];
	[tilespmem:$0x14A50] =	vst v15  }
0x67: {  	v19 =	vld [tilespmem:$0x9E30];
	[tilespmem:$0x14A60] =	vst v16  }
0x68: {  	v20 =	vld [tilespmem:$0x9E60];
	[tilespmem:$0x14E10] =	vst v17  }
0x69: {  	[tilespmem:$0x14A70] =	vst v2;
	v2 =	vld [tilespmem:$0x9E40]  }
0x6a: {  	[tilespmem:$0x14E00] =	vst v3;
	v3 =	vld [tilespmem:$0x9E50]  }
0x6b: {  	v21 =	vld [tilespmem:$0x9E70];
	[tilespmem:$0x14E20] =	vst v18  }
0x6c: {  	v22 =	vld [tilespmem:$0x9280];
	[tilespmem:$0x14E30] =	vst v19  }
0x6d: {  	v23 =	vld [tilespmem:$0x92B0];
	[tilespmem:$0x14E60] =	vst v20  }
0x6e: {  	[tilespmem:$0x14E40] =	vst v2;
	v2 =	vld [tilespmem:$0x9290]  }
0x6f: {  	[tilespmem:$0x14E50] =	vst v3;
	v3 =	vld [tilespmem:$0x92A0]  }
0x70: {  	v24 =	vld [tilespmem:$0x92C0];
	[tilespmem:$0x14E70] =	vst v21  }
0x71: {  	v25 =	vld [tilespmem:$0x92D0];
	[tilespmem:$0x14280] =	vst v22  }
0x72: {  	v26 =	vld [tilespmem:$0x9680];
	[tilespmem:$0x142B0] =	vst v23  }
0x73: {  	[tilespmem:$0x14290] =	vst v2;
	v2 =	vld [tilespmem:$0x92E0]  }
0x74: {  	[tilespmem:$0x142A0] =	vst v3;
	v3 =	vld [tilespmem:$0x92F0]  }
0x75: {  	v27 =	vld [tilespmem:$0x9690];
	[tilespmem:$0x142C0] =	vst v24  }
0x76: {  	v28 =	vld [tilespmem:$0x96A0];
	[tilespmem:$0x142D0] =	vst v25  }
0x77: {  	v29 =	vld [tilespmem:$0x96D0];
	[tilespmem:$0x14680] =	vst v26  }
0x78: {  	[tilespmem:$0x142E0] =	vst v2;
	v2 =	vld [tilespmem:$0x96B0]  }
0x79: {  	[tilespmem:$0x142F0] =	vst v3;
	v3 =	vld [tilespmem:$0x96C0]  }
0x7a: {  	v30 =	vld [tilespmem:$0x96E0];
	[tilespmem:$0x14690] =	vst v27  }
0x7b: {  	[tilespmem:$0x146A0] =	vst v28  }
0x7c: {  	[tilespmem:$0x146D0] =	vst v29  }
0x7d: {  	[tilespmem:$0x146B0] =	vst v2  }
0x7e: {  	[tilespmem:$0x146C0] =	vst v3  }
0x7f: {  	[tilespmem:$0x146E0] =	vst v30  }
0x80: {  	v2 =	vld [tilespmem:$0x96F0]  }
0x81: {  	v3 =	vld [tilespmem:$0x9A80]  }
0x82: {  	v31 =	vld [tilespmem:$0x9A90]  }
0x83: {  	v5 =	vld [tilespmem:$0x9AA0]  }
0x84: {  	v32 =	vld [tilespmem:$0x9AB0]  }
0x85: {  	[tilespmem:$0x146F0] =	vst v2;
	v2 =	vld [tilespmem:$0x9AC0]  }
0x86: {  	v33 =	vld [tilespmem:$0x9AE0];
	[tilespmem:$0x14A80] =	vst v3  }
0x87: {  	v34 =	vld [tilespmem:$0x9AF0];
	[tilespmem:$0x14A90] =	vst v31  }
0x88: {  	v35 =	vld [tilespmem:$0x9E80];
	[tilespmem:$0x14AA0] =	vst v5  }
0x89: {  	v3 =	vld [tilespmem:$0x9AD0];
	[tilespmem:$0x14AB0] =	vst v32  }
0x8a: {  	[tilespmem:$0x14AC0] =	vst v2;
	v2 =	vld [tilespmem:$0x9E90]  }
0x8b: {  	v36 =	vld [tilespmem:$0x9EB0];
	[tilespmem:$0x14AE0] =	vst v33  }
0x8c: {  	v37 =	vld [tilespmem:$0x9EC0];
	[tilespmem:$0x14AF0] =	vst v34  }
0x8d: {  	v38 =	vld [tilespmem:$0x9ED0];
	[tilespmem:$0x14E80] =	vst v35  }
0x8e: {  	[tilespmem:$0x14AD0] =	vst v3;
	v3 =	vld [tilespmem:$0x9EA0]  }
0x8f: {  	[tilespmem:$0x14E90] =	vst v2;
	v2 =	vld [tilespmem:$0x9EE0]  }
0x90: {  	v39 =	vld [tilespmem:$0x9300];
	[tilespmem:$0x14EB0] =	vst v36  }
0x91: {  	v40 =	vld [tilespmem:$0x9310];
	[tilespmem:$0x14EC0] =	vst v37  }
0x92: {  	v41 =	vld [tilespmem:$0x9320];
	[tilespmem:$0x14ED0] =	vst v38  }
0x93: {  	[tilespmem:$0x14EA0] =	vst v3;
	v3 =	vld [tilespmem:$0x9EF0]  }
0x94: {  	[tilespmem:$0x14EE0] =	vst v2;
	v2 =	vld [tilespmem:$0x9330]  }
0x95: {  	v42 =	vld [tilespmem:$0x9350];
	[tilespmem:$0x14300] =	vst v39  }
0x96: {  	v43 =	vld [tilespmem:$0x9360];
	[tilespmem:$0x14310] =	vst v40  }
0x97: {  	v44 =	vld [tilespmem:$0x9370];
	[tilespmem:$0x14320] =	vst v41  }
0x98: {  	[tilespmem:$0x14EF0] =	vst v3;
	v3 =	vld [tilespmem:$0x9340]  }
0x99: {  	[tilespmem:$0x14330] =	vst v2;
	v2 =	vld [tilespmem:$0x9700]  }
0x9a: {  	v45 =	vld [tilespmem:$0x9720];
	[tilespmem:$0x14350] =	vst v42  }
0x9b: {  	v46 =	vld [tilespmem:$0x9730];
	[tilespmem:$0x14360] =	vst v43  }
0x9c: {  	v47 =	vld [tilespmem:$0x9740];
	[tilespmem:$0x14370] =	vst v44  }
0x9d: {  	[tilespmem:$0x14340] =	vst v3;
	v3 =	vld [tilespmem:$0x9710]  }
0x9e: {  	[tilespmem:$0x14700] =	vst v2;
	v2 =	vld [tilespmem:$0x9750]  }
0x9f: {  	v48 =	vld [tilespmem:$0x9770];
	[tilespmem:$0x14720] =	vst v45  }
0xa0: {  	v49 =	vld [tilespmem:$0x9B00];
	[tilespmem:$0x14730] =	vst v46  }
0xa1: {  	v50 =	vld [tilespmem:$0x9B10];
	[tilespmem:$0x14740] =	vst v47  }
0xa2: {  	[tilespmem:$0x14710] =	vst v3;
	v3 =	vld [tilespmem:$0x9760]  }
0xa3: {  	[tilespmem:$0x14750] =	vst v2;
	v2 =	vld [tilespmem:$0x9B20]  }
0xa4: {  	v51 =	vld [tilespmem:$0x9B40];
	[tilespmem:$0x14770] =	vst v48  }
0xa5: {  	v52 =	vld [tilespmem:$0x9B50];
	[tilespmem:$0x14B00] =	vst v49  }
0xa6: {  	v53 =	vld [tilespmem:$0x9B60];
	[tilespmem:$0x14B10] =	vst v50  }
0xa7: {  	[tilespmem:$0x14760] =	vst v3;
	v3 =	vld [tilespmem:$0x9B30]  }
0xa8: {  	[tilespmem:$0x14B20] =	vst v2;
	v2 =	vld [tilespmem:$0x9B70]  }
0xa9: {  	v54 =	vld [tilespmem:$0x9F10];
	[tilespmem:$0x14B40] =	vst v51  }
0xaa: {  	v55 =	vld [tilespmem:$0x9F20];
	[tilespmem:$0x14B50] =	vst v52  }
0xab: {  	v56 =	vld [tilespmem:$0x9F30];
	[tilespmem:$0x14B60] =	vst v53  }
0xac: {  	[tilespmem:$0x14B30] =	vst v3;
	v3 =	vld [tilespmem:$0x9F00]  }
0xad: {  	[tilespmem:$0x14B70] =	vst v2;
	v2 =	vld [tilespmem:$0x9F40]  }
0xae: {  	v57 =	vld [tilespmem:$0x9F60];
	[tilespmem:$0x14F10] =	vst v54  }
0xaf: {  	v58 =	vld [tilespmem:$0x9F70];
	[tilespmem:$0x14F20] =	vst v55  }
0xb0: {  	v59 =	vld [tilespmem:$0x9380];
	[tilespmem:$0x14F30] =	vst v56  }
0xb1: {  	[tilespmem:$0x14F00] =	vst v3;
	v3 =	vld [tilespmem:$0x9F50]  }
0xb2: {  	[tilespmem:$0x14F40] =	vst v2;
	v2 =	vld [tilespmem:$0x9390]  }
0xb3: {  	v60 =	vld [tilespmem:$0x93B0];
	[tilespmem:$0x14F60] =	vst v57  }
0xb4: {  	v61 =	vld [tilespmem:$0x93C0];
	[tilespmem:$0x14F70] =	vst v58  }
0xb5: {  	v62 =	vld [tilespmem:$0x93D0];
	[tilespmem:$0x14380] =	vst v59  }
0xb6: {  	[tilespmem:$0x14F50] =	vst v3;
	v3 =	vld [tilespmem:$0x93A0]  }
0xb7: {  	[tilespmem:$0x14390] =	vst v2;
	v2 =	vld [tilespmem:$0x93E0]  }
0xb8: {  	v63 =	vld [tilespmem:$0x9780];
	[tilespmem:$0x143B0] =	vst v60  }
0xb9: {  	v9 =	vld [tilespmem:$0x9790];
	[tilespmem:$0x143C0] =	vst v61  }
0xba: {  	v10 =	vld [tilespmem:$0x97A0];
	[tilespmem:$0x143D0] =	vst v62  }
0xbb: {  	[tilespmem:$0x143A0] =	vst v3;
	v3 =	vld [tilespmem:$0x93F0]  }
0xbc: {  	[tilespmem:$0x143E0] =	vst v2;
	v2 =	vld [tilespmem:$0x97B0]  }
0xbd: {  	v11 =	vld [tilespmem:$0x97D0];
	[tilespmem:$0x14780] =	vst v63  }
0xbe: {  	v12 =	vld [tilespmem:$0x97E0];
	[tilespmem:$0x14790] =	vst v9  }
0xbf: {  	v13 =	vld [tilespmem:$0x97F0];
	[tilespmem:$0x147A0] =	vst v10  }
0xc0: {  	[tilespmem:$0x143F0] =	vst v3;
	v3 =	vld [tilespmem:$0x97C0]  }
0xc1: {  	[tilespmem:$0x147B0] =	vst v2;
	v2 =	vld [tilespmem:$0x9B80]  }
0xc2: {  	v14 =	vld [tilespmem:$0x9BA0];
	[tilespmem:$0x147D0] =	vst v11  }
0xc3: {  	v15 =	vld [tilespmem:$0x9BB0];
	[tilespmem:$0x147E0] =	vst v12  }
0xc4: {  	v16 =	vld [tilespmem:$0x9BC0];
	[tilespmem:$0x147F0] =	vst v13  }
0xc5: {  	[tilespmem:$0x147C0] =	vst v3;
	v3 =	vld [tilespmem:$0x9B90]  }
0xc6: {  	[tilespmem:$0x14B80] =	vst v2;
	v2 =	vld [tilespmem:$0x9BD0]  }
0xc7: {  	v17 =	vld [tilespmem:$0x9BF0];
	[tilespmem:$0x14BA0] =	vst v14  }
0xc8: {  	v18 =	vld [tilespmem:$0x9F80];
	[tilespmem:$0x14BB0] =	vst v15  }
0xc9: {  	v19 =	vld [tilespmem:$0x9F90];
	[tilespmem:$0x14BC0] =	vst v16  }
0xca: {  	[tilespmem:$0x14B90] =	vst v3;
	v3 =	vld [tilespmem:$0x9BE0]  }
0xcb: {  	[tilespmem:$0x14BD0] =	vst v2;
	v2 =	vld [tilespmem:$0x9FA0]  }
0xcc: {  	v20 =	vld [tilespmem:$0x9FC0];
	[tilespmem:$0x14BF0] =	vst v17  }
0xcd: {  	v21 =	vld [tilespmem:$0x9FD0];
	[tilespmem:$0x14F80] =	vst v18  }
0xce: {  	v22 =	vld [tilespmem:$0x9FE0];
	[tilespmem:$0x14F90] =	vst v19  }
0xcf: {  	[tilespmem:$0x14BE0] =	vst v3;
	v3 =	vld [tilespmem:$0x9FB0]  }
0xd0: {  	[tilespmem:$0x14FA0] =	vst v2;
	v2 =	vld [tilespmem:$0x9FF0]  }
0xd1: {  	[tilespmem:$0x14FC0] =	vst v20  }
0xd2: {  	[tilespmem:$0x14FD0] =	vst v21  }
0xd3: {  	p0 =	seq.s32 s20, $0x81;
	[tilespmem:$0x14FE0] =	vst v22  }
0xd4: {  	s25 =	sadd.s32 @!p0 $0xFFFFFFFF, s20;
	[tilespmem:$0x14FB0] =	vst v3  }
0xd5: {  	[tilespmem:$0x14FF0] =	vst v2;
	v2 =	vmov @!p0 s25  }
0xd6: {  	[hbm4b:s22+s3] =	stream.linear.scatter [tilespmem:s14], [sflag:$0x3], $0x1000, $0x38;
	v2 =	vand.u32 @!p0 $0xFFFFFFFE, v2;
	[tilespmem:$0x16180] =	vst v63  }
0xd7: {  	_ =	swait.ge [sflag:s15], $0x9000;
	v2 =	vbroadcast @!p0 v2, $0x0  }
0xd8: {  	[sflag:s15] =	ssyncset.done $0x0  }
0xd9: {  	[sflag:s15] =	ssyncadd.s32 $0xFFFF7000  }
0xda: {  	_ =	swait.ge [sflag:s15], $0x1000  }
0xdb: {  	[sflag:s15] =	ssyncset.done $0x0  }
0xdc: {  	s25 =	simm.s32 @!p0 $0x0;
	[sflag:s15] =	ssyncadd.s32 $0xFFFFF000  }
0xdd: {  	v2 =	vld.idx.msk @!p0 [tilespmem:v2+s25+$0x0], $0xffff;
	_ =	sdelay $0x4  }
0xde: {  	[tilespmem:$0x80] =	vst @!p0 v2  }
0xdf: {  	v2 =	vld.msk @!p0 [tilespmem:$0x80], $0x1;
	_ =	sdelay $0x4  }
0xe0: {  	v2 =	vmul.u32 @!p0 $0xA000, v2  }
0xe1: {  	v3 =	vlaneseq.u32 @!p0  }
0xe2: {  	v2 =	vperm.xlane @!p0 v2, v3;
	_ =	sdelay $0x4  }
0xe3: {  	vm1 =	vmmov @!p0 $0x1;
	s26 =	simm.s32 @!p0 $0x180  }
0xe4: {  	[tilespmem:s26], [sflag:$0x1] =	stream.indirect_vreg.gather @!p0 [hbm4b:s1+s25], $0xA000, v2, vm1, $0x38;
	[tilespmem:$0x16180] =	vst v63  }
0xe5: {  	_ =	swait.ge [sflag:s16], $0xA000  }
0xe6: {  	[sflag:s16] =	ssyncset.done $0x0  }
0xe7: {  	[sflag:s16] =	ssyncadd.s32 $0xFFFF6000  }
0xe8: {  	[hbm4b:s24+s3] =	stream.linear.scatter [tilespmem:s12], [sflag:$0x4], $0x9000, $0x38;
	[tilespmem:$0x16180] =	vst v63  }
0xe9: {  	v2 =	vld [tilespmem:$0x13180]  }
0xea: {  	v3 =	vld [tilespmem:$0x13190]  }
0xeb: {  	v23 =	vld [tilespmem:$0x131A0]  }
0xec: {  	v24 =	vld [tilespmem:$0x131B0]  }
0xed: {  	v25 =	vld [tilespmem:$0x131C0]  }
0xee: {  	v26 =	vld [tilespmem:$0x131F0];
	[tilespmem:$0x15180] =	vst v2  }
0xef: {  	v27 =	vld [tilespmem:$0x13580];
	[tilespmem:$0x15190] =	vst v3  }
0xf0: {  	v28 =	vld [tilespmem:$0x13590];
	[tilespmem:$0x151A0] =	vst v23  }
0xf1: {  	v2 =	vld [tilespmem:$0x131D0];
	[tilespmem:$0x151B0] =	vst v24  }
0xf2: {  	v3 =	vld [tilespmem:$0x131E0];
	[tilespmem:$0x151C0] =	vst v25  }
0xf3: {  	v29 =	vld [tilespmem:$0x135C0];
	[tilespmem:$0x151F0] =	vst v26  }
0xf4: {  	v30 =	vld [tilespmem:$0x135D0];
	[tilespmem:$0x15580] =	vst v27  }
0xf5: {  	v31 =	vld [tilespmem:$0x135E0];
	[tilespmem:$0x15590] =	vst v28  }
0xf6: {  	[tilespmem:$0x151D0] =	vst v2;
	v2 =	vld [tilespmem:$0x135A0]  }
0xf7: {  	[tilespmem:$0x151E0] =	vst v3;
	v3 =	vld [tilespmem:$0x135B0]  }
0xf8: {  	v32 =	vld [tilespmem:$0x13990];
	[tilespmem:$0x155C0] =	vst v29  }
0xf9: {  	v33 =	vld [tilespmem:$0x139A0];
	[tilespmem:$0x155D0] =	vst v30  }
0xfa: {  	v34 =	vld [tilespmem:$0x139B0];
	[tilespmem:$0x155E0] =	vst v31  }
0xfb: {  	[tilespmem:$0x155A0] =	vst v2;
	v2 =	vld [tilespmem:$0x135F0]  }
0xfc: {  	[tilespmem:$0x155B0] =	vst v3;
	v3 =	vld [tilespmem:$0x13980]  }
0xfd: {  	v35 =	vld [tilespmem:$0x139E0];
	[tilespmem:$0x15990] =	vst v32  }
0xfe: {  	v36 =	vld [tilespmem:$0x139F0];
	[tilespmem:$0x159A0] =	vst v33  }
0xff: {  	v37 =	vld [tilespmem:$0x13D80];
	[tilespmem:$0x159B0] =	vst v34  }
0x100: {  	[tilespmem:$0x155F0] =	vst v2;
	v2 =	vld [tilespmem:$0x139C0]  }
0x101: {  	[tilespmem:$0x15980] =	vst v3;
	v3 =	vld [tilespmem:$0x139D0]  }
0x102: {  	v38 =	vld [tilespmem:$0x13DB0];
	[tilespmem:$0x159E0] =	vst v35  }
0x103: {  	v39 =	vld [tilespmem:$0x13DC0];
	[tilespmem:$0x159F0] =	vst v36  }
0x104: {  	v40 =	vld [tilespmem:$0x13DD0];
	[tilespmem:$0x15D80] =	vst v37  }
0x105: {  	[tilespmem:$0x159C0] =	vst v2;
	v2 =	vld [tilespmem:$0x13D90]  }
0x106: {  	[tilespmem:$0x159D0] =	vst v3;
	v3 =	vld [tilespmem:$0x13DA0]  }
0x107: {  	v41 =	vld [tilespmem:$0x13200];
	[tilespmem:$0x15DB0] =	vst v38  }
0x108: {  	v42 =	vld [tilespmem:$0x13210];
	[tilespmem:$0x15DC0] =	vst v39  }
0x109: {  	v43 =	vld [tilespmem:$0x13220];
	[tilespmem:$0x15DD0] =	vst v40  }
0x10a: {  	[tilespmem:$0x15D90] =	vst v2;
	v2 =	vld [tilespmem:$0x13DE0]  }
0x10b: {  	[tilespmem:$0x15DA0] =	vst v3;
	v3 =	vld [tilespmem:$0x13DF0]  }
0x10c: {  	v44 =	vld [tilespmem:$0x13250];
	[tilespmem:$0x15200] =	vst v41  }
0x10d: {  	v45 =	vld [tilespmem:$0x13260];
	[tilespmem:$0x15210] =	vst v42  }
0x10e: {  	v46 =	vld [tilespmem:$0x13270];
	[tilespmem:$0x15220] =	vst v43  }
0x10f: {  	[tilespmem:$0x15DE0] =	vst v2;
	v2 =	vld [tilespmem:$0x13230]  }
0x110: {  	[tilespmem:$0x15DF0] =	vst v3;
	v3 =	vld [tilespmem:$0x13240]  }
0x111: {  	v47 =	vld [tilespmem:$0x13620];
	[tilespmem:$0x15250] =	vst v44  }
0x112: {  	v48 =	vld [tilespmem:$0x13630];
	[tilespmem:$0x15260] =	vst v45  }
0x113: {  	v49 =	vld [tilespmem:$0x13640];
	[tilespmem:$0x15270] =	vst v46  }
0x114: {  	[tilespmem:$0x15230] =	vst v2;
	v2 =	vld [tilespmem:$0x13600]  }
0x115: {  	[tilespmem:$0x15240] =	vst v3;
	v3 =	vld [tilespmem:$0x13610]  }
0x116: {  	v50 =	vld [tilespmem:$0x13670];
	[tilespmem:$0x15620] =	vst v47  }
0x117: {  	v51 =	vld [tilespmem:$0x13A00];
	[tilespmem:$0x15630] =	vst v48  }
0x118: {  	v52 =	vld [tilespmem:$0x13A10];
	[tilespmem:$0x15640] =	vst v49  }
0x119: {  	[tilespmem:$0x15600] =	vst v2;
	v2 =	vld [tilespmem:$0x13650]  }
0x11a: {  	[tilespmem:$0x15610] =	vst v3;
	v3 =	vld [tilespmem:$0x13660]  }
0x11b: {  	v53 =	vld [tilespmem:$0x13A40];
	[tilespmem:$0x15670] =	vst v50  }
0x11c: {  	v54 =	vld [tilespmem:$0x13A50];
	[tilespmem:$0x15A00] =	vst v51  }
0x11d: {  	v55 =	vld [tilespmem:$0x13A60];
	[tilespmem:$0x15A10] =	vst v52  }
0x11e: {  	[tilespmem:$0x15650] =	vst v2;
	v2 =	vld [tilespmem:$0x13A20]  }
0x11f: {  	[tilespmem:$0x15660] =	vst v3;
	v3 =	vld [tilespmem:$0x13A30]  }
0x120: {  	v56 =	vld [tilespmem:$0x13E10];
	[tilespmem:$0x15A40] =	vst v53  }
0x121: {  	v57 =	vld [tilespmem:$0x13E20];
	[tilespmem:$0x15A50] =	vst v54  }
0x122: {  	v58 =	vld [tilespmem:$0x13E30];
	[tilespmem:$0x15A60] =	vst v55  }
0x123: {  	[tilespmem:$0x15A20] =	vst v2;
	v2 =	vld [tilespmem:$0x13A70]  }
0x124: {  	[tilespmem:$0x15A30] =	vst v3;
	v3 =	vld [tilespmem:$0x13E00]  }
0x125: {  	v59 =	vld [tilespmem:$0x13E60];
	[tilespmem:$0x15E10] =	vst v56  }
0x126: {  	v60 =	vld [tilespmem:$0x13E70];
	[tilespmem:$0x15E20] =	vst v57  }
0x127: {  	v61 =	vld [tilespmem:$0x13280];
	[tilespmem:$0x15E30] =	vst v58  }
0x128: {  	[tilespmem:$0x15A70] =	vst v2;
	v2 =	vld [tilespmem:$0x13E40]  }
0x129: {  	[tilespmem:$0x15E00] =	vst v3;
	v3 =	vld [tilespmem:$0x13E50]  }
0x12a: {  	v62 =	vld [tilespmem:$0x132B0];
	[tilespmem:$0x15E60] =	vst v59  }
0x12b: {  	v63 =	vld [tilespmem:$0x132C0];
	[tilespmem:$0x15E70] =	vst v60  }
0x12c: {  	v9 =	vld [tilespmem:$0x132D0];
	[tilespmem:$0x15280] =	vst v61  }
0x12d: {  	[tilespmem:$0x15E40] =	vst v2;
	v2 =	vld [tilespmem:$0x13290]  }
0x12e: {  	[tilespmem:$0x15E50] =	vst v3;
	v3 =	vld [tilespmem:$0x132A0]  }
0x12f: {  	v10 =	vld [tilespmem:$0x13680];
	[tilespmem:$0x152B0] =	vst v62  }
0x130: {  	v11 =	vld [tilespmem:$0x13690];
	[tilespmem:$0x152C0] =	vst v63  }
0x131: {  	v12 =	vld [tilespmem:$0x136A0];
	[tilespmem:$0x152D0] =	vst v9  }
0x132: {  	[tilespmem:$0x15290] =	vst v2;
	v2 =	vld [tilespmem:$0x132E0]  }
0x133: {  	[tilespmem:$0x152A0] =	vst v3;
	v3 =	vld [tilespmem:$0x132F0]  }
0x134: {  	v13 =	vld [tilespmem:$0x136D0];
	[tilespmem:$0x15680] =	vst v10  }
0x135: {  	v14 =	vld [tilespmem:$0x136E0];
	[tilespmem:$0x15690] =	vst v11  }
0x136: {  	v15 =	vld [tilespmem:$0x136F0];
	[tilespmem:$0x156A0] =	vst v12  }
0x137: {  	[tilespmem:$0x152E0] =	vst v2;
	v2 =	vld [tilespmem:$0x136B0]  }
0x138: {  	[tilespmem:$0x152F0] =	vst v3;
	v3 =	vld [tilespmem:$0x136C0]  }
0x139: {  	v16 =	vld [tilespmem:$0x13AA0];
	[tilespmem:$0x156D0] =	vst v13  }
0x13a: {  	v17 =	vld [tilespmem:$0x13AB0];
	[tilespmem:$0x156E0] =	vst v14  }
0x13b: {  	v18 =	vld [tilespmem:$0x13AC0];
	[tilespmem:$0x156F0] =	vst v15  }
0x13c: {  	[tilespmem:$0x156B0] =	vst v2;
	v2 =	vld [tilespmem:$0x13A80]  }
0x13d: {  	[tilespmem:$0x156C0] =	vst v3;
	v3 =	vld [tilespmem:$0x13A90]  }
0x13e: {  	v19 =	vld [tilespmem:$0x13AF0];
	[tilespmem:$0x15AA0] =	vst v16  }
0x13f: {  	v20 =	vld [tilespmem:$0x13E80];
	[tilespmem:$0x15AB0] =	vst v17  }
0x140: {  	v21 =	vld [tilespmem:$0x13E90];
	[tilespmem:$0x15AC0] =	vst v18  }
0x141: {  	[tilespmem:$0x15A80] =	vst v2;
	v2 =	vld [tilespmem:$0x13AD0]  }
0x142: {  	[tilespmem:$0x15A90] =	vst v3;
	v3 =	vld [tilespmem:$0x13AE0]  }
0x143: {  	v22 =	vld [tilespmem:$0x13EC0];
	[tilespmem:$0x15AF0] =	vst v19  }
0x144: {  	[tilespmem:$0x15E80] =	vst v20;
	v23 =	vld [tilespmem:$0x13ED0]  }
0x145: {  	[tilespmem:$0x15E90] =	vst v21;
	v24 =	vld [tilespmem:$0x13EE0]  }
0x146: {  	[tilespmem:$0x15AD0] =	vst v2;
	v2 =	vld [tilespmem:$0x13EA0]  }
0x147: {  	[tilespmem:$0x15AE0] =	vst v3;
	v3 =	vld [tilespmem:$0x13EB0]  }
0x148: {  	[tilespmem:$0x15EC0] =	vst v22;
	v25 =	vld [tilespmem:$0x13310]  }
0x149: {  	v26 =	vld [tilespmem:$0x13320];
	[tilespmem:$0x15ED0] =	vst v23  }
0x14a: {  	v27 =	vld [tilespmem:$0x13330];
	[tilespmem:$0x15EE0] =	vst v24  }
0x14b: {  	[tilespmem:$0x15EA0] =	vst v2;
	v2 =	vld [tilespmem:$0x13EF0]  }
0x14c: {  	[tilespmem:$0x15EB0] =	vst v3;
	v3 =	vld [tilespmem:$0x13300]  }
0x14d: {  	v28 =	vld [tilespmem:$0x13360];
	[tilespmem:$0x15310] =	vst v25  }
0x14e: {  	v29 =	vld [tilespmem:$0x13370];
	[tilespmem:$0x15320] =	vst v26  }
0x14f: {  	v30 =	vld [tilespmem:$0x13700];
	[tilespmem:$0x15330] =	vst v27  }
0x150: {  	[tilespmem:$0x15EF0] =	vst v2;
	v2 =	vld [tilespmem:$0x13340]  }
0x151: {  	[tilespmem:$0x15300] =	vst v3;
	v3 =	vld [tilespmem:$0x13350]  }
0x152: {  	v31 =	vld [tilespmem:$0x13730];
	[tilespmem:$0x15360] =	vst v28  }
0x153: {  	v32 =	vld [tilespmem:$0x13740];
	[tilespmem:$0x15370] =	vst v29  }
0x154: {  	v33 =	vld [tilespmem:$0x13750];
	[tilespmem:$0x15700] =	vst v30  }
0x155: {  	[tilespmem:$0x15340] =	vst v2;
	v2 =	vld [tilespmem:$0x13710]  }
0x156: {  	[tilespmem:$0x15350] =	vst v3;
	v3 =	vld [tilespmem:$0x13720]  }
0x157: {  	v34 =	vld [tilespmem:$0x13B00];
	[tilespmem:$0x15730] =	vst v31  }
0x158: {  	v35 =	vld [tilespmem:$0x13B10];
	[tilespmem:$0x15740] =	vst v32  }
0x159: {  	v36 =	vld [tilespmem:$0x13B20];
	[tilespmem:$0x15750] =	vst v33  }
0x15a: {  	[tilespmem:$0x15710] =	vst v2;
	v2 =	vld [tilespmem:$0x13760]  }
0x15b: {  	[tilespmem:$0x15720] =	vst v3;
	v3 =	vld [tilespmem:$0x13770]  }
0x15c: {  	v37 =	vld [tilespmem:$0x13B50];
	[tilespmem:$0x15B00] =	vst v34  }
0x15d: {  	v38 =	vld [tilespmem:$0x13B60];
	[tilespmem:$0x15B10] =	vst v35  }
0x15e: {  	v39 =	vld [tilespmem:$0x13B70];
	[tilespmem:$0x15B20] =	vst v36  }
0x15f: {  	[tilespmem:$0x15760] =	vst v2;
	v2 =	vld [tilespmem:$0x13B30]  }
0x160: {  	[tilespmem:$0x15770] =	vst v3;
	v3 =	vld [tilespmem:$0x13B40]  }
0x161: {  	v40 =	vld [tilespmem:$0x13F20];
	[tilespmem:$0x15B50] =	vst v37  }
0x162: {  	v41 =	vld [tilespmem:$0x13F30];
	[tilespmem:$0x15B60] =	vst v38  }
0x163: {  	v42 =	vld [tilespmem:$0x13F40];
	[tilespmem:$0x15B70] =	vst v39  }
0x164: {  	[tilespmem:$0x15B30] =	vst v2;
	v2 =	vld [tilespmem:$0x13F00]  }
0x165: {  	[tilespmem:$0x15B40] =	vst v3;
	v3 =	vld [tilespmem:$0x13F10]  }
0x166: {  	v43 =	vld [tilespmem:$0x13F70];
	[tilespmem:$0x15F20] =	vst v40  }
0x167: {  	v44 =	vld [tilespmem:$0x13380];
	[tilespmem:$0x15F30] =	vst v41  }
0x168: {  	v45 =	vld [tilespmem:$0x13390];
	[tilespmem:$0x15F40] =	vst v42  }
0x169: {  	[tilespmem:$0x15F00] =	vst v2;
	v2 =	vld [tilespmem:$0x13F50]  }
0x16a: {  	[tilespmem:$0x15F10] =	vst v3;
	v3 =	vld [tilespmem:$0x13F60]  }
0x16b: {  	v46 =	vld [tilespmem:$0x133C0];
	[tilespmem:$0x15F70] =	vst v43  }
0x16c: {  	v47 =	vld [tilespmem:$0x133D0];
	[tilespmem:$0x15380] =	vst v44  }
0x16d: {  	v48 =	vld [tilespmem:$0x133E0];
	[tilespmem:$0x15390] =	vst v45  }
0x16e: {  	[tilespmem:$0x15F50] =	vst v2;
	v2 =	vld [tilespmem:$0x133A0]  }
0x16f: {  	[tilespmem:$0x15F60] =	vst v3;
	v3 =	vld [tilespmem:$0x133B0]  }
0x170: {  	v49 =	vld [tilespmem:$0x13790];
	[tilespmem:$0x153C0] =	vst v46  }
0x171: {  	v50 =	vld [tilespmem:$0x137A0];
	[tilespmem:$0x153D0] =	vst v47  }
0x172: {  	v51 =	vld [tilespmem:$0x137B0];
	[tilespmem:$0x153E0] =	vst v48  }
0x173: {  	[tilespmem:$0x153A0] =	vst v2;
	v2 =	vld [tilespmem:$0x133F0]  }
0x174: {  	[tilespmem:$0x153B0] =	vst v3;
	v3 =	vld [tilespmem:$0x13780]  }
0x175: {  	v52 =	vld [tilespmem:$0x137E0];
	[tilespmem:$0x15790] =	vst v49  }
0x176: {  	v53 =	vld [tilespmem:$0x137F0];
	[tilespmem:$0x157A0] =	vst v50  }
0x177: {  	v54 =	vld [tilespmem:$0x13B80];
	[tilespmem:$0x157B0] =	vst v51  }
0x178: {  	[tilespmem:$0x153F0] =	vst v2;
	v2 =	vld [tilespmem:$0x137C0]  }
0x179: {  	[tilespmem:$0x15780] =	vst v3;
	v3 =	vld [tilespmem:$0x137D0]  }
0x17a: {  	v55 =	vld [tilespmem:$0x13BB0];
	[tilespmem:$0x157E0] =	vst v52  }
0x17b: {  	v56 =	vld [tilespmem:$0x13BC0];
	[tilespmem:$0x157F0] =	vst v53  }
0x17c: {  	v57 =	vld [tilespmem:$0x13BD0];
	[tilespmem:$0x15B80] =	vst v54  }
0x17d: {  	[tilespmem:$0x157C0] =	vst v2;
	v2 =	vld [tilespmem:$0x13B90]  }
0x17e: {  	[tilespmem:$0x157D0] =	vst v3;
	v3 =	vld [tilespmem:$0x13BA0]  }
0x17f: {  	v58 =	vld [tilespmem:$0x13F80];
	[tilespmem:$0x15BB0] =	vst v55  }
0x180: {  	v59 =	vld [tilespmem:$0x13F90];
	[tilespmem:$0x15BC0] =	vst v56  }
0x181: {  	v60 =	vld [tilespmem:$0x13FA0];
	[tilespmem:$0x15BD0] =	vst v57  }
0x182: {  	[tilespmem:$0x15B90] =	vst v2;
	v2 =	vld [tilespmem:$0x13BE0]  }
0x183: {  	[tilespmem:$0x15BA0] =	vst v3;
	v3 =	vld [tilespmem:$0x13BF0]  }
0x184: {  	v61 =	vld [tilespmem:$0x13FD0];
	[tilespmem:$0x15F80] =	vst v58  }
0x185: {  	v62 =	vld [tilespmem:$0x13FE0];
	[tilespmem:$0x15F90] =	vst v59  }
0x186: {  	v63 =	vld [tilespmem:$0x13FF0];
	[tilespmem:$0x15FA0] =	vst v60  }
0x187: {  	[tilespmem:$0x15BE0] =	vst v2;
	v2 =	vld [tilespmem:$0x13FB0]  }
0x188: {  	[tilespmem:$0x15BF0] =	vst v3;
	v3 =	vld [tilespmem:$0x13FC0]  }
0x189: {  	[tilespmem:$0x15FD0] =	vst v61  }
0x18a: {  	[tilespmem:$0x15FE0] =	vst v62  }
0x18b: {  	[tilespmem:$0x15FF0] =	vst v63  }
0x18c: {  	[tilespmem:$0x15FB0] =	vst v2  }
0x18d: {  	[tilespmem:$0x15FC0] =	vst v3  }
0x18e: {  	[hbm4b:s23+s3] =	stream.linear.scatter [tilespmem:s17], [sflag:$0x4], $0x1000, $0x38;
	[tilespmem:$0x16180] =	vst v63  }
0x18f: {  	_ =	swait.ge [sflag:s18], $0x9000  }
.Ltmp2:
0x190: {  	[sflag:s18] =	ssyncset.done $0x0;
	(pc) =	sbr.rel @p0 .LBB2_4-.Ltmp2, $4  }
0x191: {  	[sflag:s18] =	ssyncadd.s32 $0xFFFF7000  }
0x192: {  	_ =	swait.ge [sflag:s18], $0x1000  }
0x193: {  	[sflag:s18] =	ssyncset.done $0x0  }
0x194: {  	[sflag:s18] =	ssyncadd.s32 $0xFFFFF000  }
0x195: {  	v2 =	vmov s20;
	_ =	sdelay $0x4  }
0x196: {  	v2 =	vld.idx.msk [tilespmem:v2+s3+$0x0], $0xffff;
	_ =	sdelay $0x4  }
0x197: {  	[tilespmem:$0x100] =	vst v2  }
0x198: {  	v2 =	vld.msk [tilespmem:$0x100], $0x1;
	_ =	sdelay $0x4  }
0x199: {  	v2 =	vmul.u32 $0xA000, v2;
	_ =	sdelay $0x1  }
0x19a: {  	v2 =	vperm.xlane v2, v0;
	_ =	sdelay $0x1  }
.Ltmp3:
0x19b: {  	_ = 	snop;
	(pc) =	sbr.rel .LBB2_2-.Ltmp3, $4  }
0x19c: {  	_ = 	snop  }
0x19d: {  	s24 =	sadd.s32 $0x2800, s24;
	s23 =	sadd.s32 $0x2800, s23  }
0x19e: {  	s22 =	sadd.s32 $0x2800, s22;
	s21 =	sadd.s32 $0x2800, s21;
	s20 =	sadd.s32 $0x2, s20  }
0x19f: {  	[tilespmem:s12], [sflag:$0x2] =	stream.indirect_vreg.gather [hbm4b:s1+s3], $0xA000, v2, vm0, $0x38;
	[tilespmem:$0x16180] =	vst v63  }
.LBB2_5:
0x1a0: {  	_ =	sfence.sel $0x180000  }
0x1a1: {  	[bflag:$0x0] =	sbarrier.arrive $0xFFFF  }
0x1a2: {  	p0 =	sne.s32 s2, $0x0;
	_ =	strace $0x90000047  }
0x1a3: {  	s0 =	sadd.s32 @!p0 $0x100000, s0;
	[bflag:$0x2] =	sbarrier.arrive $0xFFFF  }
0x1a4: {  	[sflag:s0] =	ssyncadd.tile.s32 @!p0 $0x1;
	_ =	shalt  }
.Lfunc_end2:
_tile_overlayer_lowered:
.L_overlay_start_2:
0x1a5: {  	(tag) =	ssettag $0x2  }
0x1a6: {  	s0 =	rddreg [dreg:$0x0];
	s2 =	stileid.u32  }
0x1a7: {  	s1 =	rddreg [dreg:$0x1];
	p0 =	sne.s32 s2, $0x0  }
0x1a8: {  	s3 =	rddreg [dreg:$0x2];
	[bflag:$0x3] =	sbarrier.arrive $0xFFFF;
	s2 =	simm.s32 @!p0 $0x1C05  }
0x1a9: {  	[timem:s3], [sflag:s2] =	dma.local @!p0 [hbm:s0], s1  }
0x1aa: {  	s0 =	simm.s32 @!p0 $0x5  }
0x1ab: {  	_ =	swait.ge @!p0 [sflag:s0], s1  }
0x1ac: {  	s1 =	ssub.s32 @!p0 $0x0, s1;
	[sflag:s0] =	ssyncset.done @!p0 $0x0  }
0x1ad: {  	[sflag:s0] =	ssyncadd.s32 @!p0 s1  }
0x1ae: {  	[bflag:$0x3] =	sbarrier.arrive $0xFFFF  }
0x1af: {  	_ =	shalt  }

</sc_bundles>
